<compile_context>
chip_gen: v7x
topology: tpu7x:2x2x1
jax: 0.10.2.dev20260603
libtpu: 0.0.44.dev20260713+nightly
codegen_flags: <defaults>
</compile_context>

<pallas_src>
import functools

import numpy as np
import jax
import jax.numpy as jnp
from jax import lax
from jax.experimental import pallas as pl
from jax.experimental.pallas import tpu as pltpu
from jax.experimental.pallas import tpu_sc as plsc

N = 10000
E = 320000
F = 128
H1 = 16
H2 = 8
C = 8
DIMD = 64
DMAX = 1000
OMEGA = 0.1
K_THRESH = 32.0

NC = 2
NS = 16
NW = NC * NS
EPW = E // NW
CH = 128
NFULL = EPW // CH
CT = EPW - NFULL * CH
ZCH = 80
NCHUNK_N = N // ZCH
CPT = -(-NCHUNK_N // NS)

BN = 1000
NBLK = N // BN
BN8 = BN // 8


def _make_pe(d_max, dim):
    pos = np.arange(d_max)[:, None].astype(np.float32)
    div = np.exp(np.arange(0, dim, 2).astype(np.float32) * -(np.log(10000.0) / dim))
    pe = np.zeros((d_max, dim), dtype=np.float32)
    pe[:, 0::2] = np.sin(pos * div)
    pe[:, 1::2] = np.cos(pos * div)
    return pe

_PE = _make_pe(DMAX, DIMD)

_F32 = jnp.float32


def _zero_shared(zbuf, acc, sid):
    z16 = jnp.zeros((16,), _F32)

    @pl.loop(0, ZCH)
    def _(i):
        zbuf[i] = z16

    @pl.loop(0, CPT)
    def _(k):
        g = sid + k * NS

        @pl.when(g < NCHUNK_N)
        def _():
            pltpu.sync_copy(zbuf, acc.at[pl.ds(g * ZCH, ZCH)])


def _writeback(acc, out, sid, sec):
    @pl.loop(0, CPT)
    def _(k):
        g = sid + k * NS

        @pl.when(g < NCHUNK_N)
        def _():
            pltpu.sync_copy(acc.at[pl.ds(g * ZCH, ZCH)],
                            out.at[pl.ds(sec * N + g * ZCH, ZCH)])


NBUF = 4
NQ = (NFULL - 2) // NBUF


def _sc_agg_hist_body(msg_hbm, adj_hbm, idx_hbm, out_hbm,
                      adjb, adjt, rows, rowst, idxb, ones_c, ones_i, zbuf,
                      acc, acc_cnt, accw, si, sg, ss, st):
    cid = lax.axis_index("c")
    sid = lax.axis_index("s")
    wid = cid * NS + sid
    base = wid * EPW

    e0 = jnp.where(lax.iota(jnp.int32, 16) == 0, 1.0, 0.0).astype(_F32)

    @pl.loop(0, CH)
    def _(i):
        ones_c[i] = e0

    _zero_shared(zbuf, acc, sid)
    _zero_shared(zbuf, acc_cnt, sid)

    @pl.when(cid == 0)
    def _():
        _zero_shared(zbuf, accw, sid)

    plsc.subcore_barrier()

    def idx_dma(c, s):
        return pltpu.make_async_copy(
            adj_hbm.at[:, pl.ds(base + c * CH, CH)], adjb.at[s], si.at[s])

    def gat_dma(s):
        return pltpu.make_async_copy(
            msg_hbm.at[adjb.at[s, 0]], rows.at[s], sg.at[s])

    def scat_dma(s):
        return pltpu.make_async_copy(
            rows.at[s], acc.at[adjb.at[s, 1]], ss.at[s])

    def cnt_dma(s):
        return pltpu.make_async_copy(
            ones_c, acc_cnt.at[adjb.at[s, 1]], st.at[s])

    for s in range(NBUF):
        idx_dma(s, s).start()

    @pl.loop(0, NQ)
    def _(q):
        c0 = q * NBUF
        for s in range(NBUF):
            idx_dma(c0 + s, s).wait()
            pltpu.async_copy(msg_hbm.at[adjb.at[s, 0]], rows.at[s], sg.at[s])
            pltpu.async_copy(ones_c, acc_cnt.at[adjb.at[s, 1]], st.at[s],
                             add=True)
        for s in range(NBUF):
            gat_dma(s).wait()
            pltpu.async_copy(rows.at[s], acc.at[adjb.at[s, 1]], ss.at[s],
                             add=True)
        for s in range(NBUF):
            scat_dma(s).wait()
            cnt_dma(s).wait()

            @pl.when(q < NQ - 1)
            def _():
                idx_dma(c0 + NBUF + s, s).start()

    for c, s in ((NQ * NBUF, 0), (NQ * NBUF + 1, 1)):
        idx_dma(c, s).start()
    for c, s in ((NQ * NBUF, 0), (NQ * NBUF + 1, 1)):
        idx_dma(c, s).wait()
        pltpu.async_copy(msg_hbm.at[adjb.at[s, 0]], rows.at[s], sg.at[s])
        pltpu.async_copy(ones_c, acc_cnt.at[adjb.at[s, 1]], st.at[s],
                         add=True)
    pltpu.sync_copy(adj_hbm.at[:, pl.ds(base + NFULL * CH, CT)], adjt)
    pltpu.async_copy(msg_hbm.at[adjt.at[0]], rowst, sg.at[2])
    pltpu.async_copy(ones_c.at[pl.ds(0, CT)], acc_cnt.at[adjt.at[1]],
                     st.at[2], add=True)
    for s in (0, 1):
        gat_dma(s).wait()
        pltpu.async_copy(rows.at[s], acc.at[adjb.at[s, 1]], ss.at[s],
                         add=True)
    pltpu.make_async_copy(msg_hbm.at[adjt.at[0]], rowst, sg.at[2]).wait()
    pltpu.async_copy(rowst, acc.at[adjt.at[1]], ss.at[2], add=True)
    for s in (0, 1):
        scat_dma(s).wait()
        cnt_dma(s).wait()
    pltpu.make_async_copy(rowst, acc.at[adjt.at[1]], ss.at[2]).wait()
    pltpu.make_async_copy(ones_c.at[pl.ds(0, CT)], acc_cnt.at[adjt.at[1]],
                          st.at[2]).wait()

    @pl.when(cid == 0)
    def _():
        @pl.loop(0, 40)
        def _(i):
            ones_i[i] = e0

        for c in (sid, sid + NS):
            @pl.when(c < 25)
            def _():
                pltpu.sync_copy(idx_hbm.at[pl.ds(c * 40, 40)], idxb)
                pltpu.sync_copy(ones_i, accw.at[idxb], add=True)

    plsc.subcore_barrier()

    @pl.when(cid == 0)
    def _():
        _writeback(acc, out_hbm, sid, 0)
        _writeback(acc_cnt, out_hbm, sid, 2)
        _writeback(accw, out_hbm, sid, 4)

    @pl.when(cid == 1)
    def _():
        _writeback(acc, out_hbm, sid, 1)
        _writeback(acc_cnt, out_hbm, sid, 3)


def _sc_agg_body(msg_hbm, adj_hbm, out_hbm,
                 adjb, adjt, rows, rowst, zbuf, acc, si, sg, ss):
    cid = lax.axis_index("c")
    sid = lax.axis_index("s")
    wid = cid * NS + sid
    base = wid * EPW

    _zero_shared(zbuf, acc, sid)
    plsc.subcore_barrier()

    def idx_dma(c, s):
        return pltpu.make_async_copy(
            adj_hbm.at[:, pl.ds(base + c * CH, CH)], adjb.at[s], si.at[s])

    def gat_dma(s):
        return pltpu.make_async_copy(
            msg_hbm.at[adjb.at[s, 0]], rows.at[s], sg.at[s])

    def scat_dma(s):
        return pltpu.make_async_copy(
            rows.at[s], acc.at[adjb.at[s, 1]], ss.at[s])

    for s in range(NBUF):
        idx_dma(s, s).start()

    @pl.loop(0, NQ)
    def _(q):
        c0 = q * NBUF
        for s in range(NBUF):
            idx_dma(c0 + s, s).wait()
            pltpu.async_copy(msg_hbm.at[adjb.at[s, 0]], rows.at[s], sg.at[s])
        for s in range(NBUF):
            gat_dma(s).wait()
            pltpu.async_copy(rows.at[s], acc.at[adjb.at[s, 1]], ss.at[s],
                             add=True)
        for s in range(NBUF):
            scat_dma(s).wait()

            @pl.when(q < NQ - 1)
            def _():
                idx_dma(c0 + NBUF + s, s).start()

    for c, s in ((NQ * NBUF, 0), (NQ * NBUF + 1, 1)):
        idx_dma(c, s).start()
    for c, s in ((NQ * NBUF, 0), (NQ * NBUF + 1, 1)):
        idx_dma(c, s).wait()
        pltpu.async_copy(msg_hbm.at[adjb.at[s, 0]], rows.at[s], sg.at[s])
    pltpu.sync_copy(adj_hbm.at[:, pl.ds(base + NFULL * CH, CT)], adjt)
    pltpu.async_copy(msg_hbm.at[adjt.at[0]], rowst, sg.at[2])
    for s in (0, 1):
        gat_dma(s).wait()
        pltpu.async_copy(rows.at[s], acc.at[adjb.at[s, 1]], ss.at[s],
                         add=True)
    pltpu.make_async_copy(msg_hbm.at[adjt.at[0]], rowst, sg.at[2]).wait()
    pltpu.async_copy(rowst, acc.at[adjt.at[1]], ss.at[2], add=True)
    for s in (0, 1):
        scat_dma(s).wait()
    pltpu.make_async_copy(rowst, acc.at[adjt.at[1]], ss.at[2]).wait()

    plsc.subcore_barrier()

    @pl.when(cid == 0)
    def _():
        _writeback(acc, out_hbm, sid, 0)

    @pl.when(cid == 1)
    def _():
        _writeback(acc, out_hbm, sid, 1)


@functools.lru_cache(maxsize=None)
def _sc_kernels():
    mesh = plsc.VectorSubcoreMesh(core_axis_name="c", subcore_axis_name="s")
    cp = pltpu.CompilerParams(use_tc_tiling_on_sc=False)
    agg_hist = pl.kernel(
        _sc_agg_hist_body,
        out_type=jax.ShapeDtypeStruct((5 * N, 16), _F32),
        mesh=mesh,
        scratch_types=[pltpu.VMEM((NBUF, 2, CH), jnp.int32),
                       pltpu.VMEM((2, CT), jnp.int32),
                       pltpu.VMEM((NBUF, CH, 16), _F32),
                       pltpu.VMEM((CT, 16), _F32),
                       pltpu.VMEM((40,), jnp.int32),
                       pltpu.VMEM((CH, 16), _F32),
                       pltpu.VMEM((40, 16), _F32),
                       pltpu.VMEM((ZCH, 16), _F32),
                       pltpu.VMEM_SHARED((N, 16), _F32),
                       pltpu.VMEM_SHARED((N, 16), _F32),
                       pltpu.VMEM_SHARED((N, 16), _F32),
                       pltpu.SemaphoreType.DMA((NBUF,)),
                       pltpu.SemaphoreType.DMA((NBUF,)),
                       pltpu.SemaphoreType.DMA((NBUF,)),
                       pltpu.SemaphoreType.DMA((NBUF,))],
        compiler_params=cp,
    )
    agg = pl.kernel(
        _sc_agg_body,
        out_type=jax.ShapeDtypeStruct((2 * N, 16), _F32),
        mesh=mesh,
        scratch_types=[pltpu.VMEM((NBUF, 2, CH), jnp.int32),
                       pltpu.VMEM((2, CT), jnp.int32),
                       pltpu.VMEM((NBUF, CH, 16), _F32),
                       pltpu.VMEM((CT, 16), _F32),
                       pltpu.VMEM((ZCH, 16), _F32),
                       pltpu.VMEM_SHARED((N, 16), _F32),
                       pltpu.SemaphoreType.DMA((NBUF,)),
                       pltpu.SemaphoreType.DMA((NBUF,)),
                       pltpu.SemaphoreType.DMA((NBUF,))],
        compiler_params=cp,
    )
    return agg_hist, agg


def _sc_agg_hist(msg, adj, idx):
    return _sc_kernels()[0](msg, adj, idx)


def _sc_agg(msg, adj):
    return _sc_kernels()[1](msg, adj)


def _elu(v):
    return jnp.where(v > 0, v, jnp.exp(v) - 1.0)


def _stage_a_body(x_ref, d_ref, wall_ref, pe_ref, wgb_ref, bgb_ref,
                  msg1_ref, h1_ref, gb2_ref, qa_ref):
    xb = x_ref[...]
    hxx = lax.dot_general(xb, wall_ref[...], (((1,), (0,)), ((), ())),
                          preferred_element_type=_F32)
    h = hxx[:, :H1]
    xa = hxx[:, H1:2 * H1]
    xr = hxx[:, 2 * H1:3 * H1]

    t = lax.dot_general(pe_ref[...], wgb_ref[...], (((1,), (0,)), ((), ())),
                        preferred_element_type=_F32)
    t = jnp.maximum(t + bgb_ref[...], 0.0)

    db = d_ref[...]
    oh = (db == lax.broadcasted_iota(jnp.int32, (BN, DMAX), 1)).astype(_F32)
    gb = lax.dot_general(oh, t, (((1,), (0,)), ((), ())),
                         preferred_element_type=_F32)
    g1 = gb[:, :H1]
    b1 = gb[:, H1:2 * H1]
    g2 = gb[:, 2 * H1:2 * H1 + H2]
    b2 = gb[:, 2 * H1 + H2:2 * H1 + 2 * H2]

    r = (db < int(K_THRESH)).astype(_F32)
    badd = g1 * xa + b1
    brev = g1 * xr + b1
    ra = r * badd
    rr = (1.0 - r) * brev

    msg1_ref[...] = h + OMEGA * (ra - rr)
    h1_ref[...] = h
    gb2_ref[...] = jnp.concatenate([g2, b2], axis=1)

    qb1 = jnp.sum(ra * ra, axis=1, keepdims=True) + \
        jnp.sum(rr * rr, axis=1, keepdims=True)
    qf1 = jnp.sum(g1 * g1, axis=1, keepdims=True) + \
        jnp.sum(b1 * b1, axis=1, keepdims=True)
    qf2 = jnp.sum(g2 * g2, axis=1, keepdims=True) + \
        jnp.sum(b2 * b2, axis=1, keepdims=True)
    qa_ref[...] = jnp.concatenate([qb1, qf1, qf2, r], axis=1)


def _stage_c_body(h1_ref, p1a_ref, p1b_ref, cpa_ref, cpb_ref, gb2_ref, qa_ref,
                  w2_ref, msg2_ref, h2_ref, qb2_ref):
    cnt = cpa_ref[:, 0:1] + cpb_ref[:, 0:1]
    agg1 = (p1a_ref[...] + p1b_ref[...]) / jnp.maximum(cnt, 1.0)
    h1 = _elu(jnp.concatenate([h1_ref[...], agg1], axis=1))
    hxx = lax.dot_general(h1, w2_ref[...], (((1,), (0,)), ((), ())),
                          preferred_element_type=_F32)
    h = hxx[:, :H2]
    xa = hxx[:, H2:2 * H2]
    xr = hxx[:, 2 * H2:3 * H2]

    g2 = gb2_ref[:, :H2]
    b2 = gb2_ref[:, H2:2 * H2]
    r = qa_ref[:, 3:4]
    badd = g2 * xa + b2
    brev = g2 * xr + b2
    ra = r * badd
    rr = (1.0 - r) * brev

    msg2 = h + OMEGA * (ra - rr)
    msg2_ref[...] = jnp.concatenate(
        [msg2, jnp.zeros((BN, 16 - H2), _F32)], axis=1)
    h2_ref[...] = h
    qb2_ref[...] = jnp.sum(ra * ra, axis=1, keepdims=True) + \
        jnp.sum(rr * rr, axis=1, keepdims=True)


def _stage_d_body(h2_ref, p2a_ref, p2b_ref, cpa_ref, cpb_ref, w_ref,
                  qa_ref, qb2_ref, wfc_ref, bfc_ref,
                  logp_ref, bacc_ref, facc_ref):
    cnt = cpa_ref[:, 0:1] + cpb_ref[:, 0:1]
    agg2 = (p2a_ref[:, :H2] + p2b_ref[:, :H2]) / jnp.maximum(cnt, 1.0)
    h2 = _elu(jnp.concatenate([h2_ref[...], agg2], axis=1))
    logits = lax.dot_general(h2, wfc_ref[...], (((1,), (0,)), ((), ())),
                             preferred_element_type=_F32) + bfc_ref[...]
    m = jnp.max(logits, axis=1, keepdims=True)
    s = logits - m
    lse = jnp.log(jnp.sum(jnp.exp(s), axis=1, keepdims=True))
    logp_ref[...] = s - lse

    @pl.when(pl.program_id(0) == 0)
    def _():
        bacc_ref[...] = jnp.zeros((1, 1), _F32)
        facc_ref[...] = jnp.zeros((1, 1), _F32)

    wv = w_ref[:, 0:1]
    bpart = jnp.sum(wv * qa_ref[:, 0:1], keepdims=True) / (1000.0 * H1) + \
        jnp.sum(wv * qb2_ref[...], keepdims=True) / (1000.0 * H2)
    fpart = jnp.sum(wv * qa_ref[:, 1:2], keepdims=True) / (1000.0 * H1) + \
        jnp.sum(wv * qa_ref[:, 2:3], keepdims=True) / (1000.0 * H2)
    bacc_ref[...] += bpart
    facc_ref[...] += fpart


def _nblock(width):
    return pl.BlockSpec((BN, width), lambda i: (i, 0))


def _sec(sec):
    return pl.BlockSpec((BN, 16), lambda i, s=sec: (s * NBLK + i, 0))


def _full(shape):
    return pl.BlockSpec(shape, lambda i: tuple(0 for _ in shape))


def _stage_a(x, d2, wall, pe, wgb, bgb):
    return pl.pallas_call(
        _stage_a_body,
        grid=(NBLK,),
        in_specs=[_nblock(F), _nblock(1), _full((F, 3 * H1)),
                  _full((DMAX, DIMD)), _full((DIMD, 48)), _full((1, 48))],
        out_specs=[_nblock(16), _nblock(16), _nblock(16), _nblock(4)],
        out_shape=[jax.ShapeDtypeStruct((N, 16), _F32),
                   jax.ShapeDtypeStruct((N, 16), _F32),
                   jax.ShapeDtypeStruct((N, 16), _F32),
                   jax.ShapeDtypeStruct((N, 4), _F32)],
    )(x, d2, wall, pe, wgb, bgb)


def _stage_c(h1pre, comb1, gb2, qa, w2cat):
    return pl.pallas_call(
        _stage_c_body,
        grid=(NBLK,),
        in_specs=[_nblock(16), _sec(0), _sec(1), _sec(2),
                  _sec(3), _nblock(16), _nblock(4), _full((2 * H1, 3 * H2))],
        out_specs=[_nblock(16), _nblock(H2), _nblock(1)],
        out_shape=[jax.ShapeDtypeStruct((N, 16), _F32),
                   jax.ShapeDtypeStruct((N, H2), _F32),
                   jax.ShapeDtypeStruct((N, 1), _F32)],
    )(h1pre, comb1, comb1, comb1, comb1, gb2, qa, w2cat)


def _stage_d(h2pre, comb2, comb1, qa, qb2, wfc, bfc):
    return pl.pallas_call(
        _stage_d_body,
        grid=(NBLK,),
        in_specs=[_nblock(H2), _sec(0), _sec(1), _sec(2),
                  _sec(3), _sec(4), _nblock(4), _nblock(1),
                  _full((2 * H2, C)), _full((1, C))],
        out_specs=[_nblock(C),
                   pl.BlockSpec((1, 1), lambda i: (0, 0)),
                   pl.BlockSpec((1, 1), lambda i: (0, 0))],
        out_shape=[jax.ShapeDtypeStruct((N, C), _F32),
                   jax.ShapeDtypeStruct((1, 1), _F32),
                   jax.ShapeDtypeStruct((1, 1), _F32)],
    )(h2pre, comb2, comb2, comb1, comb1, comb1, qa, qb2, wfc, bfc)


def kernel(x, adj, d, idx, edge, weight1, W_gamma1, W_beta1, b_gamma1,
           b_beta1, W_add1, W_rev1, weight2, W_gamma2, W_beta2, b_gamma2,
           b_beta2, W_add2, W_rev2, W_fc, b_fc):
    d2 = d.reshape(N, 1)
    pe = jnp.asarray(_PE)
    wall = jnp.concatenate([weight1, W_add1, W_rev1], axis=1)
    wgb = jnp.concatenate([W_gamma1, W_beta1, W_gamma2, W_beta2], axis=1)
    bgb = jnp.concatenate([b_gamma1, b_beta1, b_gamma2, b_beta2], axis=1)
    w2cat = jnp.concatenate([weight2, W_add2, W_rev2], axis=1)

    msg1, h1pre, gb2, qa = _stage_a(x, d2, wall, pe, wgb, bgb)
    comb1 = _sc_agg_hist(msg1, adj, idx)
    msg2, h2pre, qb2 = _stage_c(h1pre, comb1, gb2, qa, w2cat)
    comb2 = _sc_agg(msg2, adj)
    logp, bacc, facc = _stage_d(h2pre, comb2, comb1, qa, qb2,
                                W_fc, b_fc.reshape(1, C))
    return logp, bacc[0, 0], facc[0, 0]

# --- scband reference (transcript-rebuilt; emitter-appended) ---
"""Pipeline reference for scband-dfair-sage-23897198035236 (READ-ONLY COPY).

The authoritative reference and input builder live on the scoring server;
editing this copy changes nothing except your own understanding.
"""

import jax, jax.numpy as jnp
import numpy as np

N = 10000
E = 320000
F = 128
H1 = 16
H2 = 8
C = 8
DIMD = 64
DMAX = 1000
OMEGA = 0.1

def make_pe(d_max, dim):
    pos = np.arange(d_max)[:, None].astype(np.float32)
    div = np.exp(np.arange(0, dim, 2).astype(np.float32) * -(np.log(10000.0) / dim))
    pe = np.zeros((d_max, dim), dtype=np.float32)
    pe[:, 0::2] = np.sin(pos * div)
    pe[:, 1::2] = np.cos(pos * div)
    return jnp.asarray(pe)

PE = make_pe(DMAX, DIMD)

def _glorot(key, shape):
    fan = shape[0] + shape[-1]
    return jax.random.normal(key, shape, dtype=jnp.float32) * np.sqrt(2.0 / fan)

def setup_inputs(seed: int = 0):
    key = jax.random.key(seed)
    ks = jax.random.split(key, 22)
    inp = {}
    inp["x"] = jax.random.normal(ks[0], (N, F), dtype=jnp.float32)
    inp["adj"] = jax.random.randint(ks[1], (2, E), 0, N, dtype=jnp.int32)
    inp["d"] = jax.random.randint(ks[2], (N,), 0, DMAX - 1, dtype=jnp.int32)
    inp["idx"] = jax.random.randint(ks[3], (1000,), 0, N, dtype=jnp.int32)
    inp["edge"] = E
    inp["weight1"] = _glorot(ks[4], (F, H1))
    inp["W_gamma1"] = _glorot(ks[5], (DIMD, H1))
    inp["W_beta1"] = _glorot(ks[6], (DIMD, H1))
    inp["b_gamma1"] = jnp.zeros((1, H1), jnp.float32)
    inp["b_beta1"] = jnp.zeros((1, H1), jnp.float32)
    inp["W_add1"] = _glorot(ks[7], (F, H1))
    inp["W_rev1"] = _glorot(ks[8], (F, H1))
    inp["weight2"] = _glorot(ks[9], (2 * H1, H2))
    inp["W_gamma2"] = _glorot(ks[10], (DIMD, H2))
    inp["W_beta2"] = _glorot(ks[11], (DIMD, H2))
    inp["b_gamma2"] = jnp.zeros((1, H2), jnp.float32)
    inp["b_beta2"] = jnp.zeros((1, H2), jnp.float32)
    inp["W_add2"] = _glorot(ks[12], (2 * H1, H2))
    inp["W_rev2"] = _glorot(ks[13], (2 * H1, H2))
    inp["W_fc"] = _glorot(ks[14], (2 * H2, C))
    inp["b_fc"] = jnp.zeros((C,), jnp.float32)
    return inp

def _debias_layer(x, src, dst, deg, idx, n_edges, w, wg, wb, bg, bb, wa, wr):
    # Debias_v2: linear transform + degree-conditioned FiLM debiasing + mean aggregation (SAGE: concat self || neigh)
    h = x @ w
    m = PE[deg]
    gamma = jax.nn.relu(m @ wg + bg)
    beta = jax.nn.relu(m @ wb + bb)
    b_add = gamma * (x @ wa) + beta
    b_rev = gamma * (x @ wr) + beta
    K = jnp.ceil(jnp.float32(n_edges) / x.shape[0])
    R = (deg < K).astype(x.dtype)[:, None]
    msg = h + OMEGA * (R * b_add - (1.0 - R) * b_rev)
    agg = jax.ops.segment_sum(msg[src], dst, num_segments=N)
    cnt = jax.ops.segment_sum(jnp.ones((src.shape[0],), x.dtype), dst, num_segments=N)
    agg = agg / jnp.clip(cnt, 1.0)[:, None]
    out = jax.nn.elu(jnp.concatenate([h, agg], axis=1))
    b_loss = jnp.mean(jnp.square(R * b_add)[idx]) + jnp.mean(jnp.square((1.0 - R) * b_rev)[idx])
    film_loss = jnp.mean(jnp.square(gamma[idx])) + jnp.mean(jnp.square(beta[idx]))
    return out, b_loss, film_loss

def reference(x, adj, d, idx, edge, weight1, W_gamma1, W_beta1, b_gamma1, b_beta1, W_add1, W_rev1, weight2, W_gamma2, W_beta2, b_gamma2, b_beta2, W_add2, W_rev2, W_fc, b_fc):
    src, dst = adj[0], adj[1]
    h1, b1, f1 = _debias_layer(x, src, dst, d, idx, edge, weight1, W_gamma1, W_beta1, b_gamma1, b_beta1, W_add1, W_rev1)
    # dropout is identity in eval mode
    h2, b2, f2 = _debias_layer(h1, src, dst, d, idx, edge, weight2, W_gamma2, W_beta2, b_gamma2, b_beta2, W_add2, W_rev2)
    logits = h2 @ W_fc + b_fc
    logp = jax.nn.log_softmax(logits, axis=1)
    return logp, b1 + b2, f1 + f2

if __name__ == "__main__":
    import jax
    _d = setup_inputs()
    print(jax.jit(kernel)(*tuple(_d.values())))

</pallas_src>

<mosaic_0001>
#map = affine_map<(d0, d1) -> (0, 0)>
#map1 = affine_map<(d0, d1) -> (0)>
module attributes {stable_mosaic.version = 14 : i64} {
  func.func @_sc_agg_hist_body(%arg0: i32, %arg1: i32, %arg2: memref<10000x16xf32, #tpu.memory_space<hbm>>, %arg3: memref<2x320000xi32, #tpu.memory_space<hbm>>, %arg4: memref<1000xi32, #tpu.memory_space<hbm>>, %arg5: memref<50000x16xf32, #tpu.memory_space<hbm>>, %arg6: memref<4x2x128xi32, #tpu.memory_space<vmem>>, %arg7: memref<2x16xi32, #tpu.memory_space<vmem>>, %arg8: memref<4x128x16xf32, #tpu.memory_space<vmem>>, %arg9: memref<16x16xf32, #tpu.memory_space<vmem>>, %arg10: memref<40xi32, #tpu.memory_space<vmem>>, %arg11: memref<128x16xf32, #tpu.memory_space<vmem>>, %arg12: memref<40x16xf32, #tpu.memory_space<vmem>>, %arg13: memref<80x16xf32, #tpu.memory_space<vmem>>, %arg14: memref<10000x16xf32, #tpu.memory_space<vmem_shared>>, %arg15: memref<10000x16xf32, #tpu.memory_space<vmem_shared>>, %arg16: memref<10000x16xf32, #tpu.memory_space<vmem_shared>>, %arg17: memref<4x!tpu.dma_semaphore, #tpu.memory_space<semaphore_mem>>, %arg18: memref<4x!tpu.dma_semaphore, #tpu.memory_space<semaphore_mem>>, %arg19: memref<4x!tpu.dma_semaphore, #tpu.memory_space<semaphore_mem>>, %arg20: memref<4x!tpu.dma_semaphore, #tpu.memory_space<semaphore_mem>>) attributes {dimension_semantics = [#tpu.dimension_semantics<core_parallel>, #tpu.dimension_semantics<subcore_parallel>], iteration_bounds = array<i64: 2, 16>, scalar_prefetch = 0 : i64, scratch_operands = 15 : i64, tpu.core_type = #tpu.core_type<sc_vector_subcore>, window_params = [{transform_indices = #map}, {transform_indices = #map}, {transform_indices = #map1}, {transform_indices = #map}]} {
    %mul3A = arith.constant 16 : i32
    %mul3A_0 = arith.muli %arg0, %mul3A : i32
    %add3A = arith.addi %mul3A_0, %arg1 : i32
    %mul3A_1 = arith.constant 10000 : i32
    %mul3A_2 = arith.muli %add3A, %mul3A_1 : i32
    %iota3A = tpu.iota {dimensions = array<i32: 0>} : vector<16xi32>
    %eq3A = arith.constant 0 : i32
    %eq3A_3 = vector.broadcast %eq3A : i32 to vector<16xi32>
    %eq3A_4 = arith.cmpi eq, %iota3A, %eq3A_3 : vector<16xi32>
    %jit3A = arith.constant 1.000000e+00 : f32
    %jit3A_5 = arith.constant 0.000000e+00 : f32
    %broadcast_in_dim3A = vector.broadcast %jit3A : f32 to vector<16xf32>
    %broadcast_in_dim3A_6 = vector.broadcast %jit3A_5 : f32 to vector<16xf32>
    %select_n3A = arith.select %eq3A_4, %broadcast_in_dim3A, %broadcast_in_dim3A_6 : vector<16xi1>, vector<16xf32>
    %scan3A = arith.constant 0 : i32
    %scan3A_7 = arith.constant 128 : i32
    %scan3A_8 = arith.addi %scan3A, %scan3A_7 : i32
    %scan3A_9 = arith.constant 1 : i32
    scf.for %scan3A_441 = %scan3A to %scan3A_8 step %scan3A_9  : i32 {
      %mul3A_442 = arith.constant 1 : i32
      %mul3A_443 = arith.muli %scan3A_441, %mul3A_442 : i32
      %add3A_444 = arith.constant 0 : i32
      %add3A_445 = arith.addi %add3A_444, %mul3A_443 : i32
      %swap3A = arith.index_cast %add3A_445 : i32 to index
      %swap3A_446 = arith.constant 0 : index
      %swap3A_447 = tpu.vector_load %arg11[%swap3A, %swap3A_446] {strides = array<i32>} : memref<128x16xf32, #tpu.memory_space<vmem>>, vector<1x16xf32>,
      %swap3A_448 = vector.shape_cast %swap3A_447 : vector<1x16xf32> to vector<16xf32>
      %swap3A_449 = vector.shape_cast %select_n3A : vector<16xf32> to vector<1x16xf32>
      tpu.vector_store %arg11[%swap3A, %swap3A_446], %swap3A_449 {strides = array<i32>} : memref<128x16xf32, #tpu.memory_space<vmem>>, vector<1x16xf32>,
    }
    %scan3A_10 = arith.constant 128 : i32
    %broadcast_in_dim3A_11 = arith.constant 0.000000e+00 : f32
    %broadcast_in_dim3A_12 = vector.broadcast %broadcast_in_dim3A_11 : f32 to vector<16xf32>
    %scan3A_13 = arith.constant 0 : i32
    %scan3A_14 = arith.constant 80 : i32
    %scan3A_15 = arith.addi %scan3A_13, %scan3A_14 : i32
    %scan3A_16 = arith.constant 1 : i32
    scf.for %scan3A_441 = %scan3A_13 to %scan3A_15 step %scan3A_16  : i32 {
      %mul3A_442 = arith.constant 1 : i32
      %mul3A_443 = arith.muli %scan3A_441, %mul3A_442 : i32
      %add3A_444 = arith.constant 0 : i32
      %add3A_445 = arith.addi %add3A_444, %mul3A_443 : i32
      %swap3A = arith.index_cast %add3A_445 : i32 to index
      %swap3A_446 = arith.constant 0 : index
      %swap3A_447 = tpu.vector_load %arg13[%swap3A, %swap3A_446] {strides = array<i32>} : memref<80x16xf32, #tpu.memory_space<vmem>>, vector<1x16xf32>,
      %swap3A_448 = vector.shape_cast %swap3A_447 : vector<1x16xf32> to vector<16xf32>
      %swap3A_449 = vector.shape_cast %broadcast_in_dim3A_12 : vector<16xf32> to vector<1x16xf32>
      tpu.vector_store %arg13[%swap3A, %swap3A_446], %swap3A_449 {strides = array<i32>} : memref<80x16xf32, #tpu.memory_space<vmem>>, vector<1x16xf32>,
    }
    %scan3A_17 = arith.constant 80 : i32
    %scan3A_18 = arith.constant 0 : i32
    %scan3A_19 = arith.constant 8 : i32
    %scan3A_20 = arith.addi %scan3A_18, %scan3A_19 : i32
    %scan3A_21 = arith.constant 1 : i32
    scf.for %scan3A_441 = %scan3A_18 to %scan3A_20 step %scan3A_21  : i32 {
      %mul3A_442 = arith.constant 1 : i32
      %mul3A_443 = arith.muli %scan3A_441, %mul3A_442 : i32
      %add3A_444 = arith.constant 0 : i32
      %add3A_445 = arith.addi %add3A_444, %mul3A_443 : i32
      %mul3A_446 = arith.constant 16 : i32
      %mul3A_447 = arith.muli %add3A_445, %mul3A_446 : i32
      %add3A_448 = arith.addi %arg1, %mul3A_447 : i32
      %lt3A = arith.constant 125 : i32
      %lt3A_449 = arith.cmpi slt, %add3A_448, %lt3A : i32
      %convert_element_type3A_450 = arith.extui %lt3A_449 : i1 to i32
      %cond3A_451 = arith.constant 0 : i32
      %cond3A_452 = arith.cmpi ne, %convert_element_type3A_450, %cond3A_451 : i32
      scf.if %cond3A_452 {
        %mul3A_453 = arith.constant 80 : i32
        %mul3A_454 = arith.muli %add3A_448, %mul3A_453 : i32
        "tpu.region"() ({
          %run_scoped3A = tpu.sem_alloc : memref<!tpu.dma_semaphore, #tpu.memory_space<semaphore_mem>>
          %dma_start3A_455 = arith.constant 0 : i32
          %dma_start3A_456 = tpu.memref_slice %arg14[%mul3A_454, %dma_start3A_455] : memref<10000x16xf32, #tpu.memory_space<vmem_shared>> -> memref<80x16xf32, #tpu.memory_space<vmem_shared>>
          %dma_start3A_457 = arith.constant 0 : i32
          %dma_start3A_458 = tpu.memref_slice %arg14[%mul3A_454, %dma_start3A_457] : memref<10000x16xf32, #tpu.memory_space<vmem_shared>> -> memref<80x16xf32, #tpu.memory_space<vmem_shared>>
          tpu.enqueue_dma source(%arg13 : memref<80x16xf32, #tpu.memory_space<vmem>>) target(%dma_start3A_458 : memref<80x16xf32, #tpu.memory_space<vmem_shared>>) target_semaphore(%run_scoped3A : memref<!tpu.dma_semaphore, #tpu.memory_space<semaphore_mem>>)
          %dma_wait3A_459 = arith.constant 0 : i32
          %dma_wait3A_460 = tpu.memref_slice %arg14[%mul3A_454, %dma_wait3A_459] : memref<10000x16xf32, #tpu.memory_space<vmem_shared>> -> memref<80x16xf32, #tpu.memory_space<vmem_shared>>
          %dma_wait3A_461 = arith.constant 0 : i32
          %dma_wait3A_462 = tpu.memref_slice %arg14[%mul3A_454, %dma_wait3A_461] : memref<10000x16xf32, #tpu.memory_space<vmem_shared>> -> memref<80x16xf32, #tpu.memory_space<vmem_shared>>
          tpu.wait_dma2 semaphore(%run_scoped3A : memref<!tpu.dma_semaphore, #tpu.memory_space<semaphore_mem>>) src(%arg13 : memref<80x16xf32, #tpu.memory_space<vmem>>) dst(%dma_wait3A_462 : memref<80x16xf32, #tpu.memory_space<vmem_shared>>)
          tpu.yield
        }) : () -> ()
      } else {
      }
    }
    %scan3A_22 = arith.constant 8 : i32
    %broadcast_in_dim3A_23 = arith.constant 0.000000e+00 : f32
    %broadcast_in_dim3A_24 = vector.broadcast %broadcast_in_dim3A_23 : f32 to vector<16xf32>
    %scan3A_25 = arith.constant 0 : i32
    %scan3A_26 = arith.constant 80 : i32
    %scan3A_27 = arith.addi %scan3A_25, %scan3A_26 : i32
    %scan3A_28 = arith.constant 1 : i32
    scf.for %scan3A_441 = %scan3A_25 to %scan3A_27 step %scan3A_28  : i32 {
      %mul3A_442 = arith.constant 1 : i32
      %mul3A_443 = arith.muli %scan3A_441, %mul3A_442 : i32
      %add3A_444 = arith.constant 0 : i32
      %add3A_445 = arith.addi %add3A_444, %mul3A_443 : i32
      %swap3A = arith.index_cast %add3A_445 : i32 to index
      %swap3A_446 = arith.constant 0 : index
      %swap3A_447 = tpu.vector_load %arg13[%swap3A, %swap3A_446] {strides = array<i32>} : memref<80x16xf32, #tpu.memory_space<vmem>>, vector<1x16xf32>,
      %swap3A_448 = vector.shape_cast %swap3A_447 : vector<1x16xf32> to vector<16xf32>
      %swap3A_449 = vector.shape_cast %broadcast_in_dim3A_24 : vector<16xf32> to vector<1x16xf32>
      tpu.vector_store %arg13[%swap3A, %swap3A_446], %swap3A_449 {strides = array<i32>} : memref<80x16xf32, #tpu.memory_space<vmem>>, vector<1x16xf32>,
    }
    %scan3A_29 = arith.constant 80 : i32
    %scan3A_30 = arith.constant 0 : i32
    %scan3A_31 = arith.constant 8 : i32
    %scan3A_32 = arith.addi %scan3A_30, %scan3A_31 : i32
    %scan3A_33 = arith.constant 1 : i32
    scf.for %scan3A_441 = %scan3A_30 to %scan3A_32 step %scan3A_33  : i32 {
      %mul3A_442 = arith.constant 1 : i32
      %mul3A_443 = arith.muli %scan3A_441, %mul3A_442 : i32
      %add3A_444 = arith.constant 0 : i32
      %add3A_445 = arith.addi %add3A_444, %mul3A_443 : i32
      %mul3A_446 = arith.constant 16 : i32
      %mul3A_447 = arith.muli %add3A_445, %mul3A_446 : i32
      %add3A_448 = arith.addi %arg1, %mul3A_447 : i32
      %lt3A = arith.constant 125 : i32
      %lt3A_449 = arith.cmpi slt, %add3A_448, %lt3A : i32
      %convert_element_type3A_450 = arith.extui %lt3A_449 : i1 to i32
      %cond3A_451 = arith.constant 0 : i32
      %cond3A_452 = arith.cmpi ne, %convert_element_type3A_450, %cond3A_451 : i32
      scf.if %cond3A_452 {
        %mul3A_453 = arith.constant 80 : i32
        %mul3A_454 = arith.muli %add3A_448, %mul3A_453 : i32
        "tpu.region"() ({
          %run_scoped3A = tpu.sem_alloc : memref<!tpu.dma_semaphore, #tpu.memory_space<semaphore_mem>>
          %dma_start3A_455 = arith.constant 0 : i32
          %dma_start3A_456 = tpu.memref_slice %arg15[%mul3A_454, %dma_start3A_455] : memref<10000x16xf32, #tpu.memory_space<vmem_shared>> -> memref<80x16xf32, #tpu.memory_space<vmem_shared>>
          %dma_start3A_457 = arith.constant 0 : i32
          %dma_start3A_458 = tpu.memref_slice %arg15[%mul3A_454, %dma_start3A_457] : memref<10000x16xf32, #tpu.memory_space<vmem_shared>> -> memref<80x16xf32, #tpu.memory_space<vmem_shared>>
          tpu.enqueue_dma source(%arg13 : memref<80x16xf32, #tpu.memory_space<vmem>>) target(%dma_start3A_458 : memref<80x16xf32, #tpu.memory_space<vmem_shared>>) target_semaphore(%run_scoped3A : memref<!tpu.dma_semaphore, #tpu.memory_space<semaphore_mem>>)
          %dma_wait3A_459 = arith.constant 0 : i32
          %dma_wait3A_460 = tpu.memref_slice %arg15[%mul3A_454, %dma_wait3A_459] : memref<10000x16xf32, #tpu.memory_space<vmem_shared>> -> memref<80x16xf32, #tpu.memory_space<vmem_shared>>
          %dma_wait3A_461 = arith.constant 0 : i32
          %dma_wait3A_462 = tpu.memref_slice %arg15[%mul3A_454, %dma_wait3A_461] : memref<10000x16xf32, #tpu.memory_space<vmem_shared>> -> memref<80x16xf32, #tpu.memory_space<vmem_shared>>
          tpu.wait_dma2 semaphore(%run_scoped3A : memref<!tpu.dma_semaphore, #tpu.memory_space<semaphore_mem>>) src(%arg13 : memref<80x16xf32, #tpu.memory_space<vmem>>) dst(%dma_wait3A_462 : memref<80x16xf32, #tpu.memory_space<vmem_shared>>)
          tpu.yield
        }) : () -> ()
      } else {
      }
    }
    %scan3A_34 = arith.constant 8 : i32
    %eq3A_35 = arith.constant 0 : i32
    %eq3A_36 = arith.cmpi eq, %arg0, %eq3A_35 : i32
    %convert_element_type3A = arith.extui %eq3A_36 : i1 to i32
    %cond3A = arith.constant 0 : i32
    %cond3A_37 = arith.cmpi ne, %convert_element_type3A, %cond3A : i32
    scf.if %cond3A_37 {
      %broadcast_in_dim3A_441 = arith.constant 0.000000e+00 : f32
      %broadcast_in_dim3A_442 = vector.broadcast %broadcast_in_dim3A_441 : f32 to vector<16xf32>
      %scan3A_443 = arith.constant 0 : i32
      %scan3A_444 = arith.constant 80 : i32
      %scan3A_445 = arith.addi %scan3A_443, %scan3A_444 : i32
      %scan3A_446 = arith.constant 1 : i32
      scf.for %scan3A_453 = %scan3A_443 to %scan3A_445 step %scan3A_446  : i32 {
        %mul3A_454 = arith.constant 1 : i32
        %mul3A_455 = arith.muli %scan3A_453, %mul3A_454 : i32
        %add3A_456 = arith.constant 0 : i32
        %add3A_457 = arith.addi %add3A_456, %mul3A_455 : i32
        %swap3A = arith.index_cast %add3A_457 : i32 to index
        %swap3A_458 = arith.constant 0 : index
        %swap3A_459 = tpu.vector_load %arg13[%swap3A, %swap3A_458] {strides = array<i32>} : memref<80x16xf32, #tpu.memory_space<vmem>>, vector<1x16xf32>,
        %swap3A_460 = vector.shape_cast %swap3A_459 : vector<1x16xf32> to vector<16xf32>
        %swap3A_461 = vector.shape_cast %broadcast_in_dim3A_442 : vector<16xf32> to vector<1x16xf32>
        tpu.vector_store %arg13[%swap3A, %swap3A_458], %swap3A_461 {strides = array<i32>} : memref<80x16xf32, #tpu.memory_space<vmem>>, vector<1x16xf32>,
      }
      %scan3A_447 = arith.constant 80 : i32
      %scan3A_448 = arith.constant 0 : i32
      %scan3A_449 = arith.constant 8 : i32
      %scan3A_450 = arith.addi %scan3A_448, %scan3A_449 : i32
      %scan3A_451 = arith.constant 1 : i32
      scf.for %scan3A_453 = %scan3A_448 to %scan3A_450 step %scan3A_451  : i32 {
        %mul3A_454 = arith.constant 1 : i32
        %mul3A_455 = arith.muli %scan3A_453, %mul3A_454 : i32
        %add3A_456 = arith.constant 0 : i32
        %add3A_457 = arith.addi %add3A_456, %mul3A_455 : i32
        %mul3A_458 = arith.constant 16 : i32
        %mul3A_459 = arith.muli %add3A_457, %mul3A_458 : i32
        %add3A_460 = arith.addi %arg1, %mul3A_459 : i32
        %lt3A = arith.constant 125 : i32
        %lt3A_461 = arith.cmpi slt, %add3A_460, %lt3A : i32
        %convert_element_type3A_462 = arith.extui %lt3A_461 : i1 to i32
        %cond3A_463 = arith.constant 0 : i32
        %cond3A_464 = arith.cmpi ne, %convert_element_type3A_462, %cond3A_463 : i32
        scf.if %cond3A_464 {
          %mul3A_465 = arith.constant 80 : i32
          %mul3A_466 = arith.muli %add3A_460, %mul3A_465 : i32
          "tpu.region"() ({
            %run_scoped3A = tpu.sem_alloc : memref<!tpu.dma_semaphore, #tpu.memory_space<semaphore_mem>>
            %dma_start3A_467 = arith.constant 0 : i32
            %dma_start3A_468 = tpu.memref_slice %arg16[%mul3A_466, %dma_start3A_467] : memref<10000x16xf32, #tpu.memory_space<vmem_shared>> -> memref<80x16xf32, #tpu.memory_space<vmem_shared>>
            %dma_start3A_469 = arith.constant 0 : i32
            %dma_start3A_470 = tpu.memref_slice %arg16[%mul3A_466, %dma_start3A_469] : memref<10000x16xf32, #tpu.memory_space<vmem_shared>> -> memref<80x16xf32, #tpu.memory_space<vmem_shared>>
            tpu.enqueue_dma source(%arg13 : memref<80x16xf32, #tpu.memory_space<vmem>>) target(%dma_start3A_470 : memref<80x16xf32, #tpu.memory_space<vmem_shared>>) target_semaphore(%run_scoped3A : memref<!tpu.dma_semaphore, #tpu.memory_space<semaphore_mem>>)
            %dma_wait3A_471 = arith.constant 0 : i32
            %dma_wait3A_472 = tpu.memref_slice %arg16[%mul3A_466, %dma_wait3A_471] : memref<10000x16xf32, #tpu.memory_space<vmem_shared>> -> memref<80x16xf32, #tpu.memory_space<vmem_shared>>
            %dma_wait3A_473 = arith.constant 0 : i32
            %dma_wait3A_474 = tpu.memref_slice %arg16[%mul3A_466, %dma_wait3A_473] : memref<10000x16xf32, #tpu.memory_space<vmem_shared>> -> memref<80x16xf32, #tpu.memory_space<vmem_shared>>
            tpu.wait_dma2 semaphore(%run_scoped3A : memref<!tpu.dma_semaphore, #tpu.memory_space<semaphore_mem>>) src(%arg13 : memref<80x16xf32, #tpu.memory_space<vmem>>) dst(%dma_wait3A_474 : memref<80x16xf32, #tpu.memory_space<vmem_shared>>)
            tpu.yield
          }) : () -> ()
        } else {
        }
      }
      %scan3A_452 = arith.constant 8 : i32
    } else {
    }
    %barrier3A = arith.constant 0 : index
    tpu.barrier barrier_id(%barrier3A)
    %add3A_38 = arith.constant 0 : i32
    %add3A_39 = arith.addi %mul3A_2, %add3A_38 : i32
    %dma_start3A = arith.constant 0 : i32
    %dma_start3A_40 = arith.constant 0 : i32
    %dma_start3A_41 = arith.constant 0 : i32
    %dma_start3A_42 = arith.constant 0 : i32
    %dma_start3A_43 = tpu.memref_slice %arg6[%dma_start3A, %dma_start3A_41, %dma_start3A_42] : memref<4x2x128xi32, #tpu.memory_space<vmem>> -> memref<1x2x128xi32, #tpu.memory_space<vmem>>
    %dma_start3A_44 = tpu.memref_squeeze %dma_start3A_43 : memref<1x2x128xi32, #tpu.memory_space<vmem>> -> memref<2x128xi32, #tpu.memory_space<vmem>>
    %dma_start3A_45 = arith.constant 0 : i32
    %dma_start3A_46 = tpu.memref_slice %arg3[%dma_start3A_45, %add3A_39] : memref<2x320000xi32, #tpu.memory_space<hbm>> -> memref<2x128xi32, #tpu.memory_space<hbm>>
    %dma_start3A_47 = tpu.memref_slice %arg17[%dma_start3A_40] : memref<4x!tpu.dma_semaphore, #tpu.memory_space<semaphore_mem>> -> memref<1x!tpu.dma_semaphore, #tpu.memory_space<semaphore_mem>>
    %dma_start3A_48 = tpu.memref_squeeze %dma_start3A_47 : memref<1x!tpu.dma_semaphore, #tpu.memory_space<semaphore_mem>> -> memref<!tpu.dma_semaphore, #tpu.memory_space<semaphore_mem>>
    %dma_start3A_49 = arith.constant 0 : i32
    %dma_start3A_50 = arith.constant 0 : i32
    %dma_start3A_51 = tpu.memref_slice %arg6[%dma_start3A, %dma_start3A_49, %dma_start3A_50] : memref<4x2x128xi32, #tpu.memory_space<vmem>> -> memref<1x2x128xi32, #tpu.memory_space<vmem>>
    %dma_start3A_52 = tpu.memref_squeeze %dma_start3A_51 : memref<1x2x128xi32, #tpu.memory_space<vmem>> -> memref<2x128xi32, #tpu.memory_space<vmem>>
    %dma_start3A_53 = arith.constant 0 : i32
    %dma_start3A_54 = tpu.memref_slice %arg3[%dma_start3A_53, %add3A_39] : memref<2x320000xi32, #tpu.memory_space<hbm>> -> memref<2x128xi32, #tpu.memory_space<hbm>>
    tpu.enqueue_dma source(%dma_start3A_54 : memref<2x128xi32, #tpu.memory_space<hbm>>) target(%dma_start3A_52 : memref<2x128xi32, #tpu.memory_space<vmem>>) target_semaphore(%dma_start3A_48 : memref<!tpu.dma_semaphore, #tpu.memory_space<semaphore_mem>>)
    %add3A_55 = arith.constant 128 : i32
    %add3A_56 = arith.addi %mul3A_2, %add3A_55 : i32
    %dma_start3A_57 = arith.constant 1 : i32
    %dma_start3A_58 = arith.constant 1 : i32
    %dma_start3A_59 = arith.constant 0 : i32
    %dma_start3A_60 = arith.constant 0 : i32
    %dma_start3A_61 = tpu.memref_slice %arg6[%dma_start3A_57, %dma_start3A_59, %dma_start3A_60] : memref<4x2x128xi32, #tpu.memory_space<vmem>> -> memref<1x2x128xi32, #tpu.memory_space<vmem>>
    %dma_start3A_62 = tpu.memref_squeeze %dma_start3A_61 : memref<1x2x128xi32, #tpu.memory_space<vmem>> -> memref<2x128xi32, #tpu.memory_space<vmem>>
    %dma_start3A_63 = arith.constant 0 : i32
    %dma_start3A_64 = tpu.memref_slice %arg3[%dma_start3A_63, %add3A_56] : memref<2x320000xi32, #tpu.memory_space<hbm>> -> memref<2x128xi32, #tpu.memory_space<hbm>>
    %dma_start3A_65 = tpu.memref_slice %arg17[%dma_start3A_58] : memref<4x!tpu.dma_semaphore, #tpu.memory_space<semaphore_mem>> -> memref<1x!tpu.dma_semaphore, #tpu.memory_space<semaphore_mem>>
    %dma_start3A_66 = tpu.memref_squeeze %dma_start3A_65 : memref<1x!tpu.dma_semaphore, #tpu.memory_space<semaphore_mem>> -> memref<!tpu.dma_semaphore, #tpu.memory_space<semaphore_mem>>
    %dma_start3A_67 = arith.constant 0 : i32
    %dma_start3A_68 = arith.constant 0 : i32
    %dma_start3A_69 = tpu.memref_slice %arg6[%dma_start3A_57, %dma_start3A_67, %dma_start3A_68] : memref<4x2x128xi32, #tpu.memory_space<vmem>> -> memref<1x2x128xi32, #tpu.memory_space<vmem>>
    %dma_start3A_70 = tpu.memref_squeeze %dma_start3A_69 : memref<1x2x128xi32, #tpu.memory_space<vmem>> -> memref<2x128xi32, #tpu.memory_space<vmem>>
    %dma_start3A_71 = arith.constant 0 : i32
    %dma_start3A_72 = tpu.memref_slice %arg3[%dma_start3A_71, %add3A_56] : memref<2x320000xi32, #tpu.memory_space<hbm>> -> memref<2x128xi32, #tpu.memory_space<hbm>>
    tpu.enqueue_dma source(%dma_start3A_72 : memref<2x128xi32, #tpu.memory_space<hbm>>) target(%dma_start3A_70 : memref<2x128xi32, #tpu.memory_space<vmem>>) target_semaphore(%dma_start3A_66 : memref<!tpu.dma_semaphore, #tpu.memory_space<semaphore_mem>>)
    %add3A_73 = arith.constant 256 : i32
    %add3A_74 = arith.addi %mul3A_2, %add3A_73 : i32
    %dma_start3A_75 = arith.constant 2 : i32
    %dma_start3A_76 = arith.constant 2 : i32
    %dma_start3A_77 = arith.constant 0 : i32
    %dma_start3A_78 = arith.constant 0 : i32
    %dma_start3A_79 = tpu.memref_slice %arg6[%dma_start3A_75, %dma_start3A_77, %dma_start3A_78] : memref<4x2x128xi32, #tpu.memory_space<vmem>> -> memref<1x2x128xi32, #tpu.memory_space<vmem>>
    %dma_start3A_80 = tpu.memref_squeeze %dma_start3A_79 : memref<1x2x128xi32, #tpu.memory_space<vmem>> -> memref<2x128xi32, #tpu.memory_space<vmem>>
    %dma_start3A_81 = arith.constant 0 : i32
    %dma_start3A_82 = tpu.memref_slice %arg3[%dma_start3A_81, %add3A_74] : memref<2x320000xi32, #tpu.memory_space<hbm>> -> memref<2x128xi32, #tpu.memory_space<hbm>>
    %dma_start3A_83 = tpu.memref_slice %arg17[%dma_start3A_76] : memref<4x!tpu.dma_semaphore, #tpu.memory_space<semaphore_mem>> -> memref<1x!tpu.dma_semaphore, #tpu.memory_space<semaphore_mem>>
    %dma_start3A_84 = tpu.memref_squeeze %dma_start3A_83 : memref<1x!tpu.dma_semaphore, #tpu.memory_space<semaphore_mem>> -> memref<!tpu.dma_semaphore, #tpu.memory_space<semaphore_mem>>
    %dma_start3A_85 = arith.constant 0 : i32
    %dma_start3A_86 = arith.constant 0 : i32
    %dma_start3A_87 = tpu.memref_slice %arg6[%dma_start3A_75, %dma_start3A_85, %dma_start3A_86] : memref<4x2x128xi32, #tpu.memory_space<vmem>> -> memref<1x2x128xi32, #tpu.memory_space<vmem>>
    %dma_start3A_88 = tpu.memref_squeeze %dma_start3A_87 : memref<1x2x128xi32, #tpu.memory_space<vmem>> -> memref<2x128xi32, #tpu.memory_space<vmem>>
    %dma_start3A_89 = arith.constant 0 : i32
    %dma_start3A_90 = tpu.memref_slice %arg3[%dma_start3A_89, %add3A_74] : memref<2x320000xi32, #tpu.memory_space<hbm>> -> memref<2x128xi32, #tpu.memory_space<hbm>>
    tpu.enqueue_dma source(%dma_start3A_90 : memref<2x128xi32, #tpu.memory_space<hbm>>) target(%dma_start3A_88 : memref<2x128xi32, #tpu.memory_space<vmem>>) target_semaphore(%dma_start3A_84 : memref<!tpu.dma_semaphore, #tpu.memory_space<semaphore_mem>>)
    %add3A_91 = arith.constant 384 : i32
    %add3A_92 = arith.addi %mul3A_2, %add3A_91 : i32
    %dma_start3A_93 = arith.constant 3 : i32
    %dma_start3A_94 = arith.constant 3 : i32
    %dma_start3A_95 = arith.constant 0 : i32
    %dma_start3A_96 = arith.constant 0 : i32
    %dma_start3A_97 = tpu.memref_slice %arg6[%dma_start3A_93, %dma_start3A_95, %dma_start3A_96] : memref<4x2x128xi32, #tpu.memory_space<vmem>> -> memref<1x2x128xi32, #tpu.memory_space<vmem>>
    %dma_start3A_98 = tpu.memref_squeeze %dma_start3A_97 : memref<1x2x128xi32, #tpu.memory_space<vmem>> -> memref<2x128xi32, #tpu.memory_space<vmem>>
    %dma_start3A_99 = arith.constant 0 : i32
    %dma_start3A_100 = tpu.memref_slice %arg3[%dma_start3A_99, %add3A_92] : memref<2x320000xi32, #tpu.memory_space<hbm>> -> memref<2x128xi32, #tpu.memory_space<hbm>>
    %dma_start3A_101 = tpu.memref_slice %arg17[%dma_start3A_94] : memref<4x!tpu.dma_semaphore, #tpu.memory_space<semaphore_mem>> -> memref<1x!tpu.dma_semaphore, #tpu.memory_space<semaphore_mem>>
    %dma_start3A_102 = tpu.memref_squeeze %dma_start3A_101 : memref<1x!tpu.dma_semaphore, #tpu.memory_space<semaphore_mem>> -> memref<!tpu.dma_semaphore, #tpu.memory_space<semaphore_mem>>
    %dma_start3A_103 = arith.constant 0 : i32
    %dma_start3A_104 = arith.constant 0 : i32
    %dma_start3A_105 = tpu.memref_slice %arg6[%dma_start3A_93, %dma_start3A_103, %dma_start3A_104] : memref<4x2x128xi32, #tpu.memory_space<vmem>> -> memref<1x2x128xi32, #tpu.memory_space<vmem>>
    %dma_start3A_106 = tpu.memref_squeeze %dma_start3A_105 : memref<1x2x128xi32, #tpu.memory_space<vmem>> -> memref<2x128xi32, #tpu.memory_space<vmem>>
    %dma_start3A_107 = arith.constant 0 : i32
    %dma_start3A_108 = tpu.memref_slice %arg3[%dma_start3A_107, %add3A_92] : memref<2x320000xi32, #tpu.memory_space<hbm>> -> memref<2x128xi32, #tpu.memory_space<hbm>>
    tpu.enqueue_dma source(%dma_start3A_108 : memref<2x128xi32, #tpu.memory_space<hbm>>) target(%dma_start3A_106 : memref<2x128xi32, #tpu.memory_space<vmem>>) target_semaphore(%dma_start3A_102 : memref<!tpu.dma_semaphore, #tpu.memory_space<semaphore_mem>>)
    %scan3A_109 = arith.constant 0 : i32
    %scan3A_110 = arith.constant 19 : i32
    %scan3A_111 = arith.addi %scan3A_109, %scan3A_110 : i32
    %scan3A_112 = arith.constant 1 : i32
    scf.for %scan3A_441 = %scan3A_109 to %scan3A_111 step %scan3A_112  : i32 {
      %mul3A_442 = arith.constant 1 : i32
      %mul3A_443 = arith.muli %scan3A_441, %mul3A_442 : i32
      %add3A_444 = arith.constant 0 : i32
      %add3A_445 = arith.addi %add3A_444, %mul3A_443 : i32
      %mul3A_446 = arith.constant 4 : i32
      %mul3A_447 = arith.muli %add3A_445, %mul3A_446 : i32
      %add3A_448 = arith.constant 0 : i32
      %add3A_449 = arith.addi %mul3A_447, %add3A_448 : i32
      %mul3A_450 = arith.constant 128 : i32
      %mul3A_451 = arith.muli %add3A_449, %mul3A_450 : i32
      %add3A_452 = arith.addi %mul3A_2, %mul3A_451 : i32
      %dma_wait3A_453 = arith.constant 0 : i32
      %dma_wait3A_454 = arith.constant 0 : i32
      %dma_wait3A_455 = arith.constant 0 : i32
      %dma_wait3A_456 = arith.constant 0 : i32
      %dma_wait3A_457 = tpu.memref_slice %arg6[%dma_wait3A_453, %dma_wait3A_455, %dma_wait3A_456] : memref<4x2x128xi32, #tpu.memory_space<vmem>> -> memref<1x2x128xi32, #tpu.memory_space<vmem>>
      %dma_wait3A_458 = tpu.memref_squeeze %dma_wait3A_457 : memref<1x2x128xi32, #tpu.memory_space<vmem>> -> memref<2x128xi32, #tpu.memory_space<vmem>>
      %dma_wait3A_459 = arith.constant 0 : i32
      %dma_wait3A_460 = tpu.memref_slice %arg3[%dma_wait3A_459, %add3A_452] : memref<2x320000xi32, #tpu.memory_space<hbm>> -> memref<2x128xi32, #tpu.memory_space<hbm>>
      %dma_wait3A_461 = tpu.memref_slice %arg17[%dma_wait3A_454] : memref<4x!tpu.dma_semaphore, #tpu.memory_space<semaphore_mem>> -> memref<1x!tpu.dma_semaphore, #tpu.memory_space<semaphore_mem>>
      %dma_wait3A_462 = tpu.memref_squeeze %dma_wait3A_461 : memref<1x!tpu.dma_semaphore, #tpu.memory_space<semaphore_mem>> -> memref<!tpu.dma_semaphore, #tpu.memory_space<semaphore_mem>>
      %dma_wait3A_463 = arith.constant 0 : i32
      %dma_wait3A_464 = arith.constant 0 : i32
      %dma_wait3A_465 = tpu.memref_slice %arg6[%dma_wait3A_453, %dma_wait3A_463, %dma_wait3A_464] : memref<4x2x128xi32, #tpu.memory_space<vmem>> -> memref<1x2x128xi32, #tpu.memory_space<vmem>>
      %dma_wait3A_466 = tpu.memref_squeeze %dma_wait3A_465 : memref<1x2x128xi32, #tpu.memory_space<vmem>> -> memref<2x128xi32, #tpu.memory_space<vmem>>
      %dma_wait3A_467 = arith.constant 0 : i32
      %dma_wait3A_468 = tpu.memref_slice %arg3[%dma_wait3A_467, %add3A_452] : memref<2x320000xi32, #tpu.memory_space<hbm>> -> memref<2x128xi32, #tpu.memory_space<hbm>>
      tpu.wait_dma2 semaphore(%dma_wait3A_462 : memref<!tpu.dma_semaphore, #tpu.memory_space<semaphore_mem>>) src(%dma_wait3A_468 : memref<2x128xi32, #tpu.memory_space<hbm>>) dst(%dma_wait3A_466 : memref<2x128xi32, #tpu.memory_space<vmem>>)
      %dma_start3A_469 = arith.constant 0 : i32
      %dma_start3A_470 = arith.constant 0 : i32
      %dma_start3A_471 = arith.constant 0 : i32
      %dma_start3A_472 = arith.constant 0 : i32
      %dma_start3A_473 = arith.constant 0 : i32
      %dma_start3A_474 = arith.constant 0 : i32
      %dma_start3A_475 = tpu.memref_slice %arg8[%dma_start3A_471, %dma_start3A_473, %dma_start3A_474] : memref<4x128x16xf32, #tpu.memory_space<vmem>> -> memref<1x128x16xf32, #tpu.memory_space<vmem>>
      %dma_start3A_476 = tpu.memref_squeeze %dma_start3A_475 : memref<1x128x16xf32, #tpu.memory_space<vmem>> -> memref<128x16xf32, #tpu.memory_space<vmem>>
      %dma_start3A_477 = arith.constant 0 : i32
      %dma_start3A_478 = tpu.memref_slice %arg6[%dma_start3A_469, %dma_start3A_470, %dma_start3A_477] : memref<4x2x128xi32, #tpu.memory_space<vmem>> -> memref<1x1x128xi32, #tpu.memory_space<vmem>>
      %dma_start3A_479 = tpu.memref_squeeze %dma_start3A_478 : memref<1x1x128xi32, #tpu.memory_space<vmem>> -> memref<128xi32, #tpu.memory_space<vmem>>
      %dma_start3A_480 = arith.constant 0 : i32
      %dma_start3A_481 = arith.constant 0 : i32
      %dma_start3A_482 = tpu.memref_slice %arg2[%dma_start3A_480, %dma_start3A_481] : memref<10000x16xf32, #tpu.memory_space<hbm>> -> memref<10000x16xf32, #tpu.memory_space<hbm>>
      %dma_start3A_483 = tpu.memref_slice %arg18[%dma_start3A_472] : memref<4x!tpu.dma_semaphore, #tpu.memory_space<semaphore_mem>> -> memref<1x!tpu.dma_semaphore, #tpu.memory_space<semaphore_mem>>
      %dma_start3A_484 = tpu.memref_squeeze %dma_start3A_483 : memref<1x!tpu.dma_semaphore, #tpu.memory_space<semaphore_mem>> -> memref<!tpu.dma_semaphore, #tpu.memory_space<semaphore_mem>>
      tpu.enqueue_indirect_dma source(%dma_start3A_482 : memref<10000x16xf32, #tpu.memory_space<hbm>>) target(%dma_start3A_476 : memref<128x16xf32, #tpu.memory_space<vmem>>) offsets(%dma_start3A_479 : memref<128xi32, #tpu.memory_space<vmem>>) semaphore(%dma_start3A_484 : memref<!tpu.dma_semaphore, #tpu.memory_space<semaphore_mem>>)
      %dma_start3A_485 = arith.constant 0 : i32
      %dma_start3A_486 = arith.constant 1 : i32
      %dma_start3A_487 = arith.constant 0 : i32
      %dma_start3A_488 = arith.constant 0 : i32
      %dma_start3A_489 = tpu.memref_slice %arg6[%dma_start3A_485, %dma_start3A_486, %dma_start3A_488] : memref<4x2x128xi32, #tpu.memory_space<vmem>> -> memref<1x1x128xi32, #tpu.memory_space<vmem>>
      %dma_start3A_490 = tpu.memref_squeeze %dma_start3A_489 : memref<1x1x128xi32, #tpu.memory_space<vmem>> -> memref<128xi32, #tpu.memory_space<vmem>>
      %dma_start3A_491 = arith.constant 0 : i32
      %dma_start3A_492 = arith.constant 0 : i32
      %dma_start3A_493 = tpu.memref_slice %arg15[%dma_start3A_491, %dma_start3A_492] : memref<10000x16xf32, #tpu.memory_space<vmem_shared>> -> memref<10000x16xf32, #tpu.memory_space<vmem_shared>>
      %dma_start3A_494 = tpu.memref_slice %arg20[%dma_start3A_487] : memref<4x!tpu.dma_semaphore, #tpu.memory_space<semaphore_mem>> -> memref<1x!tpu.dma_semaphore, #tpu.memory_space<semaphore_mem>>
      %dma_start3A_495 = tpu.memref_squeeze %dma_start3A_494 : memref<1x!tpu.dma_semaphore, #tpu.memory_space<semaphore_mem>> -> memref<!tpu.dma_semaphore, #tpu.memory_space<semaphore_mem>>
      tpu.enqueue_indirect_dma source(%arg11 : memref<128x16xf32, #tpu.memory_space<vmem>>) target(%dma_start3A_493 : memref<10000x16xf32, #tpu.memory_space<vmem_shared>>) offsets(%dma_start3A_490 : memref<128xi32, #tpu.memory_space<vmem>>) semaphore(%dma_start3A_495 : memref<!tpu.dma_semaphore, #tpu.memory_space<semaphore_mem>>) {add = true}
      %add3A_496 = arith.constant 1 : i32
      %add3A_497 = arith.addi %mul3A_447, %add3A_496 : i32
      %mul3A_498 = arith.constant 128 : i32
      %mul3A_499 = arith.muli %add3A_497, %mul3A_498 : i32
      %add3A_500 = arith.addi %mul3A_2, %mul3A_499 : i32
      %dma_wait3A_501 = arith.constant 1 : i32
      %dma_wait3A_502 = arith.constant 1 : i32
      %dma_wait3A_503 = arith.constant 0 : i32
      %dma_wait3A_504 = arith.constant 0 : i32
      %dma_wait3A_505 = tpu.memref_slice %arg6[%dma_wait3A_501, %dma_wait3A_503, %dma_wait3A_504] : memref<4x2x128xi32, #tpu.memory_space<vmem>> -> memref<1x2x128xi32, #tpu.memory_space<vmem>>
      %dma_wait3A_506 = tpu.memref_squeeze %dma_wait3A_505 : memref<1x2x128xi32, #tpu.memory_space<vmem>> -> memref<2x128xi32, #tpu.memory_space<vmem>>
      %dma_wait3A_507 = arith.constant 0 : i32
      %dma_wait3A_508 = tpu.memref_slice %arg3[%dma_wait3A_507, %add3A_500] : memref<2x320000xi32, #tpu.memory_space<hbm>> -> memref<2x128xi32, #tpu.memory_space<hbm>>
      %dma_wait3A_509 = tpu.memref_slice %arg17[%dma_wait3A_502] : memref<4x!tpu.dma_semaphore, #tpu.memory_space<semaphore_mem>> -> memref<1x!tpu.dma_semaphore, #tpu.memory_space<semaphore_mem>>
      %dma_wait3A_510 = tpu.memref_squeeze %dma_wait3A_509 : memref<1x!tpu.dma_semaphore, #tpu.memory_space<semaphore_mem>> -> memref<!tpu.dma_semaphore, #tpu.memory_space<semaphore_mem>>
      %dma_wait3A_511 = arith.constant 0 : i32
      %dma_wait3A_512 = arith.constant 0 : i32
      %dma_wait3A_513 = tpu.memref_slice %arg6[%dma_wait3A_501, %dma_wait3A_511, %dma_wait3A_512] : memref<4x2x128xi32, #tpu.memory_space<vmem>> -> memref<1x2x128xi32, #tpu.memory_space<vmem>>
      %dma_wait3A_514 = tpu.memref_squeeze %dma_wait3A_513 : memref<1x2x128xi32, #tpu.memory_space<vmem>> -> memref<2x128xi32, #tpu.memory_space<vmem>>
      %dma_wait3A_515 = arith.constant 0 : i32
      %dma_wait3A_516 = tpu.memref_slice %arg3[%dma_wait3A_515, %add3A_500] : memref<2x320000xi32, #tpu.memory_space<hbm>> -> memref<2x128xi32, #tpu.memory_space<hbm>>
      tpu.wait_dma2 semaphore(%dma_wait3A_510 : memref<!tpu.dma_semaphore, #tpu.memory_space<semaphore_mem>>) src(%dma_wait3A_516 : memref<2x128xi32, #tpu.memory_space<hbm>>) dst(%dma_wait3A_514 : memref<2x128xi32, #tpu.memory_space<vmem>>)
      %dma_start3A_517 = arith.constant 1 : i32
      %dma_start3A_518 = arith.constant 0 : i32
      %dma_start3A_519 = arith.constant 1 : i32
      %dma_start3A_520 = arith.constant 1 : i32
      %dma_start3A_521 = arith.constant 0 : i32
      %dma_start3A_522 = arith.constant 0 : i32
      %dma_start3A_523 = tpu.memref_slice %arg8[%dma_start3A_519, %dma_start3A_521, %dma_start3A_522] : memref<4x128x16xf32, #tpu.memory_space<vmem>> -> memref<1x128x16xf32, #tpu.memory_space<vmem>>
      %dma_start3A_524 = tpu.memref_squeeze %dma_start3A_523 : memref<1x128x16xf32, #tpu.memory_space<vmem>> -> memref<128x16xf32, #tpu.memory_space<vmem>>
      %dma_start3A_525 = arith.constant 0 : i32
      %dma_start3A_526 = tpu.memref_slice %arg6[%dma_start3A_517, %dma_start3A_518, %dma_start3A_525] : memref<4x2x128xi32, #tpu.memory_space<vmem>> -> memref<1x1x128xi32, #tpu.memory_space<vmem>>
      %dma_start3A_527 = tpu.memref_squeeze %dma_start3A_526 : memref<1x1x128xi32, #tpu.memory_space<vmem>> -> memref<128xi32, #tpu.memory_space<vmem>>
      %dma_start3A_528 = arith.constant 0 : i32
      %dma_start3A_529 = arith.constant 0 : i32
      %dma_start3A_530 = tpu.memref_slice %arg2[%dma_start3A_528, %dma_start3A_529] : memref<10000x16xf32, #tpu.memory_space<hbm>> -> memref<10000x16xf32, #tpu.memory_space<hbm>>
      %dma_start3A_531 = tpu.memref_slice %arg18[%dma_start3A_520] : memref<4x!tpu.dma_semaphore, #tpu.memory_space<semaphore_mem>> -> memref<1x!tpu.dma_semaphore, #tpu.memory_space<semaphore_mem>>
      %dma_start3A_532 = tpu.memref_squeeze %dma_start3A_531 : memref<1x!tpu.dma_semaphore, #tpu.memory_space<semaphore_mem>> -> memref<!tpu.dma_semaphore, #tpu.memory_space<semaphore_mem>>
      tpu.enqueue_indirect_dma source(%dma_start3A_530 : memref<10000x16xf32, #tpu.memory_space<hbm>>) target(%dma_start3A_524 : memref<128x16xf32, #tpu.memory_space<vmem>>) offsets(%dma_start3A_527 : memref<128xi32, #tpu.memory_space<vmem>>) semaphore(%dma_start3A_532 : memref<!tpu.dma_semaphore, #tpu.memory_space<semaphore_mem>>)
      %dma_start3A_533 = arith.constant 1 : i32
      %dma_start3A_534 = arith.constant 1 : i32
      %dma_start3A_535 = arith.constant 1 : i32
      %dma_start3A_536 = arith.constant 0 : i32
      %dma_start3A_537 = tpu.memref_slice %arg6[%dma_start3A_533, %dma_start3A_534, %dma_start3A_536] : memref<4x2x128xi32, #tpu.memory_space<vmem>> -> memref<1x1x128xi32, #tpu.memory_space<vmem>>
      %dma_start3A_538 = tpu.memref_squeeze %dma_start3A_537 : memref<1x1x128xi32, #tpu.memory_space<vmem>> -> memref<128xi32, #tpu.memory_space<vmem>>
      %dma_start3A_539 = arith.constant 0 : i32
      %dma_start3A_540 = arith.constant 0 : i32
      %dma_start3A_541 = tpu.memref_slice %arg15[%dma_start3A_539, %dma_start3A_540] : memref<10000x16xf32, #tpu.memory_space<vmem_shared>> -> memref<10000x16xf32, #tpu.memory_space<vmem_shared>>
      %dma_start3A_542 = tpu.memref_slice %arg20[%dma_start3A_535] : memref<4x!tpu.dma_semaphore, #tpu.memory_space<semaphore_mem>> -> memref<1x!tpu.dma_semaphore, #tpu.memory_space<semaphore_mem>>
      %dma_start3A_543 = tpu.memref_squeeze %dma_start3A_542 : memref<1x!tpu.dma_semaphore, #tpu.memory_space<semaphore_mem>> -> memref<!tpu.dma_semaphore, #tpu.memory_space<semaphore_mem>>
      tpu.enqueue_indirect_dma source(%arg11 : memref<128x16xf32, #tpu.memory_space<vmem>>) target(%dma_start3A_541 : memref<10000x16xf32, #tpu.memory_space<vmem_shared>>) offsets(%dma_start3A_538 : memref<128xi32, #tpu.memory_space<vmem>>) semaphore(%dma_start3A_543 : memref<!tpu.dma_semaphore, #tpu.memory_space<semaphore_mem>>) {add = true}
      %add3A_544 = arith.constant 2 : i32
      %add3A_545 = arith.addi %mul3A_447, %add3A_544 : i32
      %mul3A_546 = arith.constant 128 : i32
      %mul3A_547 = arith.muli %add3A_545, %mul3A_546 : i32
      %add3A_548 = arith.addi %mul3A_2, %mul3A_547 : i32
      %dma_wait3A_549 = arith.constant 2 : i32
      %dma_wait3A_550 = arith.constant 2 : i32
      %dma_wait3A_551 = arith.constant 0 : i32
      %dma_wait3A_552 = arith.constant 0 : i32
      %dma_wait3A_553 = tpu.memref_slice %arg6[%dma_wait3A_549, %dma_wait3A_551, %dma_wait3A_552] : memref<4x2x128xi32, #tpu.memory_space<vmem>> -> memref<1x2x128xi32, #tpu.memory_space<vmem>>
      %dma_wait3A_554 = tpu.memref_squeeze %dma_wait3A_553 : memref<1x2x128xi32, #tpu.memory_space<vmem>> -> memref<2x128xi32, #tpu.memory_space<vmem>>
      %dma_wait3A_555 = arith.constant 0 : i32
      %dma_wait3A_556 = tpu.memref_slice %arg3[%dma_wait3A_555, %add3A_548] : memref<2x320000xi32, #tpu.memory_space<hbm>> -> memref<2x128xi32, #tpu.memory_space<hbm>>
      %dma_wait3A_557 = tpu.memref_slice %arg17[%dma_wait3A_550] : memref<4x!tpu.dma_semaphore, #tpu.memory_space<semaphore_mem>> -> memref<1x!tpu.dma_semaphore, #tpu.memory_space<semaphore_mem>>
      %dma_wait3A_558 = tpu.memref_squeeze %dma_wait3A_557 : memref<1x!tpu.dma_semaphore, #tpu.memory_space<semaphore_mem>> -> memref<!tpu.dma_semaphore, #tpu.memory_space<semaphore_mem>>
      %dma_wait3A_559 = arith.constant 0 : i32
      %dma_wait3A_560 = arith.constant 0 : i32
      %dma_wait3A_561 = tpu.memref_slice %arg6[%dma_wait3A_549, %dma_wait3A_559, %dma_wait3A_560] : memref<4x2x128xi32, #tpu.memory_space<vmem>> -> memref<1x2x128xi32, #tpu.memory_space<vmem>>
      %dma_wait3A_562 = tpu.memref_squeeze %dma_wait3A_561 : memref<1x2x128xi32, #tpu.memory_space<vmem>> -> memref<2x128xi32, #tpu.memory_space<vmem>>
      %dma_wait3A_563 = arith.constant 0 : i32
      %dma_wait3A_564 = tpu.memref_slice %arg3[%dma_wait3A_563, %add3A_548] : memref<2x320000xi32, #tpu.memory_space<hbm>> -> memref<2x128xi32, #tpu.memory_space<hbm>>
      tpu.wait_dma2 semaphore(%dma_wait3A_558 : memref<!tpu.dma_semaphore, #tpu.memory_space<semaphore_mem>>) src(%dma_wait3A_564 : memref<2x128xi32, #tpu.memory_space<hbm>>) dst(%dma_wait3A_562 : memref<2x128xi32, #tpu.memory_space<vmem>>)
      %dma_start3A_565 = arith.constant 2 : i32
      %dma_start3A_566 = arith.constant 0 : i32
      %dma_start3A_567 = arith.constant 2 : i32
      %dma_start3A_568 = arith.constant 2 : i32
      %dma_start3A_569 = arith.constant 0 : i32
      %dma_start3A_570 = arith.constant 0 : i32
      %dma_start3A_571 = tpu.memref_slice %arg8[%dma_start3A_567, %dma_start3A_569, %dma_start3A_570] : memref<4x128x16xf32, #tpu.memory_space<vmem>> -> memref<1x128x16xf32, #tpu.memory_space<vmem>>
      %dma_start3A_572 = tpu.memref_squeeze %dma_start3A_571 : memref<1x128x16xf32, #tpu.memory_space<vmem>> -> memref<128x16xf32, #tpu.memory_space<vmem>>
      %dma_start3A_573 = arith.constant 0 : i32
      %dma_start3A_574 = tpu.memref_slice %arg6[%dma_start3A_565, %dma_start3A_566, %dma_start3A_573] : memref<4x2x128xi32, #tpu.memory_space<vmem>> -> memref<1x1x128xi32, #tpu.memory_space<vmem>>
      %dma_start3A_575 = tpu.memref_squeeze %dma_start3A_574 : memref<1x1x128xi32, #tpu.memory_space<vmem>> -> memref<128xi32, #tpu.memory_space<vmem>>
      %dma_start3A_576 = arith.constant 0 : i32
      %dma_start3A_577 = arith.constant 0 : i32
      %dma_start3A_578 = tpu.memref_slice %arg2[%dma_start3A_576, %dma_start3A_577] : memref<10000x16xf32, #tpu.memory_space<hbm>> -> memref<10000x16xf32, #tpu.memory_space<hbm>>
      %dma_start3A_579 = tpu.memref_slice %arg18[%dma_start3A_568] : memref<4x!tpu.dma_semaphore, #tpu.memory_space<semaphore_mem>> -> memref<1x!tpu.dma_semaphore, #tpu.memory_space<semaphore_mem>>
      %dma_start3A_580 = tpu.memref_squeeze %dma_start3A_579 : memref<1x!tpu.dma_semaphore, #tpu.memory_space<semaphore_mem>> -> memref<!tpu.dma_semaphore, #tpu.memory_space<semaphore_mem>>
      tpu.enqueue_indirect_dma source(%dma_start3A_578 : memref<10000x16xf32, #tpu.memory_space<hbm>>) target(%dma_start3A_572 : memref<128x16xf32, #tpu.memory_space<vmem>>) offsets(%dma_start3A_575 : memref<128xi32, #tpu.memory_space<vmem>>) semaphore(%dma_start3A_580 : memref<!tpu.dma_semaphore, #tpu.memory_space<semaphore_mem>>)
      %dma_start3A_581 = arith.constant 2 : i32
      %dma_start3A_582 = arith.constant 1 : i32
      %dma_start3A_583 = arith.constant 2 : i32
      %dma_start3A_584 = arith.constant 0 : i32
      %dma_start3A_585 = tpu.memref_slice %arg6[%dma_start3A_581, %dma_start3A_582, %dma_start3A_584] : memref<4x2x128xi32, #tpu.memory_space<vmem>> -> memref<1x1x128xi32, #tpu.memory_space<vmem>>
      %dma_start3A_586 = tpu.memref_squeeze %dma_start3A_585 : memref<1x1x128xi32, #tpu.memory_space<vmem>> -> memref<128xi32, #tpu.memory_space<vmem>>
      %dma_start3A_587 = arith.constant 0 : i32
      %dma_start3A_588 = arith.constant 0 : i32
      %dma_start3A_589 = tpu.memref_slice %arg15[%dma_start3A_587, %dma_start3A_588] : memref<10000x16xf32, #tpu.memory_space<vmem_shared>> -> memref<10000x16xf32, #tpu.memory_space<vmem_shared>>
      %dma_start3A_590 = tpu.memref_slice %arg20[%dma_start3A_583] : memref<4x!tpu.dma_semaphore, #tpu.memory_space<semaphore_mem>> -> memref<1x!tpu.dma_semaphore, #tpu.memory_space<semaphore_mem>>
      %dma_start3A_591 = tpu.memref_squeeze %dma_start3A_590 : memref<1x!tpu.dma_semaphore, #tpu.memory_space<semaphore_mem>> -> memref<!tpu.dma_semaphore, #tpu.memory_space<semaphore_mem>>
      tpu.enqueue_indirect_dma source(%arg11 : memref<128x16xf32, #tpu.memory_space<vmem>>) target(%dma_start3A_589 : memref<10000x16xf32, #tpu.memory_space<vmem_shared>>) offsets(%dma_start3A_586 : memref<128xi32, #tpu.memory_space<vmem>>) semaphore(%dma_start3A_591 : memref<!tpu.dma_semaphore, #tpu.memory_space<semaphore_mem>>) {add = true}
      %add3A_592 = arith.constant 3 : i32
      %add3A_593 = arith.addi %mul3A_447, %add3A_592 : i32
      %mul3A_594 = arith.constant 128 : i32
      %mul3A_595 = arith.muli %add3A_593, %mul3A_594 : i32
      %add3A_596 = arith.addi %mul3A_2, %mul3A_595 : i32
      %dma_wait3A_597 = arith.constant 3 : i32
      %dma_wait3A_598 = arith.constant 3 : i32
      %dma_wait3A_599 = arith.constant 0 : i32
      %dma_wait3A_600 = arith.constant 0 : i32
      %dma_wait3A_601 = tpu.memref_slice %arg6[%dma_wait3A_597, %dma_wait3A_599, %dma_wait3A_600] : memref<4x2x128xi32, #tpu.memory_space<vmem>> -> memref<1x2x128xi32, #tpu.memory_space<vmem>>
      %dma_wait3A_602 = tpu.memref_squeeze %dma_wait3A_601 : memref<1x2x128xi32, #tpu.memory_space<vmem>> -> memref<2x128xi32, #tpu.memory_space<vmem>>
      %dma_wait3A_603 = arith.constant 0 : i32
      %dma_wait3A_604 = tpu.memref_slice %arg3[%dma_wait3A_603, %add3A_596] : memref<2x320000xi32, #tpu.memory_space<hbm>> -> memref<2x128xi32, #tpu.memory_space<hbm>>
      %dma_wait3A_605 = tpu.memref_slice %arg17[%dma_wait3A_598] : memref<4x!tpu.dma_semaphore, #tpu.memory_space<semaphore_mem>> -> memref<1x!tpu.dma_semaphore, #tpu.memory_space<semaphore_mem>>
      %dma_wait3A_606 = tpu.memref_squeeze %dma_wait3A_605 : memref<1x!tpu.dma_semaphore, #tpu.memory_space<semaphore_mem>> -> memref<!tpu.dma_semaphore, #tpu.memory_space<semaphore_mem>>
      %dma_wait3A_607 = arith.constant 0 : i32
      %dma_wait3A_608 = arith.constant 0 : i32
      %dma_wait3A_609 = tpu.memref_slice %arg6[%dma_wait3A_597, %dma_wait3A_607, %dma_wait3A_608] : memref<4x2x128xi32, #tpu.memory_space<vmem>> -> memref<1x2x128xi32, #tpu.memory_space<vmem>>
      %dma_wait3A_610 = tpu.memref_squeeze %dma_wait3A_609 : memref<1x2x128xi32, #tpu.memory_space<vmem>> -> memref<2x128xi32, #tpu.memory_space<vmem>>
      %dma_wait3A_611 = arith.constant 0 : i32
      %dma_wait3A_612 = tpu.memref_slice %arg3[%dma_wait3A_611, %add3A_596] : memref<2x320000xi32, #tpu.memory_space<hbm>> -> memref<2x128xi32, #tpu.memory_space<hbm>>
      tpu.wait_dma2 semaphore(%dma_wait3A_606 : memref<!tpu.dma_semaphore, #tpu.memory_space<semaphore_mem>>) src(%dma_wait3A_612 : memref<2x128xi32, #tpu.memory_space<hbm>>) dst(%dma_wait3A_610 : memref<2x128xi32, #tpu.memory_space<vmem>>)
      %dma_start3A_613 = arith.constant 3 : i32
      %dma_start3A_614 = arith.constant 0 : i32
      %dma_start3A_615 = arith.constant 3 : i32
      %dma_start3A_616 = arith.constant 3 : i32
      %dma_start3A_617 = arith.constant 0 : i32
      %dma_start3A_618 = arith.constant 0 : i32
      %dma_start3A_619 = tpu.memref_slice %arg8[%dma_start3A_615, %dma_start3A_617, %dma_start3A_618] : memref<4x128x16xf32, #tpu.memory_space<vmem>> -> memref<1x128x16xf32, #tpu.memory_space<vmem>>
      %dma_start3A_620 = tpu.memref_squeeze %dma_start3A_619 : memref<1x128x16xf32, #tpu.memory_space<vmem>> -> memref<128x16xf32, #tpu.memory_space<vmem>>
      %dma_start3A_621 = arith.constant 0 : i32
      %dma_start3A_622 = tpu.memref_slice %arg6[%dma_start3A_613, %dma_start3A_614, %dma_start3A_621] : memref<4x2x128xi32, #tpu.memory_space<vmem>> -> memref<1x1x128xi32, #tpu.memory_space<vmem>>
      %dma_start3A_623 = tpu.memref_squeeze %dma_start3A_622 : memref<1x1x128xi32, #tpu.memory_space<vmem>> -> memref<128xi32, #tpu.memory_space<vmem>>
      %dma_start3A_624 = arith.constant 0 : i32
      %dma_start3A_625 = arith.constant 0 : i32
      %dma_start3A_626 = tpu.memref_slice %arg2[%dma_start3A_624, %dma_start3A_625] : memref<10000x16xf32, #tpu.memory_space<hbm>> -> memref<10000x16xf32, #tpu.memory_space<hbm>>
      %dma_start3A_627 = tpu.memref_slice %arg18[%dma_start3A_616] : memref<4x!tpu.dma_semaphore, #tpu.memory_space<semaphore_mem>> -> memref<1x!tpu.dma_semaphore, #tpu.memory_space<semaphore_mem>>
      %dma_start3A_628 = tpu.memref_squeeze %dma_start3A_627 : memref<1x!tpu.dma_semaphore, #tpu.memory_space<semaphore_mem>> -> memref<!tpu.dma_semaphore, #tpu.memory_space<semaphore_mem>>
      tpu.enqueue_indirect_dma source(%dma_start3A_626 : memref<10000x16xf32, #tpu.memory_space<hbm>>) target(%dma_start3A_620 : memref<128x16xf32, #tpu.memory_space<vmem>>) offsets(%dma_start3A_623 : memref<128xi32, #tpu.memory_space<vmem>>) semaphore(%dma_start3A_628 : memref<!tpu.dma_semaphore, #tpu.memory_space<semaphore_mem>>)
      %dma_start3A_629 = arith.constant 3 : i32
      %dma_start3A_630 = arith.constant 1 : i32
      %dma_start3A_631 = arith.constant 3 : i32
      %dma_start3A_632 = arith.constant 0 : i32
      %dma_start3A_633 = tpu.memref_slice %arg6[%dma_start3A_629, %dma_start3A_630, %dma_start3A_632] : memref<4x2x128xi32, #tpu.memory_space<vmem>> -> memref<1x1x128xi32, #tpu.memory_space<vmem>>
      %dma_start3A_634 = tpu.memref_squeeze %dma_start3A_633 : memref<1x1x128xi32, #tpu.memory_space<vmem>> -> memref<128xi32, #tpu.memory_space<vmem>>
      %dma_start3A_635 = arith.constant 0 : i32
      %dma_start3A_636 = arith.constant 0 : i32
      %dma_start3A_637 = tpu.memref_slice %arg15[%dma_start3A_635, %dma_start3A_636] : memref<10000x16xf32, #tpu.memory_space<vmem_shared>> -> memref<10000x16xf32, #tpu.memory_space<vmem_shared>>
      %dma_start3A_638 = tpu.memref_slice %arg20[%dma_start3A_631] : memref<4x!tpu.dma_semaphore, #tpu.memory_space<semaphore_mem>> -> memref<1x!tpu.dma_semaphore, #tpu.memory_space<semaphore_mem>>
      %dma_start3A_639 = tpu.memref_squeeze %dma_start3A_638 : memref<1x!tpu.dma_semaphore, #tpu.memory_space<semaphore_mem>> -> memref<!tpu.dma_semaphore, #tpu.memory_space<semaphore_mem>>
      tpu.enqueue_indirect_dma source(%arg11 : memref<128x16xf32, #tpu.memory_space<vmem>>) target(%dma_start3A_637 : memref<10000x16xf32, #tpu.memory_space<vmem_shared>>) offsets(%dma_start3A_634 : memref<128xi32, #tpu.memory_space<vmem>>) semaphore(%dma_start3A_639 : memref<!tpu.dma_semaphore, #tpu.memory_space<semaphore_mem>>) {add = true}
      %dma_wait3A_640 = arith.constant 0 : i32
      %dma_wait3A_641 = arith.constant 0 : i32
      %dma_wait3A_642 = arith.constant 0 : i32
      %dma_wait3A_643 = arith.constant 0 : i32
      %dma_wait3A_644 = arith.constant 0 : i32
      %dma_wait3A_645 = arith.constant 0 : i32
      %dma_wait3A_646 = tpu.memref_slice %arg8[%dma_wait3A_642, %dma_wait3A_644, %dma_wait3A_645] : memref<4x128x16xf32, #tpu.memory_space<vmem>> -> memref<1x128x16xf32, #tpu.memory_space<vmem>>
      %dma_wait3A_647 = tpu.memref_squeeze %dma_wait3A_646 : memref<1x128x16xf32, #tpu.memory_space<vmem>> -> memref<128x16xf32, #tpu.memory_space<vmem>>
      %dma_wait3A_648 = arith.constant 0 : i32
      %dma_wait3A_649 = tpu.memref_slice %arg6[%dma_wait3A_640, %dma_wait3A_641, %dma_wait3A_648] : memref<4x2x128xi32, #tpu.memory_space<vmem>> -> memref<1x1x128xi32, #tpu.memory_space<vmem>>
      %dma_wait3A_650 = tpu.memref_squeeze %dma_wait3A_649 : memref<1x1x128xi32, #tpu.memory_space<vmem>> -> memref<128xi32, #tpu.memory_space<vmem>>
      %dma_wait3A_651 = arith.constant 0 : i32
      %dma_wait3A_652 = arith.constant 0 : i32
      %dma_wait3A_653 = tpu.memref_slice %arg2[%dma_wait3A_651, %dma_wait3A_652] : memref<10000x16xf32, #tpu.memory_space<hbm>> -> memref<10000x16xf32, #tpu.memory_space<hbm>>
      %dma_wait3A_654 = tpu.memref_slice %arg18[%dma_wait3A_643] : memref<4x!tpu.dma_semaphore, #tpu.memory_space<semaphore_mem>> -> memref<1x!tpu.dma_semaphore, #tpu.memory_space<semaphore_mem>>
      %dma_wait3A_655 = tpu.memref_squeeze %dma_wait3A_654 : memref<1x!tpu.dma_semaphore, #tpu.memory_space<semaphore_mem>> -> memref<!tpu.dma_semaphore, #tpu.memory_space<semaphore_mem>>
      tpu.wait_indirect_dma semaphore(%dma_wait3A_655 : memref<!tpu.dma_semaphore, #tpu.memory_space<semaphore_mem>>) src(%dma_wait3A_653 : memref<10000x16xf32, #tpu.memory_space<hbm>>) dst(%dma_wait3A_647 : memref<128x16xf32, #tpu.memory_space<vmem>>)
      %dma_start3A_656 = arith.constant 0 : i32
      %dma_start3A_657 = arith.constant 0 : i32
      %dma_start3A_658 = arith.constant 1 : i32
      %dma_start3A_659 = arith.constant 0 : i32
      %dma_start3A_660 = arith.constant 0 : i32
      %dma_start3A_661 = arith.constant 0 : i32
      %dma_start3A_662 = tpu.memref_slice %arg8[%dma_start3A_656, %dma_start3A_660, %dma_start3A_661] : memref<4x128x16xf32, #tpu.memory_space<vmem>> -> memref<1x128x16xf32, #tpu.memory_space<vmem>>
      %dma_start3A_663 = tpu.memref_squeeze %dma_start3A_662 : memref<1x128x16xf32, #tpu.memory_space<vmem>> -> memref<128x16xf32, #tpu.memory_space<vmem>>
      %dma_start3A_664 = arith.constant 0 : i32
      %dma_start3A_665 = tpu.memref_slice %arg6[%dma_start3A_657, %dma_start3A_658, %dma_start3A_664] : memref<4x2x128xi32, #tpu.memory_space<vmem>> -> memref<1x1x128xi32, #tpu.memory_space<vmem>>
      %dma_start3A_666 = tpu.memref_squeeze %dma_start3A_665 : memref<1x1x128xi32, #tpu.memory_space<vmem>> -> memref<128xi32, #tpu.memory_space<vmem>>
      %dma_start3A_667 = arith.constant 0 : i32
      %dma_start3A_668 = arith.constant 0 : i32
      %dma_start3A_669 = tpu.memref_slice %arg14[%dma_start3A_667, %dma_start3A_668] : memref<10000x16xf32, #tpu.memory_space<vmem_shared>> -> memref<10000x16xf32, #tpu.memory_space<vmem_shared>>
      %dma_start3A_670 = tpu.memref_slice %arg19[%dma_start3A_659] : memref<4x!tpu.dma_semaphore, #tpu.memory_space<semaphore_mem>> -> memref<1x!tpu.dma_semaphore, #tpu.memory_space<semaphore_mem>>
      %dma_start3A_671 = tpu.memref_squeeze %dma_start3A_670 : memref<1x!tpu.dma_semaphore, #tpu.memory_space<semaphore_mem>> -> memref<!tpu.dma_semaphore, #tpu.memory_space<semaphore_mem>>
      tpu.enqueue_indirect_dma source(%dma_start3A_663 : memref<128x16xf32, #tpu.memory_space<vmem>>) target(%dma_start3A_669 : memref<10000x16xf32, #tpu.memory_space<vmem_shared>>) offsets(%dma_start3A_666 : memref<128xi32, #tpu.memory_space<vmem>>) semaphore(%dma_start3A_671 : memref<!tpu.dma_semaphore, #tpu.memory_space<semaphore_mem>>) {add = true}
      %dma_wait3A_672 = arith.constant 1 : i32
      %dma_wait3A_673 = arith.constant 0 : i32
      %dma_wait3A_674 = arith.constant 1 : i32
      %dma_wait3A_675 = arith.constant 1 : i32
      %dma_wait3A_676 = arith.constant 0 : i32
      %dma_wait3A_677 = arith.constant 0 : i32
      %dma_wait3A_678 = tpu.memref_slice %arg8[%dma_wait3A_674, %dma_wait3A_676, %dma_wait3A_677] : memref<4x128x16xf32, #tpu.memory_space<vmem>> -> memref<1x128x16xf32, #tpu.memory_space<vmem>>
      %dma_wait3A_679 = tpu.memref_squeeze %dma_wait3A_678 : memref<1x128x16xf32, #tpu.memory_space<vmem>> -> memref<128x16xf32, #tpu.memory_space<vmem>>
      %dma_wait3A_680 = arith.constant 0 : i32
      %dma_wait3A_681 = tpu.memref_slice %arg6[%dma_wait3A_672, %dma_wait3A_673, %dma_wait3A_680] : memref<4x2x128xi32, #tpu.memory_space<vmem>> -> memref<1x1x128xi32, #tpu.memory_space<vmem>>
      %dma_wait3A_682 = tpu.memref_squeeze %dma_wait3A_681 : memref<1x1x128xi32, #tpu.memory_space<vmem>> -> memref<128xi32, #tpu.memory_space<vmem>>
      %dma_wait3A_683 = arith.constant 0 : i32
      %dma_wait3A_684 = arith.constant 0 : i32
      %dma_wait3A_685 = tpu.memref_slice %arg2[%dma_wait3A_683, %dma_wait3A_684] : memref<10000x16xf32, #tpu.memory_space<hbm>> -> memref<10000x16xf32, #tpu.memory_space<hbm>>
      %dma_wait3A_686 = tpu.memref_slice %arg18[%dma_wait3A_675] : memref<4x!tpu.dma_semaphore, #tpu.memory_space<semaphore_mem>> -> memref<1x!tpu.dma_semaphore, #tpu.memory_space<semaphore_mem>>
      %dma_wait3A_687 = tpu.memref_squeeze %dma_wait3A_686 : memref<1x!tpu.dma_semaphore, #tpu.memory_space<semaphore_mem>> -> memref<!tpu.dma_semaphore, #tpu.memory_space<semaphore_mem>>
      tpu.wait_indirect_dma semaphore(%dma_wait3A_687 : memref<!tpu.dma_semaphore, #tpu.memory_space<semaphore_mem>>) src(%dma_wait3A_685 : memref<10000x16xf32, #tpu.memory_space<hbm>>) dst(%dma_wait3A_679 : memref<128x16xf32, #tpu.memory_space<vmem>>)
      %dma_start3A_688 = arith.constant 1 : i32
      %dma_start3A_689 = arith.constant 1 : i32
      %dma_start3A_690 = arith.constant 1 : i32
      %dma_start3A_691 = arith.constant 1 : i32
      %dma_start3A_692 = arith.constant 0 : i32
      %dma_start3A_693 = arith.constant 0 : i32
      %dma_start3A_694 = tpu.memref_slice %arg8[%dma_start3A_688, %dma_start3A_692, %dma_start3A_693] : memref<4x128x16xf32, #tpu.memory_space<vmem>> -> memref<1x128x16xf32, #tpu.memory_space<vmem>>
      %dma_start3A_695 = tpu.memref_squeeze %dma_start3A_694 : memref<1x128x16xf32, #tpu.memory_space<vmem>> -> memref<128x16xf32, #tpu.memory_space<vmem>>
      %dma_start3A_696 = arith.constant 0 : i32
      %dma_start3A_697 = tpu.memref_slice %arg6[%dma_start3A_689, %dma_start3A_690, %dma_start3A_696] : memref<4x2x128xi32, #tpu.memory_space<vmem>> -> memref<1x1x128xi32, #tpu.memory_space<vmem>>
      %dma_start3A_698 = tpu.memref_squeeze %dma_start3A_697 : memref<1x1x128xi32, #tpu.memory_space<vmem>> -> memref<128xi32, #tpu.memory_space<vmem>>
      %dma_start3A_699 = arith.constant 0 : i32
      %dma_start3A_700 = arith.constant 0 : i32
      %dma_start3A_701 = tpu.memref_slice %arg14[%dma_start3A_699, %dma_start3A_700] : memref<10000x16xf32, #tpu.memory_space<vmem_shared>> -> memref<10000x16xf32, #tpu.memory_space<vmem_shared>>
      %dma_start3A_702 = tpu.memref_slice %arg19[%dma_start3A_691] : memref<4x!tpu.dma_semaphore, #tpu.memory_space<semaphore_mem>> -> memref<1x!tpu.dma_semaphore, #tpu.memory_space<semaphore_mem>>
      %dma_start3A_703 = tpu.memref_squeeze %dma_start3A_702 : memref<1x!tpu.dma_semaphore, #tpu.memory_space<semaphore_mem>> -> memref<!tpu.dma_semaphore, #tpu.memory_space<semaphore_mem>>
      tpu.enqueue_indirect_dma source(%dma_start3A_695 : memref<128x16xf32, #tpu.memory_space<vmem>>) target(%dma_start3A_701 : memref<10000x16xf32, #tpu.memory_space<vmem_shared>>) offsets(%dma_start3A_698 : memref<128xi32, #tpu.memory_space<vmem>>) semaphore(%dma_start3A_703 : memref<!tpu.dma_semaphore, #tpu.memory_space<semaphore_mem>>) {add = true}
      %dma_wait3A_704 = arith.constant 2 : i32
      %dma_wait3A_705 = arith.constant 0 : i32
      %dma_wait3A_706 = arith.constant 2 : i32
      %dma_wait3A_707 = arith.constant 2 : i32
      %dma_wait3A_708 = arith.constant 0 : i32
      %dma_wait3A_709 = arith.constant 0 : i32
      %dma_wait3A_710 = tpu.memref_slice %arg8[%dma_wait3A_706, %dma_wait3A_708, %dma_wait3A_709] : memref<4x128x16xf32, #tpu.memory_space<vmem>> -> memref<1x128x16xf32, #tpu.memory_space<vmem>>
      %dma_wait3A_711 = tpu.memref_squeeze %dma_wait3A_710 : memref<1x128x16xf32, #tpu.memory_space<vmem>> -> memref<128x16xf32, #tpu.memory_space<vmem>>
      %dma_wait3A_712 = arith.constant 0 : i32
      %dma_wait3A_713 = tpu.memref_slice %arg6[%dma_wait3A_704, %dma_wait3A_705, %dma_wait3A_712] : memref<4x2x128xi32, #tpu.memory_space<vmem>> -> memref<1x1x128xi32, #tpu.memory_space<vmem>>
      %dma_wait3A_714 = tpu.memref_squeeze %dma_wait3A_713 : memref<1x1x128xi32, #tpu.memory_space<vmem>> -> memref<128xi32, #tpu.memory_space<vmem>>
      %dma_wait3A_715 = arith.constant 0 : i32
      %dma_wait3A_716 = arith.constant 0 : i32
      %dma_wait3A_717 = tpu.memref_slice %arg2[%dma_wait3A_715, %dma_wait3A_716] : memref<10000x16xf32, #tpu.memory_space<hbm>> -> memref<10000x16xf32, #tpu.memory_space<hbm>>
      %dma_wait3A_718 = tpu.memref_slice %arg18[%dma_wait3A_707] : memref<4x!tpu.dma_semaphore, #tpu.memory_space<semaphore_mem>> -> memref<1x!tpu.dma_semaphore, #tpu.memory_space<semaphore_mem>>
      %dma_wait3A_719 = tpu.memref_squeeze %dma_wait3A_718 : memref<1x!tpu.dma_semaphore, #tpu.memory_space<semaphore_mem>> -> memref<!tpu.dma_semaphore, #tpu.memory_space<semaphore_mem>>
      tpu.wait_indirect_dma semaphore(%dma_wait3A_719 : memref<!tpu.dma_semaphore, #tpu.memory_space<semaphore_mem>>) src(%dma_wait3A_717 : memref<10000x16xf32, #tpu.memory_space<hbm>>) dst(%dma_wait3A_711 : memref<128x16xf32, #tpu.memory_space<vmem>>)
      %dma_start3A_720 = arith.constant 2 : i32
      %dma_start3A_721 = arith.constant 2 : i32
      %dma_start3A_722 = arith.constant 1 : i32
      %dma_start3A_723 = arith.constant 2 : i32
      %dma_start3A_724 = arith.constant 0 : i32
      %dma_start3A_725 = arith.constant 0 : i32
      %dma_start3A_726 = tpu.memref_slice %arg8[%dma_start3A_720, %dma_start3A_724, %dma_start3A_725] : memref<4x128x16xf32, #tpu.memory_space<vmem>> -> memref<1x128x16xf32, #tpu.memory_space<vmem>>
      %dma_start3A_727 = tpu.memref_squeeze %dma_start3A_726 : memref<1x128x16xf32, #tpu.memory_space<vmem>> -> memref<128x16xf32, #tpu.memory_space<vmem>>
      %dma_start3A_728 = arith.constant 0 : i32
      %dma_start3A_729 = tpu.memref_slice %arg6[%dma_start3A_721, %dma_start3A_722, %dma_start3A_728] : memref<4x2x128xi32, #tpu.memory_space<vmem>> -> memref<1x1x128xi32, #tpu.memory_space<vmem>>
      %dma_start3A_730 = tpu.memref_squeeze %dma_start3A_729 : memref<1x1x128xi32, #tpu.memory_space<vmem>> -> memref<128xi32, #tpu.memory_space<vmem>>
      %dma_start3A_731 = arith.constant 0 : i32
      %dma_start3A_732 = arith.constant 0 : i32
      %dma_start3A_733 = tpu.memref_slice %arg14[%dma_start3A_731, %dma_start3A_732] : memref<10000x16xf32, #tpu.memory_space<vmem_shared>> -> memref<10000x16xf32, #tpu.memory_space<vmem_shared>>
      %dma_start3A_734 = tpu.memref_slice %arg19[%dma_start3A_723] : memref<4x!tpu.dma_semaphore, #tpu.memory_space<semaphore_mem>> -> memref<1x!tpu.dma_semaphore, #tpu.memory_space<semaphore_mem>>
      %dma_start3A_735 = tpu.memref_squeeze %dma_start3A_734 : memref<1x!tpu.dma_semaphore, #tpu.memory_space<semaphore_mem>> -> memref<!tpu.dma_semaphore, #tpu.memory_space<semaphore_mem>>
      tpu.enqueue_indirect_dma source(%dma_start3A_727 : memref<128x16xf32, #tpu.memory_space<vmem>>) target(%dma_start3A_733 : memref<10000x16xf32, #tpu.memory_space<vmem_shared>>) offsets(%dma_start3A_730 : memref<128xi32, #tpu.memory_space<vmem>>) semaphore(%dma_start3A_735 : memref<!tpu.dma_semaphore, #tpu.memory_space<semaphore_mem>>) {add = true}
      %dma_wait3A_736 = arith.constant 3 : i32
      %dma_wait3A_737 = arith.constant 0 : i32
      %dma_wait3A_738 = arith.constant 3 : i32
      %dma_wait3A_739 = arith.constant 3 : i32
      %dma_wait3A_740 = arith.constant 0 : i32
      %dma_wait3A_741 = arith.constant 0 : i32
      %dma_wait3A_742 = tpu.memref_slice %arg8[%dma_wait3A_738, %dma_wait3A_740, %dma_wait3A_741] : memref<4x128x16xf32, #tpu.memory_space<vmem>> -> memref<1x128x16xf32, #tpu.memory_space<vmem>>
      %dma_wait3A_743 = tpu.memref_squeeze %dma_wait3A_742 : memref<1x128x16xf32, #tpu.memory_space<vmem>> -> memref<128x16xf32, #tpu.memory_space<vmem>>
      %dma_wait3A_744 = arith.constant 0 : i32
      %dma_wait3A_745 = tpu.memref_slice %arg6[%dma_wait3A_736, %dma_wait3A_737, %dma_wait3A_744] : memref<4x2x128xi32, #tpu.memory_space<vmem>> -> memref<1x1x128xi32, #tpu.memory_space<vmem>>
      %dma_wait3A_746 = tpu.memref_squeeze %dma_wait3A_745 : memref<1x1x128xi32, #tpu.memory_space<vmem>> -> memref<128xi32, #tpu.memory_space<vmem>>
      %dma_wait3A_747 = arith.constant 0 : i32
      %dma_wait3A_748 = arith.constant 0 : i32
      %dma_wait3A_749 = tpu.memref_slice %arg2[%dma_wait3A_747, %dma_wait3A_748] : memref<10000x16xf32, #tpu.memory_space<hbm>> -> memref<10000x16xf32, #tpu.memory_space<hbm>>
      %dma_wait3A_750 = tpu.memref_slice %arg18[%dma_wait3A_739] : memref<4x!tpu.dma_semaphore, #tpu.memory_space<semaphore_mem>> -> memref<1x!tpu.dma_semaphore, #tpu.memory_space<semaphore_mem>>
      %dma_wait3A_751 = tpu.memref_squeeze %dma_wait3A_750 : memref<1x!tpu.dma_semaphore, #tpu.memory_space<semaphore_mem>> -> memref<!tpu.dma_semaphore, #tpu.memory_space<semaphore_mem>>
      tpu.wait_indirect_dma semaphore(%dma_wait3A_751 : memref<!tpu.dma_semaphore, #tpu.memory_space<semaphore_mem>>) src(%dma_wait3A_749 : memref<10000x16xf32, #tpu.memory_space<hbm>>) dst(%dma_wait3A_743 : memref<128x16xf32, #tpu.memory_space<vmem>>)
      %dma_start3A_752 = arith.constant 3 : i32
      %dma_start3A_753 = arith.constant 3 : i32
      %dma_start3A_754 = arith.constant 1 : i32
      %dma_start3A_755 = arith.constant 3 : i32
      %dma_start3A_756 = arith.constant 0 : i32
      %dma_start3A_757 = arith.constant 0 : i32
      %dma_start3A_758 = tpu.memref_slice %arg8[%dma_start3A_752, %dma_start3A_756, %dma_start3A_757] : memref<4x128x16xf32, #tpu.memory_space<vmem>> -> memref<1x128x16xf32, #tpu.memory_space<vmem>>
      %dma_start3A_759 = tpu.memref_squeeze %dma_start3A_758 : memref<1x128x16xf32, #tpu.memory_space<vmem>> -> memref<128x16xf32, #tpu.memory_space<vmem>>
      %dma_start3A_760 = arith.constant 0 : i32
      %dma_start3A_761 = tpu.memref_slice %arg6[%dma_start3A_753, %dma_start3A_754, %dma_start3A_760] : memref<4x2x128xi32, #tpu.memory_space<vmem>> -> memref<1x1x128xi32, #tpu.memory_space<vmem>>
      %dma_start3A_762 = tpu.memref_squeeze %dma_start3A_761 : memref<1x1x128xi32, #tpu.memory_space<vmem>> -> memref<128xi32, #tpu.memory_space<vmem>>
      %dma_start3A_763 = arith.constant 0 : i32
      %dma_start3A_764 = arith.constant 0 : i32
      %dma_start3A_765 = tpu.memref_slice %arg14[%dma_start3A_763, %dma_start3A_764] : memref<10000x16xf32, #tpu.memory_space<vmem_shared>> -> memref<10000x16xf32, #tpu.memory_space<vmem_shared>>
      %dma_start3A_766 = tpu.memref_slice %arg19[%dma_start3A_755] : memref<4x!tpu.dma_semaphore, #tpu.memory_space<semaphore_mem>> -> memref<1x!tpu.dma_semaphore, #tpu.memory_space<semaphore_mem>>
      %dma_start3A_767 = tpu.memref_squeeze %dma_start3A_766 : memref<1x!tpu.dma_semaphore, #tpu.memory_space<semaphore_mem>> -> memref<!tpu.dma_semaphore, #tpu.memory_space<semaphore_mem>>
      tpu.enqueue_indirect_dma source(%dma_start3A_759 : memref<128x16xf32, #tpu.memory_space<vmem>>) target(%dma_start3A_765 : memref<10000x16xf32, #tpu.memory_space<vmem_shared>>) offsets(%dma_start3A_762 : memref<128xi32, #tpu.memory_space<vmem>>) semaphore(%dma_start3A_767 : memref<!tpu.dma_semaphore, #tpu.memory_space<semaphore_mem>>) {add = true}
      %dma_wait3A_768 = arith.constant 0 : i32
      %dma_wait3A_769 = arith.constant 0 : i32
      %dma_wait3A_770 = arith.constant 1 : i32
      %dma_wait3A_771 = arith.constant 0 : i32
      %dma_wait3A_772 = arith.constant 0 : i32
      %dma_wait3A_773 = arith.constant 0 : i32
      %dma_wait3A_774 = tpu.memref_slice %arg8[%dma_wait3A_768, %dma_wait3A_772, %dma_wait3A_773] : memref<4x128x16xf32, #tpu.memory_space<vmem>> -> memref<1x128x16xf32, #tpu.memory_space<vmem>>
      %dma_wait3A_775 = tpu.memref_squeeze %dma_wait3A_774 : memref<1x128x16xf32, #tpu.memory_space<vmem>> -> memref<128x16xf32, #tpu.memory_space<vmem>>
      %dma_wait3A_776 = arith.constant 0 : i32
      %dma_wait3A_777 = tpu.memref_slice %arg6[%dma_wait3A_769, %dma_wait3A_770, %dma_wait3A_776] : memref<4x2x128xi32, #tpu.memory_space<vmem>> -> memref<1x1x128xi32, #tpu.memory_space<vmem>>
      %dma_wait3A_778 = tpu.memref_squeeze %dma_wait3A_777 : memref<1x1x128xi32, #tpu.memory_space<vmem>> -> memref<128xi32, #tpu.memory_space<vmem>>
      %dma_wait3A_779 = arith.constant 0 : i32
      %dma_wait3A_780 = arith.constant 0 : i32
      %dma_wait3A_781 = tpu.memref_slice %arg14[%dma_wait3A_779, %dma_wait3A_780] : memref<10000x16xf32, #tpu.memory_space<vmem_shared>> -> memref<10000x16xf32, #tpu.memory_space<vmem_shared>>
      %dma_wait3A_782 = tpu.memref_slice %arg19[%dma_wait3A_771] : memref<4x!tpu.dma_semaphore, #tpu.memory_space<semaphore_mem>> -> memref<1x!tpu.dma_semaphore, #tpu.memory_space<semaphore_mem>>
      %dma_wait3A_783 = tpu.memref_squeeze %dma_wait3A_782 : memref<1x!tpu.dma_semaphore, #tpu.memory_space<semaphore_mem>> -> memref<!tpu.dma_semaphore, #tpu.memory_space<semaphore_mem>>
      tpu.wait_indirect_dma semaphore(%dma_wait3A_783 : memref<!tpu.dma_semaphore, #tpu.memory_space<semaphore_mem>>) src(%dma_wait3A_775 : memref<128x16xf32, #tpu.memory_space<vmem>>) dst(%dma_wait3A_781 : memref<10000x16xf32, #tpu.memory_space<vmem_shared>>)
      %dma_wait3A_784 = arith.constant 0 : i32
      %dma_wait3A_785 = arith.constant 1 : i32
      %dma_wait3A_786 = arith.constant 0 : i32
      %dma_wait3A_787 = arith.constant 0 : i32
      %dma_wait3A_788 = tpu.memref_slice %arg6[%dma_wait3A_784, %dma_wait3A_785, %dma_wait3A_787] : memref<4x2x128xi32, #tpu.memory_space<vmem>> -> memref<1x1x128xi32, #tpu.memory_space<vmem>>
      %dma_wait3A_789 = tpu.memref_squeeze %dma_wait3A_788 : memref<1x1x128xi32, #tpu.memory_space<vmem>> -> memref<128xi32, #tpu.memory_space<vmem>>
      %dma_wait3A_790 = arith.constant 0 : i32
      %dma_wait3A_791 = arith.constant 0 : i32
      %dma_wait3A_792 = tpu.memref_slice %arg15[%dma_wait3A_790, %dma_wait3A_791] : memref<10000x16xf32, #tpu.memory_space<vmem_shared>> -> memref<10000x16xf32, #tpu.memory_space<vmem_shared>>
      %dma_wait3A_793 = tpu.memref_slice %arg20[%dma_wait3A_786] : memref<4x!tpu.dma_semaphore, #tpu.memory_space<semaphore_mem>> -> memref<1x!tpu.dma_semaphore, #tpu.memory_space<semaphore_mem>>
      %dma_wait3A_794 = tpu.memref_squeeze %dma_wait3A_793 : memref<1x!tpu.dma_semaphore, #tpu.memory_space<semaphore_mem>> -> memref<!tpu.dma_semaphore, #tpu.memory_space<semaphore_mem>>
      tpu.wait_indirect_dma semaphore(%dma_wait3A_794 : memref<!tpu.dma_semaphore, #tpu.memory_space<semaphore_mem>>) src(%arg11 : memref<128x16xf32, #tpu.memory_space<vmem>>) dst(%dma_wait3A_792 : memref<10000x16xf32, #tpu.memory_space<vmem_shared>>)
      %lt3A = arith.constant 18 : i32
      %lt3A_795 = arith.cmpi slt, %add3A_445, %lt3A : i32
      %convert_element_type3A_796 = arith.extui %lt3A_795 : i1 to i32
      %cond3A_797 = arith.constant 0 : i32
      %cond3A_798 = arith.cmpi ne, %convert_element_type3A_796, %cond3A_797 : i32
      scf.if %cond3A_798 {
        %add3A_895 = arith.constant 4 : i32
        %add3A_896 = arith.addi %mul3A_447, %add3A_895 : i32
        %add3A_897 = arith.constant 0 : i32
        %add3A_898 = arith.addi %add3A_896, %add3A_897 : i32
        %mul3A_899 = arith.constant 128 : i32
        %mul3A_900 = arith.muli %add3A_898, %mul3A_899 : i32
        %add3A_901 = arith.addi %mul3A_2, %mul3A_900 : i32
        %dma_start3A_902 = arith.constant 0 : i32
        %dma_start3A_903 = arith.constant 0 : i32
        %dma_start3A_904 = arith.constant 0 : i32
        %dma_start3A_905 = arith.constant 0 : i32
        %dma_start3A_906 = tpu.memref_slice %arg6[%dma_start3A_902, %dma_start3A_904, %dma_start3A_905] : memref<4x2x128xi32, #tpu.memory_space<vmem>> -> memref<1x2x128xi32, #tpu.memory_space<vmem>>
        %dma_start3A_907 = tpu.memref_squeeze %dma_start3A_906 : memref<1x2x128xi32, #tpu.memory_space<vmem>> -> memref<2x128xi32, #tpu.memory_space<vmem>>
        %dma_start3A_908 = arith.constant 0 : i32
        %dma_start3A_909 = tpu.memref_slice %arg3[%dma_start3A_908, %add3A_901] : memref<2x320000xi32, #tpu.memory_space<hbm>> -> memref<2x128xi32, #tpu.memory_space<hbm>>
        %dma_start3A_910 = tpu.memref_slice %arg17[%dma_start3A_903] : memref<4x!tpu.dma_semaphore, #tpu.memory_space<semaphore_mem>> -> memref<1x!tpu.dma_semaphore, #tpu.memory_space<semaphore_mem>>
        %dma_start3A_911 = tpu.memref_squeeze %dma_start3A_910 : memref<1x!tpu.dma_semaphore, #tpu.memory_space<semaphore_mem>> -> memref<!tpu.dma_semaphore, #tpu.memory_space<semaphore_mem>>
        %dma_start3A_912 = arith.constant 0 : i32
        %dma_start3A_913 = arith.constant 0 : i32
        %dma_start3A_914 = tpu.memref_slice %arg6[%dma_start3A_902, %dma_start3A_912, %dma_start3A_913] : memref<4x2x128xi32, #tpu.memory_space<vmem>> -> memref<1x2x128xi32, #tpu.memory_space<vmem>>
        %dma_start3A_915 = tpu.memref_squeeze %dma_start3A_914 : memref<1x2x128xi32, #tpu.memory_space<vmem>> -> memref<2x128xi32, #tpu.memory_space<vmem>>
        %dma_start3A_916 = arith.constant 0 : i32
        %dma_start3A_917 = tpu.memref_slice %arg3[%dma_start3A_916, %add3A_901] : memref<2x320000xi32, #tpu.memory_space<hbm>> -> memref<2x128xi32, #tpu.memory_space<hbm>>
        tpu.enqueue_dma source(%dma_start3A_917 : memref<2x128xi32, #tpu.memory_space<hbm>>) target(%dma_start3A_915 : memref<2x128xi32, #tpu.memory_space<vmem>>) target_semaphore(%dma_start3A_911 : memref<!tpu.dma_semaphore, #tpu.memory_space<semaphore_mem>>)
      } else {
      }
      %dma_wait3A_799 = arith.constant 1 : i32
      %dma_wait3A_800 = arith.constant 1 : i32
      %dma_wait3A_801 = arith.constant 1 : i32
      %dma_wait3A_802 = arith.constant 1 : i32
      %dma_wait3A_803 = arith.constant 0 : i32
      %dma_wait3A_804 = arith.constant 0 : i32
      %dma_wait3A_805 = tpu.memref_slice %arg8[%dma_wait3A_799, %dma_wait3A_803, %dma_wait3A_804] : memref<4x128x16xf32, #tpu.memory_space<vmem>> -> memref<1x128x16xf32, #tpu.memory_space<vmem>>
      %dma_wait3A_806 = tpu.memref_squeeze %dma_wait3A_805 : memref<1x128x16xf32, #tpu.memory_space<vmem>> -> memref<128x16xf32, #tpu.memory_space<vmem>>
      %dma_wait3A_807 = arith.constant 0 : i32
      %dma_wait3A_808 = tpu.memref_slice %arg6[%dma_wait3A_800, %dma_wait3A_801, %dma_wait3A_807] : memref<4x2x128xi32, #tpu.memory_space<vmem>> -> memref<1x1x128xi32, #tpu.memory_space<vmem>>
      %dma_wait3A_809 = tpu.memref_squeeze %dma_wait3A_808 : memref<1x1x128xi32, #tpu.memory_space<vmem>> -> memref<128xi32, #tpu.memory_space<vmem>>
      %dma_wait3A_810 = arith.constant 0 : i32
      %dma_wait3A_811 = arith.constant 0 : i32
      %dma_wait3A_812 = tpu.memref_slice %arg14[%dma_wait3A_810, %dma_wait3A_811] : memref<10000x16xf32, #tpu.memory_space<vmem_shared>> -> memref<10000x16xf32, #tpu.memory_space<vmem_shared>>
      %dma_wait3A_813 = tpu.memref_slice %arg19[%dma_wait3A_802] : memref<4x!tpu.dma_semaphore, #tpu.memory_space<semaphore_mem>> -> memref<1x!tpu.dma_semaphore, #tpu.memory_space<semaphore_mem>>
      %dma_wait3A_814 = tpu.memref_squeeze %dma_wait3A_813 : memref<1x!tpu.dma_semaphore, #tpu.memory_space<semaphore_mem>> -> memref<!tpu.dma_semaphore, #tpu.memory_space<semaphore_mem>>
      tpu.wait_indirect_dma semaphore(%dma_wait3A_814 : memref<!tpu.dma_semaphore, #tpu.memory_space<semaphore_mem>>) src(%dma_wait3A_806 : memref<128x16xf32, #tpu.memory_space<vmem>>) dst(%dma_wait3A_812 : memref<10000x16xf32, #tpu.memory_space<vmem_shared>>)
      %dma_wait3A_815 = arith.constant 1 : i32
      %dma_wait3A_816 = arith.constant 1 : i32
      %dma_wait3A_817 = arith.constant 1 : i32
      %dma_wait3A_818 = arith.constant 0 : i32
      %dma_wait3A_819 = tpu.memref_slice %arg6[%dma_wait3A_815, %dma_wait3A_816, %dma_wait3A_818] : memref<4x2x128xi32, #tpu.memory_space<vmem>> -> memref<1x1x128xi32, #tpu.memory_space<vmem>>
      %dma_wait3A_820 = tpu.memref_squeeze %dma_wait3A_819 : memref<1x1x128xi32, #tpu.memory_space<vmem>> -> memref<128xi32, #tpu.memory_space<vmem>>
      %dma_wait3A_821 = arith.constant 0 : i32
      %dma_wait3A_822 = arith.constant 0 : i32
      %dma_wait3A_823 = tpu.memref_slice %arg15[%dma_wait3A_821, %dma_wait3A_822] : memref<10000x16xf32, #tpu.memory_space<vmem_shared>> -> memref<10000x16xf32, #tpu.memory_space<vmem_shared>>
      %dma_wait3A_824 = tpu.memref_slice %arg20[%dma_wait3A_817] : memref<4x!tpu.dma_semaphore, #tpu.memory_space<semaphore_mem>> -> memref<1x!tpu.dma_semaphore, #tpu.memory_space<semaphore_mem>>
      %dma_wait3A_825 = tpu.memref_squeeze %dma_wait3A_824 : memref<1x!tpu.dma_semaphore, #tpu.memory_space<semaphore_mem>> -> memref<!tpu.dma_semaphore, #tpu.memory_space<semaphore_mem>>
      tpu.wait_indirect_dma semaphore(%dma_wait3A_825 : memref<!tpu.dma_semaphore, #tpu.memory_space<semaphore_mem>>) src(%arg11 : memref<128x16xf32, #tpu.memory_space<vmem>>) dst(%dma_wait3A_823 : memref<10000x16xf32, #tpu.memory_space<vmem_shared>>)
      %lt3A_826 = arith.constant 18 : i32
      %lt3A_827 = arith.cmpi slt, %add3A_445, %lt3A_826 : i32
      %convert_element_type3A_828 = arith.extui %lt3A_827 : i1 to i32
      %cond3A_829 = arith.constant 0 : i32
      %cond3A_830 = arith.cmpi ne, %convert_element_type3A_828, %cond3A_829 : i32
      scf.if %cond3A_830 {
        %add3A_895 = arith.constant 4 : i32
        %add3A_896 = arith.addi %mul3A_447, %add3A_895 : i32
        %add3A_897 = arith.constant 1 : i32
        %add3A_898 = arith.addi %add3A_896, %add3A_897 : i32
        %mul3A_899 = arith.constant 128 : i32
        %mul3A_900 = arith.muli %add3A_898, %mul3A_899 : i32
        %add3A_901 = arith.addi %mul3A_2, %mul3A_900 : i32
        %dma_start3A_902 = arith.constant 1 : i32
        %dma_start3A_903 = arith.constant 1 : i32
        %dma_start3A_904 = arith.constant 0 : i32
        %dma_start3A_905 = arith.constant 0 : i32
        %dma_start3A_906 = tpu.memref_slice %arg6[%dma_start3A_902, %dma_start3A_904, %dma_start3A_905] : memref<4x2x128xi32, #tpu.memory_space<vmem>> -> memref<1x2x128xi32, #tpu.memory_space<vmem>>
        %dma_start3A_907 = tpu.memref_squeeze %dma_start3A_906 : memref<1x2x128xi32, #tpu.memory_space<vmem>> -> memref<2x128xi32, #tpu.memory_space<vmem>>
        %dma_start3A_908 = arith.constant 0 : i32
        %dma_start3A_909 = tpu.memref_slice %arg3[%dma_start3A_908, %add3A_901] : memref<2x320000xi32, #tpu.memory_space<hbm>> -> memref<2x128xi32, #tpu.memory_space<hbm>>
        %dma_start3A_910 = tpu.memref_slice %arg17[%dma_start3A_903] : memref<4x!tpu.dma_semaphore, #tpu.memory_space<semaphore_mem>> -> memref<1x!tpu.dma_semaphore, #tpu.memory_space<semaphore_mem>>
        %dma_start3A_911 = tpu.memref_squeeze %dma_start3A_910 : memref<1x!tpu.dma_semaphore, #tpu.memory_space<semaphore_mem>> -> memref<!tpu.dma_semaphore, #tpu.memory_space<semaphore_mem>>
        %dma_start3A_912 = arith.constant 0 : i32
        %dma_start3A_913 = arith.constant 0 : i32
        %dma_start3A_914 = tpu.memref_slice %arg6[%dma_start3A_902, %dma_start3A_912, %dma_start3A_913] : memref<4x2x128xi32, #tpu.memory_space<vmem>> -> memref<1x2x128xi32, #tpu.memory_space<vmem>>
        %dma_start3A_915 = tpu.memref_squeeze %dma_start3A_914 : memref<1x2x128xi32, #tpu.memory_space<vmem>> -> memref<2x128xi32, #tpu.memory_space<vmem>>
        %dma_start3A_916 = arith.constant 0 : i32
        %dma_start3A_917 = tpu.memref_slice %arg3[%dma_start3A_916, %add3A_901] : memref<2x320000xi32, #tpu.memory_space<hbm>> -> memref<2x128xi32, #tpu.memory_space<hbm>>
        tpu.enqueue_dma source(%dma_start3A_917 : memref<2x128xi32, #tpu.memory_space<hbm>>) target(%dma_start3A_915 : memref<2x128xi32, #tpu.memory_space<vmem>>) target_semaphore(%dma_start3A_911 : memref<!tpu.dma_semaphore, #tpu.memory_space<semaphore_mem>>)
      } else {
      }
      %dma_wait3A_831 = arith.constant 2 : i32
      %dma_wait3A_832 = arith.constant 2 : i32
      %dma_wait3A_833 = arith.constant 1 : i32
      %dma_wait3A_834 = arith.constant 2 : i32
      %dma_wait3A_835 = arith.constant 0 : i32
      %dma_wait3A_836 = arith.constant 0 : i32
      %dma_wait3A_837 = tpu.memref_slice %arg8[%dma_wait3A_831, %dma_wait3A_835, %dma_wait3A_836] : memref<4x128x16xf32, #tpu.memory_space<vmem>> -> memref<1x128x16xf32, #tpu.memory_space<vmem>>
      %dma_wait3A_838 = tpu.memref_squeeze %dma_wait3A_837 : memref<1x128x16xf32, #tpu.memory_space<vmem>> -> memref<128x16xf32, #tpu.memory_space<vmem>>
      %dma_wait3A_839 = arith.constant 0 : i32
      %dma_wait3A_840 = tpu.memref_slice %arg6[%dma_wait3A_832, %dma_wait3A_833, %dma_wait3A_839] : memref<4x2x128xi32, #tpu.memory_space<vmem>> -> memref<1x1x128xi32, #tpu.memory_space<vmem>>
      %dma_wait3A_841 = tpu.memref_squeeze %dma_wait3A_840 : memref<1x1x128xi32, #tpu.memory_space<vmem>> -> memref<128xi32, #tpu.memory_space<vmem>>
      %dma_wait3A_842 = arith.constant 0 : i32
      %dma_wait3A_843 = arith.constant 0 : i32
      %dma_wait3A_844 = tpu.memref_slice %arg14[%dma_wait3A_842, %dma_wait3A_843] : memref<10000x16xf32, #tpu.memory_space<vmem_shared>> -> memref<10000x16xf32, #tpu.memory_space<vmem_shared>>
      %dma_wait3A_845 = tpu.memref_slice %arg19[%dma_wait3A_834] : memref<4x!tpu.dma_semaphore, #tpu.memory_space<semaphore_mem>> -> memref<1x!tpu.dma_semaphore, #tpu.memory_space<semaphore_mem>>
      %dma_wait3A_846 = tpu.memref_squeeze %dma_wait3A_845 : memref<1x!tpu.dma_semaphore, #tpu.memory_space<semaphore_mem>> -> memref<!tpu.dma_semaphore, #tpu.memory_space<semaphore_mem>>
      tpu.wait_indirect_dma semaphore(%dma_wait3A_846 : memref<!tpu.dma_semaphore, #tpu.memory_space<semaphore_mem>>) src(%dma_wait3A_838 : memref<128x16xf32, #tpu.memory_space<vmem>>) dst(%dma_wait3A_844 : memref<10000x16xf32, #tpu.memory_space<vmem_shared>>)
      %dma_wait3A_847 = arith.constant 2 : i32
      %dma_wait3A_848 = arith.constant 1 : i32
      %dma_wait3A_849 = arith.constant 2 : i32
      %dma_wait3A_850 = arith.constant 0 : i32
      %dma_wait3A_851 = tpu.memref_slice %arg6[%dma_wait3A_847, %dma_wait3A_848, %dma_wait3A_850] : memref<4x2x128xi32, #tpu.memory_space<vmem>> -> memref<1x1x128xi32, #tpu.memory_space<vmem>>
      %dma_wait3A_852 = tpu.memref_squeeze %dma_wait3A_851 : memref<1x1x128xi32, #tpu.memory_space<vmem>> -> memref<128xi32, #tpu.memory_space<vmem>>
      %dma_wait3A_853 = arith.constant 0 : i32
      %dma_wait3A_854 = arith.constant 0 : i32
      %dma_wait3A_855 = tpu.memref_slice %arg15[%dma_wait3A_853, %dma_wait3A_854] : memref<10000x16xf32, #tpu.memory_space<vmem_shared>> -> memref<10000x16xf32, #tpu.memory_space<vmem_shared>>
      %dma_wait3A_856 = tpu.memref_slice %arg20[%dma_wait3A_849] : memref<4x!tpu.dma_semaphore, #tpu.memory_space<semaphore_mem>> -> memref<1x!tpu.dma_semaphore, #tpu.memory_space<semaphore_mem>>
      %dma_wait3A_857 = tpu.memref_squeeze %dma_wait3A_856 : memref<1x!tpu.dma_semaphore, #tpu.memory_space<semaphore_mem>> -> memref<!tpu.dma_semaphore, #tpu.memory_space<semaphore_mem>>
      tpu.wait_indirect_dma semaphore(%dma_wait3A_857 : memref<!tpu.dma_semaphore, #tpu.memory_space<semaphore_mem>>) src(%arg11 : memref<128x16xf32, #tpu.memory_space<vmem>>) dst(%dma_wait3A_855 : memref<10000x16xf32, #tpu.memory_space<vmem_shared>>)
      %lt3A_858 = arith.constant 18 : i32
      %lt3A_859 = arith.cmpi slt, %add3A_445, %lt3A_858 : i32
      %convert_element_type3A_860 = arith.extui %lt3A_859 : i1 to i32
      %cond3A_861 = arith.constant 0 : i32
      %cond3A_862 = arith.cmpi ne, %convert_element_type3A_860, %cond3A_861 : i32
      scf.if %cond3A_862 {
        %add3A_895 = arith.constant 4 : i32
        %add3A_896 = arith.addi %mul3A_447, %add3A_895 : i32
        %add3A_897 = arith.constant 2 : i32
        %add3A_898 = arith.addi %add3A_896, %add3A_897 : i32
        %mul3A_899 = arith.constant 128 : i32
        %mul3A_900 = arith.muli %add3A_898, %mul3A_899 : i32
        %add3A_901 = arith.addi %mul3A_2, %mul3A_900 : i32
        %dma_start3A_902 = arith.constant 2 : i32
        %dma_start3A_903 = arith.constant 2 : i32
        %dma_start3A_904 = arith.constant 0 : i32
        %dma_start3A_905 = arith.constant 0 : i32
        %dma_start3A_906 = tpu.memref_slice %arg6[%dma_start3A_902, %dma_start3A_904, %dma_start3A_905] : memref<4x2x128xi32, #tpu.memory_space<vmem>> -> memref<1x2x128xi32, #tpu.memory_space<vmem>>
        %dma_start3A_907 = tpu.memref_squeeze %dma_start3A_906 : memref<1x2x128xi32, #tpu.memory_space<vmem>> -> memref<2x128xi32, #tpu.memory_space<vmem>>
        %dma_start3A_908 = arith.constant 0 : i32
        %dma_start3A_909 = tpu.memref_slice %arg3[%dma_start3A_908, %add3A_901] : memref<2x320000xi32, #tpu.memory_space<hbm>> -> memref<2x128xi32, #tpu.memory_space<hbm>>
        %dma_start3A_910 = tpu.memref_slice %arg17[%dma_start3A_903] : memref<4x!tpu.dma_semaphore, #tpu.memory_space<semaphore_mem>> -> memref<1x!tpu.dma_semaphore, #tpu.memory_space<semaphore_mem>>
        %dma_start3A_911 = tpu.memref_squeeze %dma_start3A_910 : memref<1x!tpu.dma_semaphore, #tpu.memory_space<semaphore_mem>> -> memref<!tpu.dma_semaphore, #tpu.memory_space<semaphore_mem>>
        %dma_start3A_912 = arith.constant 0 : i32
        %dma_start3A_913 = arith.constant 0 : i32
        %dma_start3A_914 = tpu.memref_slice %arg6[%dma_start3A_902, %dma_start3A_912, %dma_start3A_913] : memref<4x2x128xi32, #tpu.memory_space<vmem>> -> memref<1x2x128xi32, #tpu.memory_space<vmem>>
        %dma_start3A_915 = tpu.memref_squeeze %dma_start3A_914 : memref<1x2x128xi32, #tpu.memory_space<vmem>> -> memref<2x128xi32, #tpu.memory_space<vmem>>
        %dma_start3A_916 = arith.constant 0 : i32
        %dma_start3A_917 = tpu.memref_slice %arg3[%dma_start3A_916, %add3A_901] : memref<2x320000xi32, #tpu.memory_space<hbm>> -> memref<2x128xi32, #tpu.memory_space<hbm>>
        tpu.enqueue_dma source(%dma_start3A_917 : memref<2x128xi32, #tpu.memory_space<hbm>>) target(%dma_start3A_915 : memref<2x128xi32, #tpu.memory_space<vmem>>) target_semaphore(%dma_start3A_911 : memref<!tpu.dma_semaphore, #tpu.memory_space<semaphore_mem>>)
      } else {
      }
      %dma_wait3A_863 = arith.constant 3 : i32
      %dma_wait3A_864 = arith.constant 3 : i32
      %dma_wait3A_865 = arith.constant 1 : i32
      %dma_wait3A_866 = arith.constant 3 : i32
      %dma_wait3A_867 = arith.constant 0 : i32
      %dma_wait3A_868 = arith.constant 0 : i32
      %dma_wait3A_869 = tpu.memref_slice %arg8[%dma_wait3A_863, %dma_wait3A_867, %dma_wait3A_868] : memref<4x128x16xf32, #tpu.memory_space<vmem>> -> memref<1x128x16xf32, #tpu.memory_space<vmem>>
      %dma_wait3A_870 = tpu.memref_squeeze %dma_wait3A_869 : memref<1x128x16xf32, #tpu.memory_space<vmem>> -> memref<128x16xf32, #tpu.memory_space<vmem>>
      %dma_wait3A_871 = arith.constant 0 : i32
      %dma_wait3A_872 = tpu.memref_slice %arg6[%dma_wait3A_864, %dma_wait3A_865, %dma_wait3A_871] : memref<4x2x128xi32, #tpu.memory_space<vmem>> -> memref<1x1x128xi32, #tpu.memory_space<vmem>>
      %dma_wait3A_873 = tpu.memref_squeeze %dma_wait3A_872 : memref<1x1x128xi32, #tpu.memory_space<vmem>> -> memref<128xi32, #tpu.memory_space<vmem>>
      %dma_wait3A_874 = arith.constant 0 : i32
      %dma_wait3A_875 = arith.constant 0 : i32
      %dma_wait3A_876 = tpu.memref_slice %arg14[%dma_wait3A_874, %dma_wait3A_875] : memref<10000x16xf32, #tpu.memory_space<vmem_shared>> -> memref<10000x16xf32, #tpu.memory_space<vmem_shared>>
      %dma_wait3A_877 = tpu.memref_slice %arg19[%dma_wait3A_866] : memref<4x!tpu.dma_semaphore, #tpu.memory_space<semaphore_mem>> -> memref<1x!tpu.dma_semaphore, #tpu.memory_space<semaphore_mem>>
      %dma_wait3A_878 = tpu.memref_squeeze %dma_wait3A_877 : memref<1x!tpu.dma_semaphore, #tpu.memory_space<semaphore_mem>> -> memref<!tpu.dma_semaphore, #tpu.memory_space<semaphore_mem>>
      tpu.wait_indirect_dma semaphore(%dma_wait3A_878 : memref<!tpu.dma_semaphore, #tpu.memory_space<semaphore_mem>>) src(%dma_wait3A_870 : memref<128x16xf32, #tpu.memory_space<vmem>>) dst(%dma_wait3A_876 : memref<10000x16xf32, #tpu.memory_space<vmem_shared>>)
      %dma_wait3A_879 = arith.constant 3 : i32
      %dma_wait3A_880 = arith.constant 1 : i32
      %dma_wait3A_881 = arith.constant 3 : i32
      %dma_wait3A_882 = arith.constant 0 : i32
      %dma_wait3A_883 = tpu.memref_slice %arg6[%dma_wait3A_879, %dma_wait3A_880, %dma_wait3A_882] : memref<4x2x128xi32, #tpu.memory_space<vmem>> -> memref<1x1x128xi32, #tpu.memory_space<vmem>>
      %dma_wait3A_884 = tpu.memref_squeeze %dma_wait3A_883 : memref<1x1x128xi32, #tpu.memory_space<vmem>> -> memref<128xi32, #tpu.memory_space<vmem>>
      %dma_wait3A_885 = arith.constant 0 : i32
      %dma_wait3A_886 = arith.constant 0 : i32
      %dma_wait3A_887 = tpu.memref_slice %arg15[%dma_wait3A_885, %dma_wait3A_886] : memref<10000x16xf32, #tpu.memory_space<vmem_shared>> -> memref<10000x16xf32, #tpu.memory_space<vmem_shared>>
      %dma_wait3A_888 = tpu.memref_slice %arg20[%dma_wait3A_881] : memref<4x!tpu.dma_semaphore, #tpu.memory_space<semaphore_mem>> -> memref<1x!tpu.dma_semaphore, #tpu.memory_space<semaphore_mem>>
      %dma_wait3A_889 = tpu.memref_squeeze %dma_wait3A_888 : memref<1x!tpu.dma_semaphore, #tpu.memory_space<semaphore_mem>> -> memref<!tpu.dma_semaphore, #tpu.memory_space<semaphore_mem>>
      tpu.wait_indirect_dma semaphore(%dma_wait3A_889 : memref<!tpu.dma_semaphore, #tpu.memory_space<semaphore_mem>>) src(%arg11 : memref<128x16xf32, #tpu.memory_space<vmem>>) dst(%dma_wait3A_887 : memref<10000x16xf32, #tpu.memory_space<vmem_shared>>)
      %lt3A_890 = arith.constant 18 : i32
      %lt3A_891 = arith.cmpi slt, %add3A_445, %lt3A_890 : i32
      %convert_element_type3A_892 = arith.extui %lt3A_891 : i1 to i32
      %cond3A_893 = arith.constant 0 : i32
      %cond3A_894 = arith.cmpi ne, %convert_element_type3A_892, %cond3A_893 : i32
      scf.if %cond3A_894 {
        %add3A_895 = arith.constant 4 : i32
        %add3A_896 = arith.addi %mul3A_447, %add3A_895 : i32
        %add3A_897 = arith.constant 3 : i32
        %add3A_898 = arith.addi %add3A_896, %add3A_897 : i32
        %mul3A_899 = arith.constant 128 : i32
        %mul3A_900 = arith.muli %add3A_898, %mul3A_899 : i32
        %add3A_901 = arith.addi %mul3A_2, %mul3A_900 : i32
        %dma_start3A_902 = arith.constant 3 : i32
        %dma_start3A_903 = arith.constant 3 : i32
        %dma_start3A_904 = arith.constant 0 : i32
        %dma_start3A_905 = arith.constant 0 : i32
        %dma_start3A_906 = tpu.memref_slice %arg6[%dma_start3A_902, %dma_start3A_904, %dma_start3A_905] : memref<4x2x128xi32, #tpu.memory_space<vmem>> -> memref<1x2x128xi32, #tpu.memory_space<vmem>>
        %dma_start3A_907 = tpu.memref_squeeze %dma_start3A_906 : memref<1x2x128xi32, #tpu.memory_space<vmem>> -> memref<2x128xi32, #tpu.memory_space<vmem>>
        %dma_start3A_908 = arith.constant 0 : i32
        %dma_start3A_909 = tpu.memref_slice %arg3[%dma_start3A_908, %add3A_901] : memref<2x320000xi32, #tpu.memory_space<hbm>> -> memref<2x128xi32, #tpu.memory_space<hbm>>
        %dma_start3A_910 = tpu.memref_slice %arg17[%dma_start3A_903] : memref<4x!tpu.dma_semaphore, #tpu.memory_space<semaphore_mem>> -> memref<1x!tpu.dma_semaphore, #tpu.memory_space<semaphore_mem>>
        %dma_start3A_911 = tpu.memref_squeeze %dma_start3A_910 : memref<1x!tpu.dma_semaphore, #tpu.memory_space<semaphore_mem>> -> memref<!tpu.dma_semaphore, #tpu.memory_space<semaphore_mem>>
        %dma_start3A_912 = arith.constant 0 : i32
        %dma_start3A_913 = arith.constant 0 : i32
        %dma_start3A_914 = tpu.memref_slice %arg6[%dma_start3A_902, %dma_start3A_912, %dma_start3A_913] : memref<4x2x128xi32, #tpu.memory_space<vmem>> -> memref<1x2x128xi32, #tpu.memory_space<vmem>>
        %dma_start3A_915 = tpu.memref_squeeze %dma_start3A_914 : memref<1x2x128xi32, #tpu.memory_space<vmem>> -> memref<2x128xi32, #tpu.memory_space<vmem>>
        %dma_start3A_916 = arith.constant 0 : i32
        %dma_start3A_917 = tpu.memref_slice %arg3[%dma_start3A_916, %add3A_901] : memref<2x320000xi32, #tpu.memory_space<hbm>> -> memref<2x128xi32, #tpu.memory_space<hbm>>
        tpu.enqueue_dma source(%dma_start3A_917 : memref<2x128xi32, #tpu.memory_space<hbm>>) target(%dma_start3A_915 : memref<2x128xi32, #tpu.memory_space<vmem>>) target_semaphore(%dma_start3A_911 : memref<!tpu.dma_semaphore, #tpu.memory_space<semaphore_mem>>)
      } else {
      }
    }
    %scan3A_113 = arith.constant 19 : i32
    %add3A_114 = arith.constant 9728 : i32
    %add3A_115 = arith.addi %mul3A_2, %add3A_114 : i32
    %dma_start3A_116 = arith.constant 0 : i32
    %dma_start3A_117 = arith.constant 0 : i32
    %dma_start3A_118 = arith.constant 0 : i32
    %dma_start3A_119 = arith.constant 0 : i32
    %dma_start3A_120 = tpu.memref_slice %arg6[%dma_start3A_116, %dma_start3A_118, %dma_start3A_119] : memref<4x2x128xi32, #tpu.memory_space<vmem>> -> memref<1x2x128xi32, #tpu.memory_space<vmem>>
    %dma_start3A_121 = tpu.memref_squeeze %dma_start3A_120 : memref<1x2x128xi32, #tpu.memory_space<vmem>> -> memref<2x128xi32, #tpu.memory_space<vmem>>
    %dma_start3A_122 = arith.constant 0 : i32
    %dma_start3A_123 = tpu.memref_slice %arg3[%dma_start3A_122, %add3A_115] : memref<2x320000xi32, #tpu.memory_space<hbm>> -> memref<2x128xi32, #tpu.memory_space<hbm>>
    %dma_start3A_124 = tpu.memref_slice %arg17[%dma_start3A_117] : memref<4x!tpu.dma_semaphore, #tpu.memory_space<semaphore_mem>> -> memref<1x!tpu.dma_semaphore, #tpu.memory_space<semaphore_mem>>
    %dma_start3A_125 = tpu.memref_squeeze %dma_start3A_124 : memref<1x!tpu.dma_semaphore, #tpu.memory_space<semaphore_mem>> -> memref<!tpu.dma_semaphore, #tpu.memory_space<semaphore_mem>>
    %dma_start3A_126 = arith.constant 0 : i32
    %dma_start3A_127 = arith.constant 0 : i32
    %dma_start3A_128 = tpu.memref_slice %arg6[%dma_start3A_116, %dma_start3A_126, %dma_start3A_127] : memref<4x2x128xi32, #tpu.memory_space<vmem>> -> memref<1x2x128xi32, #tpu.memory_space<vmem>>
    %dma_start3A_129 = tpu.memref_squeeze %dma_start3A_128 : memref<1x2x128xi32, #tpu.memory_space<vmem>> -> memref<2x128xi32, #tpu.memory_space<vmem>>
    %dma_start3A_130 = arith.constant 0 : i32
    %dma_start3A_131 = tpu.memref_slice %arg3[%dma_start3A_130, %add3A_115] : memref<2x320000xi32, #tpu.memory_space<hbm>> -> memref<2x128xi32, #tpu.memory_space<hbm>>
    tpu.enqueue_dma source(%dma_start3A_131 : memref<2x128xi32, #tpu.memory_space<hbm>>) target(%dma_start3A_129 : memref<2x128xi32, #tpu.memory_space<vmem>>) target_semaphore(%dma_start3A_125 : memref<!tpu.dma_semaphore, #tpu.memory_space<semaphore_mem>>)
    %add3A_132 = arith.constant 9856 : i32
    %add3A_133 = arith.addi %mul3A_2, %add3A_132 : i32
    %dma_start3A_134 = arith.constant 1 : i32
    %dma_start3A_135 = arith.constant 1 : i32
    %dma_start3A_136 = arith.constant 0 : i32
    %dma_start3A_137 = arith.constant 0 : i32
    %dma_start3A_138 = tpu.memref_slice %arg6[%dma_start3A_134, %dma_start3A_136, %dma_start3A_137] : memref<4x2x128xi32, #tpu.memory_space<vmem>> -> memref<1x2x128xi32, #tpu.memory_space<vmem>>
    %dma_start3A_139 = tpu.memref_squeeze %dma_start3A_138 : memref<1x2x128xi32, #tpu.memory_space<vmem>> -> memref<2x128xi32, #tpu.memory_space<vmem>>
    %dma_start3A_140 = arith.constant 0 : i32
    %dma_start3A_141 = tpu.memref_slice %arg3[%dma_start3A_140, %add3A_133] : memref<2x320000xi32, #tpu.memory_space<hbm>> -> memref<2x128xi32, #tpu.memory_space<hbm>>
    %dma_start3A_142 = tpu.memref_slice %arg17[%dma_start3A_135] : memref<4x!tpu.dma_semaphore, #tpu.memory_space<semaphore_mem>> -> memref<1x!tpu.dma_semaphore, #tpu.memory_space<semaphore_mem>>
    %dma_start3A_143 = tpu.memref_squeeze %dma_start3A_142 : memref<1x!tpu.dma_semaphore, #tpu.memory_space<semaphore_mem>> -> memref<!tpu.dma_semaphore, #tpu.memory_space<semaphore_mem>>
    %dma_start3A_144 = arith.constant 0 : i32
    %dma_start3A_145 = arith.constant 0 : i32
    %dma_start3A_146 = tpu.memref_slice %arg6[%dma_start3A_134, %dma_start3A_144, %dma_start3A_145] : memref<4x2x128xi32, #tpu.memory_space<vmem>> -> memref<1x2x128xi32, #tpu.memory_space<vmem>>
    %dma_start3A_147 = tpu.memref_squeeze %dma_start3A_146 : memref<1x2x128xi32, #tpu.memory_space<vmem>> -> memref<2x128xi32, #tpu.memory_space<vmem>>
    %dma_start3A_148 = arith.constant 0 : i32
    %dma_start3A_149 = tpu.memref_slice %arg3[%dma_start3A_148, %add3A_133] : memref<2x320000xi32, #tpu.memory_space<hbm>> -> memref<2x128xi32, #tpu.memory_space<hbm>>
    tpu.enqueue_dma source(%dma_start3A_149 : memref<2x128xi32, #tpu.memory_space<hbm>>) target(%dma_start3A_147 : memref<2x128xi32, #tpu.memory_space<vmem>>) target_semaphore(%dma_start3A_143 : memref<!tpu.dma_semaphore, #tpu.memory_space<semaphore_mem>>)
    %add3A_150 = arith.constant 9728 : i32
    %add3A_151 = arith.addi %mul3A_2, %add3A_150 : i32
    %dma_wait3A = arith.constant 0 : i32
    %dma_wait3A_152 = arith.constant 0 : i32
    %dma_wait3A_153 = arith.constant 0 : i32
    %dma_wait3A_154 = arith.constant 0 : i32
    %dma_wait3A_155 = tpu.memref_slice %arg6[%dma_wait3A, %dma_wait3A_153, %dma_wait3A_154] : memref<4x2x128xi32, #tpu.memory_space<vmem>> -> memref<1x2x128xi32, #tpu.memory_space<vmem>>
    %dma_wait3A_156 = tpu.memref_squeeze %dma_wait3A_155 : memref<1x2x128xi32, #tpu.memory_space<vmem>> -> memref<2x128xi32, #tpu.memory_space<vmem>>
    %dma_wait3A_157 = arith.constant 0 : i32
    %dma_wait3A_158 = tpu.memref_slice %arg3[%dma_wait3A_157, %add3A_151] : memref<2x320000xi32, #tpu.memory_space<hbm>> -> memref<2x128xi32, #tpu.memory_space<hbm>>
    %dma_wait3A_159 = tpu.memref_slice %arg17[%dma_wait3A_152] : memref<4x!tpu.dma_semaphore, #tpu.memory_space<semaphore_mem>> -> memref<1x!tpu.dma_semaphore, #tpu.memory_space<semaphore_mem>>
    %dma_wait3A_160 = tpu.memref_squeeze %dma_wait3A_159 : memref<1x!tpu.dma_semaphore, #tpu.memory_space<semaphore_mem>> -> memref<!tpu.dma_semaphore, #tpu.memory_space<semaphore_mem>>
    %dma_wait3A_161 = arith.constant 0 : i32
    %dma_wait3A_162 = arith.constant 0 : i32
    %dma_wait3A_163 = tpu.memref_slice %arg6[%dma_wait3A, %dma_wait3A_161, %dma_wait3A_162] : memref<4x2x128xi32, #tpu.memory_space<vmem>> -> memref<1x2x128xi32, #tpu.memory_space<vmem>>
    %dma_wait3A_164 = tpu.memref_squeeze %dma_wait3A_163 : memref<1x2x128xi32, #tpu.memory_space<vmem>> -> memref<2x128xi32, #tpu.memory_space<vmem>>
    %dma_wait3A_165 = arith.constant 0 : i32
    %dma_wait3A_166 = tpu.memref_slice %arg3[%dma_wait3A_165, %add3A_151] : memref<2x320000xi32, #tpu.memory_space<hbm>> -> memref<2x128xi32, #tpu.memory_space<hbm>>
    tpu.wait_dma2 semaphore(%dma_wait3A_160 : memref<!tpu.dma_semaphore, #tpu.memory_space<semaphore_mem>>) src(%dma_wait3A_166 : memref<2x128xi32, #tpu.memory_space<hbm>>) dst(%dma_wait3A_164 : memref<2x128xi32, #tpu.memory_space<vmem>>)
    %dma_start3A_167 = arith.constant 0 : i32
    %dma_start3A_168 = arith.constant 0 : i32
    %dma_start3A_169 = arith.constant 0 : i32
    %dma_start3A_170 = arith.constant 0 : i32
    %dma_start3A_171 = arith.constant 0 : i32
    %dma_start3A_172 = arith.constant 0 : i32
    %dma_start3A_173 = tpu.memref_slice %arg8[%dma_start3A_169, %dma_start3A_171, %dma_start3A_172] : memref<4x128x16xf32, #tpu.memory_space<vmem>> -> memref<1x128x16xf32, #tpu.memory_space<vmem>>
    %dma_start3A_174 = tpu.memref_squeeze %dma_start3A_173 : memref<1x128x16xf32, #tpu.memory_space<vmem>> -> memref<128x16xf32, #tpu.memory_space<vmem>>
    %dma_start3A_175 = arith.constant 0 : i32
    %dma_start3A_176 = tpu.memref_slice %arg6[%dma_start3A_167, %dma_start3A_168, %dma_start3A_175] : memref<4x2x128xi32, #tpu.memory_space<vmem>> -> memref<1x1x128xi32, #tpu.memory_space<vmem>>
    %dma_start3A_177 = tpu.memref_squeeze %dma_start3A_176 : memref<1x1x128xi32, #tpu.memory_space<vmem>> -> memref<128xi32, #tpu.memory_space<vmem>>
    %dma_start3A_178 = arith.constant 0 : i32
    %dma_start3A_179 = arith.constant 0 : i32
    %dma_start3A_180 = tpu.memref_slice %arg2[%dma_start3A_178, %dma_start3A_179] : memref<10000x16xf32, #tpu.memory_space<hbm>> -> memref<10000x16xf32, #tpu.memory_space<hbm>>
    %dma_start3A_181 = tpu.memref_slice %arg18[%dma_start3A_170] : memref<4x!tpu.dma_semaphore, #tpu.memory_space<semaphore_mem>> -> memref<1x!tpu.dma_semaphore, #tpu.memory_space<semaphore_mem>>
    %dma_start3A_182 = tpu.memref_squeeze %dma_start3A_181 : memref<1x!tpu.dma_semaphore, #tpu.memory_space<semaphore_mem>> -> memref<!tpu.dma_semaphore, #tpu.memory_space<semaphore_mem>>
    tpu.enqueue_indirect_dma source(%dma_start3A_180 : memref<10000x16xf32, #tpu.memory_space<hbm>>) target(%dma_start3A_174 : memref<128x16xf32, #tpu.memory_space<vmem>>) offsets(%dma_start3A_177 : memref<128xi32, #tpu.memory_space<vmem>>) semaphore(%dma_start3A_182 : memref<!tpu.dma_semaphore, #tpu.memory_space<semaphore_mem>>)
    %dma_start3A_183 = arith.constant 0 : i32
    %dma_start3A_184 = arith.constant 1 : i32
    %dma_start3A_185 = arith.constant 0 : i32
    %dma_start3A_186 = arith.constant 0 : i32
    %dma_start3A_187 = tpu.memref_slice %arg6[%dma_start3A_183, %dma_start3A_184, %dma_start3A_186] : memref<4x2x128xi32, #tpu.memory_space<vmem>> -> memref<1x1x128xi32, #tpu.memory_space<vmem>>
    %dma_start3A_188 = tpu.memref_squeeze %dma_start3A_187 : memref<1x1x128xi32, #tpu.memory_space<vmem>> -> memref<128xi32, #tpu.memory_space<vmem>>
    %dma_start3A_189 = arith.constant 0 : i32
    %dma_start3A_190 = arith.constant 0 : i32
    %dma_start3A_191 = tpu.memref_slice %arg15[%dma_start3A_189, %dma_start3A_190] : memref<10000x16xf32, #tpu.memory_space<vmem_shared>> -> memref<10000x16xf32, #tpu.memory_space<vmem_shared>>
    %dma_start3A_192 = tpu.memref_slice %arg20[%dma_start3A_185] : memref<4x!tpu.dma_semaphore, #tpu.memory_space<semaphore_mem>> -> memref<1x!tpu.dma_semaphore, #tpu.memory_space<semaphore_mem>>
    %dma_start3A_193 = tpu.memref_squeeze %dma_start3A_192 : memref<1x!tpu.dma_semaphore, #tpu.memory_space<semaphore_mem>> -> memref<!tpu.dma_semaphore, #tpu.memory_space<semaphore_mem>>
    tpu.enqueue_indirect_dma source(%arg11 : memref<128x16xf32, #tpu.memory_space<vmem>>) target(%dma_start3A_191 : memref<10000x16xf32, #tpu.memory_space<vmem_shared>>) offsets(%dma_start3A_188 : memref<128xi32, #tpu.memory_space<vmem>>) semaphore(%dma_start3A_193 : memref<!tpu.dma_semaphore, #tpu.memory_space<semaphore_mem>>) {add = true}
    %add3A_194 = arith.constant 9856 : i32
    %add3A_195 = arith.addi %mul3A_2, %add3A_194 : i32
    %dma_wait3A_196 = arith.constant 1 : i32
    %dma_wait3A_197 = arith.constant 1 : i32
    %dma_wait3A_198 = arith.constant 0 : i32
    %dma_wait3A_199 = arith.constant 0 : i32
    %dma_wait3A_200 = tpu.memref_slice %arg6[%dma_wait3A_196, %dma_wait3A_198, %dma_wait3A_199] : memref<4x2x128xi32, #tpu.memory_space<vmem>> -> memref<1x2x128xi32, #tpu.memory_space<vmem>>
    %dma_wait3A_201 = tpu.memref_squeeze %dma_wait3A_200 : memref<1x2x128xi32, #tpu.memory_space<vmem>> -> memref<2x128xi32, #tpu.memory_space<vmem>>
    %dma_wait3A_202 = arith.constant 0 : i32
    %dma_wait3A_203 = tpu.memref_slice %arg3[%dma_wait3A_202, %add3A_195] : memref<2x320000xi32, #tpu.memory_space<hbm>> -> memref<2x128xi32, #tpu.memory_space<hbm>>
    %dma_wait3A_204 = tpu.memref_slice %arg17[%dma_wait3A_197] : memref<4x!tpu.dma_semaphore, #tpu.memory_space<semaphore_mem>> -> memref<1x!tpu.dma_semaphore, #tpu.memory_space<semaphore_mem>>
    %dma_wait3A_205 = tpu.memref_squeeze %dma_wait3A_204 : memref<1x!tpu.dma_semaphore, #tpu.memory_space<semaphore_mem>> -> memref<!tpu.dma_semaphore, #tpu.memory_space<semaphore_mem>>
    %dma_wait3A_206 = arith.constant 0 : i32
    %dma_wait3A_207 = arith.constant 0 : i32
    %dma_wait3A_208 = tpu.memref_slice %arg6[%dma_wait3A_196, %dma_wait3A_206, %dma_wait3A_207] : memref<4x2x128xi32, #tpu.memory_space<vmem>> -> memref<1x2x128xi32, #tpu.memory_space<vmem>>
    %dma_wait3A_209 = tpu.memref_squeeze %dma_wait3A_208 : memref<1x2x128xi32, #tpu.memory_space<vmem>> -> memref<2x128xi32, #tpu.memory_space<vmem>>
    %dma_wait3A_210 = arith.constant 0 : i32
    %dma_wait3A_211 = tpu.memref_slice %arg3[%dma_wait3A_210, %add3A_195] : memref<2x320000xi32, #tpu.memory_space<hbm>> -> memref<2x128xi32, #tpu.memory_space<hbm>>
    tpu.wait_dma2 semaphore(%dma_wait3A_205 : memref<!tpu.dma_semaphore, #tpu.memory_space<semaphore_mem>>) src(%dma_wait3A_211 : memref<2x128xi32, #tpu.memory_space<hbm>>) dst(%dma_wait3A_209 : memref<2x128xi32, #tpu.memory_space<vmem>>)
    %dma_start3A_212 = arith.constant 1 : i32
    %dma_start3A_213 = arith.constant 0 : i32
    %dma_start3A_214 = arith.constant 1 : i32
    %dma_start3A_215 = arith.constant 1 : i32
    %dma_start3A_216 = arith.constant 0 : i32
    %dma_start3A_217 = arith.constant 0 : i32
    %dma_start3A_218 = tpu.memref_slice %arg8[%dma_start3A_214, %dma_start3A_216, %dma_start3A_217] : memref<4x128x16xf32, #tpu.memory_space<vmem>> -> memref<1x128x16xf32, #tpu.memory_space<vmem>>
    %dma_start3A_219 = tpu.memref_squeeze %dma_start3A_218 : memref<1x128x16xf32, #tpu.memory_space<vmem>> -> memref<128x16xf32, #tpu.memory_space<vmem>>
    %dma_start3A_220 = arith.constant 0 : i32
    %dma_start3A_221 = tpu.memref_slice %arg6[%dma_start3A_212, %dma_start3A_213, %dma_start3A_220] : memref<4x2x128xi32, #tpu.memory_space<vmem>> -> memref<1x1x128xi32, #tpu.memory_space<vmem>>
    %dma_start3A_222 = tpu.memref_squeeze %dma_start3A_221 : memref<1x1x128xi32, #tpu.memory_space<vmem>> -> memref<128xi32, #tpu.memory_space<vmem>>
    %dma_start3A_223 = arith.constant 0 : i32
    %dma_start3A_224 = arith.constant 0 : i32
    %dma_start3A_225 = tpu.memref_slice %arg2[%dma_start3A_223, %dma_start3A_224] : memref<10000x16xf32, #tpu.memory_space<hbm>> -> memref<10000x16xf32, #tpu.memory_space<hbm>>
    %dma_start3A_226 = tpu.memref_slice %arg18[%dma_start3A_215] : memref<4x!tpu.dma_semaphore, #tpu.memory_space<semaphore_mem>> -> memref<1x!tpu.dma_semaphore, #tpu.memory_space<semaphore_mem>>
    %dma_start3A_227 = tpu.memref_squeeze %dma_start3A_226 : memref<1x!tpu.dma_semaphore, #tpu.memory_space<semaphore_mem>> -> memref<!tpu.dma_semaphore, #tpu.memory_space<semaphore_mem>>
    tpu.enqueue_indirect_dma source(%dma_start3A_225 : memref<10000x16xf32, #tpu.memory_space<hbm>>) target(%dma_start3A_219 : memref<128x16xf32, #tpu.memory_space<vmem>>) offsets(%dma_start3A_222 : memref<128xi32, #tpu.memory_space<vmem>>) semaphore(%dma_start3A_227 : memref<!tpu.dma_semaphore, #tpu.memory_space<semaphore_mem>>)
    %dma_start3A_228 = arith.constant 1 : i32
    %dma_start3A_229 = arith.constant 1 : i32
    %dma_start3A_230 = arith.constant 1 : i32
    %dma_start3A_231 = arith.constant 0 : i32
    %dma_start3A_232 = tpu.memref_slice %arg6[%dma_start3A_228, %dma_start3A_229, %dma_start3A_231] : memref<4x2x128xi32, #tpu.memory_space<vmem>> -> memref<1x1x128xi32, #tpu.memory_space<vmem>>
    %dma_start3A_233 = tpu.memref_squeeze %dma_start3A_232 : memref<1x1x128xi32, #tpu.memory_space<vmem>> -> memref<128xi32, #tpu.memory_space<vmem>>
    %dma_start3A_234 = arith.constant 0 : i32
    %dma_start3A_235 = arith.constant 0 : i32
    %dma_start3A_236 = tpu.memref_slice %arg15[%dma_start3A_234, %dma_start3A_235] : memref<10000x16xf32, #tpu.memory_space<vmem_shared>> -> memref<10000x16xf32, #tpu.memory_space<vmem_shared>>
    %dma_start3A_237 = tpu.memref_slice %arg20[%dma_start3A_230] : memref<4x!tpu.dma_semaphore, #tpu.memory_space<semaphore_mem>> -> memref<1x!tpu.dma_semaphore, #tpu.memory_space<semaphore_mem>>
    %dma_start3A_238 = tpu.memref_squeeze %dma_start3A_237 : memref<1x!tpu.dma_semaphore, #tpu.memory_space<semaphore_mem>> -> memref<!tpu.dma_semaphore, #tpu.memory_space<semaphore_mem>>
    tpu.enqueue_indirect_dma source(%arg11 : memref<128x16xf32, #tpu.memory_space<vmem>>) target(%dma_start3A_236 : memref<10000x16xf32, #tpu.memory_space<vmem_shared>>) offsets(%dma_start3A_233 : memref<128xi32, #tpu.memory_space<vmem>>) semaphore(%dma_start3A_238 : memref<!tpu.dma_semaphore, #tpu.memory_space<semaphore_mem>>) {add = true}
    %add3A_239 = arith.constant 9984 : i32
    %add3A_240 = arith.addi %mul3A_2, %add3A_239 : i32
    "tpu.region"() ({
      %run_scoped3A = tpu.sem_alloc : memref<!tpu.dma_semaphore, #tpu.memory_space<semaphore_mem>>
      %dma_start3A_441 = arith.constant 0 : i32
      %dma_start3A_442 = tpu.memref_slice %arg3[%dma_start3A_441, %add3A_240] : memref<2x320000xi32, #tpu.memory_space<hbm>> -> memref<2x16xi32, #tpu.memory_space<hbm>>
      %dma_start3A_443 = arith.constant 0 : i32
      %dma_start3A_444 = tpu.memref_slice %arg3[%dma_start3A_443, %add3A_240] : memref<2x320000xi32, #tpu.memory_space<hbm>> -> memref<2x16xi32, #tpu.memory_space<hbm>>
      tpu.enqueue_dma source(%dma_start3A_444 : memref<2x16xi32, #tpu.memory_space<hbm>>) target(%arg7 : memref<2x16xi32, #tpu.memory_space<vmem>>) target_semaphore(%run_scoped3A : memref<!tpu.dma_semaphore, #tpu.memory_space<semaphore_mem>>)
      %dma_wait3A_445 = arith.constant 0 : i32
      %dma_wait3A_446 = tpu.memref_slice %arg3[%dma_wait3A_445, %add3A_240] : memref<2x320000xi32, #tpu.memory_space<hbm>> -> memref<2x16xi32, #tpu.memory_space<hbm>>
      %dma_wait3A_447 = arith.constant 0 : i32
      %dma_wait3A_448 = tpu.memref_slice %arg3[%dma_wait3A_447, %add3A_240] : memref<2x320000xi32, #tpu.memory_space<hbm>> -> memref<2x16xi32, #tpu.memory_space<hbm>>
      tpu.wait_dma2 semaphore(%run_scoped3A : memref<!tpu.dma_semaphore, #tpu.memory_space<semaphore_mem>>) src(%dma_wait3A_448 : memref<2x16xi32, #tpu.memory_space<hbm>>) dst(%arg7 : memref<2x16xi32, #tpu.memory_space<vmem>>)
      tpu.yield
    }) : () -> ()
    %dma_start3A_241 = arith.constant 0 : i32
    %dma_start3A_242 = arith.constant 2 : i32
    %dma_start3A_243 = arith.constant 0 : i32
    %dma_start3A_244 = tpu.memref_slice %arg7[%dma_start3A_241, %dma_start3A_243] : memref<2x16xi32, #tpu.memory_space<vmem>> -> memref<1x16xi32, #tpu.memory_space<vmem>>
    %dma_start3A_245 = tpu.memref_squeeze %dma_start3A_244 : memref<1x16xi32, #tpu.memory_space<vmem>> -> memref<16xi32, #tpu.memory_space<vmem>>
    %dma_start3A_246 = arith.constant 0 : i32
    %dma_start3A_247 = arith.constant 0 : i32
    %dma_start3A_248 = tpu.memref_slice %arg2[%dma_start3A_246, %dma_start3A_247] : memref<10000x16xf32, #tpu.memory_space<hbm>> -> memref<10000x16xf32, #tpu.memory_space<hbm>>
    %dma_start3A_249 = tpu.memref_slice %arg18[%dma_start3A_242] : memref<4x!tpu.dma_semaphore, #tpu.memory_space<semaphore_mem>> -> memref<1x!tpu.dma_semaphore, #tpu.memory_space<semaphore_mem>>
    %dma_start3A_250 = tpu.memref_squeeze %dma_start3A_249 : memref<1x!tpu.dma_semaphore, #tpu.memory_space<semaphore_mem>> -> memref<!tpu.dma_semaphore, #tpu.memory_space<semaphore_mem>>
    tpu.enqueue_indirect_dma source(%dma_start3A_248 : memref<10000x16xf32, #tpu.memory_space<hbm>>) target(%arg9 : memref<16x16xf32, #tpu.memory_space<vmem>>) offsets(%dma_start3A_245 : memref<16xi32, #tpu.memory_space<vmem>>) semaphore(%dma_start3A_250 : memref<!tpu.dma_semaphore, #tpu.memory_space<semaphore_mem>>)
    %dma_start3A_251 = arith.constant 1 : i32
    %dma_start3A_252 = arith.constant 2 : i32
    %dma_start3A_253 = arith.constant 0 : i32
    %dma_start3A_254 = arith.constant 0 : i32
    %dma_start3A_255 = tpu.memref_slice %arg11[%dma_start3A_253, %dma_start3A_254] : memref<128x16xf32, #tpu.memory_space<vmem>> -> memref<16x16xf32, #tpu.memory_space<vmem>>
    %dma_start3A_256 = arith.constant 0 : i32
    %dma_start3A_257 = tpu.memref_slice %arg7[%dma_start3A_251, %dma_start3A_256] : memref<2x16xi32, #tpu.memory_space<vmem>> -> memref<1x16xi32, #tpu.memory_space<vmem>>
    %dma_start3A_258 = tpu.memref_squeeze %dma_start3A_257 : memref<1x16xi32, #tpu.memory_space<vmem>> -> memref<16xi32, #tpu.memory_space<vmem>>
    %dma_start3A_259 = arith.constant 0 : i32
    %dma_start3A_260 = arith.constant 0 : i32
    %dma_start3A_261 = tpu.memref_slice %arg15[%dma_start3A_259, %dma_start3A_260] : memref<10000x16xf32, #tpu.memory_space<vmem_shared>> -> memref<10000x16xf32, #tpu.memory_space<vmem_shared>>
    %dma_start3A_262 = tpu.memref_slice %arg20[%dma_start3A_252] : memref<4x!tpu.dma_semaphore, #tpu.memory_space<semaphore_mem>> -> memref<1x!tpu.dma_semaphore, #tpu.memory_space<semaphore_mem>>
    %dma_start3A_263 = tpu.memref_squeeze %dma_start3A_262 : memref<1x!tpu.dma_semaphore, #tpu.memory_space<semaphore_mem>> -> memref<!tpu.dma_semaphore, #tpu.memory_space<semaphore_mem>>
    tpu.enqueue_indirect_dma source(%dma_start3A_255 : memref<16x16xf32, #tpu.memory_space<vmem>>) target(%dma_start3A_261 : memref<10000x16xf32, #tpu.memory_space<vmem_shared>>) offsets(%dma_start3A_258 : memref<16xi32, #tpu.memory_space<vmem>>) semaphore(%dma_start3A_263 : memref<!tpu.dma_semaphore, #tpu.memory_space<semaphore_mem>>) {add = true}
    %dma_wait3A_264 = arith.constant 0 : i32
    %dma_wait3A_265 = arith.constant 0 : i32
    %dma_wait3A_266 = arith.constant 0 : i32
    %dma_wait3A_267 = arith.constant 0 : i32
    %dma_wait3A_268 = arith.constant 0 : i32
    %dma_wait3A_269 = arith.constant 0 : i32
    %dma_wait3A_270 = tpu.memref_slice %arg8[%dma_wait3A_266, %dma_wait3A_268, %dma_wait3A_269] : memref<4x128x16xf32, #tpu.memory_space<vmem>> -> memref<1x128x16xf32, #tpu.memory_space<vmem>>
    %dma_wait3A_271 = tpu.memref_squeeze %dma_wait3A_270 : memref<1x128x16xf32, #tpu.memory_space<vmem>> -> memref<128x16xf32, #tpu.memory_space<vmem>>
    %dma_wait3A_272 = arith.constant 0 : i32
    %dma_wait3A_273 = tpu.memref_slice %arg6[%dma_wait3A_264, %dma_wait3A_265, %dma_wait3A_272] : memref<4x2x128xi32, #tpu.memory_space<vmem>> -> memref<1x1x128xi32, #tpu.memory_space<vmem>>
    %dma_wait3A_274 = tpu.memref_squeeze %dma_wait3A_273 : memref<1x1x128xi32, #tpu.memory_space<vmem>> -> memref<128xi32, #tpu.memory_space<vmem>>
    %dma_wait3A_275 = arith.constant 0 : i32
    %dma_wait3A_276 = arith.constant 0 : i32
    %dma_wait3A_277 = tpu.memref_slice %arg2[%dma_wait3A_275, %dma_wait3A_276] : memref<10000x16xf32, #tpu.memory_space<hbm>> -> memref<10000x16xf32, #tpu.memory_space<hbm>>
    %dma_wait3A_278 = tpu.memref_slice %arg18[%dma_wait3A_267] : memref<4x!tpu.dma_semaphore, #tpu.memory_space<semaphore_mem>> -> memref<1x!tpu.dma_semaphore, #tpu.memory_space<semaphore_mem>>
    %dma_wait3A_279 = tpu.memref_squeeze %dma_wait3A_278 : memref<1x!tpu.dma_semaphore, #tpu.memory_space<semaphore_mem>> -> memref<!tpu.dma_semaphore, #tpu.memory_space<semaphore_mem>>
    tpu.wait_indirect_dma semaphore(%dma_wait3A_279 : memref<!tpu.dma_semaphore, #tpu.memory_space<semaphore_mem>>) src(%dma_wait3A_277 : memref<10000x16xf32, #tpu.memory_space<hbm>>) dst(%dma_wait3A_271 : memref<128x16xf32, #tpu.memory_space<vmem>>)
    %dma_start3A_280 = arith.constant 0 : i32
    %dma_start3A_281 = arith.constant 0 : i32
    %dma_start3A_282 = arith.constant 1 : i32
    %dma_start3A_283 = arith.constant 0 : i32
    %dma_start3A_284 = arith.constant 0 : i32
    %dma_start3A_285 = arith.constant 0 : i32
    %dma_start3A_286 = tpu.memref_slice %arg8[%dma_start3A_280, %dma_start3A_284, %dma_start3A_285] : memref<4x128x16xf32, #tpu.memory_space<vmem>> -> memref<1x128x16xf32, #tpu.memory_space<vmem>>
    %dma_start3A_287 = tpu.memref_squeeze %dma_start3A_286 : memref<1x128x16xf32, #tpu.memory_space<vmem>> -> memref<128x16xf32, #tpu.memory_space<vmem>>
    %dma_start3A_288 = arith.constant 0 : i32
    %dma_start3A_289 = tpu.memref_slice %arg6[%dma_start3A_281, %dma_start3A_282, %dma_start3A_288] : memref<4x2x128xi32, #tpu.memory_space<vmem>> -> memref<1x1x128xi32, #tpu.memory_space<vmem>>
    %dma_start3A_290 = tpu.memref_squeeze %dma_start3A_289 : memref<1x1x128xi32, #tpu.memory_space<vmem>> -> memref<128xi32, #tpu.memory_space<vmem>>
    %dma_start3A_291 = arith.constant 0 : i32
    %dma_start3A_292 = arith.constant 0 : i32
    %dma_start3A_293 = tpu.memref_slice %arg14[%dma_start3A_291, %dma_start3A_292] : memref<10000x16xf32, #tpu.memory_space<vmem_shared>> -> memref<10000x16xf32, #tpu.memory_space<vmem_shared>>
    %dma_start3A_294 = tpu.memref_slice %arg19[%dma_start3A_283] : memref<4x!tpu.dma_semaphore, #tpu.memory_space<semaphore_mem>> -> memref<1x!tpu.dma_semaphore, #tpu.memory_space<semaphore_mem>>
    %dma_start3A_295 = tpu.memref_squeeze %dma_start3A_294 : memref<1x!tpu.dma_semaphore, #tpu.memory_space<semaphore_mem>> -> memref<!tpu.dma_semaphore, #tpu.memory_space<semaphore_mem>>
    tpu.enqueue_indirect_dma source(%dma_start3A_287 : memref<128x16xf32, #tpu.memory_space<vmem>>) target(%dma_start3A_293 : memref<10000x16xf32, #tpu.memory_space<vmem_shared>>) offsets(%dma_start3A_290 : memref<128xi32, #tpu.memory_space<vmem>>) semaphore(%dma_start3A_295 : memref<!tpu.dma_semaphore, #tpu.memory_space<semaphore_mem>>) {add = true}
    %dma_wait3A_296 = arith.constant 1 : i32
    %dma_wait3A_297 = arith.constant 0 : i32
    %dma_wait3A_298 = arith.constant 1 : i32
    %dma_wait3A_299 = arith.constant 1 : i32
    %dma_wait3A_300 = arith.constant 0 : i32
    %dma_wait3A_301 = arith.constant 0 : i32
    %dma_wait3A_302 = tpu.memref_slice %arg8[%dma_wait3A_298, %dma_wait3A_300, %dma_wait3A_301] : memref<4x128x16xf32, #tpu.memory_space<vmem>> -> memref<1x128x16xf32, #tpu.memory_space<vmem>>
    %dma_wait3A_303 = tpu.memref_squeeze %dma_wait3A_302 : memref<1x128x16xf32, #tpu.memory_space<vmem>> -> memref<128x16xf32, #tpu.memory_space<vmem>>
    %dma_wait3A_304 = arith.constant 0 : i32
    %dma_wait3A_305 = tpu.memref_slice %arg6[%dma_wait3A_296, %dma_wait3A_297, %dma_wait3A_304] : memref<4x2x128xi32, #tpu.memory_space<vmem>> -> memref<1x1x128xi32, #tpu.memory_space<vmem>>
    %dma_wait3A_306 = tpu.memref_squeeze %dma_wait3A_305 : memref<1x1x128xi32, #tpu.memory_space<vmem>> -> memref<128xi32, #tpu.memory_space<vmem>>
    %dma_wait3A_307 = arith.constant 0 : i32
    %dma_wait3A_308 = arith.constant 0 : i32
    %dma_wait3A_309 = tpu.memref_slice %arg2[%dma_wait3A_307, %dma_wait3A_308] : memref<10000x16xf32, #tpu.memory_space<hbm>> -> memref<10000x16xf32, #tpu.memory_space<hbm>>
    %dma_wait3A_310 = tpu.memref_slice %arg18[%dma_wait3A_299] : memref<4x!tpu.dma_semaphore, #tpu.memory_space<semaphore_mem>> -> memref<1x!tpu.dma_semaphore, #tpu.memory_space<semaphore_mem>>
    %dma_wait3A_311 = tpu.memref_squeeze %dma_wait3A_310 : memref<1x!tpu.dma_semaphore, #tpu.memory_space<semaphore_mem>> -> memref<!tpu.dma_semaphore, #tpu.memory_space<semaphore_mem>>
    tpu.wait_indirect_dma semaphore(%dma_wait3A_311 : memref<!tpu.dma_semaphore, #tpu.memory_space<semaphore_mem>>) src(%dma_wait3A_309 : memref<10000x16xf32, #tpu.memory_space<hbm>>) dst(%dma_wait3A_303 : memref<128x16xf32, #tpu.memory_space<vmem>>)
    %dma_start3A_312 = arith.constant 1 : i32
    %dma_start3A_313 = arith.constant 1 : i32
    %dma_start3A_314 = arith.constant 1 : i32
    %dma_start3A_315 = arith.constant 1 : i32
    %dma_start3A_316 = arith.constant 0 : i32
    %dma_start3A_317 = arith.constant 0 : i32
    %dma_start3A_318 = tpu.memref_slice %arg8[%dma_start3A_312, %dma_start3A_316, %dma_start3A_317] : memref<4x128x16xf32, #tpu.memory_space<vmem>> -> memref<1x128x16xf32, #tpu.memory_space<vmem>>
    %dma_start3A_319 = tpu.memref_squeeze %dma_start3A_318 : memref<1x128x16xf32, #tpu.memory_space<vmem>> -> memref<128x16xf32, #tpu.memory_space<vmem>>
    %dma_start3A_320 = arith.constant 0 : i32
    %dma_start3A_321 = tpu.memref_slice %arg6[%dma_start3A_313, %dma_start3A_314, %dma_start3A_320] : memref<4x2x128xi32, #tpu.memory_space<vmem>> -> memref<1x1x128xi32, #tpu.memory_space<vmem>>
    %dma_start3A_322 = tpu.memref_squeeze %dma_start3A_321 : memref<1x1x128xi32, #tpu.memory_space<vmem>> -> memref<128xi32, #tpu.memory_space<vmem>>
    %dma_start3A_323 = arith.constant 0 : i32
    %dma_start3A_324 = arith.constant 0 : i32
    %dma_start3A_325 = tpu.memref_slice %arg14[%dma_start3A_323, %dma_start3A_324] : memref<10000x16xf32, #tpu.memory_space<vmem_shared>> -> memref<10000x16xf32, #tpu.memory_space<vmem_shared>>
    %dma_start3A_326 = tpu.memref_slice %arg19[%dma_start3A_315] : memref<4x!tpu.dma_semaphore, #tpu.memory_space<semaphore_mem>> -> memref<1x!tpu.dma_semaphore, #tpu.memory_space<semaphore_mem>>
    %dma_start3A_327 = tpu.memref_squeeze %dma_start3A_326 : memref<1x!tpu.dma_semaphore, #tpu.memory_space<semaphore_mem>> -> memref<!tpu.dma_semaphore, #tpu.memory_space<semaphore_mem>>
    tpu.enqueue_indirect_dma source(%dma_start3A_319 : memref<128x16xf32, #tpu.memory_space<vmem>>) target(%dma_start3A_325 : memref<10000x16xf32, #tpu.memory_space<vmem_shared>>) offsets(%dma_start3A_322 : memref<128xi32, #tpu.memory_space<vmem>>) semaphore(%dma_start3A_327 : memref<!tpu.dma_semaphore, #tpu.memory_space<semaphore_mem>>) {add = true}
    %dma_wait3A_328 = arith.constant 0 : i32
    %dma_wait3A_329 = arith.constant 2 : i32
    %dma_wait3A_330 = arith.constant 0 : i32
    %dma_wait3A_331 = tpu.memref_slice %arg7[%dma_wait3A_328, %dma_wait3A_330] : memref<2x16xi32, #tpu.memory_space<vmem>> -> memref<1x16xi32, #tpu.memory_space<vmem>>
    %dma_wait3A_332 = tpu.memref_squeeze %dma_wait3A_331 : memref<1x16xi32, #tpu.memory_space<vmem>> -> memref<16xi32, #tpu.memory_space<vmem>>
    %dma_wait3A_333 = arith.constant 0 : i32
    %dma_wait3A_334 = arith.constant 0 : i32
    %dma_wait3A_335 = tpu.memref_slice %arg2[%dma_wait3A_333, %dma_wait3A_334] : memref<10000x16xf32, #tpu.memory_space<hbm>> -> memref<10000x16xf32, #tpu.memory_space<hbm>>
    %dma_wait3A_336 = tpu.memref_slice %arg18[%dma_wait3A_329] : memref<4x!tpu.dma_semaphore, #tpu.memory_space<semaphore_mem>> -> memref<1x!tpu.dma_semaphore, #tpu.memory_space<semaphore_mem>>
    %dma_wait3A_337 = tpu.memref_squeeze %dma_wait3A_336 : memref<1x!tpu.dma_semaphore, #tpu.memory_space<semaphore_mem>> -> memref<!tpu.dma_semaphore, #tpu.memory_space<semaphore_mem>>
    tpu.wait_indirect_dma semaphore(%dma_wait3A_337 : memref<!tpu.dma_semaphore, #tpu.memory_space<semaphore_mem>>) src(%dma_wait3A_335 : memref<10000x16xf32, #tpu.memory_space<hbm>>) dst(%arg9 : memref<16x16xf32, #tpu.memory_space<vmem>>)
    %dma_start3A_338 = arith.constant 1 : i32
    %dma_start3A_339 = arith.constant 2 : i32
    %dma_start3A_340 = arith.constant 0 : i32
    %dma_start3A_341 = tpu.memref_slice %arg7[%dma_start3A_338, %dma_start3A_340] : memref<2x16xi32, #tpu.memory_space<vmem>> -> memref<1x16xi32, #tpu.memory_space<vmem>>
    %dma_start3A_342 = tpu.memref_squeeze %dma_start3A_341 : memref<1x16xi32, #tpu.memory_space<vmem>> -> memref<16xi32, #tpu.memory_space<vmem>>
    %dma_start3A_343 = arith.constant 0 : i32
    %dma_start3A_344 = arith.constant 0 : i32
    %dma_start3A_345 = tpu.memref_slice %arg14[%dma_start3A_343, %dma_start3A_344] : memref<10000x16xf32, #tpu.memory_space<vmem_shared>> -> memref<10000x16xf32, #tpu.memory_space<vmem_shared>>
    %dma_start3A_346 = tpu.memref_slice %arg19[%dma_start3A_339] : memref<4x!tpu.dma_semaphore, #tpu.memory_space<semaphore_mem>> -> memref<1x!tpu.dma_semaphore, #tpu.memory_space<semaphore_mem>>
    %dma_start3A_347 = tpu.memref_squeeze %dma_start3A_346 : memref<1x!tpu.dma_semaphore, #tpu.memory_space<semaphore_mem>> -> memref<!tpu.dma_semaphore, #tpu.memory_space<semaphore_mem>>
    tpu.enqueue_indirect_dma source(%arg9 : memref<16x16xf32, #tpu.memory_space<vmem>>) target(%dma_start3A_345 : memref<10000x16xf32, #tpu.memory_space<vmem_shared>>) offsets(%dma_start3A_342 : memref<16xi32, #tpu.memory_space<vmem>>) semaphore(%dma_start3A_347 : memref<!tpu.dma_semaphore, #tpu.memory_space<semaphore_mem>>) {add = true}
    %dma_wait3A_348 = arith.constant 0 : i32
    %dma_wait3A_349 = arith.constant 0 : i32
    %dma_wait3A_350 = arith.constant 1 : i32
    %dma_wait3A_351 = arith.constant 0 : i32
    %dma_wait3A_352 = arith.constant 0 : i32
    %dma_wait3A_353 = arith.constant 0 : i32
    %dma_wait3A_354 = tpu.memref_slice %arg8[%dma_wait3A_348, %dma_wait3A_352, %dma_wait3A_353] : memref<4x128x16xf32, #tpu.memory_space<vmem>> -> memref<1x128x16xf32, #tpu.memory_space<vmem>>
    %dma_wait3A_355 = tpu.memref_squeeze %dma_wait3A_354 : memref<1x128x16xf32, #tpu.memory_space<vmem>> -> memref<128x16xf32, #tpu.memory_space<vmem>>
    %dma_wait3A_356 = arith.constant 0 : i32
    %dma_wait3A_357 = tpu.memref_slice %arg6[%dma_wait3A_349, %dma_wait3A_350, %dma_wait3A_356] : memref<4x2x128xi32, #tpu.memory_space<vmem>> -> memref<1x1x128xi32, #tpu.memory_space<vmem>>
    %dma_wait3A_358 = tpu.memref_squeeze %dma_wait3A_357 : memref<1x1x128xi32, #tpu.memory_space<vmem>> -> memref<128xi32, #tpu.memory_space<vmem>>
    %dma_wait3A_359 = arith.constant 0 : i32
    %dma_wait3A_360 = arith.constant 0 : i32
    %dma_wait3A_361 = tpu.memref_slice %arg14[%dma_wait3A_359, %dma_wait3A_360] : memref<10000x16xf32, #tpu.memory_space<vmem_shared>> -> memref<10000x16xf32, #tpu.memory_space<vmem_shared>>
    %dma_wait3A_362 = tpu.memref_slice %arg19[%dma_wait3A_351] : memref<4x!tpu.dma_semaphore, #tpu.memory_space<semaphore_mem>> -> memref<1x!tpu.dma_semaphore, #tpu.memory_space<semaphore_mem>>
    %dma_wait3A_363 = tpu.memref_squeeze %dma_wait3A_362 : memref<1x!tpu.dma_semaphore, #tpu.memory_space<semaphore_mem>> -> memref<!tpu.dma_semaphore, #tpu.memory_space<semaphore_mem>>
    tpu.wait_indirect_dma semaphore(%dma_wait3A_363 : memref<!tpu.dma_semaphore, #tpu.memory_space<semaphore_mem>>) src(%dma_wait3A_355 : memref<128x16xf32, #tpu.memory_space<vmem>>) dst(%dma_wait3A_361 : memref<10000x16xf32, #tpu.memory_space<vmem_shared>>)
    %dma_wait3A_364 = arith.constant 0 : i32
    %dma_wait3A_365 = arith.constant 1 : i32
    %dma_wait3A_366 = arith.constant 0 : i32
    %dma_wait3A_367 = arith.constant 0 : i32
    %dma_wait3A_368 = tpu.memref_slice %arg6[%dma_wait3A_364, %dma_wait3A_365, %dma_wait3A_367] : memref<4x2x128xi32, #tpu.memory_space<vmem>> -> memref<1x1x128xi32, #tpu.memory_space<vmem>>
    %dma_wait3A_369 = tpu.memref_squeeze %dma_wait3A_368 : memref<1x1x128xi32, #tpu.memory_space<vmem>> -> memref<128xi32, #tpu.memory_space<vmem>>
    %dma_wait3A_370 = arith.constant 0 : i32
    %dma_wait3A_371 = arith.constant 0 : i32
    %dma_wait3A_372 = tpu.memref_slice %arg15[%dma_wait3A_370, %dma_wait3A_371] : memref<10000x16xf32, #tpu.memory_space<vmem_shared>> -> memref<10000x16xf32, #tpu.memory_space<vmem_shared>>
    %dma_wait3A_373 = tpu.memref_slice %arg20[%dma_wait3A_366] : memref<4x!tpu.dma_semaphore, #tpu.memory_space<semaphore_mem>> -> memref<1x!tpu.dma_semaphore, #tpu.memory_space<semaphore_mem>>
    %dma_wait3A_374 = tpu.memref_squeeze %dma_wait3A_373 : memref<1x!tpu.dma_semaphore, #tpu.memory_space<semaphore_mem>> -> memref<!tpu.dma_semaphore, #tpu.memory_space<semaphore_mem>>
    tpu.wait_indirect_dma semaphore(%dma_wait3A_374 : memref<!tpu.dma_semaphore, #tpu.memory_space<semaphore_mem>>) src(%arg11 : memref<128x16xf32, #tpu.memory_space<vmem>>) dst(%dma_wait3A_372 : memref<10000x16xf32, #tpu.memory_space<vmem_shared>>)
    %dma_wait3A_375 = arith.constant 1 : i32
    %dma_wait3A_376 = arith.constant 1 : i32
    %dma_wait3A_377 = arith.constant 1 : i32
    %dma_wait3A_378 = arith.constant 1 : i32
    %dma_wait3A_379 = arith.constant 0 : i32
    %dma_wait3A_380 = arith.constant 0 : i32
    %dma_wait3A_381 = tpu.memref_slice %arg8[%dma_wait3A_375, %dma_wait3A_379, %dma_wait3A_380] : memref<4x128x16xf32, #tpu.memory_space<vmem>> -> memref<1x128x16xf32, #tpu.memory_space<vmem>>
    %dma_wait3A_382 = tpu.memref_squeeze %dma_wait3A_381 : memref<1x128x16xf32, #tpu.memory_space<vmem>> -> memref<128x16xf32, #tpu.memory_space<vmem>>
    %dma_wait3A_383 = arith.constant 0 : i32
    %dma_wait3A_384 = tpu.memref_slice %arg6[%dma_wait3A_376, %dma_wait3A_377, %dma_wait3A_383] : memref<4x2x128xi32, #tpu.memory_space<vmem>> -> memref<1x1x128xi32, #tpu.memory_space<vmem>>
    %dma_wait3A_385 = tpu.memref_squeeze %dma_wait3A_384 : memref<1x1x128xi32, #tpu.memory_space<vmem>> -> memref<128xi32, #tpu.memory_space<vmem>>
    %dma_wait3A_386 = arith.constant 0 : i32
    %dma_wait3A_387 = arith.constant 0 : i32
    %dma_wait3A_388 = tpu.memref_slice %arg14[%dma_wait3A_386, %dma_wait3A_387] : memref<10000x16xf32, #tpu.memory_space<vmem_shared>> -> memref<10000x16xf32, #tpu.memory_space<vmem_shared>>
    %dma_wait3A_389 = tpu.memref_slice %arg19[%dma_wait3A_378] : memref<4x!tpu.dma_semaphore, #tpu.memory_space<semaphore_mem>> -> memref<1x!tpu.dma_semaphore, #tpu.memory_space<semaphore_mem>>
    %dma_wait3A_390 = tpu.memref_squeeze %dma_wait3A_389 : memref<1x!tpu.dma_semaphore, #tpu.memory_space<semaphore_mem>> -> memref<!tpu.dma_semaphore, #tpu.memory_space<semaphore_mem>>
    tpu.wait_indirect_dma semaphore(%dma_wait3A_390 : memref<!tpu.dma_semaphore, #tpu.memory_space<semaphore_mem>>) src(%dma_wait3A_382 : memref<128x16xf32, #tpu.memory_space<vmem>>) dst(%dma_wait3A_388 : memref<10000x16xf32, #tpu.memory_space<vmem_shared>>)
    %dma_wait3A_391 = arith.constant 1 : i32
    %dma_wait3A_392 = arith.constant 1 : i32
    %dma_wait3A_393 = arith.constant 1 : i32
    %dma_wait3A_394 = arith.constant 0 : i32
    %dma_wait3A_395 = tpu.memref_slice %arg6[%dma_wait3A_391, %dma_wait3A_392, %dma_wait3A_394] : memref<4x2x128xi32, #tpu.memory_space<vmem>> -> memref<1x1x128xi32, #tpu.memory_space<vmem>>
    %dma_wait3A_396 = tpu.memref_squeeze %dma_wait3A_395 : memref<1x1x128xi32, #tpu.memory_space<vmem>> -> memref<128xi32, #tpu.memory_space<vmem>>
    %dma_wait3A_397 = arith.constant 0 : i32
    %dma_wait3A_398 = arith.constant 0 : i32
    %dma_wait3A_399 = tpu.memref_slice %arg15[%dma_wait3A_397, %dma_wait3A_398] : memref<10000x16xf32, #tpu.memory_space<vmem_shared>> -> memref<10000x16xf32, #tpu.memory_space<vmem_shared>>
    %dma_wait3A_400 = tpu.memref_slice %arg20[%dma_wait3A_393] : memref<4x!tpu.dma_semaphore, #tpu.memory_space<semaphore_mem>> -> memref<1x!tpu.dma_semaphore, #tpu.memory_space<semaphore_mem>>
    %dma_wait3A_401 = tpu.memref_squeeze %dma_wait3A_400 : memref<1x!tpu.dma_semaphore, #tpu.memory_space<semaphore_mem>> -> memref<!tpu.dma_semaphore, #tpu.memory_space<semaphore_mem>>
    tpu.wait_indirect_dma semaphore(%dma_wait3A_401 : memref<!tpu.dma_semaphore, #tpu.memory_space<semaphore_mem>>) src(%arg11 : memref<128x16xf32, #tpu.memory_space<vmem>>) dst(%dma_wait3A_399 : memref<10000x16xf32, #tpu.memory_space<vmem_shared>>)
    %dma_wait3A_402 = arith.constant 1 : i32
    %dma_wait3A_403 = arith.constant 2 : i32
    %dma_wait3A_404 = arith.constant 0 : i32
    %dma_wait3A_405 = tpu.memref_slice %arg7[%dma_wait3A_402, %dma_wait3A_404] : memref<2x16xi32, #tpu.memory_space<vmem>> -> memref<1x16xi32, #tpu.memory_space<vmem>>
    %dma_wait3A_406 = tpu.memref_squeeze %dma_wait3A_405 : memref<1x16xi32, #tpu.memory_space<vmem>> -> memref<16xi32, #tpu.memory_space<vmem>>
    %dma_wait3A_407 = arith.constant 0 : i32
    %dma_wait3A_408 = arith.constant 0 : i32
    %dma_wait3A_409 = tpu.memref_slice %arg14[%dma_wait3A_407, %dma_wait3A_408] : memref<10000x16xf32, #tpu.memory_space<vmem_shared>> -> memref<10000x16xf32, #tpu.memory_space<vmem_shared>>
    %dma_wait3A_410 = tpu.memref_slice %arg19[%dma_wait3A_403] : memref<4x!tpu.dma_semaphore, #tpu.memory_space<semaphore_mem>> -> memref<1x!tpu.dma_semaphore, #tpu.memory_space<semaphore_mem>>
    %dma_wait3A_411 = tpu.memref_squeeze %dma_wait3A_410 : memref<1x!tpu.dma_semaphore, #tpu.memory_space<semaphore_mem>> -> memref<!tpu.dma_semaphore, #tpu.memory_space<semaphore_mem>>
    tpu.wait_indirect_dma semaphore(%dma_wait3A_411 : memref<!tpu.dma_semaphore, #tpu.memory_space<semaphore_mem>>) src(%arg9 : memref<16x16xf32, #tpu.memory_space<vmem>>) dst(%dma_wait3A_409 : memref<10000x16xf32, #tpu.memory_space<vmem_shared>>)
    %dma_wait3A_412 = arith.constant 1 : i32
    %dma_wait3A_413 = arith.constant 2 : i32
    %dma_wait3A_414 = arith.constant 0 : i32
    %dma_wait3A_415 = arith.constant 0 : i32
    %dma_wait3A_416 = tpu.memref_slice %arg11[%dma_wait3A_414, %dma_wait3A_415] : memref<128x16xf32, #tpu.memory_space<vmem>> -> memref<16x16xf32, #tpu.memory_space<vmem>>
    %dma_wait3A_417 = arith.constant 0 : i32
    %dma_wait3A_418 = tpu.memref_slice %arg7[%dma_wait3A_412, %dma_wait3A_417] : memref<2x16xi32, #tpu.memory_space<vmem>> -> memref<1x16xi32, #tpu.memory_space<vmem>>
    %dma_wait3A_419 = tpu.memref_squeeze %dma_wait3A_418 : memref<1x16xi32, #tpu.memory_space<vmem>> -> memref<16xi32, #tpu.memory_space<vmem>>
    %dma_wait3A_420 = arith.constant 0 : i32
    %dma_wait3A_421 = arith.constant 0 : i32
    %dma_wait3A_422 = tpu.memref_slice %arg15[%dma_wait3A_420, %dma_wait3A_421] : memref<10000x16xf32, #tpu.memory_space<vmem_shared>> -> memref<10000x16xf32, #tpu.memory_space<vmem_shared>>
    %dma_wait3A_423 = tpu.memref_slice %arg20[%dma_wait3A_413] : memref<4x!tpu.dma_semaphore, #tpu.memory_space<semaphore_mem>> -> memref<1x!tpu.dma_semaphore, #tpu.memory_space<semaphore_mem>>
    %dma_wait3A_424 = tpu.memref_squeeze %dma_wait3A_423 : memref<1x!tpu.dma_semaphore, #tpu.memory_space<semaphore_mem>> -> memref<!tpu.dma_semaphore, #tpu.memory_space<semaphore_mem>>
    tpu.wait_indirect_dma semaphore(%dma_wait3A_424 : memref<!tpu.dma_semaphore, #tpu.memory_space<semaphore_mem>>) src(%dma_wait3A_416 : memref<16x16xf32, #tpu.memory_space<vmem>>) dst(%dma_wait3A_422 : memref<10000x16xf32, #tpu.memory_space<vmem_shared>>)
    %eq3A_425 = arith.constant 0 : i32
    %eq3A_426 = arith.cmpi eq, %arg0, %eq3A_425 : i32
    %convert_element_type3A_427 = arith.extui %eq3A_426 : i1 to i32
    %cond3A_428 = arith.constant 0 : i32
    %cond3A_429 = arith.cmpi ne, %convert_element_type3A_427, %cond3A_428 : i32
    scf.if %cond3A_429 {
      %scan3A_441 = arith.constant 0 : i32
      %scan3A_442 = arith.constant 40 : i32
      %scan3A_443 = arith.addi %scan3A_441, %scan3A_442 : i32
      %scan3A_444 = arith.constant 1 : i32
      scf.for %scan3A_457 = %scan3A_441 to %scan3A_443 step %scan3A_444  : i32 {
        %mul3A_458 = arith.constant 1 : i32
        %mul3A_459 = arith.muli %scan3A_457, %mul3A_458 : i32
        %add3A_460 = arith.constant 0 : i32
        %add3A_461 = arith.addi %add3A_460, %mul3A_459 : i32
        %swap3A = arith.index_cast %add3A_461 : i32 to index
        %swap3A_462 = arith.constant 0 : index
        %swap3A_463 = tpu.vector_load %arg12[%swap3A, %swap3A_462] {strides = array<i32>} : memref<40x16xf32, #tpu.memory_space<vmem>>, vector<1x16xf32>,
        %swap3A_464 = vector.shape_cast %swap3A_463 : vector<1x16xf32> to vector<16xf32>
        %swap3A_465 = vector.shape_cast %select_n3A : vector<16xf32> to vector<1x16xf32>
        tpu.vector_store %arg12[%swap3A, %swap3A_462], %swap3A_465 {strides = array<i32>} : memref<40x16xf32, #tpu.memory_space<vmem>>, vector<1x16xf32>,
      }
      %scan3A_445 = arith.constant 40 : i32
      %add3A_446 = arith.constant 16 : i32
      %add3A_447 = arith.addi %arg1, %add3A_446 : i32
      %lt3A = arith.constant 25 : i32
      %lt3A_448 = arith.cmpi slt, %arg1, %lt3A : i32
      %convert_element_type3A_449 = arith.extui %lt3A_448 : i1 to i32
      %cond3A_450 = arith.constant 0 : i32
      %cond3A_451 = arith.cmpi ne, %convert_element_type3A_449, %cond3A_450 : i32
      scf.if %cond3A_451 {
        %mul3A_457 = arith.constant 40 : i32
        %mul3A_458 = arith.muli %arg1, %mul3A_457 : i32
        "tpu.region"() ({
          %run_scoped3A = tpu.sem_alloc : memref<!tpu.dma_semaphore, #tpu.memory_space<semaphore_mem>>
          %dma_start3A_459 = tpu.memref_slice %arg4[%mul3A_458] : memref<1000xi32, #tpu.memory_space<hbm>> -> memref<40xi32, #tpu.memory_space<hbm>>
          %dma_start3A_460 = tpu.memref_slice %arg4[%mul3A_458] : memref<1000xi32, #tpu.memory_space<hbm>> -> memref<40xi32, #tpu.memory_space<hbm>>
          tpu.enqueue_dma source(%dma_start3A_460 : memref<40xi32, #tpu.memory_space<hbm>>) target(%arg10 : memref<40xi32, #tpu.memory_space<vmem>>) target_semaphore(%run_scoped3A : memref<!tpu.dma_semaphore, #tpu.memory_space<semaphore_mem>>)
          %dma_wait3A_461 = tpu.memref_slice %arg4[%mul3A_458] : memref<1000xi32, #tpu.memory_space<hbm>> -> memref<40xi32, #tpu.memory_space<hbm>>
          %dma_wait3A_462 = tpu.memref_slice %arg4[%mul3A_458] : memref<1000xi32, #tpu.memory_space<hbm>> -> memref<40xi32, #tpu.memory_space<hbm>>
          tpu.wait_dma2 semaphore(%run_scoped3A : memref<!tpu.dma_semaphore, #tpu.memory_space<semaphore_mem>>) src(%dma_wait3A_462 : memref<40xi32, #tpu.memory_space<hbm>>) dst(%arg10 : memref<40xi32, #tpu.memory_space<vmem>>)
          tpu.yield
        }) : () -> ()
        "tpu.region"() ({
          %run_scoped3A = tpu.sem_alloc : memref<!tpu.dma_semaphore, #tpu.memory_space<semaphore_mem>>
          %dma_start3A_459 = arith.constant 0 : i32
          %dma_start3A_460 = arith.constant 0 : i32
          %dma_start3A_461 = tpu.memref_slice %arg16[%dma_start3A_459, %dma_start3A_460] : memref<10000x16xf32, #tpu.memory_space<vmem_shared>> -> memref<10000x16xf32, #tpu.memory_space<vmem_shared>>
          tpu.enqueue_indirect_dma source(%arg12 : memref<40x16xf32, #tpu.memory_space<vmem>>) target(%dma_start3A_461 : memref<10000x16xf32, #tpu.memory_space<vmem_shared>>) offsets(%arg10 : memref<40xi32, #tpu.memory_space<vmem>>) semaphore(%run_scoped3A : memref<!tpu.dma_semaphore, #tpu.memory_space<semaphore_mem>>) {add = true}
          %dma_wait3A_462 = arith.constant 0 : i32
          %dma_wait3A_463 = arith.constant 0 : i32
          %dma_wait3A_464 = tpu.memref_slice %arg16[%dma_wait3A_462, %dma_wait3A_463] : memref<10000x16xf32, #tpu.memory_space<vmem_shared>> -> memref<10000x16xf32, #tpu.memory_space<vmem_shared>>
          tpu.wait_indirect_dma semaphore(%run_scoped3A : memref<!tpu.dma_semaphore, #tpu.memory_space<semaphore_mem>>) src(%arg12 : memref<40x16xf32, #tpu.memory_space<vmem>>) dst(%dma_wait3A_464 : memref<10000x16xf32, #tpu.memory_space<vmem_shared>>)
          tpu.yield
        }) : () -> ()
      } else {
      }
      %lt3A_452 = arith.constant 25 : i32
      %lt3A_453 = arith.cmpi slt, %add3A_447, %lt3A_452 : i32
      %convert_element_type3A_454 = arith.extui %lt3A_453 : i1 to i32
      %cond3A_455 = arith.constant 0 : i32
      %cond3A_456 = arith.cmpi ne, %convert_element_type3A_454, %cond3A_455 : i32
      scf.if %cond3A_456 {
        %mul3A_457 = arith.constant 40 : i32
        %mul3A_458 = arith.muli %add3A_447, %mul3A_457 : i32
        "tpu.region"() ({
          %run_scoped3A = tpu.sem_alloc : memref<!tpu.dma_semaphore, #tpu.memory_space<semaphore_mem>>
          %dma_start3A_459 = tpu.memref_slice %arg4[%mul3A_458] : memref<1000xi32, #tpu.memory_space<hbm>> -> memref<40xi32, #tpu.memory_space<hbm>>
          %dma_start3A_460 = tpu.memref_slice %arg4[%mul3A_458] : memref<1000xi32, #tpu.memory_space<hbm>> -> memref<40xi32, #tpu.memory_space<hbm>>
          tpu.enqueue_dma source(%dma_start3A_460 : memref<40xi32, #tpu.memory_space<hbm>>) target(%arg10 : memref<40xi32, #tpu.memory_space<vmem>>) target_semaphore(%run_scoped3A : memref<!tpu.dma_semaphore, #tpu.memory_space<semaphore_mem>>)
          %dma_wait3A_461 = tpu.memref_slice %arg4[%mul3A_458] : memref<1000xi32, #tpu.memory_space<hbm>> -> memref<40xi32, #tpu.memory_space<hbm>>
          %dma_wait3A_462 = tpu.memref_slice %arg4[%mul3A_458] : memref<1000xi32, #tpu.memory_space<hbm>> -> memref<40xi32, #tpu.memory_space<hbm>>
          tpu.wait_dma2 semaphore(%run_scoped3A : memref<!tpu.dma_semaphore, #tpu.memory_space<semaphore_mem>>) src(%dma_wait3A_462 : memref<40xi32, #tpu.memory_space<hbm>>) dst(%arg10 : memref<40xi32, #tpu.memory_space<vmem>>)
          tpu.yield
        }) : () -> ()
        "tpu.region"() ({
          %run_scoped3A = tpu.sem_alloc : memref<!tpu.dma_semaphore, #tpu.memory_space<semaphore_mem>>
          %dma_start3A_459 = arith.constant 0 : i32
          %dma_start3A_460 = arith.constant 0 : i32
          %dma_start3A_461 = tpu.memref_slice %arg16[%dma_start3A_459, %dma_start3A_460] : memref<10000x16xf32, #tpu.memory_space<vmem_shared>> -> memref<10000x16xf32, #tpu.memory_space<vmem_shared>>
          tpu.enqueue_indirect_dma source(%arg12 : memref<40x16xf32, #tpu.memory_space<vmem>>) target(%dma_start3A_461 : memref<10000x16xf32, #tpu.memory_space<vmem_shared>>) offsets(%arg10 : memref<40xi32, #tpu.memory_space<vmem>>) semaphore(%run_scoped3A : memref<!tpu.dma_semaphore, #tpu.memory_space<semaphore_mem>>) {add = true}
          %dma_wait3A_462 = arith.constant 0 : i32
          %dma_wait3A_463 = arith.constant 0 : i32
          %dma_wait3A_464 = tpu.memref_slice %arg16[%dma_wait3A_462, %dma_wait3A_463] : memref<10000x16xf32, #tpu.memory_space<vmem_shared>> -> memref<10000x16xf32, #tpu.memory_space<vmem_shared>>
          tpu.wait_indirect_dma semaphore(%run_scoped3A : memref<!tpu.dma_semaphore, #tpu.memory_space<semaphore_mem>>) src(%arg12 : memref<40x16xf32, #tpu.memory_space<vmem>>) dst(%dma_wait3A_464 : memref<10000x16xf32, #tpu.memory_space<vmem_shared>>)
          tpu.yield
        }) : () -> ()
      } else {
      }
    } else {
    }
    %barrier3A_430 = arith.constant 0 : index
    tpu.barrier barrier_id(%barrier3A_430)
    %eq3A_431 = arith.constant 0 : i32
    %eq3A_432 = arith.cmpi eq, %arg0, %eq3A_431 : i32
    %convert_element_type3A_433 = arith.extui %eq3A_432 : i1 to i32
    %cond3A_434 = arith.constant 0 : i32
    %cond3A_435 = arith.cmpi ne, %convert_element_type3A_433, %cond3A_434 : i32
    scf.if %cond3A_435 {
      %scan3A_441 = arith.constant 0 : i32
      %scan3A_442 = arith.constant 8 : i32
      %scan3A_443 = arith.addi %scan3A_441, %scan3A_442 : i32
      %scan3A_444 = arith.constant 1 : i32
      scf.for %scan3A_456 = %scan3A_441 to %scan3A_443 step %scan3A_444  : i32 {
        %mul3A_457 = arith.constant 1 : i32
        %mul3A_458 = arith.muli %scan3A_456, %mul3A_457 : i32
        %add3A_459 = arith.constant 0 : i32
        %add3A_460 = arith.addi %add3A_459, %mul3A_458 : i32
        %mul3A_461 = arith.constant 16 : i32
        %mul3A_462 = arith.muli %add3A_460, %mul3A_461 : i32
        %add3A_463 = arith.addi %arg1, %mul3A_462 : i32
        %lt3A = arith.constant 125 : i32
        %lt3A_464 = arith.cmpi slt, %add3A_463, %lt3A : i32
        %convert_element_type3A_465 = arith.extui %lt3A_464 : i1 to i32
        %cond3A_466 = arith.constant 0 : i32
        %cond3A_467 = arith.cmpi ne, %convert_element_type3A_465, %cond3A_466 : i32
        scf.if %cond3A_467 {
          %mul3A_468 = arith.constant 80 : i32
          %mul3A_469 = arith.muli %add3A_463, %mul3A_468 : i32
          %mul3A_470 = arith.constant 80 : i32
          %mul3A_471 = arith.muli %add3A_463, %mul3A_470 : i32
          %add3A_472 = arith.constant 0 : i32
          %add3A_473 = arith.addi %add3A_472, %mul3A_471 : i32
          "tpu.region"() ({
            %run_scoped3A = tpu.sem_alloc : memref<!tpu.dma_semaphore, #tpu.memory_space<semaphore_mem>>
            %dma_start3A_474 = arith.constant 0 : i32
            %dma_start3A_475 = tpu.memref_slice %arg5[%add3A_473, %dma_start3A_474] : memref<50000x16xf32, #tpu.memory_space<hbm>> -> memref<80x16xf32, #tpu.memory_space<hbm>>
            %dma_start3A_476 = arith.constant 0 : i32
            %dma_start3A_477 = tpu.memref_slice %arg14[%mul3A_469, %dma_start3A_476] : memref<10000x16xf32, #tpu.memory_space<vmem_shared>> -> memref<80x16xf32, #tpu.memory_space<vmem_shared>>
            tpu.enqueue_dma source(%dma_start3A_477 : memref<80x16xf32, #tpu.memory_space<vmem_shared>>) target(%dma_start3A_475 : memref<80x16xf32, #tpu.memory_space<hbm>>) target_semaphore(%run_scoped3A : memref<!tpu.dma_semaphore, #tpu.memory_space<semaphore_mem>>)
            %dma_wait3A_478 = arith.constant 0 : i32
            %dma_wait3A_479 = tpu.memref_slice %arg5[%add3A_473, %dma_wait3A_478] : memref<50000x16xf32, #tpu.memory_space<hbm>> -> memref<80x16xf32, #tpu.memory_space<hbm>>
            %dma_wait3A_480 = arith.constant 0 : i32
            %dma_wait3A_481 = tpu.memref_slice %arg14[%mul3A_469, %dma_wait3A_480] : memref<10000x16xf32, #tpu.memory_space<vmem_shared>> -> memref<80x16xf32, #tpu.memory_space<vmem_shared>>
            tpu.wait_dma2 semaphore(%run_scoped3A : memref<!tpu.dma_semaphore, #tpu.memory_space<semaphore_mem>>) src(%dma_wait3A_481 : memref<80x16xf32, #tpu.memory_space<vmem_shared>>) dst(%dma_wait3A_479 : memref<80x16xf32, #tpu.memory_space<hbm>>)
            tpu.yield
          }) : () -> ()
        } else {
        }
      }
      %scan3A_445 = arith.constant 8 : i32
      %scan3A_446 = arith.constant 0 : i32
      %scan3A_447 = arith.constant 8 : i32
      %scan3A_448 = arith.addi %scan3A_446, %scan3A_447 : i32
      %scan3A_449 = arith.constant 1 : i32
      scf.for %scan3A_456 = %scan3A_446 to %scan3A_448 step %scan3A_449  : i32 {
        %mul3A_457 = arith.constant 1 : i32
        %mul3A_458 = arith.muli %scan3A_456, %mul3A_457 : i32
        %add3A_459 = arith.constant 0 : i32
        %add3A_460 = arith.addi %add3A_459, %mul3A_458 : i32
        %mul3A_461 = arith.constant 16 : i32
        %mul3A_462 = arith.muli %add3A_460, %mul3A_461 : i32
        %add3A_463 = arith.addi %arg1, %mul3A_462 : i32
        %lt3A = arith.constant 125 : i32
        %lt3A_464 = arith.cmpi slt, %add3A_463, %lt3A : i32
        %convert_element_type3A_465 = arith.extui %lt3A_464 : i1 to i32
        %cond3A_466 = arith.constant 0 : i32
        %cond3A_467 = arith.cmpi ne, %convert_element_type3A_465, %cond3A_466 : i32
        scf.if %cond3A_467 {
          %mul3A_468 = arith.constant 80 : i32
          %mul3A_469 = arith.muli %add3A_463, %mul3A_468 : i32
          %mul3A_470 = arith.constant 80 : i32
          %mul3A_471 = arith.muli %add3A_463, %mul3A_470 : i32
          %add3A_472 = arith.constant 20000 : i32
          %add3A_473 = arith.addi %add3A_472, %mul3A_471 : i32
          "tpu.region"() ({
            %run_scoped3A = tpu.sem_alloc : memref<!tpu.dma_semaphore, #tpu.memory_space<semaphore_mem>>
            %dma_start3A_474 = arith.constant 0 : i32
            %dma_start3A_475 = tpu.memref_slice %arg5[%add3A_473, %dma_start3A_474] : memref<50000x16xf32, #tpu.memory_space<hbm>> -> memref<80x16xf32, #tpu.memory_space<hbm>>
            %dma_start3A_476 = arith.constant 0 : i32
            %dma_start3A_477 = tpu.memref_slice %arg15[%mul3A_469, %dma_start3A_476] : memref<10000x16xf32, #tpu.memory_space<vmem_shared>> -> memref<80x16xf32, #tpu.memory_space<vmem_shared>>
            tpu.enqueue_dma source(%dma_start3A_477 : memref<80x16xf32, #tpu.memory_space<vmem_shared>>) target(%dma_start3A_475 : memref<80x16xf32, #tpu.memory_space<hbm>>) target_semaphore(%run_scoped3A : memref<!tpu.dma_semaphore, #tpu.memory_space<semaphore_mem>>)
            %dma_wait3A_478 = arith.constant 0 : i32
            %dma_wait3A_479 = tpu.memref_slice %arg5[%add3A_473, %dma_wait3A_478] : memref<50000x16xf32, #tpu.memory_space<hbm>> -> memref<80x16xf32, #tpu.memory_space<hbm>>
            %dma_wait3A_480 = arith.constant 0 : i32
            %dma_wait3A_481 = tpu.memref_slice %arg15[%mul3A_469, %dma_wait3A_480] : memref<10000x16xf32, #tpu.memory_space<vmem_shared>> -> memref<80x16xf32, #tpu.memory_space<vmem_shared>>
            tpu.wait_dma2 semaphore(%run_scoped3A : memref<!tpu.dma_semaphore, #tpu.memory_space<semaphore_mem>>) src(%dma_wait3A_481 : memref<80x16xf32, #tpu.memory_space<vmem_shared>>) dst(%dma_wait3A_479 : memref<80x16xf32, #tpu.memory_space<hbm>>)
            tpu.yield
          }) : () -> ()
        } else {
        }
      }
      %scan3A_450 = arith.constant 8 : i32
      %scan3A_451 = arith.constant 0 : i32
      %scan3A_452 = arith.constant 8 : i32
      %scan3A_453 = arith.addi %scan3A_451, %scan3A_452 : i32
      %scan3A_454 = arith.constant 1 : i32
      scf.for %scan3A_456 = %scan3A_451 to %scan3A_453 step %scan3A_454  : i32 {
        %mul3A_457 = arith.constant 1 : i32
        %mul3A_458 = arith.muli %scan3A_456, %mul3A_457 : i32
        %add3A_459 = arith.constant 0 : i32
        %add3A_460 = arith.addi %add3A_459, %mul3A_458 : i32
        %mul3A_461 = arith.constant 16 : i32
        %mul3A_462 = arith.muli %add3A_460, %mul3A_461 : i32
        %add3A_463 = arith.addi %arg1, %mul3A_462 : i32
        %lt3A = arith.constant 125 : i32
        %lt3A_464 = arith.cmpi slt, %add3A_463, %lt3A : i32
        %convert_element_type3A_465 = arith.extui %lt3A_464 : i1 to i32
        %cond3A_466 = arith.constant 0 : i32
        %cond3A_467 = arith.cmpi ne, %convert_element_type3A_465, %cond3A_466 : i32
        scf.if %cond3A_467 {
          %mul3A_468 = arith.constant 80 : i32
          %mul3A_469 = arith.muli %add3A_463, %mul3A_468 : i32
          %mul3A_470 = arith.constant 80 : i32
          %mul3A_471 = arith.muli %add3A_463, %mul3A_470 : i32
          %add3A_472 = arith.constant 40000 : i32
          %add3A_473 = arith.addi %add3A_472, %mul3A_471 : i32
          "tpu.region"() ({
            %run_scoped3A = tpu.sem_alloc : memref<!tpu.dma_semaphore, #tpu.memory_space<semaphore_mem>>
            %dma_start3A_474 = arith.constant 0 : i32
            %dma_start3A_475 = tpu.memref_slice %arg5[%add3A_473, %dma_start3A_474] : memref<50000x16xf32, #tpu.memory_space<hbm>> -> memref<80x16xf32, #tpu.memory_space<hbm>>
            %dma_start3A_476 = arith.constant 0 : i32
            %dma_start3A_477 = tpu.memref_slice %arg16[%mul3A_469, %dma_start3A_476] : memref<10000x16xf32, #tpu.memory_space<vmem_shared>> -> memref<80x16xf32, #tpu.memory_space<vmem_shared>>
            tpu.enqueue_dma source(%dma_start3A_477 : memref<80x16xf32, #tpu.memory_space<vmem_shared>>) target(%dma_start3A_475 : memref<80x16xf32, #tpu.memory_space<hbm>>) target_semaphore(%run_scoped3A : memref<!tpu.dma_semaphore, #tpu.memory_space<semaphore_mem>>)
            %dma_wait3A_478 = arith.constant 0 : i32
            %dma_wait3A_479 = tpu.memref_slice %arg5[%add3A_473, %dma_wait3A_478] : memref<50000x16xf32, #tpu.memory_space<hbm>> -> memref<80x16xf32, #tpu.memory_space<hbm>>
            %dma_wait3A_480 = arith.constant 0 : i32
            %dma_wait3A_481 = tpu.memref_slice %arg16[%mul3A_469, %dma_wait3A_480] : memref<10000x16xf32, #tpu.memory_space<vmem_shared>> -> memref<80x16xf32, #tpu.memory_space<vmem_shared>>
            tpu.wait_dma2 semaphore(%run_scoped3A : memref<!tpu.dma_semaphore, #tpu.memory_space<semaphore_mem>>) src(%dma_wait3A_481 : memref<80x16xf32, #tpu.memory_space<vmem_shared>>) dst(%dma_wait3A_479 : memref<80x16xf32, #tpu.memory_space<hbm>>)
            tpu.yield
          }) : () -> ()
        } else {
        }
      }
      %scan3A_455 = arith.constant 8 : i32
    } else {
    }
    %eq3A_436 = arith.constant 1 : i32
    %eq3A_437 = arith.cmpi eq, %arg0, %eq3A_436 : i32
    %convert_element_type3A_438 = arith.extui %eq3A_437 : i1 to i32
    %cond3A_439 = arith.constant 0 : i32
    %cond3A_440 = arith.cmpi ne, %convert_element_type3A_438, %cond3A_439 : i32
    scf.if %cond3A_440 {
      %scan3A_441 = arith.constant 0 : i32
      %scan3A_442 = arith.constant 8 : i32
      %scan3A_443 = arith.addi %scan3A_441, %scan3A_442 : i32
      %scan3A_444 = arith.constant 1 : i32
      scf.for %scan3A_451 = %scan3A_441 to %scan3A_443 step %scan3A_444  : i32 {
        %mul3A_452 = arith.constant 1 : i32
        %mul3A_453 = arith.muli %scan3A_451, %mul3A_452 : i32
        %add3A_454 = arith.constant 0 : i32
        %add3A_455 = arith.addi %add3A_454, %mul3A_453 : i32
        %mul3A_456 = arith.constant 16 : i32
        %mul3A_457 = arith.muli %add3A_455, %mul3A_456 : i32
        %add3A_458 = arith.addi %arg1, %mul3A_457 : i32
        %lt3A = arith.constant 125 : i32
        %lt3A_459 = arith.cmpi slt, %add3A_458, %lt3A : i32
        %convert_element_type3A_460 = arith.extui %lt3A_459 : i1 to i32
        %cond3A_461 = arith.constant 0 : i32
        %cond3A_462 = arith.cmpi ne, %convert_element_type3A_460, %cond3A_461 : i32
        scf.if %cond3A_462 {
          %mul3A_463 = arith.constant 80 : i32
          %mul3A_464 = arith.muli %add3A_458, %mul3A_463 : i32
          %mul3A_465 = arith.constant 80 : i32
          %mul3A_466 = arith.muli %add3A_458, %mul3A_465 : i32
          %add3A_467 = arith.constant 10000 : i32
          %add3A_468 = arith.addi %add3A_467, %mul3A_466 : i32
          "tpu.region"() ({
            %run_scoped3A = tpu.sem_alloc : memref<!tpu.dma_semaphore, #tpu.memory_space<semaphore_mem>>
            %dma_start3A_469 = arith.constant 0 : i32
            %dma_start3A_470 = tpu.memref_slice %arg5[%add3A_468, %dma_start3A_469] : memref<50000x16xf32, #tpu.memory_space<hbm>> -> memref<80x16xf32, #tpu.memory_space<hbm>>
            %dma_start3A_471 = arith.constant 0 : i32
            %dma_start3A_472 = tpu.memref_slice %arg14[%mul3A_464, %dma_start3A_471] : memref<10000x16xf32, #tpu.memory_space<vmem_shared>> -> memref<80x16xf32, #tpu.memory_space<vmem_shared>>
            tpu.enqueue_dma source(%dma_start3A_472 : memref<80x16xf32, #tpu.memory_space<vmem_shared>>) target(%dma_start3A_470 : memref<80x16xf32, #tpu.memory_space<hbm>>) target_semaphore(%run_scoped3A : memref<!tpu.dma_semaphore, #tpu.memory_space<semaphore_mem>>)
            %dma_wait3A_473 = arith.constant 0 : i32
            %dma_wait3A_474 = tpu.memref_slice %arg5[%add3A_468, %dma_wait3A_473] : memref<50000x16xf32, #tpu.memory_space<hbm>> -> memref<80x16xf32, #tpu.memory_space<hbm>>
            %dma_wait3A_475 = arith.constant 0 : i32
            %dma_wait3A_476 = tpu.memref_slice %arg14[%mul3A_464, %dma_wait3A_475] : memref<10000x16xf32, #tpu.memory_space<vmem_shared>> -> memref<80x16xf32, #tpu.memory_space<vmem_shared>>
            tpu.wait_dma2 semaphore(%run_scoped3A : memref<!tpu.dma_semaphore, #tpu.memory_space<semaphore_mem>>) src(%dma_wait3A_476 : memref<80x16xf32, #tpu.memory_space<vmem_shared>>) dst(%dma_wait3A_474 : memref<80x16xf32, #tpu.memory_space<hbm>>)
            tpu.yield
          }) : () -> ()
        } else {
        }
      }
      %scan3A_445 = arith.constant 8 : i32
      %scan3A_446 = arith.constant 0 : i32
      %scan3A_447 = arith.constant 8 : i32
      %scan3A_448 = arith.addi %scan3A_446, %scan3A_447 : i32
      %scan3A_449 = arith.constant 1 : i32
      scf.for %scan3A_451 = %scan3A_446 to %scan3A_448 step %scan3A_449  : i32 {
        %mul3A_452 = arith.constant 1 : i32
        %mul3A_453 = arith.muli %scan3A_451, %mul3A_452 : i32
        %add3A_454 = arith.constant 0 : i32
        %add3A_455 = arith.addi %add3A_454, %mul3A_453 : i32
        %mul3A_456 = arith.constant 16 : i32
        %mul3A_457 = arith.muli %add3A_455, %mul3A_456 : i32
        %add3A_458 = arith.addi %arg1, %mul3A_457 : i32
        %lt3A = arith.constant 125 : i32
        %lt3A_459 = arith.cmpi slt, %add3A_458, %lt3A : i32
        %convert_element_type3A_460 = arith.extui %lt3A_459 : i1 to i32
        %cond3A_461 = arith.constant 0 : i32
        %cond3A_462 = arith.cmpi ne, %convert_element_type3A_460, %cond3A_461 : i32
        scf.if %cond3A_462 {
          %mul3A_463 = arith.constant 80 : i32
          %mul3A_464 = arith.muli %add3A_458, %mul3A_463 : i32
          %mul3A_465 = arith.constant 80 : i32
          %mul3A_466 = arith.muli %add3A_458, %mul3A_465 : i32
          %add3A_467 = arith.constant 30000 : i32
          %add3A_468 = arith.addi %add3A_467, %mul3A_466 : i32
          "tpu.region"() ({
            %run_scoped3A = tpu.sem_alloc : memref<!tpu.dma_semaphore, #tpu.memory_space<semaphore_mem>>
            %dma_start3A_469 = arith.constant 0 : i32
            %dma_start3A_470 = tpu.memref_slice %arg5[%add3A_468, %dma_start3A_469] : memref<50000x16xf32, #tpu.memory_space<hbm>> -> memref<80x16xf32, #tpu.memory_space<hbm>>
            %dma_start3A_471 = arith.constant 0 : i32
            %dma_start3A_472 = tpu.memref_slice %arg15[%mul3A_464, %dma_start3A_471] : memref<10000x16xf32, #tpu.memory_space<vmem_shared>> -> memref<80x16xf32, #tpu.memory_space<vmem_shared>>
            tpu.enqueue_dma source(%dma_start3A_472 : memref<80x16xf32, #tpu.memory_space<vmem_shared>>) target(%dma_start3A_470 : memref<80x16xf32, #tpu.memory_space<hbm>>) target_semaphore(%run_scoped3A : memref<!tpu.dma_semaphore, #tpu.memory_space<semaphore_mem>>)
            %dma_wait3A_473 = arith.constant 0 : i32
            %dma_wait3A_474 = tpu.memref_slice %arg5[%add3A_468, %dma_wait3A_473] : memref<50000x16xf32, #tpu.memory_space<hbm>> -> memref<80x16xf32, #tpu.memory_space<hbm>>
            %dma_wait3A_475 = arith.constant 0 : i32
            %dma_wait3A_476 = tpu.memref_slice %arg15[%mul3A_464, %dma_wait3A_475] : memref<10000x16xf32, #tpu.memory_space<vmem_shared>> -> memref<80x16xf32, #tpu.memory_space<vmem_shared>>
            tpu.wait_dma2 semaphore(%run_scoped3A : memref<!tpu.dma_semaphore, #tpu.memory_space<semaphore_mem>>) src(%dma_wait3A_476 : memref<80x16xf32, #tpu.memory_space<vmem_shared>>) dst(%dma_wait3A_474 : memref<80x16xf32, #tpu.memory_space<hbm>>)
            tpu.yield
          }) : () -> ()
        } else {
        }
      }
      %scan3A_450 = arith.constant 8 : i32
    } else {
    }
    return
  }
}

#map = affine_map<(d0, d1) -> (0, 0)>
module attributes {stable_mosaic.version = 14 : i64} {
  func.func @_sc_agg_body(%arg0: i32, %arg1: i32, %arg2: memref<10000x16xf32, #tpu.memory_space<hbm>>, %arg3: memref<2x320000xi32, #tpu.memory_space<hbm>>, %arg4: memref<20000x16xf32, #tpu.memory_space<hbm>>, %arg5: memref<4x2x128xi32, #tpu.memory_space<vmem>>, %arg6: memref<2x16xi32, #tpu.memory_space<vmem>>, %arg7: memref<4x128x16xf32, #tpu.memory_space<vmem>>, %arg8: memref<16x16xf32, #tpu.memory_space<vmem>>, %arg9: memref<80x16xf32, #tpu.memory_space<vmem>>, %arg10: memref<10000x16xf32, #tpu.memory_space<vmem_shared>>, %arg11: memref<4x!tpu.dma_semaphore, #tpu.memory_space<semaphore_mem>>, %arg12: memref<4x!tpu.dma_semaphore, #tpu.memory_space<semaphore_mem>>, %arg13: memref<4x!tpu.dma_semaphore, #tpu.memory_space<semaphore_mem>>) attributes {dimension_semantics = [#tpu.dimension_semantics<core_parallel>, #tpu.dimension_semantics<subcore_parallel>], iteration_bounds = array<i64: 2, 16>, scalar_prefetch = 0 : i64, scratch_operands = 9 : i64, tpu.core_type = #tpu.core_type<sc_vector_subcore>, window_params = [{transform_indices = #map}, {transform_indices = #map}, {transform_indices = #map}]} {
    %mul3A = arith.constant 16 : i32
    %mul3A_0 = arith.muli %arg0, %mul3A : i32
    %add3A = arith.addi %mul3A_0, %arg1 : i32
    %mul3A_1 = arith.constant 10000 : i32
    %mul3A_2 = arith.muli %add3A, %mul3A_1 : i32
    %broadcast_in_dim3A = arith.constant 0.000000e+00 : f32
    %broadcast_in_dim3A_3 = vector.broadcast %broadcast_in_dim3A : f32 to vector<16xf32>
    %scan3A = arith.constant 0 : i32
    %scan3A_4 = arith.constant 80 : i32
    %scan3A_5 = arith.addi %scan3A, %scan3A_4 : i32
    %scan3A_6 = arith.constant 1 : i32
    scf.for %scan3A_338 = %scan3A to %scan3A_5 step %scan3A_6  : i32 {
      %mul3A_339 = arith.constant 1 : i32
      %mul3A_340 = arith.muli %scan3A_338, %mul3A_339 : i32
      %add3A_341 = arith.constant 0 : i32
      %add3A_342 = arith.addi %add3A_341, %mul3A_340 : i32
      %swap3A = arith.index_cast %add3A_342 : i32 to index
      %swap3A_343 = arith.constant 0 : index
      %swap3A_344 = tpu.vector_load %arg9[%swap3A, %swap3A_343] {strides = array<i32>} : memref<80x16xf32, #tpu.memory_space<vmem>>, vector<1x16xf32>,
      %swap3A_345 = vector.shape_cast %swap3A_344 : vector<1x16xf32> to vector<16xf32>
      %swap3A_346 = vector.shape_cast %broadcast_in_dim3A_3 : vector<16xf32> to vector<1x16xf32>
      tpu.vector_store %arg9[%swap3A, %swap3A_343], %swap3A_346 {strides = array<i32>} : memref<80x16xf32, #tpu.memory_space<vmem>>, vector<1x16xf32>,
    }
    %scan3A_7 = arith.constant 80 : i32
    %scan3A_8 = arith.constant 0 : i32
    %scan3A_9 = arith.constant 8 : i32
    %scan3A_10 = arith.addi %scan3A_8, %scan3A_9 : i32
    %scan3A_11 = arith.constant 1 : i32
    scf.for %scan3A_338 = %scan3A_8 to %scan3A_10 step %scan3A_11  : i32 {
      %mul3A_339 = arith.constant 1 : i32
      %mul3A_340 = arith.muli %scan3A_338, %mul3A_339 : i32
      %add3A_341 = arith.constant 0 : i32
      %add3A_342 = arith.addi %add3A_341, %mul3A_340 : i32
      %mul3A_343 = arith.constant 16 : i32
      %mul3A_344 = arith.muli %add3A_342, %mul3A_343 : i32
      %add3A_345 = arith.addi %arg1, %mul3A_344 : i32
      %lt3A = arith.constant 125 : i32
      %lt3A_346 = arith.cmpi slt, %add3A_345, %lt3A : i32
      %convert_element_type3A_347 = arith.extui %lt3A_346 : i1 to i32
      %cond3A_348 = arith.constant 0 : i32
      %cond3A_349 = arith.cmpi ne, %convert_element_type3A_347, %cond3A_348 : i32
      scf.if %cond3A_349 {
        %mul3A_350 = arith.constant 80 : i32
        %mul3A_351 = arith.muli %add3A_345, %mul3A_350 : i32
        "tpu.region"() ({
          %run_scoped3A = tpu.sem_alloc : memref<!tpu.dma_semaphore, #tpu.memory_space<semaphore_mem>>
          %dma_start3A_352 = arith.constant 0 : i32
          %dma_start3A_353 = tpu.memref_slice %arg10[%mul3A_351, %dma_start3A_352] : memref<10000x16xf32, #tpu.memory_space<vmem_shared>> -> memref<80x16xf32, #tpu.memory_space<vmem_shared>>
          %dma_start3A_354 = arith.constant 0 : i32
          %dma_start3A_355 = tpu.memref_slice %arg10[%mul3A_351, %dma_start3A_354] : memref<10000x16xf32, #tpu.memory_space<vmem_shared>> -> memref<80x16xf32, #tpu.memory_space<vmem_shared>>
          tpu.enqueue_dma source(%arg9 : memref<80x16xf32, #tpu.memory_space<vmem>>) target(%dma_start3A_355 : memref<80x16xf32, #tpu.memory_space<vmem_shared>>) target_semaphore(%run_scoped3A : memref<!tpu.dma_semaphore, #tpu.memory_space<semaphore_mem>>)
          %dma_wait3A_356 = arith.constant 0 : i32
          %dma_wait3A_357 = tpu.memref_slice %arg10[%mul3A_351, %dma_wait3A_356] : memref<10000x16xf32, #tpu.memory_space<vmem_shared>> -> memref<80x16xf32, #tpu.memory_space<vmem_shared>>
          %dma_wait3A_358 = arith.constant 0 : i32
          %dma_wait3A_359 = tpu.memref_slice %arg10[%mul3A_351, %dma_wait3A_358] : memref<10000x16xf32, #tpu.memory_space<vmem_shared>> -> memref<80x16xf32, #tpu.memory_space<vmem_shared>>
          tpu.wait_dma2 semaphore(%run_scoped3A : memref<!tpu.dma_semaphore, #tpu.memory_space<semaphore_mem>>) src(%arg9 : memref<80x16xf32, #tpu.memory_space<vmem>>) dst(%dma_wait3A_359 : memref<80x16xf32, #tpu.memory_space<vmem_shared>>)
          tpu.yield
        }) : () -> ()
      } else {
      }
    }
    %scan3A_12 = arith.constant 8 : i32
    %barrier3A = arith.constant 0 : index
    tpu.barrier barrier_id(%barrier3A)
    %add3A_13 = arith.constant 0 : i32
    %add3A_14 = arith.addi %mul3A_2, %add3A_13 : i32
    %dma_start3A = arith.constant 0 : i32
    %dma_start3A_15 = arith.constant 0 : i32
    %dma_start3A_16 = arith.constant 0 : i32
    %dma_start3A_17 = arith.constant 0 : i32
    %dma_start3A_18 = tpu.memref_slice %arg5[%dma_start3A, %dma_start3A_16, %dma_start3A_17] : memref<4x2x128xi32, #tpu.memory_space<vmem>> -> memref<1x2x128xi32, #tpu.memory_space<vmem>>
    %dma_start3A_19 = tpu.memref_squeeze %dma_start3A_18 : memref<1x2x128xi32, #tpu.memory_space<vmem>> -> memref<2x128xi32, #tpu.memory_space<vmem>>
    %dma_start3A_20 = arith.constant 0 : i32
    %dma_start3A_21 = tpu.memref_slice %arg3[%dma_start3A_20, %add3A_14] : memref<2x320000xi32, #tpu.memory_space<hbm>> -> memref<2x128xi32, #tpu.memory_space<hbm>>
    %dma_start3A_22 = tpu.memref_slice %arg11[%dma_start3A_15] : memref<4x!tpu.dma_semaphore, #tpu.memory_space<semaphore_mem>> -> memref<1x!tpu.dma_semaphore, #tpu.memory_space<semaphore_mem>>
    %dma_start3A_23 = tpu.memref_squeeze %dma_start3A_22 : memref<1x!tpu.dma_semaphore, #tpu.memory_space<semaphore_mem>> -> memref<!tpu.dma_semaphore, #tpu.memory_space<semaphore_mem>>
    %dma_start3A_24 = arith.constant 0 : i32
    %dma_start3A_25 = arith.constant 0 : i32
    %dma_start3A_26 = tpu.memref_slice %arg5[%dma_start3A, %dma_start3A_24, %dma_start3A_25] : memref<4x2x128xi32, #tpu.memory_space<vmem>> -> memref<1x2x128xi32, #tpu.memory_space<vmem>>
    %dma_start3A_27 = tpu.memref_squeeze %dma_start3A_26 : memref<1x2x128xi32, #tpu.memory_space<vmem>> -> memref<2x128xi32, #tpu.memory_space<vmem>>
    %dma_start3A_28 = arith.constant 0 : i32
    %dma_start3A_29 = tpu.memref_slice %arg3[%dma_start3A_28, %add3A_14] : memref<2x320000xi32, #tpu.memory_space<hbm>> -> memref<2x128xi32, #tpu.memory_space<hbm>>
    tpu.enqueue_dma source(%dma_start3A_29 : memref<2x128xi32, #tpu.memory_space<hbm>>) target(%dma_start3A_27 : memref<2x128xi32, #tpu.memory_space<vmem>>) target_semaphore(%dma_start3A_23 : memref<!tpu.dma_semaphore, #tpu.memory_space<semaphore_mem>>)
    %add3A_30 = arith.constant 128 : i32
    %add3A_31 = arith.addi %mul3A_2, %add3A_30 : i32
    %dma_start3A_32 = arith.constant 1 : i32
    %dma_start3A_33 = arith.constant 1 : i32
    %dma_start3A_34 = arith.constant 0 : i32
    %dma_start3A_35 = arith.constant 0 : i32
    %dma_start3A_36 = tpu.memref_slice %arg5[%dma_start3A_32, %dma_start3A_34, %dma_start3A_35] : memref<4x2x128xi32, #tpu.memory_space<vmem>> -> memref<1x2x128xi32, #tpu.memory_space<vmem>>
    %dma_start3A_37 = tpu.memref_squeeze %dma_start3A_36 : memref<1x2x128xi32, #tpu.memory_space<vmem>> -> memref<2x128xi32, #tpu.memory_space<vmem>>
    %dma_start3A_38 = arith.constant 0 : i32
    %dma_start3A_39 = tpu.memref_slice %arg3[%dma_start3A_38, %add3A_31] : memref<2x320000xi32, #tpu.memory_space<hbm>> -> memref<2x128xi32, #tpu.memory_space<hbm>>
    %dma_start3A_40 = tpu.memref_slice %arg11[%dma_start3A_33] : memref<4x!tpu.dma_semaphore, #tpu.memory_space<semaphore_mem>> -> memref<1x!tpu.dma_semaphore, #tpu.memory_space<semaphore_mem>>
    %dma_start3A_41 = tpu.memref_squeeze %dma_start3A_40 : memref<1x!tpu.dma_semaphore, #tpu.memory_space<semaphore_mem>> -> memref<!tpu.dma_semaphore, #tpu.memory_space<semaphore_mem>>
    %dma_start3A_42 = arith.constant 0 : i32
    %dma_start3A_43 = arith.constant 0 : i32
    %dma_start3A_44 = tpu.memref_slice %arg5[%dma_start3A_32, %dma_start3A_42, %dma_start3A_43] : memref<4x2x128xi32, #tpu.memory_space<vmem>> -> memref<1x2x128xi32, #tpu.memory_space<vmem>>
    %dma_start3A_45 = tpu.memref_squeeze %dma_start3A_44 : memref<1x2x128xi32, #tpu.memory_space<vmem>> -> memref<2x128xi32, #tpu.memory_space<vmem>>
    %dma_start3A_46 = arith.constant 0 : i32
    %dma_start3A_47 = tpu.memref_slice %arg3[%dma_start3A_46, %add3A_31] : memref<2x320000xi32, #tpu.memory_space<hbm>> -> memref<2x128xi32, #tpu.memory_space<hbm>>
    tpu.enqueue_dma source(%dma_start3A_47 : memref<2x128xi32, #tpu.memory_space<hbm>>) target(%dma_start3A_45 : memref<2x128xi32, #tpu.memory_space<vmem>>) target_semaphore(%dma_start3A_41 : memref<!tpu.dma_semaphore, #tpu.memory_space<semaphore_mem>>)
    %add3A_48 = arith.constant 256 : i32
    %add3A_49 = arith.addi %mul3A_2, %add3A_48 : i32
    %dma_start3A_50 = arith.constant 2 : i32
    %dma_start3A_51 = arith.constant 2 : i32
    %dma_start3A_52 = arith.constant 0 : i32
    %dma_start3A_53 = arith.constant 0 : i32
    %dma_start3A_54 = tpu.memref_slice %arg5[%dma_start3A_50, %dma_start3A_52, %dma_start3A_53] : memref<4x2x128xi32, #tpu.memory_space<vmem>> -> memref<1x2x128xi32, #tpu.memory_space<vmem>>
    %dma_start3A_55 = tpu.memref_squeeze %dma_start3A_54 : memref<1x2x128xi32, #tpu.memory_space<vmem>> -> memref<2x128xi32, #tpu.memory_space<vmem>>
    %dma_start3A_56 = arith.constant 0 : i32
    %dma_start3A_57 = tpu.memref_slice %arg3[%dma_start3A_56, %add3A_49] : memref<2x320000xi32, #tpu.memory_space<hbm>> -> memref<2x128xi32, #tpu.memory_space<hbm>>
    %dma_start3A_58 = tpu.memref_slice %arg11[%dma_start3A_51] : memref<4x!tpu.dma_semaphore, #tpu.memory_space<semaphore_mem>> -> memref<1x!tpu.dma_semaphore, #tpu.memory_space<semaphore_mem>>
    %dma_start3A_59 = tpu.memref_squeeze %dma_start3A_58 : memref<1x!tpu.dma_semaphore, #tpu.memory_space<semaphore_mem>> -> memref<!tpu.dma_semaphore, #tpu.memory_space<semaphore_mem>>
    %dma_start3A_60 = arith.constant 0 : i32
    %dma_start3A_61 = arith.constant 0 : i32
    %dma_start3A_62 = tpu.memref_slice %arg5[%dma_start3A_50, %dma_start3A_60, %dma_start3A_61] : memref<4x2x128xi32, #tpu.memory_space<vmem>> -> memref<1x2x128xi32, #tpu.memory_space<vmem>>
    %dma_start3A_63 = tpu.memref_squeeze %dma_start3A_62 : memref<1x2x128xi32, #tpu.memory_space<vmem>> -> memref<2x128xi32, #tpu.memory_space<vmem>>
    %dma_start3A_64 = arith.constant 0 : i32
    %dma_start3A_65 = tpu.memref_slice %arg3[%dma_start3A_64, %add3A_49] : memref<2x320000xi32, #tpu.memory_space<hbm>> -> memref<2x128xi32, #tpu.memory_space<hbm>>
    tpu.enqueue_dma source(%dma_start3A_65 : memref<2x128xi32, #tpu.memory_space<hbm>>) target(%dma_start3A_63 : memref<2x128xi32, #tpu.memory_space<vmem>>) target_semaphore(%dma_start3A_59 : memref<!tpu.dma_semaphore, #tpu.memory_space<semaphore_mem>>)
    %add3A_66 = arith.constant 384 : i32
    %add3A_67 = arith.addi %mul3A_2, %add3A_66 : i32
    %dma_start3A_68 = arith.constant 3 : i32
    %dma_start3A_69 = arith.constant 3 : i32
    %dma_start3A_70 = arith.constant 0 : i32
    %dma_start3A_71 = arith.constant 0 : i32
    %dma_start3A_72 = tpu.memref_slice %arg5[%dma_start3A_68, %dma_start3A_70, %dma_start3A_71] : memref<4x2x128xi32, #tpu.memory_space<vmem>> -> memref<1x2x128xi32, #tpu.memory_space<vmem>>
    %dma_start3A_73 = tpu.memref_squeeze %dma_start3A_72 : memref<1x2x128xi32, #tpu.memory_space<vmem>> -> memref<2x128xi32, #tpu.memory_space<vmem>>
    %dma_start3A_74 = arith.constant 0 : i32
    %dma_start3A_75 = tpu.memref_slice %arg3[%dma_start3A_74, %add3A_67] : memref<2x320000xi32, #tpu.memory_space<hbm>> -> memref<2x128xi32, #tpu.memory_space<hbm>>
    %dma_start3A_76 = tpu.memref_slice %arg11[%dma_start3A_69] : memref<4x!tpu.dma_semaphore, #tpu.memory_space<semaphore_mem>> -> memref<1x!tpu.dma_semaphore, #tpu.memory_space<semaphore_mem>>
    %dma_start3A_77 = tpu.memref_squeeze %dma_start3A_76 : memref<1x!tpu.dma_semaphore, #tpu.memory_space<semaphore_mem>> -> memref<!tpu.dma_semaphore, #tpu.memory_space<semaphore_mem>>
    %dma_start3A_78 = arith.constant 0 : i32
    %dma_start3A_79 = arith.constant 0 : i32
    %dma_start3A_80 = tpu.memref_slice %arg5[%dma_start3A_68, %dma_start3A_78, %dma_start3A_79] : memref<4x2x128xi32, #tpu.memory_space<vmem>> -> memref<1x2x128xi32, #tpu.memory_space<vmem>>
    %dma_start3A_81 = tpu.memref_squeeze %dma_start3A_80 : memref<1x2x128xi32, #tpu.memory_space<vmem>> -> memref<2x128xi32, #tpu.memory_space<vmem>>
    %dma_start3A_82 = arith.constant 0 : i32
    %dma_start3A_83 = tpu.memref_slice %arg3[%dma_start3A_82, %add3A_67] : memref<2x320000xi32, #tpu.memory_space<hbm>> -> memref<2x128xi32, #tpu.memory_space<hbm>>
    tpu.enqueue_dma source(%dma_start3A_83 : memref<2x128xi32, #tpu.memory_space<hbm>>) target(%dma_start3A_81 : memref<2x128xi32, #tpu.memory_space<vmem>>) target_semaphore(%dma_start3A_77 : memref<!tpu.dma_semaphore, #tpu.memory_space<semaphore_mem>>)
    %scan3A_84 = arith.constant 0 : i32
    %scan3A_85 = arith.constant 19 : i32
    %scan3A_86 = arith.addi %scan3A_84, %scan3A_85 : i32
    %scan3A_87 = arith.constant 1 : i32
    scf.for %scan3A_338 = %scan3A_84 to %scan3A_86 step %scan3A_87  : i32 {
      %mul3A_339 = arith.constant 1 : i32
      %mul3A_340 = arith.muli %scan3A_338, %mul3A_339 : i32
      %add3A_341 = arith.constant 0 : i32
      %add3A_342 = arith.addi %add3A_341, %mul3A_340 : i32
      %mul3A_343 = arith.constant 4 : i32
      %mul3A_344 = arith.muli %add3A_342, %mul3A_343 : i32
      %add3A_345 = arith.constant 0 : i32
      %add3A_346 = arith.addi %mul3A_344, %add3A_345 : i32
      %mul3A_347 = arith.constant 128 : i32
      %mul3A_348 = arith.muli %add3A_346, %mul3A_347 : i32
      %add3A_349 = arith.addi %mul3A_2, %mul3A_348 : i32
      %dma_wait3A_350 = arith.constant 0 : i32
      %dma_wait3A_351 = arith.constant 0 : i32
      %dma_wait3A_352 = arith.constant 0 : i32
      %dma_wait3A_353 = arith.constant 0 : i32
      %dma_wait3A_354 = tpu.memref_slice %arg5[%dma_wait3A_350, %dma_wait3A_352, %dma_wait3A_353] : memref<4x2x128xi32, #tpu.memory_space<vmem>> -> memref<1x2x128xi32, #tpu.memory_space<vmem>>
      %dma_wait3A_355 = tpu.memref_squeeze %dma_wait3A_354 : memref<1x2x128xi32, #tpu.memory_space<vmem>> -> memref<2x128xi32, #tpu.memory_space<vmem>>
      %dma_wait3A_356 = arith.constant 0 : i32
      %dma_wait3A_357 = tpu.memref_slice %arg3[%dma_wait3A_356, %add3A_349] : memref<2x320000xi32, #tpu.memory_space<hbm>> -> memref<2x128xi32, #tpu.memory_space<hbm>>
      %dma_wait3A_358 = tpu.memref_slice %arg11[%dma_wait3A_351] : memref<4x!tpu.dma_semaphore, #tpu.memory_space<semaphore_mem>> -> memref<1x!tpu.dma_semaphore, #tpu.memory_space<semaphore_mem>>
      %dma_wait3A_359 = tpu.memref_squeeze %dma_wait3A_358 : memref<1x!tpu.dma_semaphore, #tpu.memory_space<semaphore_mem>> -> memref<!tpu.dma_semaphore, #tpu.memory_space<semaphore_mem>>
      %dma_wait3A_360 = arith.constant 0 : i32
      %dma_wait3A_361 = arith.constant 0 : i32
      %dma_wait3A_362 = tpu.memref_slice %arg5[%dma_wait3A_350, %dma_wait3A_360, %dma_wait3A_361] : memref<4x2x128xi32, #tpu.memory_space<vmem>> -> memref<1x2x128xi32, #tpu.memory_space<vmem>>
      %dma_wait3A_363 = tpu.memref_squeeze %dma_wait3A_362 : memref<1x2x128xi32, #tpu.memory_space<vmem>> -> memref<2x128xi32, #tpu.memory_space<vmem>>
      %dma_wait3A_364 = arith.constant 0 : i32
      %dma_wait3A_365 = tpu.memref_slice %arg3[%dma_wait3A_364, %add3A_349] : memref<2x320000xi32, #tpu.memory_space<hbm>> -> memref<2x128xi32, #tpu.memory_space<hbm>>
      tpu.wait_dma2 semaphore(%dma_wait3A_359 : memref<!tpu.dma_semaphore, #tpu.memory_space<semaphore_mem>>) src(%dma_wait3A_365 : memref<2x128xi32, #tpu.memory_space<hbm>>) dst(%dma_wait3A_363 : memref<2x128xi32, #tpu.memory_space<vmem>>)
      %dma_start3A_366 = arith.constant 0 : i32
      %dma_start3A_367 = arith.constant 0 : i32
      %dma_start3A_368 = arith.constant 0 : i32
      %dma_start3A_369 = arith.constant 0 : i32
      %dma_start3A_370 = arith.constant 0 : i32
      %dma_start3A_371 = arith.constant 0 : i32
      %dma_start3A_372 = tpu.memref_slice %arg7[%dma_start3A_368, %dma_start3A_370, %dma_start3A_371] : memref<4x128x16xf32, #tpu.memory_space<vmem>> -> memref<1x128x16xf32, #tpu.memory_space<vmem>>
      %dma_start3A_373 = tpu.memref_squeeze %dma_start3A_372 : memref<1x128x16xf32, #tpu.memory_space<vmem>> -> memref<128x16xf32, #tpu.memory_space<vmem>>
      %dma_start3A_374 = arith.constant 0 : i32
      %dma_start3A_375 = tpu.memref_slice %arg5[%dma_start3A_366, %dma_start3A_367, %dma_start3A_374] : memref<4x2x128xi32, #tpu.memory_space<vmem>> -> memref<1x1x128xi32, #tpu.memory_space<vmem>>
      %dma_start3A_376 = tpu.memref_squeeze %dma_start3A_375 : memref<1x1x128xi32, #tpu.memory_space<vmem>> -> memref<128xi32, #tpu.memory_space<vmem>>
      %dma_start3A_377 = arith.constant 0 : i32
      %dma_start3A_378 = arith.constant 0 : i32
      %dma_start3A_379 = tpu.memref_slice %arg2[%dma_start3A_377, %dma_start3A_378] : memref<10000x16xf32, #tpu.memory_space<hbm>> -> memref<10000x16xf32, #tpu.memory_space<hbm>>
      %dma_start3A_380 = tpu.memref_slice %arg12[%dma_start3A_369] : memref<4x!tpu.dma_semaphore, #tpu.memory_space<semaphore_mem>> -> memref<1x!tpu.dma_semaphore, #tpu.memory_space<semaphore_mem>>
      %dma_start3A_381 = tpu.memref_squeeze %dma_start3A_380 : memref<1x!tpu.dma_semaphore, #tpu.memory_space<semaphore_mem>> -> memref<!tpu.dma_semaphore, #tpu.memory_space<semaphore_mem>>
      tpu.enqueue_indirect_dma source(%dma_start3A_379 : memref<10000x16xf32, #tpu.memory_space<hbm>>) target(%dma_start3A_373 : memref<128x16xf32, #tpu.memory_space<vmem>>) offsets(%dma_start3A_376 : memref<128xi32, #tpu.memory_space<vmem>>) semaphore(%dma_start3A_381 : memref<!tpu.dma_semaphore, #tpu.memory_space<semaphore_mem>>)
      %add3A_382 = arith.constant 1 : i32
      %add3A_383 = arith.addi %mul3A_344, %add3A_382 : i32
      %mul3A_384 = arith.constant 128 : i32
      %mul3A_385 = arith.muli %add3A_383, %mul3A_384 : i32
      %add3A_386 = arith.addi %mul3A_2, %mul3A_385 : i32
      %dma_wait3A_387 = arith.constant 1 : i32
      %dma_wait3A_388 = arith.constant 1 : i32
      %dma_wait3A_389 = arith.constant 0 : i32
      %dma_wait3A_390 = arith.constant 0 : i32
      %dma_wait3A_391 = tpu.memref_slice %arg5[%dma_wait3A_387, %dma_wait3A_389, %dma_wait3A_390] : memref<4x2x128xi32, #tpu.memory_space<vmem>> -> memref<1x2x128xi32, #tpu.memory_space<vmem>>
      %dma_wait3A_392 = tpu.memref_squeeze %dma_wait3A_391 : memref<1x2x128xi32, #tpu.memory_space<vmem>> -> memref<2x128xi32, #tpu.memory_space<vmem>>
      %dma_wait3A_393 = arith.constant 0 : i32
      %dma_wait3A_394 = tpu.memref_slice %arg3[%dma_wait3A_393, %add3A_386] : memref<2x320000xi32, #tpu.memory_space<hbm>> -> memref<2x128xi32, #tpu.memory_space<hbm>>
      %dma_wait3A_395 = tpu.memref_slice %arg11[%dma_wait3A_388] : memref<4x!tpu.dma_semaphore, #tpu.memory_space<semaphore_mem>> -> memref<1x!tpu.dma_semaphore, #tpu.memory_space<semaphore_mem>>
      %dma_wait3A_396 = tpu.memref_squeeze %dma_wait3A_395 : memref<1x!tpu.dma_semaphore, #tpu.memory_space<semaphore_mem>> -> memref<!tpu.dma_semaphore, #tpu.memory_space<semaphore_mem>>
      %dma_wait3A_397 = arith.constant 0 : i32
      %dma_wait3A_398 = arith.constant 0 : i32
      %dma_wait3A_399 = tpu.memref_slice %arg5[%dma_wait3A_387, %dma_wait3A_397, %dma_wait3A_398] : memref<4x2x128xi32, #tpu.memory_space<vmem>> -> memref<1x2x128xi32, #tpu.memory_space<vmem>>
      %dma_wait3A_400 = tpu.memref_squeeze %dma_wait3A_399 : memref<1x2x128xi32, #tpu.memory_space<vmem>> -> memref<2x128xi32, #tpu.memory_space<vmem>>
      %dma_wait3A_401 = arith.constant 0 : i32
      %dma_wait3A_402 = tpu.memref_slice %arg3[%dma_wait3A_401, %add3A_386] : memref<2x320000xi32, #tpu.memory_space<hbm>> -> memref<2x128xi32, #tpu.memory_space<hbm>>
      tpu.wait_dma2 semaphore(%dma_wait3A_396 : memref<!tpu.dma_semaphore, #tpu.memory_space<semaphore_mem>>) src(%dma_wait3A_402 : memref<2x128xi32, #tpu.memory_space<hbm>>) dst(%dma_wait3A_400 : memref<2x128xi32, #tpu.memory_space<vmem>>)
      %dma_start3A_403 = arith.constant 1 : i32
      %dma_start3A_404 = arith.constant 0 : i32
      %dma_start3A_405 = arith.constant 1 : i32
      %dma_start3A_406 = arith.constant 1 : i32
      %dma_start3A_407 = arith.constant 0 : i32
      %dma_start3A_408 = arith.constant 0 : i32
      %dma_start3A_409 = tpu.memref_slice %arg7[%dma_start3A_405, %dma_start3A_407, %dma_start3A_408] : memref<4x128x16xf32, #tpu.memory_space<vmem>> -> memref<1x128x16xf32, #tpu.memory_space<vmem>>
      %dma_start3A_410 = tpu.memref_squeeze %dma_start3A_409 : memref<1x128x16xf32, #tpu.memory_space<vmem>> -> memref<128x16xf32, #tpu.memory_space<vmem>>
      %dma_start3A_411 = arith.constant 0 : i32
      %dma_start3A_412 = tpu.memref_slice %arg5[%dma_start3A_403, %dma_start3A_404, %dma_start3A_411] : memref<4x2x128xi32, #tpu.memory_space<vmem>> -> memref<1x1x128xi32, #tpu.memory_space<vmem>>
      %dma_start3A_413 = tpu.memref_squeeze %dma_start3A_412 : memref<1x1x128xi32, #tpu.memory_space<vmem>> -> memref<128xi32, #tpu.memory_space<vmem>>
      %dma_start3A_414 = arith.constant 0 : i32
      %dma_start3A_415 = arith.constant 0 : i32
      %dma_start3A_416 = tpu.memref_slice %arg2[%dma_start3A_414, %dma_start3A_415] : memref<10000x16xf32, #tpu.memory_space<hbm>> -> memref<10000x16xf32, #tpu.memory_space<hbm>>
      %dma_start3A_417 = tpu.memref_slice %arg12[%dma_start3A_406] : memref<4x!tpu.dma_semaphore, #tpu.memory_space<semaphore_mem>> -> memref<1x!tpu.dma_semaphore, #tpu.memory_space<semaphore_mem>>
      %dma_start3A_418 = tpu.memref_squeeze %dma_start3A_417 : memref<1x!tpu.dma_semaphore, #tpu.memory_space<semaphore_mem>> -> memref<!tpu.dma_semaphore, #tpu.memory_space<semaphore_mem>>
      tpu.enqueue_indirect_dma source(%dma_start3A_416 : memref<10000x16xf32, #tpu.memory_space<hbm>>) target(%dma_start3A_410 : memref<128x16xf32, #tpu.memory_space<vmem>>) offsets(%dma_start3A_413 : memref<128xi32, #tpu.memory_space<vmem>>) semaphore(%dma_start3A_418 : memref<!tpu.dma_semaphore, #tpu.memory_space<semaphore_mem>>)
      %add3A_419 = arith.constant 2 : i32
      %add3A_420 = arith.addi %mul3A_344, %add3A_419 : i32
      %mul3A_421 = arith.constant 128 : i32
      %mul3A_422 = arith.muli %add3A_420, %mul3A_421 : i32
      %add3A_423 = arith.addi %mul3A_2, %mul3A_422 : i32
      %dma_wait3A_424 = arith.constant 2 : i32
      %dma_wait3A_425 = arith.constant 2 : i32
      %dma_wait3A_426 = arith.constant 0 : i32
      %dma_wait3A_427 = arith.constant 0 : i32
      %dma_wait3A_428 = tpu.memref_slice %arg5[%dma_wait3A_424, %dma_wait3A_426, %dma_wait3A_427] : memref<4x2x128xi32, #tpu.memory_space<vmem>> -> memref<1x2x128xi32, #tpu.memory_space<vmem>>
      %dma_wait3A_429 = tpu.memref_squeeze %dma_wait3A_428 : memref<1x2x128xi32, #tpu.memory_space<vmem>> -> memref<2x128xi32, #tpu.memory_space<vmem>>
      %dma_wait3A_430 = arith.constant 0 : i32
      %dma_wait3A_431 = tpu.memref_slice %arg3[%dma_wait3A_430, %add3A_423] : memref<2x320000xi32, #tpu.memory_space<hbm>> -> memref<2x128xi32, #tpu.memory_space<hbm>>
      %dma_wait3A_432 = tpu.memref_slice %arg11[%dma_wait3A_425] : memref<4x!tpu.dma_semaphore, #tpu.memory_space<semaphore_mem>> -> memref<1x!tpu.dma_semaphore, #tpu.memory_space<semaphore_mem>>
      %dma_wait3A_433 = tpu.memref_squeeze %dma_wait3A_432 : memref<1x!tpu.dma_semaphore, #tpu.memory_space<semaphore_mem>> -> memref<!tpu.dma_semaphore, #tpu.memory_space<semaphore_mem>>
      %dma_wait3A_434 = arith.constant 0 : i32
      %dma_wait3A_435 = arith.constant 0 : i32
      %dma_wait3A_436 = tpu.memref_slice %arg5[%dma_wait3A_424, %dma_wait3A_434, %dma_wait3A_435] : memref<4x2x128xi32, #tpu.memory_space<vmem>> -> memref<1x2x128xi32, #tpu.memory_space<vmem>>
      %dma_wait3A_437 = tpu.memref_squeeze %dma_wait3A_436 : memref<1x2x128xi32, #tpu.memory_space<vmem>> -> memref<2x128xi32, #tpu.memory_space<vmem>>
      %dma_wait3A_438 = arith.constant 0 : i32
      %dma_wait3A_439 = tpu.memref_slice %arg3[%dma_wait3A_438, %add3A_423] : memref<2x320000xi32, #tpu.memory_space<hbm>> -> memref<2x128xi32, #tpu.memory_space<hbm>>
      tpu.wait_dma2 semaphore(%dma_wait3A_433 : memref<!tpu.dma_semaphore, #tpu.memory_space<semaphore_mem>>) src(%dma_wait3A_439 : memref<2x128xi32, #tpu.memory_space<hbm>>) dst(%dma_wait3A_437 : memref<2x128xi32, #tpu.memory_space<vmem>>)
      %dma_start3A_440 = arith.constant 2 : i32
      %dma_start3A_441 = arith.constant 0 : i32
      %dma_start3A_442 = arith.constant 2 : i32
      %dma_start3A_443 = arith.constant 2 : i32
      %dma_start3A_444 = arith.constant 0 : i32
      %dma_start3A_445 = arith.constant 0 : i32
      %dma_start3A_446 = tpu.memref_slice %arg7[%dma_start3A_442, %dma_start3A_444, %dma_start3A_445] : memref<4x128x16xf32, #tpu.memory_space<vmem>> -> memref<1x128x16xf32, #tpu.memory_space<vmem>>
      %dma_start3A_447 = tpu.memref_squeeze %dma_start3A_446 : memref<1x128x16xf32, #tpu.memory_space<vmem>> -> memref<128x16xf32, #tpu.memory_space<vmem>>
      %dma_start3A_448 = arith.constant 0 : i32
      %dma_start3A_449 = tpu.memref_slice %arg5[%dma_start3A_440, %dma_start3A_441, %dma_start3A_448] : memref<4x2x128xi32, #tpu.memory_space<vmem>> -> memref<1x1x128xi32, #tpu.memory_space<vmem>>
      %dma_start3A_450 = tpu.memref_squeeze %dma_start3A_449 : memref<1x1x128xi32, #tpu.memory_space<vmem>> -> memref<128xi32, #tpu.memory_space<vmem>>
      %dma_start3A_451 = arith.constant 0 : i32
      %dma_start3A_452 = arith.constant 0 : i32
      %dma_start3A_453 = tpu.memref_slice %arg2[%dma_start3A_451, %dma_start3A_452] : memref<10000x16xf32, #tpu.memory_space<hbm>> -> memref<10000x16xf32, #tpu.memory_space<hbm>>
      %dma_start3A_454 = tpu.memref_slice %arg12[%dma_start3A_443] : memref<4x!tpu.dma_semaphore, #tpu.memory_space<semaphore_mem>> -> memref<1x!tpu.dma_semaphore, #tpu.memory_space<semaphore_mem>>
      %dma_start3A_455 = tpu.memref_squeeze %dma_start3A_454 : memref<1x!tpu.dma_semaphore, #tpu.memory_space<semaphore_mem>> -> memref<!tpu.dma_semaphore, #tpu.memory_space<semaphore_mem>>
      tpu.enqueue_indirect_dma source(%dma_start3A_453 : memref<10000x16xf32, #tpu.memory_space<hbm>>) target(%dma_start3A_447 : memref<128x16xf32, #tpu.memory_space<vmem>>) offsets(%dma_start3A_450 : memref<128xi32, #tpu.memory_space<vmem>>) semaphore(%dma_start3A_455 : memref<!tpu.dma_semaphore, #tpu.memory_space<semaphore_mem>>)
      %add3A_456 = arith.constant 3 : i32
      %add3A_457 = arith.addi %mul3A_344, %add3A_456 : i32
      %mul3A_458 = arith.constant 128 : i32
      %mul3A_459 = arith.muli %add3A_457, %mul3A_458 : i32
      %add3A_460 = arith.addi %mul3A_2, %mul3A_459 : i32
      %dma_wait3A_461 = arith.constant 3 : i32
      %dma_wait3A_462 = arith.constant 3 : i32
      %dma_wait3A_463 = arith.constant 0 : i32
      %dma_wait3A_464 = arith.constant 0 : i32
      %dma_wait3A_465 = tpu.memref_slice %arg5[%dma_wait3A_461, %dma_wait3A_463, %dma_wait3A_464] : memref<4x2x128xi32, #tpu.memory_space<vmem>> -> memref<1x2x128xi32, #tpu.memory_space<vmem>>
      %dma_wait3A_466 = tpu.memref_squeeze %dma_wait3A_465 : memref<1x2x128xi32, #tpu.memory_space<vmem>> -> memref<2x128xi32, #tpu.memory_space<vmem>>
      %dma_wait3A_467 = arith.constant 0 : i32
      %dma_wait3A_468 = tpu.memref_slice %arg3[%dma_wait3A_467, %add3A_460] : memref<2x320000xi32, #tpu.memory_space<hbm>> -> memref<2x128xi32, #tpu.memory_space<hbm>>
      %dma_wait3A_469 = tpu.memref_slice %arg11[%dma_wait3A_462] : memref<4x!tpu.dma_semaphore, #tpu.memory_space<semaphore_mem>> -> memref<1x!tpu.dma_semaphore, #tpu.memory_space<semaphore_mem>>
      %dma_wait3A_470 = tpu.memref_squeeze %dma_wait3A_469 : memref<1x!tpu.dma_semaphore, #tpu.memory_space<semaphore_mem>> -> memref<!tpu.dma_semaphore, #tpu.memory_space<semaphore_mem>>
      %dma_wait3A_471 = arith.constant 0 : i32
      %dma_wait3A_472 = arith.constant 0 : i32
      %dma_wait3A_473 = tpu.memref_slice %arg5[%dma_wait3A_461, %dma_wait3A_471, %dma_wait3A_472] : memref<4x2x128xi32, #tpu.memory_space<vmem>> -> memref<1x2x128xi32, #tpu.memory_space<vmem>>
      %dma_wait3A_474 = tpu.memref_squeeze %dma_wait3A_473 : memref<1x2x128xi32, #tpu.memory_space<vmem>> -> memref<2x128xi32, #tpu.memory_space<vmem>>
      %dma_wait3A_475 = arith.constant 0 : i32
      %dma_wait3A_476 = tpu.memref_slice %arg3[%dma_wait3A_475, %add3A_460] : memref<2x320000xi32, #tpu.memory_space<hbm>> -> memref<2x128xi32, #tpu.memory_space<hbm>>
      tpu.wait_dma2 semaphore(%dma_wait3A_470 : memref<!tpu.dma_semaphore, #tpu.memory_space<semaphore_mem>>) src(%dma_wait3A_476 : memref<2x128xi32, #tpu.memory_space<hbm>>) dst(%dma_wait3A_474 : memref<2x128xi32, #tpu.memory_space<vmem>>)
      %dma_start3A_477 = arith.constant 3 : i32
      %dma_start3A_478 = arith.constant 0 : i32
      %dma_start3A_479 = arith.constant 3 : i32
      %dma_start3A_480 = arith.constant 3 : i32
      %dma_start3A_481 = arith.constant 0 : i32
      %dma_start3A_482 = arith.constant 0 : i32
      %dma_start3A_483 = tpu.memref_slice %arg7[%dma_start3A_479, %dma_start3A_481, %dma_start3A_482] : memref<4x128x16xf32, #tpu.memory_space<vmem>> -> memref<1x128x16xf32, #tpu.memory_space<vmem>>
      %dma_start3A_484 = tpu.memref_squeeze %dma_start3A_483 : memref<1x128x16xf32, #tpu.memory_space<vmem>> -> memref<128x16xf32, #tpu.memory_space<vmem>>
      %dma_start3A_485 = arith.constant 0 : i32
      %dma_start3A_486 = tpu.memref_slice %arg5[%dma_start3A_477, %dma_start3A_478, %dma_start3A_485] : memref<4x2x128xi32, #tpu.memory_space<vmem>> -> memref<1x1x128xi32, #tpu.memory_space<vmem>>
      %dma_start3A_487 = tpu.memref_squeeze %dma_start3A_486 : memref<1x1x128xi32, #tpu.memory_space<vmem>> -> memref<128xi32, #tpu.memory_space<vmem>>
      %dma_start3A_488 = arith.constant 0 : i32
      %dma_start3A_489 = arith.constant 0 : i32
      %dma_start3A_490 = tpu.memref_slice %arg2[%dma_start3A_488, %dma_start3A_489] : memref<10000x16xf32, #tpu.memory_space<hbm>> -> memref<10000x16xf32, #tpu.memory_space<hbm>>
      %dma_start3A_491 = tpu.memref_slice %arg12[%dma_start3A_480] : memref<4x!tpu.dma_semaphore, #tpu.memory_space<semaphore_mem>> -> memref<1x!tpu.dma_semaphore, #tpu.memory_space<semaphore_mem>>
      %dma_start3A_492 = tpu.memref_squeeze %dma_start3A_491 : memref<1x!tpu.dma_semaphore, #tpu.memory_space<semaphore_mem>> -> memref<!tpu.dma_semaphore, #tpu.memory_space<semaphore_mem>>
      tpu.enqueue_indirect_dma source(%dma_start3A_490 : memref<10000x16xf32, #tpu.memory_space<hbm>>) target(%dma_start3A_484 : memref<128x16xf32, #tpu.memory_space<vmem>>) offsets(%dma_start3A_487 : memref<128xi32, #tpu.memory_space<vmem>>) semaphore(%dma_start3A_492 : memref<!tpu.dma_semaphore, #tpu.memory_space<semaphore_mem>>)
      %dma_wait3A_493 = arith.constant 0 : i32
      %dma_wait3A_494 = arith.constant 0 : i32
      %dma_wait3A_495 = arith.constant 0 : i32
      %dma_wait3A_496 = arith.constant 0 : i32
      %dma_wait3A_497 = arith.constant 0 : i32
      %dma_wait3A_498 = arith.constant 0 : i32
      %dma_wait3A_499 = tpu.memref_slice %arg7[%dma_wait3A_495, %dma_wait3A_497, %dma_wait3A_498] : memref<4x128x16xf32, #tpu.memory_space<vmem>> -> memref<1x128x16xf32, #tpu.memory_space<vmem>>
      %dma_wait3A_500 = tpu.memref_squeeze %dma_wait3A_499 : memref<1x128x16xf32, #tpu.memory_space<vmem>> -> memref<128x16xf32, #tpu.memory_space<vmem>>
      %dma_wait3A_501 = arith.constant 0 : i32
      %dma_wait3A_502 = tpu.memref_slice %arg5[%dma_wait3A_493, %dma_wait3A_494, %dma_wait3A_501] : memref<4x2x128xi32, #tpu.memory_space<vmem>> -> memref<1x1x128xi32, #tpu.memory_space<vmem>>
      %dma_wait3A_503 = tpu.memref_squeeze %dma_wait3A_502 : memref<1x1x128xi32, #tpu.memory_space<vmem>> -> memref<128xi32, #tpu.memory_space<vmem>>
      %dma_wait3A_504 = arith.constant 0 : i32
      %dma_wait3A_505 = arith.constant 0 : i32
      %dma_wait3A_506 = tpu.memref_slice %arg2[%dma_wait3A_504, %dma_wait3A_505] : memref<10000x16xf32, #tpu.memory_space<hbm>> -> memref<10000x16xf32, #tpu.memory_space<hbm>>
      %dma_wait3A_507 = tpu.memref_slice %arg12[%dma_wait3A_496] : memref<4x!tpu.dma_semaphore, #tpu.memory_space<semaphore_mem>> -> memref<1x!tpu.dma_semaphore, #tpu.memory_space<semaphore_mem>>
      %dma_wait3A_508 = tpu.memref_squeeze %dma_wait3A_507 : memref<1x!tpu.dma_semaphore, #tpu.memory_space<semaphore_mem>> -> memref<!tpu.dma_semaphore, #tpu.memory_space<semaphore_mem>>
      tpu.wait_indirect_dma semaphore(%dma_wait3A_508 : memref<!tpu.dma_semaphore, #tpu.memory_space<semaphore_mem>>) src(%dma_wait3A_506 : memref<10000x16xf32, #tpu.memory_space<hbm>>) dst(%dma_wait3A_500 : memref<128x16xf32, #tpu.memory_space<vmem>>)
      %dma_start3A_509 = arith.constant 0 : i32
      %dma_start3A_510 = arith.constant 0 : i32
      %dma_start3A_511 = arith.constant 1 : i32
      %dma_start3A_512 = arith.constant 0 : i32
      %dma_start3A_513 = arith.constant 0 : i32
      %dma_start3A_514 = arith.constant 0 : i32
      %dma_start3A_515 = tpu.memref_slice %arg7[%dma_start3A_509, %dma_start3A_513, %dma_start3A_514] : memref<4x128x16xf32, #tpu.memory_space<vmem>> -> memref<1x128x16xf32, #tpu.memory_space<vmem>>
      %dma_start3A_516 = tpu.memref_squeeze %dma_start3A_515 : memref<1x128x16xf32, #tpu.memory_space<vmem>> -> memref<128x16xf32, #tpu.memory_space<vmem>>
      %dma_start3A_517 = arith.constant 0 : i32
      %dma_start3A_518 = tpu.memref_slice %arg5[%dma_start3A_510, %dma_start3A_511, %dma_start3A_517] : memref<4x2x128xi32, #tpu.memory_space<vmem>> -> memref<1x1x128xi32, #tpu.memory_space<vmem>>
      %dma_start3A_519 = tpu.memref_squeeze %dma_start3A_518 : memref<1x1x128xi32, #tpu.memory_space<vmem>> -> memref<128xi32, #tpu.memory_space<vmem>>
      %dma_start3A_520 = arith.constant 0 : i32
      %dma_start3A_521 = arith.constant 0 : i32
      %dma_start3A_522 = tpu.memref_slice %arg10[%dma_start3A_520, %dma_start3A_521] : memref<10000x16xf32, #tpu.memory_space<vmem_shared>> -> memref<10000x16xf32, #tpu.memory_space<vmem_shared>>
      %dma_start3A_523 = tpu.memref_slice %arg13[%dma_start3A_512] : memref<4x!tpu.dma_semaphore, #tpu.memory_space<semaphore_mem>> -> memref<1x!tpu.dma_semaphore, #tpu.memory_space<semaphore_mem>>
      %dma_start3A_524 = tpu.memref_squeeze %dma_start3A_523 : memref<1x!tpu.dma_semaphore, #tpu.memory_space<semaphore_mem>> -> memref<!tpu.dma_semaphore, #tpu.memory_space<semaphore_mem>>
      tpu.enqueue_indirect_dma source(%dma_start3A_516 : memref<128x16xf32, #tpu.memory_space<vmem>>) target(%dma_start3A_522 : memref<10000x16xf32, #tpu.memory_space<vmem_shared>>) offsets(%dma_start3A_519 : memref<128xi32, #tpu.memory_space<vmem>>) semaphore(%dma_start3A_524 : memref<!tpu.dma_semaphore, #tpu.memory_space<semaphore_mem>>) {add = true}
      %dma_wait3A_525 = arith.constant 1 : i32
      %dma_wait3A_526 = arith.constant 0 : i32
      %dma_wait3A_527 = arith.constant 1 : i32
      %dma_wait3A_528 = arith.constant 1 : i32
      %dma_wait3A_529 = arith.constant 0 : i32
      %dma_wait3A_530 = arith.constant 0 : i32
      %dma_wait3A_531 = tpu.memref_slice %arg7[%dma_wait3A_527, %dma_wait3A_529, %dma_wait3A_530] : memref<4x128x16xf32, #tpu.memory_space<vmem>> -> memref<1x128x16xf32, #tpu.memory_space<vmem>>
      %dma_wait3A_532 = tpu.memref_squeeze %dma_wait3A_531 : memref<1x128x16xf32, #tpu.memory_space<vmem>> -> memref<128x16xf32, #tpu.memory_space<vmem>>
      %dma_wait3A_533 = arith.constant 0 : i32
      %dma_wait3A_534 = tpu.memref_slice %arg5[%dma_wait3A_525, %dma_wait3A_526, %dma_wait3A_533] : memref<4x2x128xi32, #tpu.memory_space<vmem>> -> memref<1x1x128xi32, #tpu.memory_space<vmem>>
      %dma_wait3A_535 = tpu.memref_squeeze %dma_wait3A_534 : memref<1x1x128xi32, #tpu.memory_space<vmem>> -> memref<128xi32, #tpu.memory_space<vmem>>
      %dma_wait3A_536 = arith.constant 0 : i32
      %dma_wait3A_537 = arith.constant 0 : i32
      %dma_wait3A_538 = tpu.memref_slice %arg2[%dma_wait3A_536, %dma_wait3A_537] : memref<10000x16xf32, #tpu.memory_space<hbm>> -> memref<10000x16xf32, #tpu.memory_space<hbm>>
      %dma_wait3A_539 = tpu.memref_slice %arg12[%dma_wait3A_528] : memref<4x!tpu.dma_semaphore, #tpu.memory_space<semaphore_mem>> -> memref<1x!tpu.dma_semaphore, #tpu.memory_space<semaphore_mem>>
      %dma_wait3A_540 = tpu.memref_squeeze %dma_wait3A_539 : memref<1x!tpu.dma_semaphore, #tpu.memory_space<semaphore_mem>> -> memref<!tpu.dma_semaphore, #tpu.memory_space<semaphore_mem>>
      tpu.wait_indirect_dma semaphore(%dma_wait3A_540 : memref<!tpu.dma_semaphore, #tpu.memory_space<semaphore_mem>>) src(%dma_wait3A_538 : memref<10000x16xf32, #tpu.memory_space<hbm>>) dst(%dma_wait3A_532 : memref<128x16xf32, #tpu.memory_space<vmem>>)
      %dma_start3A_541 = arith.constant 1 : i32
      %dma_start3A_542 = arith.constant 1 : i32
      %dma_start3A_543 = arith.constant 1 : i32
      %dma_start3A_544 = arith.constant 1 : i32
      %dma_start3A_545 = arith.constant 0 : i32
      %dma_start3A_546 = arith.constant 0 : i32
      %dma_start3A_547 = tpu.memref_slice %arg7[%dma_start3A_541, %dma_start3A_545, %dma_start3A_546] : memref<4x128x16xf32, #tpu.memory_space<vmem>> -> memref<1x128x16xf32, #tpu.memory_space<vmem>>
      %dma_start3A_548 = tpu.memref_squeeze %dma_start3A_547 : memref<1x128x16xf32, #tpu.memory_space<vmem>> -> memref<128x16xf32, #tpu.memory_space<vmem>>
      %dma_start3A_549 = arith.constant 0 : i32
      %dma_start3A_550 = tpu.memref_slice %arg5[%dma_start3A_542, %dma_start3A_543, %dma_start3A_549] : memref<4x2x128xi32, #tpu.memory_space<vmem>> -> memref<1x1x128xi32, #tpu.memory_space<vmem>>
      %dma_start3A_551 = tpu.memref_squeeze %dma_start3A_550 : memref<1x1x128xi32, #tpu.memory_space<vmem>> -> memref<128xi32, #tpu.memory_space<vmem>>
      %dma_start3A_552 = arith.constant 0 : i32
      %dma_start3A_553 = arith.constant 0 : i32
      %dma_start3A_554 = tpu.memref_slice %arg10[%dma_start3A_552, %dma_start3A_553] : memref<10000x16xf32, #tpu.memory_space<vmem_shared>> -> memref<10000x16xf32, #tpu.memory_space<vmem_shared>>
      %dma_start3A_555 = tpu.memref_slice %arg13[%dma_start3A_544] : memref<4x!tpu.dma_semaphore, #tpu.memory_space<semaphore_mem>> -> memref<1x!tpu.dma_semaphore, #tpu.memory_space<semaphore_mem>>
      %dma_start3A_556 = tpu.memref_squeeze %dma_start3A_555 : memref<1x!tpu.dma_semaphore, #tpu.memory_space<semaphore_mem>> -> memref<!tpu.dma_semaphore, #tpu.memory_space<semaphore_mem>>
      tpu.enqueue_indirect_dma source(%dma_start3A_548 : memref<128x16xf32, #tpu.memory_space<vmem>>) target(%dma_start3A_554 : memref<10000x16xf32, #tpu.memory_space<vmem_shared>>) offsets(%dma_start3A_551 : memref<128xi32, #tpu.memory_space<vmem>>) semaphore(%dma_start3A_556 : memref<!tpu.dma_semaphore, #tpu.memory_space<semaphore_mem>>) {add = true}
      %dma_wait3A_557 = arith.constant 2 : i32
      %dma_wait3A_558 = arith.constant 0 : i32
      %dma_wait3A_559 = arith.constant 2 : i32
      %dma_wait3A_560 = arith.constant 2 : i32
      %dma_wait3A_561 = arith.constant 0 : i32
      %dma_wait3A_562 = arith.constant 0 : i32
      %dma_wait3A_563 = tpu.memref_slice %arg7[%dma_wait3A_559, %dma_wait3A_561, %dma_wait3A_562] : memref<4x128x16xf32, #tpu.memory_space<vmem>> -> memref<1x128x16xf32, #tpu.memory_space<vmem>>
      %dma_wait3A_564 = tpu.memref_squeeze %dma_wait3A_563 : memref<1x128x16xf32, #tpu.memory_space<vmem>> -> memref<128x16xf32, #tpu.memory_space<vmem>>
      %dma_wait3A_565 = arith.constant 0 : i32
      %dma_wait3A_566 = tpu.memref_slice %arg5[%dma_wait3A_557, %dma_wait3A_558, %dma_wait3A_565] : memref<4x2x128xi32, #tpu.memory_space<vmem>> -> memref<1x1x128xi32, #tpu.memory_space<vmem>>
      %dma_wait3A_567 = tpu.memref_squeeze %dma_wait3A_566 : memref<1x1x128xi32, #tpu.memory_space<vmem>> -> memref<128xi32, #tpu.memory_space<vmem>>
      %dma_wait3A_568 = arith.constant 0 : i32
      %dma_wait3A_569 = arith.constant 0 : i32
      %dma_wait3A_570 = tpu.memref_slice %arg2[%dma_wait3A_568, %dma_wait3A_569] : memref<10000x16xf32, #tpu.memory_space<hbm>> -> memref<10000x16xf32, #tpu.memory_space<hbm>>
      %dma_wait3A_571 = tpu.memref_slice %arg12[%dma_wait3A_560] : memref<4x!tpu.dma_semaphore, #tpu.memory_space<semaphore_mem>> -> memref<1x!tpu.dma_semaphore, #tpu.memory_space<semaphore_mem>>
      %dma_wait3A_572 = tpu.memref_squeeze %dma_wait3A_571 : memref<1x!tpu.dma_semaphore, #tpu.memory_space<semaphore_mem>> -> memref<!tpu.dma_semaphore, #tpu.memory_space<semaphore_mem>>
      tpu.wait_indirect_dma semaphore(%dma_wait3A_572 : memref<!tpu.dma_semaphore, #tpu.memory_space<semaphore_mem>>) src(%dma_wait3A_570 : memref<10000x16xf32, #tpu.memory_space<hbm>>) dst(%dma_wait3A_564 : memref<128x16xf32, #tpu.memory_space<vmem>>)
      %dma_start3A_573 = arith.constant 2 : i32
      %dma_start3A_574 = arith.constant 2 : i32
      %dma_start3A_575 = arith.constant 1 : i32
      %dma_start3A_576 = arith.constant 2 : i32
      %dma_start3A_577 = arith.constant 0 : i32
      %dma_start3A_578 = arith.constant 0 : i32
      %dma_start3A_579 = tpu.memref_slice %arg7[%dma_start3A_573, %dma_start3A_577, %dma_start3A_578] : memref<4x128x16xf32, #tpu.memory_space<vmem>> -> memref<1x128x16xf32, #tpu.memory_space<vmem>>
      %dma_start3A_580 = tpu.memref_squeeze %dma_start3A_579 : memref<1x128x16xf32, #tpu.memory_space<vmem>> -> memref<128x16xf32, #tpu.memory_space<vmem>>
      %dma_start3A_581 = arith.constant 0 : i32
      %dma_start3A_582 = tpu.memref_slice %arg5[%dma_start3A_574, %dma_start3A_575, %dma_start3A_581] : memref<4x2x128xi32, #tpu.memory_space<vmem>> -> memref<1x1x128xi32, #tpu.memory_space<vmem>>
      %dma_start3A_583 = tpu.memref_squeeze %dma_start3A_582 : memref<1x1x128xi32, #tpu.memory_space<vmem>> -> memref<128xi32, #tpu.memory_space<vmem>>
      %dma_start3A_584 = arith.constant 0 : i32
      %dma_start3A_585 = arith.constant 0 : i32
      %dma_start3A_586 = tpu.memref_slice %arg10[%dma_start3A_584, %dma_start3A_585] : memref<10000x16xf32, #tpu.memory_space<vmem_shared>> -> memref<10000x16xf32, #tpu.memory_space<vmem_shared>>
      %dma_start3A_587 = tpu.memref_slice %arg13[%dma_start3A_576] : memref<4x!tpu.dma_semaphore, #tpu.memory_space<semaphore_mem>> -> memref<1x!tpu.dma_semaphore, #tpu.memory_space<semaphore_mem>>
      %dma_start3A_588 = tpu.memref_squeeze %dma_start3A_587 : memref<1x!tpu.dma_semaphore, #tpu.memory_space<semaphore_mem>> -> memref<!tpu.dma_semaphore, #tpu.memory_space<semaphore_mem>>
      tpu.enqueue_indirect_dma source(%dma_start3A_580 : memref<128x16xf32, #tpu.memory_space<vmem>>) target(%dma_start3A_586 : memref<10000x16xf32, #tpu.memory_space<vmem_shared>>) offsets(%dma_start3A_583 : memref<128xi32, #tpu.memory_space<vmem>>) semaphore(%dma_start3A_588 : memref<!tpu.dma_semaphore, #tpu.memory_space<semaphore_mem>>) {add = true}
      %dma_wait3A_589 = arith.constant 3 : i32
      %dma_wait3A_590 = arith.constant 0 : i32
      %dma_wait3A_591 = arith.constant 3 : i32
      %dma_wait3A_592 = arith.constant 3 : i32
      %dma_wait3A_593 = arith.constant 0 : i32
      %dma_wait3A_594 = arith.constant 0 : i32
      %dma_wait3A_595 = tpu.memref_slice %arg7[%dma_wait3A_591, %dma_wait3A_593, %dma_wait3A_594] : memref<4x128x16xf32, #tpu.memory_space<vmem>> -> memref<1x128x16xf32, #tpu.memory_space<vmem>>
      %dma_wait3A_596 = tpu.memref_squeeze %dma_wait3A_595 : memref<1x128x16xf32, #tpu.memory_space<vmem>> -> memref<128x16xf32, #tpu.memory_space<vmem>>
      %dma_wait3A_597 = arith.constant 0 : i32
      %dma_wait3A_598 = tpu.memref_slice %arg5[%dma_wait3A_589, %dma_wait3A_590, %dma_wait3A_597] : memref<4x2x128xi32, #tpu.memory_space<vmem>> -> memref<1x1x128xi32, #tpu.memory_space<vmem>>
      %dma_wait3A_599 = tpu.memref_squeeze %dma_wait3A_598 : memref<1x1x128xi32, #tpu.memory_space<vmem>> -> memref<128xi32, #tpu.memory_space<vmem>>
      %dma_wait3A_600 = arith.constant 0 : i32
      %dma_wait3A_601 = arith.constant 0 : i32
      %dma_wait3A_602 = tpu.memref_slice %arg2[%dma_wait3A_600, %dma_wait3A_601] : memref<10000x16xf32, #tpu.memory_space<hbm>> -> memref<10000x16xf32, #tpu.memory_space<hbm>>
      %dma_wait3A_603 = tpu.memref_slice %arg12[%dma_wait3A_592] : memref<4x!tpu.dma_semaphore, #tpu.memory_space<semaphore_mem>> -> memref<1x!tpu.dma_semaphore, #tpu.memory_space<semaphore_mem>>
      %dma_wait3A_604 = tpu.memref_squeeze %dma_wait3A_603 : memref<1x!tpu.dma_semaphore, #tpu.memory_space<semaphore_mem>> -> memref<!tpu.dma_semaphore, #tpu.memory_space<semaphore_mem>>
      tpu.wait_indirect_dma semaphore(%dma_wait3A_604 : memref<!tpu.dma_semaphore, #tpu.memory_space<semaphore_mem>>) src(%dma_wait3A_602 : memref<10000x16xf32, #tpu.memory_space<hbm>>) dst(%dma_wait3A_596 : memref<128x16xf32, #tpu.memory_space<vmem>>)
      %dma_start3A_605 = arith.constant 3 : i32
      %dma_start3A_606 = arith.constant 3 : i32
      %dma_start3A_607 = arith.constant 1 : i32
      %dma_start3A_608 = arith.constant 3 : i32
      %dma_start3A_609 = arith.constant 0 : i32
      %dma_start3A_610 = arith.constant 0 : i32
      %dma_start3A_611 = tpu.memref_slice %arg7[%dma_start3A_605, %dma_start3A_609, %dma_start3A_610] : memref<4x128x16xf32, #tpu.memory_space<vmem>> -> memref<1x128x16xf32, #tpu.memory_space<vmem>>
      %dma_start3A_612 = tpu.memref_squeeze %dma_start3A_611 : memref<1x128x16xf32, #tpu.memory_space<vmem>> -> memref<128x16xf32, #tpu.memory_space<vmem>>
      %dma_start3A_613 = arith.constant 0 : i32
      %dma_start3A_614 = tpu.memref_slice %arg5[%dma_start3A_606, %dma_start3A_607, %dma_start3A_613] : memref<4x2x128xi32, #tpu.memory_space<vmem>> -> memref<1x1x128xi32, #tpu.memory_space<vmem>>
      %dma_start3A_615 = tpu.memref_squeeze %dma_start3A_614 : memref<1x1x128xi32, #tpu.memory_space<vmem>> -> memref<128xi32, #tpu.memory_space<vmem>>
      %dma_start3A_616 = arith.constant 0 : i32
      %dma_start3A_617 = arith.constant 0 : i32
      %dma_start3A_618 = tpu.memref_slice %arg10[%dma_start3A_616, %dma_start3A_617] : memref<10000x16xf32, #tpu.memory_space<vmem_shared>> -> memref<10000x16xf32, #tpu.memory_space<vmem_shared>>
      %dma_start3A_619 = tpu.memref_slice %arg13[%dma_start3A_608] : memref<4x!tpu.dma_semaphore, #tpu.memory_space<semaphore_mem>> -> memref<1x!tpu.dma_semaphore, #tpu.memory_space<semaphore_mem>>
      %dma_start3A_620 = tpu.memref_squeeze %dma_start3A_619 : memref<1x!tpu.dma_semaphore, #tpu.memory_space<semaphore_mem>> -> memref<!tpu.dma_semaphore, #tpu.memory_space<semaphore_mem>>
      tpu.enqueue_indirect_dma source(%dma_start3A_612 : memref<128x16xf32, #tpu.memory_space<vmem>>) target(%dma_start3A_618 : memref<10000x16xf32, #tpu.memory_space<vmem_shared>>) offsets(%dma_start3A_615 : memref<128xi32, #tpu.memory_space<vmem>>) semaphore(%dma_start3A_620 : memref<!tpu.dma_semaphore, #tpu.memory_space<semaphore_mem>>) {add = true}
      %dma_wait3A_621 = arith.constant 0 : i32
      %dma_wait3A_622 = arith.constant 0 : i32
      %dma_wait3A_623 = arith.constant 1 : i32
      %dma_wait3A_624 = arith.constant 0 : i32
      %dma_wait3A_625 = arith.constant 0 : i32
      %dma_wait3A_626 = arith.constant 0 : i32
      %dma_wait3A_627 = tpu.memref_slice %arg7[%dma_wait3A_621, %dma_wait3A_625, %dma_wait3A_626] : memref<4x128x16xf32, #tpu.memory_space<vmem>> -> memref<1x128x16xf32, #tpu.memory_space<vmem>>
      %dma_wait3A_628 = tpu.memref_squeeze %dma_wait3A_627 : memref<1x128x16xf32, #tpu.memory_space<vmem>> -> memref<128x16xf32, #tpu.memory_space<vmem>>
      %dma_wait3A_629 = arith.constant 0 : i32
      %dma_wait3A_630 = tpu.memref_slice %arg5[%dma_wait3A_622, %dma_wait3A_623, %dma_wait3A_629] : memref<4x2x128xi32, #tpu.memory_space<vmem>> -> memref<1x1x128xi32, #tpu.memory_space<vmem>>
      %dma_wait3A_631 = tpu.memref_squeeze %dma_wait3A_630 : memref<1x1x128xi32, #tpu.memory_space<vmem>> -> memref<128xi32, #tpu.memory_space<vmem>>
      %dma_wait3A_632 = arith.constant 0 : i32
      %dma_wait3A_633 = arith.constant 0 : i32
      %dma_wait3A_634 = tpu.memref_slice %arg10[%dma_wait3A_632, %dma_wait3A_633] : memref<10000x16xf32, #tpu.memory_space<vmem_shared>> -> memref<10000x16xf32, #tpu.memory_space<vmem_shared>>
      %dma_wait3A_635 = tpu.memref_slice %arg13[%dma_wait3A_624] : memref<4x!tpu.dma_semaphore, #tpu.memory_space<semaphore_mem>> -> memref<1x!tpu.dma_semaphore, #tpu.memory_space<semaphore_mem>>
      %dma_wait3A_636 = tpu.memref_squeeze %dma_wait3A_635 : memref<1x!tpu.dma_semaphore, #tpu.memory_space<semaphore_mem>> -> memref<!tpu.dma_semaphore, #tpu.memory_space<semaphore_mem>>
      tpu.wait_indirect_dma semaphore(%dma_wait3A_636 : memref<!tpu.dma_semaphore, #tpu.memory_space<semaphore_mem>>) src(%dma_wait3A_628 : memref<128x16xf32, #tpu.memory_space<vmem>>) dst(%dma_wait3A_634 : memref<10000x16xf32, #tpu.memory_space<vmem_shared>>)
      %lt3A = arith.constant 18 : i32
      %lt3A_637 = arith.cmpi slt, %add3A_342, %lt3A : i32
      %convert_element_type3A_638 = arith.extui %lt3A_637 : i1 to i32
      %cond3A_639 = arith.constant 0 : i32
      %cond3A_640 = arith.cmpi ne, %convert_element_type3A_638, %cond3A_639 : i32
      scf.if %cond3A_640 {
        %add3A_704 = arith.constant 4 : i32
        %add3A_705 = arith.addi %mul3A_344, %add3A_704 : i32
        %add3A_706 = arith.constant 0 : i32
        %add3A_707 = arith.addi %add3A_705, %add3A_706 : i32
        %mul3A_708 = arith.constant 128 : i32
        %mul3A_709 = arith.muli %add3A_707, %mul3A_708 : i32
        %add3A_710 = arith.addi %mul3A_2, %mul3A_709 : i32
        %dma_start3A_711 = arith.constant 0 : i32
        %dma_start3A_712 = arith.constant 0 : i32
        %dma_start3A_713 = arith.constant 0 : i32
        %dma_start3A_714 = arith.constant 0 : i32
        %dma_start3A_715 = tpu.memref_slice %arg5[%dma_start3A_711, %dma_start3A_713, %dma_start3A_714] : memref<4x2x128xi32, #tpu.memory_space<vmem>> -> memref<1x2x128xi32, #tpu.memory_space<vmem>>
        %dma_start3A_716 = tpu.memref_squeeze %dma_start3A_715 : memref<1x2x128xi32, #tpu.memory_space<vmem>> -> memref<2x128xi32, #tpu.memory_space<vmem>>
        %dma_start3A_717 = arith.constant 0 : i32
        %dma_start3A_718 = tpu.memref_slice %arg3[%dma_start3A_717, %add3A_710] : memref<2x320000xi32, #tpu.memory_space<hbm>> -> memref<2x128xi32, #tpu.memory_space<hbm>>
        %dma_start3A_719 = tpu.memref_slice %arg11[%dma_start3A_712] : memref<4x!tpu.dma_semaphore, #tpu.memory_space<semaphore_mem>> -> memref<1x!tpu.dma_semaphore, #tpu.memory_space<semaphore_mem>>
        %dma_start3A_720 = tpu.memref_squeeze %dma_start3A_719 : memref<1x!tpu.dma_semaphore, #tpu.memory_space<semaphore_mem>> -> memref<!tpu.dma_semaphore, #tpu.memory_space<semaphore_mem>>
        %dma_start3A_721 = arith.constant 0 : i32
        %dma_start3A_722 = arith.constant 0 : i32
        %dma_start3A_723 = tpu.memref_slice %arg5[%dma_start3A_711, %dma_start3A_721, %dma_start3A_722] : memref<4x2x128xi32, #tpu.memory_space<vmem>> -> memref<1x2x128xi32, #tpu.memory_space<vmem>>
        %dma_start3A_724 = tpu.memref_squeeze %dma_start3A_723 : memref<1x2x128xi32, #tpu.memory_space<vmem>> -> memref<2x128xi32, #tpu.memory_space<vmem>>
        %dma_start3A_725 = arith.constant 0 : i32
        %dma_start3A_726 = tpu.memref_slice %arg3[%dma_start3A_725, %add3A_710] : memref<2x320000xi32, #tpu.memory_space<hbm>> -> memref<2x128xi32, #tpu.memory_space<hbm>>
        tpu.enqueue_dma source(%dma_start3A_726 : memref<2x128xi32, #tpu.memory_space<hbm>>) target(%dma_start3A_724 : memref<2x128xi32, #tpu.memory_space<vmem>>) target_semaphore(%dma_start3A_720 : memref<!tpu.dma_semaphore, #tpu.memory_space<semaphore_mem>>)
      } else {
      }
      %dma_wait3A_641 = arith.constant 1 : i32
      %dma_wait3A_642 = arith.constant 1 : i32
      %dma_wait3A_643 = arith.constant 1 : i32
      %dma_wait3A_644 = arith.constant 1 : i32
      %dma_wait3A_645 = arith.constant 0 : i32
      %dma_wait3A_646 = arith.constant 0 : i32
      %dma_wait3A_647 = tpu.memref_slice %arg7[%dma_wait3A_641, %dma_wait3A_645, %dma_wait3A_646] : memref<4x128x16xf32, #tpu.memory_space<vmem>> -> memref<1x128x16xf32, #tpu.memory_space<vmem>>
      %dma_wait3A_648 = tpu.memref_squeeze %dma_wait3A_647 : memref<1x128x16xf32, #tpu.memory_space<vmem>> -> memref<128x16xf32, #tpu.memory_space<vmem>>
      %dma_wait3A_649 = arith.constant 0 : i32
      %dma_wait3A_650 = tpu.memref_slice %arg5[%dma_wait3A_642, %dma_wait3A_643, %dma_wait3A_649] : memref<4x2x128xi32, #tpu.memory_space<vmem>> -> memref<1x1x128xi32, #tpu.memory_space<vmem>>
      %dma_wait3A_651 = tpu.memref_squeeze %dma_wait3A_650 : memref<1x1x128xi32, #tpu.memory_space<vmem>> -> memref<128xi32, #tpu.memory_space<vmem>>
      %dma_wait3A_652 = arith.constant 0 : i32
      %dma_wait3A_653 = arith.constant 0 : i32
      %dma_wait3A_654 = tpu.memref_slice %arg10[%dma_wait3A_652, %dma_wait3A_653] : memref<10000x16xf32, #tpu.memory_space<vmem_shared>> -> memref<10000x16xf32, #tpu.memory_space<vmem_shared>>
      %dma_wait3A_655 = tpu.memref_slice %arg13[%dma_wait3A_644] : memref<4x!tpu.dma_semaphore, #tpu.memory_space<semaphore_mem>> -> memref<1x!tpu.dma_semaphore, #tpu.memory_space<semaphore_mem>>
      %dma_wait3A_656 = tpu.memref_squeeze %dma_wait3A_655 : memref<1x!tpu.dma_semaphore, #tpu.memory_space<semaphore_mem>> -> memref<!tpu.dma_semaphore, #tpu.memory_space<semaphore_mem>>
      tpu.wait_indirect_dma semaphore(%dma_wait3A_656 : memref<!tpu.dma_semaphore, #tpu.memory_space<semaphore_mem>>) src(%dma_wait3A_648 : memref<128x16xf32, #tpu.memory_space<vmem>>) dst(%dma_wait3A_654 : memref<10000x16xf32, #tpu.memory_space<vmem_shared>>)
      %lt3A_657 = arith.constant 18 : i32
      %lt3A_658 = arith.cmpi slt, %add3A_342, %lt3A_657 : i32
      %convert_element_type3A_659 = arith.extui %lt3A_658 : i1 to i32
      %cond3A_660 = arith.constant 0 : i32
      %cond3A_661 = arith.cmpi ne, %convert_element_type3A_659, %cond3A_660 : i32
      scf.if %cond3A_661 {
        %add3A_704 = arith.constant 4 : i32
        %add3A_705 = arith.addi %mul3A_344, %add3A_704 : i32
        %add3A_706 = arith.constant 1 : i32
        %add3A_707 = arith.addi %add3A_705, %add3A_706 : i32
        %mul3A_708 = arith.constant 128 : i32
        %mul3A_709 = arith.muli %add3A_707, %mul3A_708 : i32
        %add3A_710 = arith.addi %mul3A_2, %mul3A_709 : i32
        %dma_start3A_711 = arith.constant 1 : i32
        %dma_start3A_712 = arith.constant 1 : i32
        %dma_start3A_713 = arith.constant 0 : i32
        %dma_start3A_714 = arith.constant 0 : i32
        %dma_start3A_715 = tpu.memref_slice %arg5[%dma_start3A_711, %dma_start3A_713, %dma_start3A_714] : memref<4x2x128xi32, #tpu.memory_space<vmem>> -> memref<1x2x128xi32, #tpu.memory_space<vmem>>
        %dma_start3A_716 = tpu.memref_squeeze %dma_start3A_715 : memref<1x2x128xi32, #tpu.memory_space<vmem>> -> memref<2x128xi32, #tpu.memory_space<vmem>>
        %dma_start3A_717 = arith.constant 0 : i32
        %dma_start3A_718 = tpu.memref_slice %arg3[%dma_start3A_717, %add3A_710] : memref<2x320000xi32, #tpu.memory_space<hbm>> -> memref<2x128xi32, #tpu.memory_space<hbm>>
        %dma_start3A_719 = tpu.memref_slice %arg11[%dma_start3A_712] : memref<4x!tpu.dma_semaphore, #tpu.memory_space<semaphore_mem>> -> memref<1x!tpu.dma_semaphore, #tpu.memory_space<semaphore_mem>>
        %dma_start3A_720 = tpu.memref_squeeze %dma_start3A_719 : memref<1x!tpu.dma_semaphore, #tpu.memory_space<semaphore_mem>> -> memref<!tpu.dma_semaphore, #tpu.memory_space<semaphore_mem>>
        %dma_start3A_721 = arith.constant 0 : i32
        %dma_start3A_722 = arith.constant 0 : i32
        %dma_start3A_723 = tpu.memref_slice %arg5[%dma_start3A_711, %dma_start3A_721, %dma_start3A_722] : memref<4x2x128xi32, #tpu.memory_space<vmem>> -> memref<1x2x128xi32, #tpu.memory_space<vmem>>
        %dma_start3A_724 = tpu.memref_squeeze %dma_start3A_723 : memref<1x2x128xi32, #tpu.memory_space<vmem>> -> memref<2x128xi32, #tpu.memory_space<vmem>>
        %dma_start3A_725 = arith.constant 0 : i32
        %dma_start3A_726 = tpu.memref_slice %arg3[%dma_start3A_725, %add3A_710] : memref<2x320000xi32, #tpu.memory_space<hbm>> -> memref<2x128xi32, #tpu.memory_space<hbm>>
        tpu.enqueue_dma source(%dma_start3A_726 : memref<2x128xi32, #tpu.memory_space<hbm>>) target(%dma_start3A_724 : memref<2x128xi32, #tpu.memory_space<vmem>>) target_semaphore(%dma_start3A_720 : memref<!tpu.dma_semaphore, #tpu.memory_space<semaphore_mem>>)
      } else {
      }
      %dma_wait3A_662 = arith.constant 2 : i32
      %dma_wait3A_663 = arith.constant 2 : i32
      %dma_wait3A_664 = arith.constant 1 : i32
      %dma_wait3A_665 = arith.constant 2 : i32
      %dma_wait3A_666 = arith.constant 0 : i32
      %dma_wait3A_667 = arith.constant 0 : i32
      %dma_wait3A_668 = tpu.memref_slice %arg7[%dma_wait3A_662, %dma_wait3A_666, %dma_wait3A_667] : memref<4x128x16xf32, #tpu.memory_space<vmem>> -> memref<1x128x16xf32, #tpu.memory_space<vmem>>
      %dma_wait3A_669 = tpu.memref_squeeze %dma_wait3A_668 : memref<1x128x16xf32, #tpu.memory_space<vmem>> -> memref<128x16xf32, #tpu.memory_space<vmem>>
      %dma_wait3A_670 = arith.constant 0 : i32
      %dma_wait3A_671 = tpu.memref_slice %arg5[%dma_wait3A_663, %dma_wait3A_664, %dma_wait3A_670] : memref<4x2x128xi32, #tpu.memory_space<vmem>> -> memref<1x1x128xi32, #tpu.memory_space<vmem>>
      %dma_wait3A_672 = tpu.memref_squeeze %dma_wait3A_671 : memref<1x1x128xi32, #tpu.memory_space<vmem>> -> memref<128xi32, #tpu.memory_space<vmem>>
      %dma_wait3A_673 = arith.constant 0 : i32
      %dma_wait3A_674 = arith.constant 0 : i32
      %dma_wait3A_675 = tpu.memref_slice %arg10[%dma_wait3A_673, %dma_wait3A_674] : memref<10000x16xf32, #tpu.memory_space<vmem_shared>> -> memref<10000x16xf32, #tpu.memory_space<vmem_shared>>
      %dma_wait3A_676 = tpu.memref_slice %arg13[%dma_wait3A_665] : memref<4x!tpu.dma_semaphore, #tpu.memory_space<semaphore_mem>> -> memref<1x!tpu.dma_semaphore, #tpu.memory_space<semaphore_mem>>
      %dma_wait3A_677 = tpu.memref_squeeze %dma_wait3A_676 : memref<1x!tpu.dma_semaphore, #tpu.memory_space<semaphore_mem>> -> memref<!tpu.dma_semaphore, #tpu.memory_space<semaphore_mem>>
      tpu.wait_indirect_dma semaphore(%dma_wait3A_677 : memref<!tpu.dma_semaphore, #tpu.memory_space<semaphore_mem>>) src(%dma_wait3A_669 : memref<128x16xf32, #tpu.memory_space<vmem>>) dst(%dma_wait3A_675 : memref<10000x16xf32, #tpu.memory_space<vmem_shared>>)
      %lt3A_678 = arith.constant 18 : i32
      %lt3A_679 = arith.cmpi slt, %add3A_342, %lt3A_678 : i32
      %convert_element_type3A_680 = arith.extui %lt3A_679 : i1 to i32
      %cond3A_681 = arith.constant 0 : i32
      %cond3A_682 = arith.cmpi ne, %convert_element_type3A_680, %cond3A_681 : i32
      scf.if %cond3A_682 {
        %add3A_704 = arith.constant 4 : i32
        %add3A_705 = arith.addi %mul3A_344, %add3A_704 : i32
        %add3A_706 = arith.constant 2 : i32
        %add3A_707 = arith.addi %add3A_705, %add3A_706 : i32
        %mul3A_708 = arith.constant 128 : i32
        %mul3A_709 = arith.muli %add3A_707, %mul3A_708 : i32
        %add3A_710 = arith.addi %mul3A_2, %mul3A_709 : i32
        %dma_start3A_711 = arith.constant 2 : i32
        %dma_start3A_712 = arith.constant 2 : i32
        %dma_start3A_713 = arith.constant 0 : i32
        %dma_start3A_714 = arith.constant 0 : i32
        %dma_start3A_715 = tpu.memref_slice %arg5[%dma_start3A_711, %dma_start3A_713, %dma_start3A_714] : memref<4x2x128xi32, #tpu.memory_space<vmem>> -> memref<1x2x128xi32, #tpu.memory_space<vmem>>
        %dma_start3A_716 = tpu.memref_squeeze %dma_start3A_715 : memref<1x2x128xi32, #tpu.memory_space<vmem>> -> memref<2x128xi32, #tpu.memory_space<vmem>>
        %dma_start3A_717 = arith.constant 0 : i32
        %dma_start3A_718 = tpu.memref_slice %arg3[%dma_start3A_717, %add3A_710] : memref<2x320000xi32, #tpu.memory_space<hbm>> -> memref<2x128xi32, #tpu.memory_space<hbm>>
        %dma_start3A_719 = tpu.memref_slice %arg11[%dma_start3A_712] : memref<4x!tpu.dma_semaphore, #tpu.memory_space<semaphore_mem>> -> memref<1x!tpu.dma_semaphore, #tpu.memory_space<semaphore_mem>>
        %dma_start3A_720 = tpu.memref_squeeze %dma_start3A_719 : memref<1x!tpu.dma_semaphore, #tpu.memory_space<semaphore_mem>> -> memref<!tpu.dma_semaphore, #tpu.memory_space<semaphore_mem>>
        %dma_start3A_721 = arith.constant 0 : i32
        %dma_start3A_722 = arith.constant 0 : i32
        %dma_start3A_723 = tpu.memref_slice %arg5[%dma_start3A_711, %dma_start3A_721, %dma_start3A_722] : memref<4x2x128xi32, #tpu.memory_space<vmem>> -> memref<1x2x128xi32, #tpu.memory_space<vmem>>
        %dma_start3A_724 = tpu.memref_squeeze %dma_start3A_723 : memref<1x2x128xi32, #tpu.memory_space<vmem>> -> memref<2x128xi32, #tpu.memory_space<vmem>>
        %dma_start3A_725 = arith.constant 0 : i32
        %dma_start3A_726 = tpu.memref_slice %arg3[%dma_start3A_725, %add3A_710] : memref<2x320000xi32, #tpu.memory_space<hbm>> -> memref<2x128xi32, #tpu.memory_space<hbm>>
        tpu.enqueue_dma source(%dma_start3A_726 : memref<2x128xi32, #tpu.memory_space<hbm>>) target(%dma_start3A_724 : memref<2x128xi32, #tpu.memory_space<vmem>>) target_semaphore(%dma_start3A_720 : memref<!tpu.dma_semaphore, #tpu.memory_space<semaphore_mem>>)
      } else {
      }
      %dma_wait3A_683 = arith.constant 3 : i32
      %dma_wait3A_684 = arith.constant 3 : i32
      %dma_wait3A_685 = arith.constant 1 : i32
      %dma_wait3A_686 = arith.constant 3 : i32
      %dma_wait3A_687 = arith.constant 0 : i32
      %dma_wait3A_688 = arith.constant 0 : i32
      %dma_wait3A_689 = tpu.memref_slice %arg7[%dma_wait3A_683, %dma_wait3A_687, %dma_wait3A_688] : memref<4x128x16xf32, #tpu.memory_space<vmem>> -> memref<1x128x16xf32, #tpu.memory_space<vmem>>
      %dma_wait3A_690 = tpu.memref_squeeze %dma_wait3A_689 : memref<1x128x16xf32, #tpu.memory_space<vmem>> -> memref<128x16xf32, #tpu.memory_space<vmem>>
      %dma_wait3A_691 = arith.constant 0 : i32
      %dma_wait3A_692 = tpu.memref_slice %arg5[%dma_wait3A_684, %dma_wait3A_685, %dma_wait3A_691] : memref<4x2x128xi32, #tpu.memory_space<vmem>> -> memref<1x1x128xi32, #tpu.memory_space<vmem>>
      %dma_wait3A_693 = tpu.memref_squeeze %dma_wait3A_692 : memref<1x1x128xi32, #tpu.memory_space<vmem>> -> memref<128xi32, #tpu.memory_space<vmem>>
      %dma_wait3A_694 = arith.constant 0 : i32
      %dma_wait3A_695 = arith.constant 0 : i32
      %dma_wait3A_696 = tpu.memref_slice %arg10[%dma_wait3A_694, %dma_wait3A_695] : memref<10000x16xf32, #tpu.memory_space<vmem_shared>> -> memref<10000x16xf32, #tpu.memory_space<vmem_shared>>
      %dma_wait3A_697 = tpu.memref_slice %arg13[%dma_wait3A_686] : memref<4x!tpu.dma_semaphore, #tpu.memory_space<semaphore_mem>> -> memref<1x!tpu.dma_semaphore, #tpu.memory_space<semaphore_mem>>
      %dma_wait3A_698 = tpu.memref_squeeze %dma_wait3A_697 : memref<1x!tpu.dma_semaphore, #tpu.memory_space<semaphore_mem>> -> memref<!tpu.dma_semaphore, #tpu.memory_space<semaphore_mem>>
      tpu.wait_indirect_dma semaphore(%dma_wait3A_698 : memref<!tpu.dma_semaphore, #tpu.memory_space<semaphore_mem>>) src(%dma_wait3A_690 : memref<128x16xf32, #tpu.memory_space<vmem>>) dst(%dma_wait3A_696 : memref<10000x16xf32, #tpu.memory_space<vmem_shared>>)
      %lt3A_699 = arith.constant 18 : i32
      %lt3A_700 = arith.cmpi slt, %add3A_342, %lt3A_699 : i32
      %convert_element_type3A_701 = arith.extui %lt3A_700 : i1 to i32
      %cond3A_702 = arith.constant 0 : i32
      %cond3A_703 = arith.cmpi ne, %convert_element_type3A_701, %cond3A_702 : i32
      scf.if %cond3A_703 {
        %add3A_704 = arith.constant 4 : i32
        %add3A_705 = arith.addi %mul3A_344, %add3A_704 : i32
        %add3A_706 = arith.constant 3 : i32
        %add3A_707 = arith.addi %add3A_705, %add3A_706 : i32
        %mul3A_708 = arith.constant 128 : i32
        %mul3A_709 = arith.muli %add3A_707, %mul3A_708 : i32
        %add3A_710 = arith.addi %mul3A_2, %mul3A_709 : i32
        %dma_start3A_711 = arith.constant 3 : i32
        %dma_start3A_712 = arith.constant 3 : i32
        %dma_start3A_713 = arith.constant 0 : i32
        %dma_start3A_714 = arith.constant 0 : i32
        %dma_start3A_715 = tpu.memref_slice %arg5[%dma_start3A_711, %dma_start3A_713, %dma_start3A_714] : memref<4x2x128xi32, #tpu.memory_space<vmem>> -> memref<1x2x128xi32, #tpu.memory_space<vmem>>
        %dma_start3A_716 = tpu.memref_squeeze %dma_start3A_715 : memref<1x2x128xi32, #tpu.memory_space<vmem>> -> memref<2x128xi32, #tpu.memory_space<vmem>>
        %dma_start3A_717 = arith.constant 0 : i32
        %dma_start3A_718 = tpu.memref_slice %arg3[%dma_start3A_717, %add3A_710] : memref<2x320000xi32, #tpu.memory_space<hbm>> -> memref<2x128xi32, #tpu.memory_space<hbm>>
        %dma_start3A_719 = tpu.memref_slice %arg11[%dma_start3A_712] : memref<4x!tpu.dma_semaphore, #tpu.memory_space<semaphore_mem>> -> memref<1x!tpu.dma_semaphore, #tpu.memory_space<semaphore_mem>>
        %dma_start3A_720 = tpu.memref_squeeze %dma_start3A_719 : memref<1x!tpu.dma_semaphore, #tpu.memory_space<semaphore_mem>> -> memref<!tpu.dma_semaphore, #tpu.memory_space<semaphore_mem>>
        %dma_start3A_721 = arith.constant 0 : i32
        %dma_start3A_722 = arith.constant 0 : i32
        %dma_start3A_723 = tpu.memref_slice %arg5[%dma_start3A_711, %dma_start3A_721, %dma_start3A_722] : memref<4x2x128xi32, #tpu.memory_space<vmem>> -> memref<1x2x128xi32, #tpu.memory_space<vmem>>
        %dma_start3A_724 = tpu.memref_squeeze %dma_start3A_723 : memref<1x2x128xi32, #tpu.memory_space<vmem>> -> memref<2x128xi32, #tpu.memory_space<vmem>>
        %dma_start3A_725 = arith.constant 0 : i32
        %dma_start3A_726 = tpu.memref_slice %arg3[%dma_start3A_725, %add3A_710] : memref<2x320000xi32, #tpu.memory_space<hbm>> -> memref<2x128xi32, #tpu.memory_space<hbm>>
        tpu.enqueue_dma source(%dma_start3A_726 : memref<2x128xi32, #tpu.memory_space<hbm>>) target(%dma_start3A_724 : memref<2x128xi32, #tpu.memory_space<vmem>>) target_semaphore(%dma_start3A_720 : memref<!tpu.dma_semaphore, #tpu.memory_space<semaphore_mem>>)
      } else {
      }
    }
    %scan3A_88 = arith.constant 19 : i32
    %add3A_89 = arith.constant 9728 : i32
    %add3A_90 = arith.addi %mul3A_2, %add3A_89 : i32
    %dma_start3A_91 = arith.constant 0 : i32
    %dma_start3A_92 = arith.constant 0 : i32
    %dma_start3A_93 = arith.constant 0 : i32
    %dma_start3A_94 = arith.constant 0 : i32
    %dma_start3A_95 = tpu.memref_slice %arg5[%dma_start3A_91, %dma_start3A_93, %dma_start3A_94] : memref<4x2x128xi32, #tpu.memory_space<vmem>> -> memref<1x2x128xi32, #tpu.memory_space<vmem>>
    %dma_start3A_96 = tpu.memref_squeeze %dma_start3A_95 : memref<1x2x128xi32, #tpu.memory_space<vmem>> -> memref<2x128xi32, #tpu.memory_space<vmem>>
    %dma_start3A_97 = arith.constant 0 : i32
    %dma_start3A_98 = tpu.memref_slice %arg3[%dma_start3A_97, %add3A_90] : memref<2x320000xi32, #tpu.memory_space<hbm>> -> memref<2x128xi32, #tpu.memory_space<hbm>>
    %dma_start3A_99 = tpu.memref_slice %arg11[%dma_start3A_92] : memref<4x!tpu.dma_semaphore, #tpu.memory_space<semaphore_mem>> -> memref<1x!tpu.dma_semaphore, #tpu.memory_space<semaphore_mem>>
    %dma_start3A_100 = tpu.memref_squeeze %dma_start3A_99 : memref<1x!tpu.dma_semaphore, #tpu.memory_space<semaphore_mem>> -> memref<!tpu.dma_semaphore, #tpu.memory_space<semaphore_mem>>
    %dma_start3A_101 = arith.constant 0 : i32
    %dma_start3A_102 = arith.constant 0 : i32
    %dma_start3A_103 = tpu.memref_slice %arg5[%dma_start3A_91, %dma_start3A_101, %dma_start3A_102] : memref<4x2x128xi32, #tpu.memory_space<vmem>> -> memref<1x2x128xi32, #tpu.memory_space<vmem>>
    %dma_start3A_104 = tpu.memref_squeeze %dma_start3A_103 : memref<1x2x128xi32, #tpu.memory_space<vmem>> -> memref<2x128xi32, #tpu.memory_space<vmem>>
    %dma_start3A_105 = arith.constant 0 : i32
    %dma_start3A_106 = tpu.memref_slice %arg3[%dma_start3A_105, %add3A_90] : memref<2x320000xi32, #tpu.memory_space<hbm>> -> memref<2x128xi32, #tpu.memory_space<hbm>>
    tpu.enqueue_dma source(%dma_start3A_106 : memref<2x128xi32, #tpu.memory_space<hbm>>) target(%dma_start3A_104 : memref<2x128xi32, #tpu.memory_space<vmem>>) target_semaphore(%dma_start3A_100 : memref<!tpu.dma_semaphore, #tpu.memory_space<semaphore_mem>>)
    %add3A_107 = arith.constant 9856 : i32
    %add3A_108 = arith.addi %mul3A_2, %add3A_107 : i32
    %dma_start3A_109 = arith.constant 1 : i32
    %dma_start3A_110 = arith.constant 1 : i32
    %dma_start3A_111 = arith.constant 0 : i32
    %dma_start3A_112 = arith.constant 0 : i32
    %dma_start3A_113 = tpu.memref_slice %arg5[%dma_start3A_109, %dma_start3A_111, %dma_start3A_112] : memref<4x2x128xi32, #tpu.memory_space<vmem>> -> memref<1x2x128xi32, #tpu.memory_space<vmem>>
    %dma_start3A_114 = tpu.memref_squeeze %dma_start3A_113 : memref<1x2x128xi32, #tpu.memory_space<vmem>> -> memref<2x128xi32, #tpu.memory_space<vmem>>
    %dma_start3A_115 = arith.constant 0 : i32
    %dma_start3A_116 = tpu.memref_slice %arg3[%dma_start3A_115, %add3A_108] : memref<2x320000xi32, #tpu.memory_space<hbm>> -> memref<2x128xi32, #tpu.memory_space<hbm>>
    %dma_start3A_117 = tpu.memref_slice %arg11[%dma_start3A_110] : memref<4x!tpu.dma_semaphore, #tpu.memory_space<semaphore_mem>> -> memref<1x!tpu.dma_semaphore, #tpu.memory_space<semaphore_mem>>
    %dma_start3A_118 = tpu.memref_squeeze %dma_start3A_117 : memref<1x!tpu.dma_semaphore, #tpu.memory_space<semaphore_mem>> -> memref<!tpu.dma_semaphore, #tpu.memory_space<semaphore_mem>>
    %dma_start3A_119 = arith.constant 0 : i32
    %dma_start3A_120 = arith.constant 0 : i32
    %dma_start3A_121 = tpu.memref_slice %arg5[%dma_start3A_109, %dma_start3A_119, %dma_start3A_120] : memref<4x2x128xi32, #tpu.memory_space<vmem>> -> memref<1x2x128xi32, #tpu.memory_space<vmem>>
    %dma_start3A_122 = tpu.memref_squeeze %dma_start3A_121 : memref<1x2x128xi32, #tpu.memory_space<vmem>> -> memref<2x128xi32, #tpu.memory_space<vmem>>
    %dma_start3A_123 = arith.constant 0 : i32
    %dma_start3A_124 = tpu.memref_slice %arg3[%dma_start3A_123, %add3A_108] : memref<2x320000xi32, #tpu.memory_space<hbm>> -> memref<2x128xi32, #tpu.memory_space<hbm>>
    tpu.enqueue_dma source(%dma_start3A_124 : memref<2x128xi32, #tpu.memory_space<hbm>>) target(%dma_start3A_122 : memref<2x128xi32, #tpu.memory_space<vmem>>) target_semaphore(%dma_start3A_118 : memref<!tpu.dma_semaphore, #tpu.memory_space<semaphore_mem>>)
    %add3A_125 = arith.constant 9728 : i32
    %add3A_126 = arith.addi %mul3A_2, %add3A_125 : i32
    %dma_wait3A = arith.constant 0 : i32
    %dma_wait3A_127 = arith.constant 0 : i32
    %dma_wait3A_128 = arith.constant 0 : i32
    %dma_wait3A_129 = arith.constant 0 : i32
    %dma_wait3A_130 = tpu.memref_slice %arg5[%dma_wait3A, %dma_wait3A_128, %dma_wait3A_129] : memref<4x2x128xi32, #tpu.memory_space<vmem>> -> memref<1x2x128xi32, #tpu.memory_space<vmem>>
    %dma_wait3A_131 = tpu.memref_squeeze %dma_wait3A_130 : memref<1x2x128xi32, #tpu.memory_space<vmem>> -> memref<2x128xi32, #tpu.memory_space<vmem>>
    %dma_wait3A_132 = arith.constant 0 : i32
    %dma_wait3A_133 = tpu.memref_slice %arg3[%dma_wait3A_132, %add3A_126] : memref<2x320000xi32, #tpu.memory_space<hbm>> -> memref<2x128xi32, #tpu.memory_space<hbm>>
    %dma_wait3A_134 = tpu.memref_slice %arg11[%dma_wait3A_127] : memref<4x!tpu.dma_semaphore, #tpu.memory_space<semaphore_mem>> -> memref<1x!tpu.dma_semaphore, #tpu.memory_space<semaphore_mem>>
    %dma_wait3A_135 = tpu.memref_squeeze %dma_wait3A_134 : memref<1x!tpu.dma_semaphore, #tpu.memory_space<semaphore_mem>> -> memref<!tpu.dma_semaphore, #tpu.memory_space<semaphore_mem>>
    %dma_wait3A_136 = arith.constant 0 : i32
    %dma_wait3A_137 = arith.constant 0 : i32
    %dma_wait3A_138 = tpu.memref_slice %arg5[%dma_wait3A, %dma_wait3A_136, %dma_wait3A_137] : memref<4x2x128xi32, #tpu.memory_space<vmem>> -> memref<1x2x128xi32, #tpu.memory_space<vmem>>
    %dma_wait3A_139 = tpu.memref_squeeze %dma_wait3A_138 : memref<1x2x128xi32, #tpu.memory_space<vmem>> -> memref<2x128xi32, #tpu.memory_space<vmem>>
    %dma_wait3A_140 = arith.constant 0 : i32
    %dma_wait3A_141 = tpu.memref_slice %arg3[%dma_wait3A_140, %add3A_126] : memref<2x320000xi32, #tpu.memory_space<hbm>> -> memref<2x128xi32, #tpu.memory_space<hbm>>
    tpu.wait_dma2 semaphore(%dma_wait3A_135 : memref<!tpu.dma_semaphore, #tpu.memory_space<semaphore_mem>>) src(%dma_wait3A_141 : memref<2x128xi32, #tpu.memory_space<hbm>>) dst(%dma_wait3A_139 : memref<2x128xi32, #tpu.memory_space<vmem>>)
    %dma_start3A_142 = arith.constant 0 : i32
    %dma_start3A_143 = arith.constant 0 : i32
    %dma_start3A_144 = arith.constant 0 : i32
    %dma_start3A_145 = arith.constant 0 : i32
    %dma_start3A_146 = arith.constant 0 : i32
    %dma_start3A_147 = arith.constant 0 : i32
    %dma_start3A_148 = tpu.memref_slice %arg7[%dma_start3A_144, %dma_start3A_146, %dma_start3A_147] : memref<4x128x16xf32, #tpu.memory_space<vmem>> -> memref<1x128x16xf32, #tpu.memory_space<vmem>>
    %dma_start3A_149 = tpu.memref_squeeze %dma_start3A_148 : memref<1x128x16xf32, #tpu.memory_space<vmem>> -> memref<128x16xf32, #tpu.memory_space<vmem>>
    %dma_start3A_150 = arith.constant 0 : i32
    %dma_start3A_151 = tpu.memref_slice %arg5[%dma_start3A_142, %dma_start3A_143, %dma_start3A_150] : memref<4x2x128xi32, #tpu.memory_space<vmem>> -> memref<1x1x128xi32, #tpu.memory_space<vmem>>
    %dma_start3A_152 = tpu.memref_squeeze %dma_start3A_151 : memref<1x1x128xi32, #tpu.memory_space<vmem>> -> memref<128xi32, #tpu.memory_space<vmem>>
    %dma_start3A_153 = arith.constant 0 : i32
    %dma_start3A_154 = arith.constant 0 : i32
    %dma_start3A_155 = tpu.memref_slice %arg2[%dma_start3A_153, %dma_start3A_154] : memref<10000x16xf32, #tpu.memory_space<hbm>> -> memref<10000x16xf32, #tpu.memory_space<hbm>>
    %dma_start3A_156 = tpu.memref_slice %arg12[%dma_start3A_145] : memref<4x!tpu.dma_semaphore, #tpu.memory_space<semaphore_mem>> -> memref<1x!tpu.dma_semaphore, #tpu.memory_space<semaphore_mem>>
    %dma_start3A_157 = tpu.memref_squeeze %dma_start3A_156 : memref<1x!tpu.dma_semaphore, #tpu.memory_space<semaphore_mem>> -> memref<!tpu.dma_semaphore, #tpu.memory_space<semaphore_mem>>
    tpu.enqueue_indirect_dma source(%dma_start3A_155 : memref<10000x16xf32, #tpu.memory_space<hbm>>) target(%dma_start3A_149 : memref<128x16xf32, #tpu.memory_space<vmem>>) offsets(%dma_start3A_152 : memref<128xi32, #tpu.memory_space<vmem>>) semaphore(%dma_start3A_157 : memref<!tpu.dma_semaphore, #tpu.memory_space<semaphore_mem>>)
    %add3A_158 = arith.constant 9856 : i32
    %add3A_159 = arith.addi %mul3A_2, %add3A_158 : i32
    %dma_wait3A_160 = arith.constant 1 : i32
    %dma_wait3A_161 = arith.constant 1 : i32
    %dma_wait3A_162 = arith.constant 0 : i32
    %dma_wait3A_163 = arith.constant 0 : i32
    %dma_wait3A_164 = tpu.memref_slice %arg5[%dma_wait3A_160, %dma_wait3A_162, %dma_wait3A_163] : memref<4x2x128xi32, #tpu.memory_space<vmem>> -> memref<1x2x128xi32, #tpu.memory_space<vmem>>
    %dma_wait3A_165 = tpu.memref_squeeze %dma_wait3A_164 : memref<1x2x128xi32, #tpu.memory_space<vmem>> -> memref<2x128xi32, #tpu.memory_space<vmem>>
    %dma_wait3A_166 = arith.constant 0 : i32
    %dma_wait3A_167 = tpu.memref_slice %arg3[%dma_wait3A_166, %add3A_159] : memref<2x320000xi32, #tpu.memory_space<hbm>> -> memref<2x128xi32, #tpu.memory_space<hbm>>
    %dma_wait3A_168 = tpu.memref_slice %arg11[%dma_wait3A_161] : memref<4x!tpu.dma_semaphore, #tpu.memory_space<semaphore_mem>> -> memref<1x!tpu.dma_semaphore, #tpu.memory_space<semaphore_mem>>
    %dma_wait3A_169 = tpu.memref_squeeze %dma_wait3A_168 : memref<1x!tpu.dma_semaphore, #tpu.memory_space<semaphore_mem>> -> memref<!tpu.dma_semaphore, #tpu.memory_space<semaphore_mem>>
    %dma_wait3A_170 = arith.constant 0 : i32
    %dma_wait3A_171 = arith.constant 0 : i32
    %dma_wait3A_172 = tpu.memref_slice %arg5[%dma_wait3A_160, %dma_wait3A_170, %dma_wait3A_171] : memref<4x2x128xi32, #tpu.memory_space<vmem>> -> memref<1x2x128xi32, #tpu.memory_space<vmem>>
    %dma_wait3A_173 = tpu.memref_squeeze %dma_wait3A_172 : memref<1x2x128xi32, #tpu.memory_space<vmem>> -> memref<2x128xi32, #tpu.memory_space<vmem>>
    %dma_wait3A_174 = arith.constant 0 : i32
    %dma_wait3A_175 = tpu.memref_slice %arg3[%dma_wait3A_174, %add3A_159] : memref<2x320000xi32, #tpu.memory_space<hbm>> -> memref<2x128xi32, #tpu.memory_space<hbm>>
    tpu.wait_dma2 semaphore(%dma_wait3A_169 : memref<!tpu.dma_semaphore, #tpu.memory_space<semaphore_mem>>) src(%dma_wait3A_175 : memref<2x128xi32, #tpu.memory_space<hbm>>) dst(%dma_wait3A_173 : memref<2x128xi32, #tpu.memory_space<vmem>>)
    %dma_start3A_176 = arith.constant 1 : i32
    %dma_start3A_177 = arith.constant 0 : i32
    %dma_start3A_178 = arith.constant 1 : i32
    %dma_start3A_179 = arith.constant 1 : i32
    %dma_start3A_180 = arith.constant 0 : i32
    %dma_start3A_181 = arith.constant 0 : i32
    %dma_start3A_182 = tpu.memref_slice %arg7[%dma_start3A_178, %dma_start3A_180, %dma_start3A_181] : memref<4x128x16xf32, #tpu.memory_space<vmem>> -> memref<1x128x16xf32, #tpu.memory_space<vmem>>
    %dma_start3A_183 = tpu.memref_squeeze %dma_start3A_182 : memref<1x128x16xf32, #tpu.memory_space<vmem>> -> memref<128x16xf32, #tpu.memory_space<vmem>>
    %dma_start3A_184 = arith.constant 0 : i32
    %dma_start3A_185 = tpu.memref_slice %arg5[%dma_start3A_176, %dma_start3A_177, %dma_start3A_184] : memref<4x2x128xi32, #tpu.memory_space<vmem>> -> memref<1x1x128xi32, #tpu.memory_space<vmem>>
    %dma_start3A_186 = tpu.memref_squeeze %dma_start3A_185 : memref<1x1x128xi32, #tpu.memory_space<vmem>> -> memref<128xi32, #tpu.memory_space<vmem>>
    %dma_start3A_187 = arith.constant 0 : i32
    %dma_start3A_188 = arith.constant 0 : i32
    %dma_start3A_189 = tpu.memref_slice %arg2[%dma_start3A_187, %dma_start3A_188] : memref<10000x16xf32, #tpu.memory_space<hbm>> -> memref<10000x16xf32, #tpu.memory_space<hbm>>
    %dma_start3A_190 = tpu.memref_slice %arg12[%dma_start3A_179] : memref<4x!tpu.dma_semaphore, #tpu.memory_space<semaphore_mem>> -> memref<1x!tpu.dma_semaphore, #tpu.memory_space<semaphore_mem>>
    %dma_start3A_191 = tpu.memref_squeeze %dma_start3A_190 : memref<1x!tpu.dma_semaphore, #tpu.memory_space<semaphore_mem>> -> memref<!tpu.dma_semaphore, #tpu.memory_space<semaphore_mem>>
    tpu.enqueue_indirect_dma source(%dma_start3A_189 : memref<10000x16xf32, #tpu.memory_space<hbm>>) target(%dma_start3A_183 : memref<128x16xf32, #tpu.memory_space<vmem>>) offsets(%dma_start3A_186 : memref<128xi32, #tpu.memory_space<vmem>>) semaphore(%dma_start3A_191 : memref<!tpu.dma_semaphore, #tpu.memory_space<semaphore_mem>>)
    %add3A_192 = arith.constant 9984 : i32
    %add3A_193 = arith.addi %mul3A_2, %add3A_192 : i32
    "tpu.region"() ({
      %run_scoped3A = tpu.sem_alloc : memref<!tpu.dma_semaphore, #tpu.memory_space<semaphore_mem>>
      %dma_start3A_338 = arith.constant 0 : i32
      %dma_start3A_339 = tpu.memref_slice %arg3[%dma_start3A_338, %add3A_193] : memref<2x320000xi32, #tpu.memory_space<hbm>> -> memref<2x16xi32, #tpu.memory_space<hbm>>
      %dma_start3A_340 = arith.constant 0 : i32
      %dma_start3A_341 = tpu.memref_slice %arg3[%dma_start3A_340, %add3A_193] : memref<2x320000xi32, #tpu.memory_space<hbm>> -> memref<2x16xi32, #tpu.memory_space<hbm>>
      tpu.enqueue_dma source(%dma_start3A_341 : memref<2x16xi32, #tpu.memory_space<hbm>>) target(%arg6 : memref<2x16xi32, #tpu.memory_space<vmem>>) target_semaphore(%run_scoped3A : memref<!tpu.dma_semaphore, #tpu.memory_space<semaphore_mem>>)
      %dma_wait3A_342 = arith.constant 0 : i32
      %dma_wait3A_343 = tpu.memref_slice %arg3[%dma_wait3A_342, %add3A_193] : memref<2x320000xi32, #tpu.memory_space<hbm>> -> memref<2x16xi32, #tpu.memory_space<hbm>>
      %dma_wait3A_344 = arith.constant 0 : i32
      %dma_wait3A_345 = tpu.memref_slice %arg3[%dma_wait3A_344, %add3A_193] : memref<2x320000xi32, #tpu.memory_space<hbm>> -> memref<2x16xi32, #tpu.memory_space<hbm>>
      tpu.wait_dma2 semaphore(%run_scoped3A : memref<!tpu.dma_semaphore, #tpu.memory_space<semaphore_mem>>) src(%dma_wait3A_345 : memref<2x16xi32, #tpu.memory_space<hbm>>) dst(%arg6 : memref<2x16xi32, #tpu.memory_space<vmem>>)
      tpu.yield
    }) : () -> ()
    %dma_start3A_194 = arith.constant 0 : i32
    %dma_start3A_195 = arith.constant 2 : i32
    %dma_start3A_196 = arith.constant 0 : i32
    %dma_start3A_197 = tpu.memref_slice %arg6[%dma_start3A_194, %dma_start3A_196] : memref<2x16xi32, #tpu.memory_space<vmem>> -> memref<1x16xi32, #tpu.memory_space<vmem>>
    %dma_start3A_198 = tpu.memref_squeeze %dma_start3A_197 : memref<1x16xi32, #tpu.memory_space<vmem>> -> memref<16xi32, #tpu.memory_space<vmem>>
    %dma_start3A_199 = arith.constant 0 : i32
    %dma_start3A_200 = arith.constant 0 : i32
    %dma_start3A_201 = tpu.memref_slice %arg2[%dma_start3A_199, %dma_start3A_200] : memref<10000x16xf32, #tpu.memory_space<hbm>> -> memref<10000x16xf32, #tpu.memory_space<hbm>>
    %dma_start3A_202 = tpu.memref_slice %arg12[%dma_start3A_195] : memref<4x!tpu.dma_semaphore, #tpu.memory_space<semaphore_mem>> -> memref<1x!tpu.dma_semaphore, #tpu.memory_space<semaphore_mem>>
    %dma_start3A_203 = tpu.memref_squeeze %dma_start3A_202 : memref<1x!tpu.dma_semaphore, #tpu.memory_space<semaphore_mem>> -> memref<!tpu.dma_semaphore, #tpu.memory_space<semaphore_mem>>
    tpu.enqueue_indirect_dma source(%dma_start3A_201 : memref<10000x16xf32, #tpu.memory_space<hbm>>) target(%arg8 : memref<16x16xf32, #tpu.memory_space<vmem>>) offsets(%dma_start3A_198 : memref<16xi32, #tpu.memory_space<vmem>>) semaphore(%dma_start3A_203 : memref<!tpu.dma_semaphore, #tpu.memory_space<semaphore_mem>>)
    %dma_wait3A_204 = arith.constant 0 : i32
    %dma_wait3A_205 = arith.constant 0 : i32
    %dma_wait3A_206 = arith.constant 0 : i32
    %dma_wait3A_207 = arith.constant 0 : i32
    %dma_wait3A_208 = arith.constant 0 : i32
    %dma_wait3A_209 = arith.constant 0 : i32
    %dma_wait3A_210 = tpu.memref_slice %arg7[%dma_wait3A_206, %dma_wait3A_208, %dma_wait3A_209] : memref<4x128x16xf32, #tpu.memory_space<vmem>> -> memref<1x128x16xf32, #tpu.memory_space<vmem>>
    %dma_wait3A_211 = tpu.memref_squeeze %dma_wait3A_210 : memref<1x128x16xf32, #tpu.memory_space<vmem>> -> memref<128x16xf32, #tpu.memory_space<vmem>>
    %dma_wait3A_212 = arith.constant 0 : i32
    %dma_wait3A_213 = tpu.memref_slice %arg5[%dma_wait3A_204, %dma_wait3A_205, %dma_wait3A_212] : memref<4x2x128xi32, #tpu.memory_space<vmem>> -> memref<1x1x128xi32, #tpu.memory_space<vmem>>
    %dma_wait3A_214 = tpu.memref_squeeze %dma_wait3A_213 : memref<1x1x128xi32, #tpu.memory_space<vmem>> -> memref<128xi32, #tpu.memory_space<vmem>>
    %dma_wait3A_215 = arith.constant 0 : i32
    %dma_wait3A_216 = arith.constant 0 : i32
    %dma_wait3A_217 = tpu.memref_slice %arg2[%dma_wait3A_215, %dma_wait3A_216] : memref<10000x16xf32, #tpu.memory_space<hbm>> -> memref<10000x16xf32, #tpu.memory_space<hbm>>
    %dma_wait3A_218 = tpu.memref_slice %arg12[%dma_wait3A_207] : memref<4x!tpu.dma_semaphore, #tpu.memory_space<semaphore_mem>> -> memref<1x!tpu.dma_semaphore, #tpu.memory_space<semaphore_mem>>
    %dma_wait3A_219 = tpu.memref_squeeze %dma_wait3A_218 : memref<1x!tpu.dma_semaphore, #tpu.memory_space<semaphore_mem>> -> memref<!tpu.dma_semaphore, #tpu.memory_space<semaphore_mem>>
    tpu.wait_indirect_dma semaphore(%dma_wait3A_219 : memref<!tpu.dma_semaphore, #tpu.memory_space<semaphore_mem>>) src(%dma_wait3A_217 : memref<10000x16xf32, #tpu.memory_space<hbm>>) dst(%dma_wait3A_211 : memref<128x16xf32, #tpu.memory_space<vmem>>)
    %dma_start3A_220 = arith.constant 0 : i32
    %dma_start3A_221 = arith.constant 0 : i32
    %dma_start3A_222 = arith.constant 1 : i32
    %dma_start3A_223 = arith.constant 0 : i32
    %dma_start3A_224 = arith.constant 0 : i32
    %dma_start3A_225 = arith.constant 0 : i32
    %dma_start3A_226 = tpu.memref_slice %arg7[%dma_start3A_220, %dma_start3A_224, %dma_start3A_225] : memref<4x128x16xf32, #tpu.memory_space<vmem>> -> memref<1x128x16xf32, #tpu.memory_space<vmem>>
    %dma_start3A_227 = tpu.memref_squeeze %dma_start3A_226 : memref<1x128x16xf32, #tpu.memory_space<vmem>> -> memref<128x16xf32, #tpu.memory_space<vmem>>
    %dma_start3A_228 = arith.constant 0 : i32
    %dma_start3A_229 = tpu.memref_slice %arg5[%dma_start3A_221, %dma_start3A_222, %dma_start3A_228] : memref<4x2x128xi32, #tpu.memory_space<vmem>> -> memref<1x1x128xi32, #tpu.memory_space<vmem>>
    %dma_start3A_230 = tpu.memref_squeeze %dma_start3A_229 : memref<1x1x128xi32, #tpu.memory_space<vmem>> -> memref<128xi32, #tpu.memory_space<vmem>>
    %dma_start3A_231 = arith.constant 0 : i32
    %dma_start3A_232 = arith.constant 0 : i32
    %dma_start3A_233 = tpu.memref_slice %arg10[%dma_start3A_231, %dma_start3A_232] : memref<10000x16xf32, #tpu.memory_space<vmem_shared>> -> memref<10000x16xf32, #tpu.memory_space<vmem_shared>>
    %dma_start3A_234 = tpu.memref_slice %arg13[%dma_start3A_223] : memref<4x!tpu.dma_semaphore, #tpu.memory_space<semaphore_mem>> -> memref<1x!tpu.dma_semaphore, #tpu.memory_space<semaphore_mem>>
    %dma_start3A_235 = tpu.memref_squeeze %dma_start3A_234 : memref<1x!tpu.dma_semaphore, #tpu.memory_space<semaphore_mem>> -> memref<!tpu.dma_semaphore, #tpu.memory_space<semaphore_mem>>
    tpu.enqueue_indirect_dma source(%dma_start3A_227 : memref<128x16xf32, #tpu.memory_space<vmem>>) target(%dma_start3A_233 : memref<10000x16xf32, #tpu.memory_space<vmem_shared>>) offsets(%dma_start3A_230 : memref<128xi32, #tpu.memory_space<vmem>>) semaphore(%dma_start3A_235 : memref<!tpu.dma_semaphore, #tpu.memory_space<semaphore_mem>>) {add = true}
    %dma_wait3A_236 = arith.constant 1 : i32
    %dma_wait3A_237 = arith.constant 0 : i32
    %dma_wait3A_238 = arith.constant 1 : i32
    %dma_wait3A_239 = arith.constant 1 : i32
    %dma_wait3A_240 = arith.constant 0 : i32
    %dma_wait3A_241 = arith.constant 0 : i32
    %dma_wait3A_242 = tpu.memref_slice %arg7[%dma_wait3A_238, %dma_wait3A_240, %dma_wait3A_241] : memref<4x128x16xf32, #tpu.memory_space<vmem>> -> memref<1x128x16xf32, #tpu.memory_space<vmem>>
    %dma_wait3A_243 = tpu.memref_squeeze %dma_wait3A_242 : memref<1x128x16xf32, #tpu.memory_space<vmem>> -> memref<128x16xf32, #tpu.memory_space<vmem>>
    %dma_wait3A_244 = arith.constant 0 : i32
    %dma_wait3A_245 = tpu.memref_slice %arg5[%dma_wait3A_236, %dma_wait3A_237, %dma_wait3A_244] : memref<4x2x128xi32, #tpu.memory_space<vmem>> -> memref<1x1x128xi32, #tpu.memory_space<vmem>>
    %dma_wait3A_246 = tpu.memref_squeeze %dma_wait3A_245 : memref<1x1x128xi32, #tpu.memory_space<vmem>> -> memref<128xi32, #tpu.memory_space<vmem>>
    %dma_wait3A_247 = arith.constant 0 : i32
    %dma_wait3A_248 = arith.constant 0 : i32
    %dma_wait3A_249 = tpu.memref_slice %arg2[%dma_wait3A_247, %dma_wait3A_248] : memref<10000x16xf32, #tpu.memory_space<hbm>> -> memref<10000x16xf32, #tpu.memory_space<hbm>>
    %dma_wait3A_250 = tpu.memref_slice %arg12[%dma_wait3A_239] : memref<4x!tpu.dma_semaphore, #tpu.memory_space<semaphore_mem>> -> memref<1x!tpu.dma_semaphore, #tpu.memory_space<semaphore_mem>>
    %dma_wait3A_251 = tpu.memref_squeeze %dma_wait3A_250 : memref<1x!tpu.dma_semaphore, #tpu.memory_space<semaphore_mem>> -> memref<!tpu.dma_semaphore, #tpu.memory_space<semaphore_mem>>
    tpu.wait_indirect_dma semaphore(%dma_wait3A_251 : memref<!tpu.dma_semaphore, #tpu.memory_space<semaphore_mem>>) src(%dma_wait3A_249 : memref<10000x16xf32, #tpu.memory_space<hbm>>) dst(%dma_wait3A_243 : memref<128x16xf32, #tpu.memory_space<vmem>>)
    %dma_start3A_252 = arith.constant 1 : i32
    %dma_start3A_253 = arith.constant 1 : i32
    %dma_start3A_254 = arith.constant 1 : i32
    %dma_start3A_255 = arith.constant 1 : i32
    %dma_start3A_256 = arith.constant 0 : i32
    %dma_start3A_257 = arith.constant 0 : i32
    %dma_start3A_258 = tpu.memref_slice %arg7[%dma_start3A_252, %dma_start3A_256, %dma_start3A_257] : memref<4x128x16xf32, #tpu.memory_space<vmem>> -> memref<1x128x16xf32, #tpu.memory_space<vmem>>
    %dma_start3A_259 = tpu.memref_squeeze %dma_start3A_258 : memref<1x128x16xf32, #tpu.memory_space<vmem>> -> memref<128x16xf32, #tpu.memory_space<vmem>>
    %dma_start3A_260 = arith.constant 0 : i32
    %dma_start3A_261 = tpu.memref_slice %arg5[%dma_start3A_253, %dma_start3A_254, %dma_start3A_260] : memref<4x2x128xi32, #tpu.memory_space<vmem>> -> memref<1x1x128xi32, #tpu.memory_space<vmem>>
    %dma_start3A_262 = tpu.memref_squeeze %dma_start3A_261 : memref<1x1x128xi32, #tpu.memory_space<vmem>> -> memref<128xi32, #tpu.memory_space<vmem>>
    %dma_start3A_263 = arith.constant 0 : i32
    %dma_start3A_264 = arith.constant 0 : i32
    %dma_start3A_265 = tpu.memref_slice %arg10[%dma_start3A_263, %dma_start3A_264] : memref<10000x16xf32, #tpu.memory_space<vmem_shared>> -> memref<10000x16xf32, #tpu.memory_space<vmem_shared>>
    %dma_start3A_266 = tpu.memref_slice %arg13[%dma_start3A_255] : memref<4x!tpu.dma_semaphore, #tpu.memory_space<semaphore_mem>> -> memref<1x!tpu.dma_semaphore, #tpu.memory_space<semaphore_mem>>
    %dma_start3A_267 = tpu.memref_squeeze %dma_start3A_266 : memref<1x!tpu.dma_semaphore, #tpu.memory_space<semaphore_mem>> -> memref<!tpu.dma_semaphore, #tpu.memory_space<semaphore_mem>>
    tpu.enqueue_indirect_dma source(%dma_start3A_259 : memref<128x16xf32, #tpu.memory_space<vmem>>) target(%dma_start3A_265 : memref<10000x16xf32, #tpu.memory_space<vmem_shared>>) offsets(%dma_start3A_262 : memref<128xi32, #tpu.memory_space<vmem>>) semaphore(%dma_start3A_267 : memref<!tpu.dma_semaphore, #tpu.memory_space<semaphore_mem>>) {add = true}
    %dma_wait3A_268 = arith.constant 0 : i32
    %dma_wait3A_269 = arith.constant 2 : i32
    %dma_wait3A_270 = arith.constant 0 : i32
    %dma_wait3A_271 = tpu.memref_slice %arg6[%dma_wait3A_268, %dma_wait3A_270] : memref<2x16xi32, #tpu.memory_space<vmem>> -> memref<1x16xi32, #tpu.memory_space<vmem>>
    %dma_wait3A_272 = tpu.memref_squeeze %dma_wait3A_271 : memref<1x16xi32, #tpu.memory_space<vmem>> -> memref<16xi32, #tpu.memory_space<vmem>>
    %dma_wait3A_273 = arith.constant 0 : i32
    %dma_wait3A_274 = arith.constant 0 : i32
    %dma_wait3A_275 = tpu.memref_slice %arg2[%dma_wait3A_273, %dma_wait3A_274] : memref<10000x16xf32, #tpu.memory_space<hbm>> -> memref<10000x16xf32, #tpu.memory_space<hbm>>
    %dma_wait3A_276 = tpu.memref_slice %arg12[%dma_wait3A_269] : memref<4x!tpu.dma_semaphore, #tpu.memory_space<semaphore_mem>> -> memref<1x!tpu.dma_semaphore, #tpu.memory_space<semaphore_mem>>
    %dma_wait3A_277 = tpu.memref_squeeze %dma_wait3A_276 : memref<1x!tpu.dma_semaphore, #tpu.memory_space<semaphore_mem>> -> memref<!tpu.dma_semaphore, #tpu.memory_space<semaphore_mem>>
    tpu.wait_indirect_dma semaphore(%dma_wait3A_277 : memref<!tpu.dma_semaphore, #tpu.memory_space<semaphore_mem>>) src(%dma_wait3A_275 : memref<10000x16xf32, #tpu.memory_space<hbm>>) dst(%arg8 : memref<16x16xf32, #tpu.memory_space<vmem>>)
    %dma_start3A_278 = arith.constant 1 : i32
    %dma_start3A_279 = arith.constant 2 : i32
    %dma_start3A_280 = arith.constant 0 : i32
    %dma_start3A_281 = tpu.memref_slice %arg6[%dma_start3A_278, %dma_start3A_280] : memref<2x16xi32, #tpu.memory_space<vmem>> -> memref<1x16xi32, #tpu.memory_space<vmem>>
    %dma_start3A_282 = tpu.memref_squeeze %dma_start3A_281 : memref<1x16xi32, #tpu.memory_space<vmem>> -> memref<16xi32, #tpu.memory_space<vmem>>
    %dma_start3A_283 = arith.constant 0 : i32
    %dma_start3A_284 = arith.constant 0 : i32
    %dma_start3A_285 = tpu.memref_slice %arg10[%dma_start3A_283, %dma_start3A_284] : memref<10000x16xf32, #tpu.memory_space<vmem_shared>> -> memref<10000x16xf32, #tpu.memory_space<vmem_shared>>
    %dma_start3A_286 = tpu.memref_slice %arg13[%dma_start3A_279] : memref<4x!tpu.dma_semaphore, #tpu.memory_space<semaphore_mem>> -> memref<1x!tpu.dma_semaphore, #tpu.memory_space<semaphore_mem>>
    %dma_start3A_287 = tpu.memref_squeeze %dma_start3A_286 : memref<1x!tpu.dma_semaphore, #tpu.memory_space<semaphore_mem>> -> memref<!tpu.dma_semaphore, #tpu.memory_space<semaphore_mem>>
    tpu.enqueue_indirect_dma source(%arg8 : memref<16x16xf32, #tpu.memory_space<vmem>>) target(%dma_start3A_285 : memref<10000x16xf32, #tpu.memory_space<vmem_shared>>) offsets(%dma_start3A_282 : memref<16xi32, #tpu.memory_space<vmem>>) semaphore(%dma_start3A_287 : memref<!tpu.dma_semaphore, #tpu.memory_space<semaphore_mem>>) {add = true}
    %dma_wait3A_288 = arith.constant 0 : i32
    %dma_wait3A_289 = arith.constant 0 : i32
    %dma_wait3A_290 = arith.constant 1 : i32
    %dma_wait3A_291 = arith.constant 0 : i32
    %dma_wait3A_292 = arith.constant 0 : i32
    %dma_wait3A_293 = arith.constant 0 : i32
    %dma_wait3A_294 = tpu.memref_slice %arg7[%dma_wait3A_288, %dma_wait3A_292, %dma_wait3A_293] : memref<4x128x16xf32, #tpu.memory_space<vmem>> -> memref<1x128x16xf32, #tpu.memory_space<vmem>>
    %dma_wait3A_295 = tpu.memref_squeeze %dma_wait3A_294 : memref<1x128x16xf32, #tpu.memory_space<vmem>> -> memref<128x16xf32, #tpu.memory_space<vmem>>
    %dma_wait3A_296 = arith.constant 0 : i32
    %dma_wait3A_297 = tpu.memref_slice %arg5[%dma_wait3A_289, %dma_wait3A_290, %dma_wait3A_296] : memref<4x2x128xi32, #tpu.memory_space<vmem>> -> memref<1x1x128xi32, #tpu.memory_space<vmem>>
    %dma_wait3A_298 = tpu.memref_squeeze %dma_wait3A_297 : memref<1x1x128xi32, #tpu.memory_space<vmem>> -> memref<128xi32, #tpu.memory_space<vmem>>
    %dma_wait3A_299 = arith.constant 0 : i32
    %dma_wait3A_300 = arith.constant 0 : i32
    %dma_wait3A_301 = tpu.memref_slice %arg10[%dma_wait3A_299, %dma_wait3A_300] : memref<10000x16xf32, #tpu.memory_space<vmem_shared>> -> memref<10000x16xf32, #tpu.memory_space<vmem_shared>>
    %dma_wait3A_302 = tpu.memref_slice %arg13[%dma_wait3A_291] : memref<4x!tpu.dma_semaphore, #tpu.memory_space<semaphore_mem>> -> memref<1x!tpu.dma_semaphore, #tpu.memory_space<semaphore_mem>>
    %dma_wait3A_303 = tpu.memref_squeeze %dma_wait3A_302 : memref<1x!tpu.dma_semaphore, #tpu.memory_space<semaphore_mem>> -> memref<!tpu.dma_semaphore, #tpu.memory_space<semaphore_mem>>
    tpu.wait_indirect_dma semaphore(%dma_wait3A_303 : memref<!tpu.dma_semaphore, #tpu.memory_space<semaphore_mem>>) src(%dma_wait3A_295 : memref<128x16xf32, #tpu.memory_space<vmem>>) dst(%dma_wait3A_301 : memref<10000x16xf32, #tpu.memory_space<vmem_shared>>)
    %dma_wait3A_304 = arith.constant 1 : i32
    %dma_wait3A_305 = arith.constant 1 : i32
    %dma_wait3A_306 = arith.constant 1 : i32
    %dma_wait3A_307 = arith.constant 1 : i32
    %dma_wait3A_308 = arith.constant 0 : i32
    %dma_wait3A_309 = arith.constant 0 : i32
    %dma_wait3A_310 = tpu.memref_slice %arg7[%dma_wait3A_304, %dma_wait3A_308, %dma_wait3A_309] : memref<4x128x16xf32, #tpu.memory_space<vmem>> -> memref<1x128x16xf32, #tpu.memory_space<vmem>>
    %dma_wait3A_311 = tpu.memref_squeeze %dma_wait3A_310 : memref<1x128x16xf32, #tpu.memory_space<vmem>> -> memref<128x16xf32, #tpu.memory_space<vmem>>
    %dma_wait3A_312 = arith.constant 0 : i32
    %dma_wait3A_313 = tpu.memref_slice %arg5[%dma_wait3A_305, %dma_wait3A_306, %dma_wait3A_312] : memref<4x2x128xi32, #tpu.memory_space<vmem>> -> memref<1x1x128xi32, #tpu.memory_space<vmem>>
    %dma_wait3A_314 = tpu.memref_squeeze %dma_wait3A_313 : memref<1x1x128xi32, #tpu.memory_space<vmem>> -> memref<128xi32, #tpu.memory_space<vmem>>
    %dma_wait3A_315 = arith.constant 0 : i32
    %dma_wait3A_316 = arith.constant 0 : i32
    %dma_wait3A_317 = tpu.memref_slice %arg10[%dma_wait3A_315, %dma_wait3A_316] : memref<10000x16xf32, #tpu.memory_space<vmem_shared>> -> memref<10000x16xf32, #tpu.memory_space<vmem_shared>>
    %dma_wait3A_318 = tpu.memref_slice %arg13[%dma_wait3A_307] : memref<4x!tpu.dma_semaphore, #tpu.memory_space<semaphore_mem>> -> memref<1x!tpu.dma_semaphore, #tpu.memory_space<semaphore_mem>>
    %dma_wait3A_319 = tpu.memref_squeeze %dma_wait3A_318 : memref<1x!tpu.dma_semaphore, #tpu.memory_space<semaphore_mem>> -> memref<!tpu.dma_semaphore, #tpu.memory_space<semaphore_mem>>
    tpu.wait_indirect_dma semaphore(%dma_wait3A_319 : memref<!tpu.dma_semaphore, #tpu.memory_space<semaphore_mem>>) src(%dma_wait3A_311 : memref<128x16xf32, #tpu.memory_space<vmem>>) dst(%dma_wait3A_317 : memref<10000x16xf32, #tpu.memory_space<vmem_shared>>)
    %dma_wait3A_320 = arith.constant 1 : i32
    %dma_wait3A_321 = arith.constant 2 : i32
    %dma_wait3A_322 = arith.constant 0 : i32
    %dma_wait3A_323 = tpu.memref_slice %arg6[%dma_wait3A_320, %dma_wait3A_322] : memref<2x16xi32, #tpu.memory_space<vmem>> -> memref<1x16xi32, #tpu.memory_space<vmem>>
    %dma_wait3A_324 = tpu.memref_squeeze %dma_wait3A_323 : memref<1x16xi32, #tpu.memory_space<vmem>> -> memref<16xi32, #tpu.memory_space<vmem>>
    %dma_wait3A_325 = arith.constant 0 : i32
    %dma_wait3A_326 = arith.constant 0 : i32
    %dma_wait3A_327 = tpu.memref_slice %arg10[%dma_wait3A_325, %dma_wait3A_326] : memref<10000x16xf32, #tpu.memory_space<vmem_shared>> -> memref<10000x16xf32, #tpu.memory_space<vmem_shared>>
    %dma_wait3A_328 = tpu.memref_slice %arg13[%dma_wait3A_321] : memref<4x!tpu.dma_semaphore, #tpu.memory_space<semaphore_mem>> -> memref<1x!tpu.dma_semaphore, #tpu.memory_space<semaphore_mem>>
    %dma_wait3A_329 = tpu.memref_squeeze %dma_wait3A_328 : memref<1x!tpu.dma_semaphore, #tpu.memory_space<semaphore_mem>> -> memref<!tpu.dma_semaphore, #tpu.memory_space<semaphore_mem>>
    tpu.wait_indirect_dma semaphore(%dma_wait3A_329 : memref<!tpu.dma_semaphore, #tpu.memory_space<semaphore_mem>>) src(%arg8 : memref<16x16xf32, #tpu.memory_space<vmem>>) dst(%dma_wait3A_327 : memref<10000x16xf32, #tpu.memory_space<vmem_shared>>)
    %barrier3A_330 = arith.constant 0 : index
    tpu.barrier barrier_id(%barrier3A_330)
    %eq3A = arith.constant 0 : i32
    %eq3A_331 = arith.cmpi eq, %arg0, %eq3A : i32
    %convert_element_type3A = arith.extui %eq3A_331 : i1 to i32
    %cond3A = arith.constant 0 : i32
    %cond3A_332 = arith.cmpi ne, %convert_element_type3A, %cond3A : i32
    scf.if %cond3A_332 {
      %scan3A_338 = arith.constant 0 : i32
      %scan3A_339 = arith.constant 8 : i32
      %scan3A_340 = arith.addi %scan3A_338, %scan3A_339 : i32
      %scan3A_341 = arith.constant 1 : i32
      scf.for %scan3A_343 = %scan3A_338 to %scan3A_340 step %scan3A_341  : i32 {
        %mul3A_344 = arith.constant 1 : i32
        %mul3A_345 = arith.muli %scan3A_343, %mul3A_344 : i32
        %add3A_346 = arith.constant 0 : i32
        %add3A_347 = arith.addi %add3A_346, %mul3A_345 : i32
        %mul3A_348 = arith.constant 16 : i32
        %mul3A_349 = arith.muli %add3A_347, %mul3A_348 : i32
        %add3A_350 = arith.addi %arg1, %mul3A_349 : i32
        %lt3A = arith.constant 125 : i32
        %lt3A_351 = arith.cmpi slt, %add3A_350, %lt3A : i32
        %convert_element_type3A_352 = arith.extui %lt3A_351 : i1 to i32
        %cond3A_353 = arith.constant 0 : i32
        %cond3A_354 = arith.cmpi ne, %convert_element_type3A_352, %cond3A_353 : i32
        scf.if %cond3A_354 {
          %mul3A_355 = arith.constant 80 : i32
          %mul3A_356 = arith.muli %add3A_350, %mul3A_355 : i32
          %mul3A_357 = arith.constant 80 : i32
          %mul3A_358 = arith.muli %add3A_350, %mul3A_357 : i32
          %add3A_359 = arith.constant 0 : i32
          %add3A_360 = arith.addi %add3A_359, %mul3A_358 : i32
          "tpu.region"() ({
            %run_scoped3A = tpu.sem_alloc : memref<!tpu.dma_semaphore, #tpu.memory_space<semaphore_mem>>
            %dma_start3A_361 = arith.constant 0 : i32
            %dma_start3A_362 = tpu.memref_slice %arg4[%add3A_360, %dma_start3A_361] : memref<20000x16xf32, #tpu.memory_space<hbm>> -> memref<80x16xf32, #tpu.memory_space<hbm>>
            %dma_start3A_363 = arith.constant 0 : i32
            %dma_start3A_364 = tpu.memref_slice %arg10[%mul3A_356, %dma_start3A_363] : memref<10000x16xf32, #tpu.memory_space<vmem_shared>> -> memref<80x16xf32, #tpu.memory_space<vmem_shared>>
            tpu.enqueue_dma source(%dma_start3A_364 : memref<80x16xf32, #tpu.memory_space<vmem_shared>>) target(%dma_start3A_362 : memref<80x16xf32, #tpu.memory_space<hbm>>) target_semaphore(%run_scoped3A : memref<!tpu.dma_semaphore, #tpu.memory_space<semaphore_mem>>)
            %dma_wait3A_365 = arith.constant 0 : i32
            %dma_wait3A_366 = tpu.memref_slice %arg4[%add3A_360, %dma_wait3A_365] : memref<20000x16xf32, #tpu.memory_space<hbm>> -> memref<80x16xf32, #tpu.memory_space<hbm>>
            %dma_wait3A_367 = arith.constant 0 : i32
            %dma_wait3A_368 = tpu.memref_slice %arg10[%mul3A_356, %dma_wait3A_367] : memref<10000x16xf32, #tpu.memory_space<vmem_shared>> -> memref<80x16xf32, #tpu.memory_space<vmem_shared>>
            tpu.wait_dma2 semaphore(%run_scoped3A : memref<!tpu.dma_semaphore, #tpu.memory_space<semaphore_mem>>) src(%dma_wait3A_368 : memref<80x16xf32, #tpu.memory_space<vmem_shared>>) dst(%dma_wait3A_366 : memref<80x16xf32, #tpu.memory_space<hbm>>)
            tpu.yield
          }) : () -> ()
        } else {
        }
      }
      %scan3A_342 = arith.constant 8 : i32
    } else {
    }
    %eq3A_333 = arith.constant 1 : i32
    %eq3A_334 = arith.cmpi eq, %arg0, %eq3A_333 : i32
    %convert_element_type3A_335 = arith.extui %eq3A_334 : i1 to i32
    %cond3A_336 = arith.constant 0 : i32
    %cond3A_337 = arith.cmpi ne, %convert_element_type3A_335, %cond3A_336 : i32
    scf.if %cond3A_337 {
      %scan3A_338 = arith.constant 0 : i32
      %scan3A_339 = arith.constant 8 : i32
      %scan3A_340 = arith.addi %scan3A_338, %scan3A_339 : i32
      %scan3A_341 = arith.constant 1 : i32
      scf.for %scan3A_343 = %scan3A_338 to %scan3A_340 step %scan3A_341  : i32 {
        %mul3A_344 = arith.constant 1 : i32
        %mul3A_345 = arith.muli %scan3A_343, %mul3A_344 : i32
        %add3A_346 = arith.constant 0 : i32
        %add3A_347 = arith.addi %add3A_346, %mul3A_345 : i32
        %mul3A_348 = arith.constant 16 : i32
        %mul3A_349 = arith.muli %add3A_347, %mul3A_348 : i32
        %add3A_350 = arith.addi %arg1, %mul3A_349 : i32
        %lt3A = arith.constant 125 : i32
        %lt3A_351 = arith.cmpi slt, %add3A_350, %lt3A : i32
        %convert_element_type3A_352 = arith.extui %lt3A_351 : i1 to i32
        %cond3A_353 = arith.constant 0 : i32
        %cond3A_354 = arith.cmpi ne, %convert_element_type3A_352, %cond3A_353 : i32
        scf.if %cond3A_354 {
          %mul3A_355 = arith.constant 80 : i32
          %mul3A_356 = arith.muli %add3A_350, %mul3A_355 : i32
          %mul3A_357 = arith.constant 80 : i32
          %mul3A_358 = arith.muli %add3A_350, %mul3A_357 : i32
          %add3A_359 = arith.constant 10000 : i32
          %add3A_360 = arith.addi %add3A_359, %mul3A_358 : i32
          "tpu.region"() ({
            %run_scoped3A = tpu.sem_alloc : memref<!tpu.dma_semaphore, #tpu.memory_space<semaphore_mem>>
            %dma_start3A_361 = arith.constant 0 : i32
            %dma_start3A_362 = tpu.memref_slice %arg4[%add3A_360, %dma_start3A_361] : memref<20000x16xf32, #tpu.memory_space<hbm>> -> memref<80x16xf32, #tpu.memory_space<hbm>>
            %dma_start3A_363 = arith.constant 0 : i32
            %dma_start3A_364 = tpu.memref_slice %arg10[%mul3A_356, %dma_start3A_363] : memref<10000x16xf32, #tpu.memory_space<vmem_shared>> -> memref<80x16xf32, #tpu.memory_space<vmem_shared>>
            tpu.enqueue_dma source(%dma_start3A_364 : memref<80x16xf32, #tpu.memory_space<vmem_shared>>) target(%dma_start3A_362 : memref<80x16xf32, #tpu.memory_space<hbm>>) target_semaphore(%run_scoped3A : memref<!tpu.dma_semaphore, #tpu.memory_space<semaphore_mem>>)
            %dma_wait3A_365 = arith.constant 0 : i32
            %dma_wait3A_366 = tpu.memref_slice %arg4[%add3A_360, %dma_wait3A_365] : memref<20000x16xf32, #tpu.memory_space<hbm>> -> memref<80x16xf32, #tpu.memory_space<hbm>>
            %dma_wait3A_367 = arith.constant 0 : i32
            %dma_wait3A_368 = tpu.memref_slice %arg10[%mul3A_356, %dma_wait3A_367] : memref<10000x16xf32, #tpu.memory_space<vmem_shared>> -> memref<80x16xf32, #tpu.memory_space<vmem_shared>>
            tpu.wait_dma2 semaphore(%run_scoped3A : memref<!tpu.dma_semaphore, #tpu.memory_space<semaphore_mem>>) src(%dma_wait3A_368 : memref<80x16xf32, #tpu.memory_space<vmem_shared>>) dst(%dma_wait3A_366 : memref<80x16xf32, #tpu.memory_space<hbm>>)
            tpu.yield
          }) : () -> ()
        } else {
        }
      }
      %scan3A_342 = arith.constant 8 : i32
    } else {
    }
    return
  }
}

module attributes {stable_mosaic.version = 14 : i64} {
  func.func @_stage_a_body(%arg0: i32, %arg1: memref<1000x128xf32, #tpu.memory_space<vmem>>, %arg2: memref<1000x1xi32, #tpu.memory_space<vmem>>, %arg3: memref<128x48xf32, #tpu.memory_space<vmem>>, %arg4: memref<1000x64xf32, #tpu.memory_space<vmem>>, %arg5: memref<64x48xf32, #tpu.memory_space<vmem>>, %arg6: memref<1x48xf32, #tpu.memory_space<vmem>>, %arg7: memref<1000x16xf32, #tpu.memory_space<vmem>>, %arg8: memref<1000x16xf32, #tpu.memory_space<vmem>>, %arg9: memref<1000x16xf32, #tpu.memory_space<vmem>>, %arg10: memref<1000x4xf32, #tpu.memory_space<vmem>>) attributes {dimension_semantics = [#tpu.dimension_semantics<arbitrary>], iteration_bounds = array<i64: 10>, scalar_prefetch = 0 : i64, scratch_operands = 0 : i64, tpu.core_type = #tpu.core_type<tc>, window_params = [{transform_indices = @transform_0, window_bounds = array<i64: 1000, 128>}, {transform_indices = @transform_1, window_bounds = array<i64: 1000, 1>}, {pipeline_mode = #tpu.pipeline_mode<synchronous>, transform_indices = @transform_2, window_bounds = array<i64: 128, 48>}, {pipeline_mode = #tpu.pipeline_mode<synchronous>, transform_indices = @transform_3, window_bounds = array<i64: 1000, 64>}, {pipeline_mode = #tpu.pipeline_mode<synchronous>, transform_indices = @transform_4, window_bounds = array<i64: 64, 48>}, {pipeline_mode = #tpu.pipeline_mode<synchronous>, transform_indices = @transform_5, window_bounds = array<i64: 1, 48>}, {transform_indices = @transform_6, window_bounds = array<i64: 1000, 16>}, {transform_indices = @transform_7, window_bounds = array<i64: 1000, 16>}, {transform_indices = @transform_8, window_bounds = array<i64: 1000, 16>}, {transform_indices = @transform_9, window_bounds = array<i64: 1000, 4>}]} {
    %get3A = arith.constant 0 : index
    %get3A_0 = arith.constant 0 : index
    %get3A_1 = vector.load %arg1[%get3A, %get3A_0] : memref<1000x128xf32, #tpu.memory_space<vmem>>, vector<1000x128xf32>
    %get3A_2 = arith.constant 0 : index
    %get3A_3 = arith.constant 0 : index
    %get3A_4 = vector.load %arg3[%get3A_2, %get3A_3] : memref<128x48xf32, #tpu.memory_space<vmem>>, vector<128x48xf32>
    %dot_general3A = arith.constant dense<0.000000e+00> : vector<1000x48xf32>
    %dot_general3A_5 = tpu.matmul %get3A_1, %get3A_4, %dot_general3A {dimension_numbers = #tpu.dot_dimension_numbers<[1], [0], [0], [1], [0, 0, 1, 1], [], []>, transpose_lhs_hint = false} : vector<1000x128xf32>, vector<128x48xf32>, vector<1000x48xf32> -> vector<1000x48xf32>
    %slice3A = vector.extract_strided_slice %dot_general3A_5 {offsets = [0, 0], sizes = [1000, 16], strides = [1, 1]} : vector<1000x48xf32> to vector<1000x16xf32>
    %slice3A_6 = vector.extract_strided_slice %dot_general3A_5 {offsets = [0, 16], sizes = [1000, 16], strides = [1, 1]} : vector<1000x48xf32> to vector<1000x16xf32>
    %slice3A_7 = vector.extract_strided_slice %dot_general3A_5 {offsets = [0, 32], sizes = [1000, 16], strides = [1, 1]} : vector<1000x48xf32> to vector<1000x16xf32>
    %get3A_8 = arith.constant 0 : index
    %get3A_9 = arith.constant 0 : index
    %get3A_10 = vector.load %arg4[%get3A_8, %get3A_9] : memref<1000x64xf32, #tpu.memory_space<vmem>>, vector<1000x64xf32>
    %get3A_11 = arith.constant 0 : index
    %get3A_12 = arith.constant 0 : index
    %get3A_13 = vector.load %arg5[%get3A_11, %get3A_12] : memref<64x48xf32, #tpu.memory_space<vmem>>, vector<64x48xf32>
    %dot_general3A_14 = arith.constant dense<0.000000e+00> : vector<1000x48xf32>
    %dot_general3A_15 = tpu.matmul %get3A_10, %get3A_13, %dot_general3A_14 {dimension_numbers = #tpu.dot_dimension_numbers<[1], [0], [0], [1], [0, 0, 1, 1], [], []>, transpose_lhs_hint = false} : vector<1000x64xf32>, vector<64x48xf32>, vector<1000x48xf32> -> vector<1000x48xf32>
    %get3A_16 = arith.constant 0 : index
    %get3A_17 = arith.constant 0 : index
    %get3A_18 = vector.load %arg6[%get3A_16, %get3A_17] : memref<1x48xf32, #tpu.memory_space<vmem>>, vector<1x48xf32>
    %add3A = vector.broadcast %get3A_18 : vector<1x48xf32> to vector<1000x48xf32>
    %add3A_19 = arith.addf %dot_general3A_15, %add3A : vector<1000x48xf32>
    %max3A = arith.constant 0.000000e+00 : f32
    %max3A_20 = vector.broadcast %max3A : f32 to vector<1000x48xf32>
    %max3A_21 = arith.maximumf %add3A_19, %max3A_20 : vector<1000x48xf32>
    %get3A_22 = arith.constant 0 : index
    %get3A_23 = arith.constant 0 : index
    %get3A_24 = vector.load %arg2[%get3A_22, %get3A_23] : memref<1000x1xi32, #tpu.memory_space<vmem>>, vector<1000x1xi32>
    %iota3A = tpu.iota {dimensions = array<i32: 1>} : vector<1000x1000xi32>
    %eq3A = vector.broadcast %get3A_24 : vector<1000x1xi32> to vector<1000x1000xi32>
    %eq3A_25 = arith.cmpi eq, %eq3A, %iota3A : vector<1000x1000xi32>
    %convert_element_type3A = arith.extui %eq3A_25 : vector<1000x1000xi1> to vector<1000x1000xi32>
    %convert_element_type3A_26 = arith.sitofp %convert_element_type3A : vector<1000x1000xi32> to vector<1000x1000xf32>
    %dot_general3A_27 = arith.constant dense<0.000000e+00> : vector<1000x48xf32>
    %dot_general3A_28 = tpu.matmul %convert_element_type3A_26, %max3A_21, %dot_general3A_27 {dimension_numbers = #tpu.dot_dimension_numbers<[1], [0], [0], [1], [0, 0, 1, 1], [], []>, transpose_lhs_hint = false} : vector<1000x1000xf32>, vector<1000x48xf32>, vector<1000x48xf32> -> vector<1000x48xf32>
    %slice3A_29 = vector.extract_strided_slice %dot_general3A_28 {offsets = [0, 0], sizes = [1000, 16], strides = [1, 1]} : vector<1000x48xf32> to vector<1000x16xf32>
    %slice3A_30 = vector.extract_strided_slice %dot_general3A_28 {offsets = [0, 16], sizes = [1000, 16], strides = [1, 1]} : vector<1000x48xf32> to vector<1000x16xf32>
    %slice3A_31 = vector.extract_strided_slice %dot_general3A_28 {offsets = [0, 32], sizes = [1000, 8], strides = [1, 1]} : vector<1000x48xf32> to vector<1000x8xf32>
    %slice3A_32 = vector.extract_strided_slice %dot_general3A_28 {offsets = [0, 40], sizes = [1000, 8], strides = [1, 1]} : vector<1000x48xf32> to vector<1000x8xf32>
    %lt3A = arith.constant 32 : i32
    %lt3A_33 = vector.broadcast %lt3A : i32 to vector<1000x1xi32>
    %lt3A_34 = arith.cmpi slt, %get3A_24, %lt3A_33 : vector<1000x1xi32>
    %convert_element_type3A_35 = arith.extui %lt3A_34 : vector<1000x1xi1> to vector<1000x1xi32>
    %convert_element_type3A_36 = arith.sitofp %convert_element_type3A_35 : vector<1000x1xi32> to vector<1000x1xf32>
    %mul3A = arith.mulf %slice3A_29, %slice3A_6 : vector<1000x16xf32>
    %add3A_37 = arith.addf %mul3A, %slice3A_30 : vector<1000x16xf32>
    %mul3A_38 = arith.mulf %slice3A_29, %slice3A_7 : vector<1000x16xf32>
    %add3A_39 = arith.addf %mul3A_38, %slice3A_30 : vector<1000x16xf32>
    %mul3A_40 = vector.broadcast %convert_element_type3A_36 : vector<1000x1xf32> to vector<1000x16xf32>
    %mul3A_41 = arith.mulf %mul3A_40, %add3A_37 : vector<1000x16xf32>
    %sub3A = arith.constant 1.000000e+00 : f32
    %sub3A_42 = vector.broadcast %sub3A : f32 to vector<1000x1xf32>
    %sub3A_43 = arith.subf %sub3A_42, %convert_element_type3A_36 : vector<1000x1xf32>
    %mul3A_44 = vector.broadcast %sub3A_43 : vector<1000x1xf32> to vector<1000x16xf32>
    %mul3A_45 = arith.mulf %mul3A_44, %add3A_39 : vector<1000x16xf32>
    %sub3A_46 = arith.subf %mul3A_41, %mul3A_45 : vector<1000x16xf32>
    %mul3A_47 = arith.constant 1.000000e-01 : f32
    %mul3A_48 = vector.broadcast %mul3A_47 : f32 to vector<1000x16xf32>
    %mul3A_49 = arith.mulf %mul3A_48, %sub3A_46 : vector<1000x16xf32>
    %add3A_50 = arith.addf %slice3A, %mul3A_49 : vector<1000x16xf32>
    %swap3A = arith.constant 0 : index
    %swap3A_51 = arith.constant 0 : index
    %swap3A_52 = vector.load %arg7[%swap3A, %swap3A_51] : memref<1000x16xf32, #tpu.memory_space<vmem>>, vector<1000x16xf32>
    tpu.vector_store %arg7[%swap3A, %swap3A_51], %add3A_50 {strides = array<i32>} : memref<1000x16xf32, #tpu.memory_space<vmem>>, vector<1000x16xf32>,
    %swap3A_53 = arith.constant 0 : index
    %swap3A_54 = arith.constant 0 : index
    %swap3A_55 = vector.load %arg8[%swap3A_53, %swap3A_54] : memref<1000x16xf32, #tpu.memory_space<vmem>>, vector<1000x16xf32>
    tpu.vector_store %arg8[%swap3A_53, %swap3A_54], %slice3A {strides = array<i32>} : memref<1000x16xf32, #tpu.memory_space<vmem>>, vector<1000x16xf32>,
    %concatenate3A = tpu.concatenate %slice3A_31, %slice3A_32 in 1 : vector<1000x8xf32>, vector<1000x8xf32> -> vector<1000x16xf32>
    %swap3A_56 = arith.constant 0 : index
    %swap3A_57 = arith.constant 0 : index
    %swap3A_58 = vector.load %arg9[%swap3A_56, %swap3A_57] : memref<1000x16xf32, #tpu.memory_space<vmem>>, vector<1000x16xf32>
    tpu.vector_store %arg9[%swap3A_56, %swap3A_57], %concatenate3A {strides = array<i32>} : memref<1000x16xf32, #tpu.memory_space<vmem>>, vector<1000x16xf32>,
    %mul3A_59 = arith.mulf %mul3A_41, %mul3A_41 : vector<1000x16xf32>
    %reduce_sum3A = arith.constant dense<0.000000e+00> : vector<1000xf32>
    %reduce_sum3A_60 = vector.multi_reduction <add>, %mul3A_59, %reduce_sum3A [1] : vector<1000x16xf32> to vector<1000xf32>
    %broadcast_in_dim3A = vector.shape_cast %reduce_sum3A_60 : vector<1000xf32> to vector<1000x1xf32>
    %mul3A_61 = arith.mulf %mul3A_45, %mul3A_45 : vector<1000x16xf32>
    %reduce_sum3A_62 = arith.constant dense<0.000000e+00> : vector<1000xf32>
    %reduce_sum3A_63 = vector.multi_reduction <add>, %mul3A_61, %reduce_sum3A_62 [1] : vector<1000x16xf32> to vector<1000xf32>
    %broadcast_in_dim3A_64 = vector.shape_cast %reduce_sum3A_63 : vector<1000xf32> to vector<1000x1xf32>
    %add3A_65 = arith.addf %broadcast_in_dim3A, %broadcast_in_dim3A_64 : vector<1000x1xf32>
    %mul3A_66 = arith.mulf %slice3A_29, %slice3A_29 : vector<1000x16xf32>
    %reduce_sum3A_67 = arith.constant dense<0.000000e+00> : vector<1000xf32>
    %reduce_sum3A_68 = vector.multi_reduction <add>, %mul3A_66, %reduce_sum3A_67 [1] : vector<1000x16xf32> to vector<1000xf32>
    %broadcast_in_dim3A_69 = vector.shape_cast %reduce_sum3A_68 : vector<1000xf32> to vector<1000x1xf32>
    %mul3A_70 = arith.mulf %slice3A_30, %slice3A_30 : vector<1000x16xf32>
    %reduce_sum3A_71 = arith.constant dense<0.000000e+00> : vector<1000xf32>
    %reduce_sum3A_72 = vector.multi_reduction <add>, %mul3A_70, %reduce_sum3A_71 [1] : vector<1000x16xf32> to vector<1000xf32>
    %broadcast_in_dim3A_73 = vector.shape_cast %reduce_sum3A_72 : vector<1000xf32> to vector<1000x1xf32>
    %add3A_74 = arith.addf %broadcast_in_dim3A_69, %broadcast_in_dim3A_73 : vector<1000x1xf32>
    %mul3A_75 = arith.mulf %slice3A_31, %slice3A_31 : vector<1000x8xf32>
    %reduce_sum3A_76 = arith.constant dense<0.000000e+00> : vector<1000xf32>
    %reduce_sum3A_77 = vector.multi_reduction <add>, %mul3A_75, %reduce_sum3A_76 [1] : vector<1000x8xf32> to vector<1000xf32>
    %broadcast_in_dim3A_78 = vector.shape_cast %reduce_sum3A_77 : vector<1000xf32> to vector<1000x1xf32>
    %mul3A_79 = arith.mulf %slice3A_32, %slice3A_32 : vector<1000x8xf32>
    %reduce_sum3A_80 = arith.constant dense<0.000000e+00> : vector<1000xf32>
    %reduce_sum3A_81 = vector.multi_reduction <add>, %mul3A_79, %reduce_sum3A_80 [1] : vector<1000x8xf32> to vector<1000xf32>
    %broadcast_in_dim3A_82 = vector.shape_cast %reduce_sum3A_81 : vector<1000xf32> to vector<1000x1xf32>
    %add3A_83 = arith.addf %broadcast_in_dim3A_78, %broadcast_in_dim3A_82 : vector<1000x1xf32>
    %concatenate3A_84 = tpu.concatenate %add3A_65, %add3A_74, %add3A_83, %convert_element_type3A_36 in 1 : vector<1000x1xf32>, vector<1000x1xf32>, vector<1000x1xf32>, vector<1000x1xf32> -> vector<1000x4xf32>
    %swap3A_85 = arith.constant 0 : index
    %swap3A_86 = arith.constant 0 : index
    %swap3A_87 = vector.load %arg10[%swap3A_85, %swap3A_86] : memref<1000x4xf32, #tpu.memory_space<vmem>>, vector<1000x4xf32>
    tpu.vector_store %arg10[%swap3A_85, %swap3A_86], %concatenate3A_84 {strides = array<i32>} : memref<1000x4xf32, #tpu.memory_space<vmem>>, vector<1000x4xf32>,
    return
  }
  func.func @transform_0(%arg0: i32) -> (i32, i32) {
    %c0_i32 = arith.constant 0 : i32
    %c0_i32_0 = arith.constant 0 : i32
    return %arg0, %c0_i32 : i32, i32
  }
  func.func @transform_1(%arg0: i32) -> (i32, i32) {
    %c0_i32 = arith.constant 0 : i32
    %c0_i32_0 = arith.constant 0 : i32
    return %arg0, %c0_i32 : i32, i32
  }
  func.func @transform_2(%arg0: i32) -> (i32, i32) {
    %c0_i32 = arith.constant 0 : i32
    %c0_i32_0 = arith.constant 0 : i32
    %c0_i32_1 = arith.constant 0 : i32
    return %c0_i32, %c0_i32_0 : i32, i32
  }
  func.func @transform_3(%arg0: i32) -> (i32, i32) {
    %c0_i32 = arith.constant 0 : i32
    %c0_i32_0 = arith.constant 0 : i32
    %c0_i32_1 = arith.constant 0 : i32
    return %c0_i32, %c0_i32_0 : i32, i32
  }
  func.func @transform_4(%arg0: i32) -> (i32, i32) {
    %c0_i32 = arith.constant 0 : i32
    %c0_i32_0 = arith.constant 0 : i32
    %c0_i32_1 = arith.constant 0 : i32
    return %c0_i32, %c0_i32_0 : i32, i32
  }
  func.func @transform_5(%arg0: i32) -> (i32, i32) {
    %c0_i32 = arith.constant 0 : i32
    %c0_i32_0 = arith.constant 0 : i32
    %c0_i32_1 = arith.constant 0 : i32
    return %c0_i32, %c0_i32_0 : i32, i32
  }
  func.func @transform_6(%arg0: i32) -> (i32, i32) {
    %c0_i32 = arith.constant 0 : i32
    %c0_i32_0 = arith.constant 0 : i32
    return %arg0, %c0_i32 : i32, i32
  }
  func.func @transform_7(%arg0: i32) -> (i32, i32) {
    %c0_i32 = arith.constant 0 : i32
    %c0_i32_0 = arith.constant 0 : i32
    return %arg0, %c0_i32 : i32, i32
  }
  func.func @transform_8(%arg0: i32) -> (i32, i32) {
    %c0_i32 = arith.constant 0 : i32
    %c0_i32_0 = arith.constant 0 : i32
    return %arg0, %c0_i32 : i32, i32
  }
  func.func @transform_9(%arg0: i32) -> (i32, i32) {
    %c0_i32 = arith.constant 0 : i32
    %c0_i32_0 = arith.constant 0 : i32
    return %arg0, %c0_i32 : i32, i32
  }
}

module attributes {stable_mosaic.version = 14 : i64} {
  func.func @_stage_c_body(%arg0: i32, %arg1: memref<1000x16xf32, #tpu.memory_space<vmem>>, %arg2: memref<1000x16xf32, #tpu.memory_space<vmem>>, %arg3: memref<1000x16xf32, #tpu.memory_space<vmem>>, %arg4: memref<1000x16xf32, #tpu.memory_space<vmem>>, %arg5: memref<1000x16xf32, #tpu.memory_space<vmem>>, %arg6: memref<1000x16xf32, #tpu.memory_space<vmem>>, %arg7: memref<1000x4xf32, #tpu.memory_space<vmem>>, %arg8: memref<32x24xf32, #tpu.memory_space<vmem>>, %arg9: memref<1000x16xf32, #tpu.memory_space<vmem>>, %arg10: memref<1000x8xf32, #tpu.memory_space<vmem>>, %arg11: memref<1000x1xf32, #tpu.memory_space<vmem>>) attributes {dimension_semantics = [#tpu.dimension_semantics<arbitrary>], iteration_bounds = array<i64: 10>, scalar_prefetch = 0 : i64, scratch_operands = 0 : i64, tpu.core_type = #tpu.core_type<tc>, window_params = [{transform_indices = @transform_0, window_bounds = array<i64: 1000, 16>}, {transform_indices = @transform_1, window_bounds = array<i64: 1000, 16>}, {transform_indices = @transform_2, window_bounds = array<i64: 1000, 16>}, {transform_indices = @transform_3, window_bounds = array<i64: 1000, 16>}, {transform_indices = @transform_4, window_bounds = array<i64: 1000, 16>}, {transform_indices = @transform_5, window_bounds = array<i64: 1000, 16>}, {transform_indices = @transform_6, window_bounds = array<i64: 1000, 4>}, {pipeline_mode = #tpu.pipeline_mode<synchronous>, transform_indices = @transform_7, window_bounds = array<i64: 32, 24>}, {transform_indices = @transform_8, window_bounds = array<i64: 1000, 16>}, {transform_indices = @transform_9, window_bounds = array<i64: 1000, 8>}, {transform_indices = @transform_10, window_bounds = array<i64: 1000, 1>}]} {
    %get3A = arith.constant 0 : index
    %get3A_0 = arith.constant 0 : index
    %get3A_1 = vector.load %arg4[%get3A, %get3A_0] : memref<1000x16xf32, #tpu.memory_space<vmem>>, vector<1000x1xf32>
    %get3A_2 = arith.constant 0 : index
    %get3A_3 = arith.constant 0 : index
    %get3A_4 = vector.load %arg5[%get3A_2, %get3A_3] : memref<1000x16xf32, #tpu.memory_space<vmem>>, vector<1000x1xf32>
    %add3A = arith.addf %get3A_1, %get3A_4 : vector<1000x1xf32>
    %get3A_5 = arith.constant 0 : index
    %get3A_6 = arith.constant 0 : index
    %get3A_7 = vector.load %arg2[%get3A_5, %get3A_6] : memref<1000x16xf32, #tpu.memory_space<vmem>>, vector<1000x16xf32>
    %get3A_8 = arith.constant 0 : index
    %get3A_9 = arith.constant 0 : index
    %get3A_10 = vector.load %arg3[%get3A_8, %get3A_9] : memref<1000x16xf32, #tpu.memory_space<vmem>>, vector<1000x16xf32>
    %add3A_11 = arith.addf %get3A_7, %get3A_10 : vector<1000x16xf32>
    %max3A = arith.constant 1.000000e+00 : f32
    %max3A_12 = vector.broadcast %max3A : f32 to vector<1000x1xf32>
    %max3A_13 = arith.maximumf %add3A, %max3A_12 : vector<1000x1xf32>
    %div3A = vector.broadcast %max3A_13 : vector<1000x1xf32> to vector<1000x16xf32>
    %div3A_14 = arith.divf %add3A_11, %div3A : vector<1000x16xf32>
    %get3A_15 = arith.constant 0 : index
    %get3A_16 = arith.constant 0 : index
    %get3A_17 = vector.load %arg1[%get3A_15, %get3A_16] : memref<1000x16xf32, #tpu.memory_space<vmem>>, vector<1000x16xf32>
    %concatenate3A = tpu.concatenate %get3A_17, %div3A_14 in 1 : vector<1000x16xf32>, vector<1000x16xf32> -> vector<1000x32xf32>
    %gt3A = arith.constant 0.000000e+00 : f32
    %gt3A_18 = vector.broadcast %gt3A : f32 to vector<1000x32xf32>
    %gt3A_19 = arith.cmpf ogt, %concatenate3A, %gt3A_18 : vector<1000x32xf32>
    %exp3A = math.exp %concatenate3A : vector<1000x32xf32>
    %sub3A = arith.constant 1.000000e+00 : f32
    %sub3A_20 = vector.broadcast %sub3A : f32 to vector<1000x32xf32>
    %sub3A_21 = arith.subf %exp3A, %sub3A_20 : vector<1000x32xf32>
    %select_n3A = arith.select %gt3A_19, %concatenate3A, %sub3A_21 : vector<1000x32xi1>, vector<1000x32xf32>
    %get3A_22 = arith.constant 0 : index
    %get3A_23 = arith.constant 0 : index
    %get3A_24 = vector.load %arg8[%get3A_22, %get3A_23] : memref<32x24xf32, #tpu.memory_space<vmem>>, vector<32x24xf32>
    %dot_general3A = arith.constant dense<0.000000e+00> : vector<1000x24xf32>
    %dot_general3A_25 = tpu.matmul %select_n3A, %get3A_24, %dot_general3A {dimension_numbers = #tpu.dot_dimension_numbers<[1], [0], [0], [1], [0, 0, 1, 1], [], []>, transpose_lhs_hint = false} : vector<1000x32xf32>, vector<32x24xf32>, vector<1000x24xf32> -> vector<1000x24xf32>
    %slice3A = vector.extract_strided_slice %dot_general3A_25 {offsets = [0, 0], sizes = [1000, 8], strides = [1, 1]} : vector<1000x24xf32> to vector<1000x8xf32>
    %slice3A_26 = vector.extract_strided_slice %dot_general3A_25 {offsets = [0, 8], sizes = [1000, 8], strides = [1, 1]} : vector<1000x24xf32> to vector<1000x8xf32>
    %slice3A_27 = vector.extract_strided_slice %dot_general3A_25 {offsets = [0, 16], sizes = [1000, 8], strides = [1, 1]} : vector<1000x24xf32> to vector<1000x8xf32>
    %get3A_28 = arith.constant 0 : index
    %get3A_29 = arith.constant 0 : index
    %get3A_30 = vector.load %arg6[%get3A_28, %get3A_29] : memref<1000x16xf32, #tpu.memory_space<vmem>>, vector<1000x8xf32>
    %get3A_31 = arith.constant 0 : index
    %get3A_32 = arith.constant 8 : index
    %get3A_33 = vector.load %arg6[%get3A_31, %get3A_32] : memref<1000x16xf32, #tpu.memory_space<vmem>>, vector<1000x8xf32>
    %get3A_34 = arith.constant 0 : index
    %get3A_35 = arith.constant 3 : index
    %get3A_36 = vector.load %arg7[%get3A_34, %get3A_35] : memref<1000x4xf32, #tpu.memory_space<vmem>>, vector<1000x1xf32>
    %mul3A = arith.mulf %get3A_30, %slice3A_26 : vector<1000x8xf32>
    %add3A_37 = arith.addf %mul3A, %get3A_33 : vector<1000x8xf32>
    %mul3A_38 = arith.mulf %get3A_30, %slice3A_27 : vector<1000x8xf32>
    %add3A_39 = arith.addf %mul3A_38, %get3A_33 : vector<1000x8xf32>
    %mul3A_40 = vector.broadcast %get3A_36 : vector<1000x1xf32> to vector<1000x8xf32>
    %mul3A_41 = arith.mulf %mul3A_40, %add3A_37 : vector<1000x8xf32>
    %sub3A_42 = arith.constant 1.000000e+00 : f32
    %sub3A_43 = vector.broadcast %sub3A_42 : f32 to vector<1000x1xf32>
    %sub3A_44 = arith.subf %sub3A_43, %get3A_36 : vector<1000x1xf32>
    %mul3A_45 = vector.broadcast %sub3A_44 : vector<1000x1xf32> to vector<1000x8xf32>
    %mul3A_46 = arith.mulf %mul3A_45, %add3A_39 : vector<1000x8xf32>
    %sub3A_47 = arith.subf %mul3A_41, %mul3A_46 : vector<1000x8xf32>
    %mul3A_48 = arith.constant 1.000000e-01 : f32
    %mul3A_49 = vector.broadcast %mul3A_48 : f32 to vector<1000x8xf32>
    %mul3A_50 = arith.mulf %mul3A_49, %sub3A_47 : vector<1000x8xf32>
    %add3A_51 = arith.addf %slice3A, %mul3A_50 : vector<1000x8xf32>
    %broadcast_in_dim3A = arith.constant 0.000000e+00 : f32
    %broadcast_in_dim3A_52 = vector.broadcast %broadcast_in_dim3A : f32 to vector<1000x8xf32>
    %concatenate3A_53 = tpu.concatenate %add3A_51, %broadcast_in_dim3A_52 in 1 : vector<1000x8xf32>, vector<1000x8xf32> -> vector<1000x16xf32>
    %swap3A = arith.constant 0 : index
    %swap3A_54 = arith.constant 0 : index
    %swap3A_55 = vector.load %arg9[%swap3A, %swap3A_54] : memref<1000x16xf32, #tpu.memory_space<vmem>>, vector<1000x16xf32>
    tpu.vector_store %arg9[%swap3A, %swap3A_54], %concatenate3A_53 {strides = array<i32>} : memref<1000x16xf32, #tpu.memory_space<vmem>>, vector<1000x16xf32>,
    %swap3A_56 = arith.constant 0 : index
    %swap3A_57 = arith.constant 0 : index
    %swap3A_58 = vector.load %arg10[%swap3A_56, %swap3A_57] : memref<1000x8xf32, #tpu.memory_space<vmem>>, vector<1000x8xf32>
    tpu.vector_store %arg10[%swap3A_56, %swap3A_57], %slice3A {strides = array<i32>} : memref<1000x8xf32, #tpu.memory_space<vmem>>, vector<1000x8xf32>,
    %mul3A_59 = arith.mulf %mul3A_41, %mul3A_41 : vector<1000x8xf32>
    %reduce_sum3A = arith.constant dense<0.000000e+00> : vector<1000xf32>
    %reduce_sum3A_60 = vector.multi_reduction <add>, %mul3A_59, %reduce_sum3A [1] : vector<1000x8xf32> to vector<1000xf32>
    %broadcast_in_dim3A_61 = vector.shape_cast %reduce_sum3A_60 : vector<1000xf32> to vector<1000x1xf32>
    %mul3A_62 = arith.mulf %mul3A_46, %mul3A_46 : vector<1000x8xf32>
    %reduce_sum3A_63 = arith.constant dense<0.000000e+00> : vector<1000xf32>
    %reduce_sum3A_64 = vector.multi_reduction <add>, %mul3A_62, %reduce_sum3A_63 [1] : vector<1000x8xf32> to vector<1000xf32>
    %broadcast_in_dim3A_65 = vector.shape_cast %reduce_sum3A_64 : vector<1000xf32> to vector<1000x1xf32>
    %add3A_66 = arith.addf %broadcast_in_dim3A_61, %broadcast_in_dim3A_65 : vector<1000x1xf32>
    %swap3A_67 = arith.constant 0 : index
    %swap3A_68 = arith.constant 0 : index
    %swap3A_69 = vector.load %arg11[%swap3A_67, %swap3A_68] : memref<1000x1xf32, #tpu.memory_space<vmem>>, vector<1000x1xf32>
    tpu.vector_store %arg11[%swap3A_67, %swap3A_68], %add3A_66 {strides = array<i32>} : memref<1000x1xf32, #tpu.memory_space<vmem>>, vector<1000x1xf32>,
    return
  }
  func.func @transform_0(%arg0: i32) -> (i32, i32) {
    %c0_i32 = arith.constant 0 : i32
    %c0_i32_0 = arith.constant 0 : i32
    return %arg0, %c0_i32 : i32, i32
  }
  func.func @transform_1(%arg0: i32) -> (i32, i32) {
    %add3A = arith.constant 0 : i32
    %add3A_0 = arith.addi %add3A, %arg0 : i32
    %c0_i32 = arith.constant 0 : i32
    %c0_i32_1 = arith.constant 0 : i32
    return %add3A_0, %c0_i32 : i32, i32
  }
  func.func @transform_2(%arg0: i32) -> (i32, i32) {
    %add3A = arith.constant 10 : i32
    %add3A_0 = arith.addi %add3A, %arg0 : i32
    %c0_i32 = arith.constant 0 : i32
    %c0_i32_1 = arith.constant 0 : i32
    return %add3A_0, %c0_i32 : i32, i32
  }
  func.func @transform_3(%arg0: i32) -> (i32, i32) {
    %add3A = arith.constant 20 : i32
    %add3A_0 = arith.addi %add3A, %arg0 : i32
    %c0_i32 = arith.constant 0 : i32
    %c0_i32_1 = arith.constant 0 : i32
    return %add3A_0, %c0_i32 : i32, i32
  }
  func.func @transform_4(%arg0: i32) -> (i32, i32) {
    %add3A = arith.constant 30 : i32
    %add3A_0 = arith.addi %add3A, %arg0 : i32
    %c0_i32 = arith.constant 0 : i32
    %c0_i32_1 = arith.constant 0 : i32
    return %add3A_0, %c0_i32 : i32, i32
  }
  func.func @transform_5(%arg0: i32) -> (i32, i32) {
    %c0_i32 = arith.constant 0 : i32
    %c0_i32_0 = arith.constant 0 : i32
    return %arg0, %c0_i32 : i32, i32
  }
  func.func @transform_6(%arg0: i32) -> (i32, i32) {
    %c0_i32 = arith.constant 0 : i32
    %c0_i32_0 = arith.constant 0 : i32
    return %arg0, %c0_i32 : i32, i32
  }
  func.func @transform_7(%arg0: i32) -> (i32, i32) {
    %c0_i32 = arith.constant 0 : i32
    %c0_i32_0 = arith.constant 0 : i32
    %c0_i32_1 = arith.constant 0 : i32
    return %c0_i32, %c0_i32_0 : i32, i32
  }
  func.func @transform_8(%arg0: i32) -> (i32, i32) {
    %c0_i32 = arith.constant 0 : i32
    %c0_i32_0 = arith.constant 0 : i32
    return %arg0, %c0_i32 : i32, i32
  }
  func.func @transform_9(%arg0: i32) -> (i32, i32) {
    %c0_i32 = arith.constant 0 : i32
    %c0_i32_0 = arith.constant 0 : i32
    return %arg0, %c0_i32 : i32, i32
  }
  func.func @transform_10(%arg0: i32) -> (i32, i32) {
    %c0_i32 = arith.constant 0 : i32
    %c0_i32_0 = arith.constant 0 : i32
    return %arg0, %c0_i32 : i32, i32
  }
}

module attributes {stable_mosaic.version = 14 : i64} {
  func.func @_stage_d_body(%arg0: i32, %arg1: memref<1000x8xf32, #tpu.memory_space<vmem>>, %arg2: memref<1000x16xf32, #tpu.memory_space<vmem>>, %arg3: memref<1000x16xf32, #tpu.memory_space<vmem>>, %arg4: memref<1000x16xf32, #tpu.memory_space<vmem>>, %arg5: memref<1000x16xf32, #tpu.memory_space<vmem>>, %arg6: memref<1000x16xf32, #tpu.memory_space<vmem>>, %arg7: memref<1000x4xf32, #tpu.memory_space<vmem>>, %arg8: memref<1000x1xf32, #tpu.memory_space<vmem>>, %arg9: memref<16x8xf32, #tpu.memory_space<vmem>>, %arg10: memref<1x8xf32, #tpu.memory_space<vmem>>, %arg11: memref<1000x8xf32, #tpu.memory_space<vmem>>, %arg12: memref<1x1xf32, #tpu.memory_space<vmem>>, %arg13: memref<1x1xf32, #tpu.memory_space<vmem>>) attributes {dimension_semantics = [#tpu.dimension_semantics<arbitrary>], iteration_bounds = array<i64: 10>, scalar_prefetch = 0 : i64, scratch_operands = 0 : i64, tpu.core_type = #tpu.core_type<tc>, window_params = [{transform_indices = @transform_0, window_bounds = array<i64: 1000, 8>}, {transform_indices = @transform_1, window_bounds = array<i64: 1000, 16>}, {transform_indices = @transform_2, window_bounds = array<i64: 1000, 16>}, {transform_indices = @transform_3, window_bounds = array<i64: 1000, 16>}, {transform_indices = @transform_4, window_bounds = array<i64: 1000, 16>}, {transform_indices = @transform_5, window_bounds = array<i64: 1000, 16>}, {transform_indices = @transform_6, window_bounds = array<i64: 1000, 4>}, {transform_indices = @transform_7, window_bounds = array<i64: 1000, 1>}, {pipeline_mode = #tpu.pipeline_mode<synchronous>, transform_indices = @transform_8, window_bounds = array<i64: 16, 8>}, {pipeline_mode = #tpu.pipeline_mode<synchronous>, transform_indices = @transform_9, window_bounds = array<i64: 1, 8>}, {transform_indices = @transform_10, window_bounds = array<i64: 1000, 8>}, {pipeline_mode = #tpu.pipeline_mode<synchronous>, transform_indices = @transform_11, window_bounds = array<i64: 1, 1>}, {pipeline_mode = #tpu.pipeline_mode<synchronous>, transform_indices = @transform_12, window_bounds = array<i64: 1, 1>}]} {
    %get3A = arith.constant 0 : index
    %get3A_0 = arith.constant 0 : index
    %get3A_1 = vector.load %arg4[%get3A, %get3A_0] : memref<1000x16xf32, #tpu.memory_space<vmem>>, vector<1000x1xf32>
    %get3A_2 = arith.constant 0 : index
    %get3A_3 = arith.constant 0 : index
    %get3A_4 = vector.load %arg5[%get3A_2, %get3A_3] : memref<1000x16xf32, #tpu.memory_space<vmem>>, vector<1000x1xf32>
    %add3A = arith.addf %get3A_1, %get3A_4 : vector<1000x1xf32>
    %get3A_5 = arith.constant 0 : index
    %get3A_6 = arith.constant 0 : index
    %get3A_7 = vector.load %arg2[%get3A_5, %get3A_6] : memref<1000x16xf32, #tpu.memory_space<vmem>>, vector<1000x8xf32>
    %get3A_8 = arith.constant 0 : index
    %get3A_9 = arith.constant 0 : index
    %get3A_10 = vector.load %arg3[%get3A_8, %get3A_9] : memref<1000x16xf32, #tpu.memory_space<vmem>>, vector<1000x8xf32>
    %add3A_11 = arith.addf %get3A_7, %get3A_10 : vector<1000x8xf32>
    %max3A = arith.constant 1.000000e+00 : f32
    %max3A_12 = vector.broadcast %max3A : f32 to vector<1000x1xf32>
    %max3A_13 = arith.maximumf %add3A, %max3A_12 : vector<1000x1xf32>
    %div3A = vector.broadcast %max3A_13 : vector<1000x1xf32> to vector<1000x8xf32>
    %div3A_14 = arith.divf %add3A_11, %div3A : vector<1000x8xf32>
    %get3A_15 = arith.constant 0 : index
    %get3A_16 = arith.constant 0 : index
    %get3A_17 = vector.load %arg1[%get3A_15, %get3A_16] : memref<1000x8xf32, #tpu.memory_space<vmem>>, vector<1000x8xf32>
    %concatenate3A = tpu.concatenate %get3A_17, %div3A_14 in 1 : vector<1000x8xf32>, vector<1000x8xf32> -> vector<1000x16xf32>
    %gt3A = arith.constant 0.000000e+00 : f32
    %gt3A_18 = vector.broadcast %gt3A : f32 to vector<1000x16xf32>
    %gt3A_19 = arith.cmpf ogt, %concatenate3A, %gt3A_18 : vector<1000x16xf32>
    %exp3A = math.exp %concatenate3A : vector<1000x16xf32>
    %sub3A = arith.constant 1.000000e+00 : f32
    %sub3A_20 = vector.broadcast %sub3A : f32 to vector<1000x16xf32>
    %sub3A_21 = arith.subf %exp3A, %sub3A_20 : vector<1000x16xf32>
    %select_n3A = arith.select %gt3A_19, %concatenate3A, %sub3A_21 : vector<1000x16xi1>, vector<1000x16xf32>
    %get3A_22 = arith.constant 0 : index
    %get3A_23 = arith.constant 0 : index
    %get3A_24 = vector.load %arg9[%get3A_22, %get3A_23] : memref<16x8xf32, #tpu.memory_space<vmem>>, vector<16x8xf32>
    %dot_general3A = arith.constant dense<0.000000e+00> : vector<1000x8xf32>
    %dot_general3A_25 = tpu.matmul %select_n3A, %get3A_24, %dot_general3A {dimension_numbers = #tpu.dot_dimension_numbers<[1], [0], [0], [1], [0, 0, 1, 1], [], []>, transpose_lhs_hint = false} : vector<1000x16xf32>, vector<16x8xf32>, vector<1000x8xf32> -> vector<1000x8xf32>
    %get3A_26 = arith.constant 0 : index
    %get3A_27 = arith.constant 0 : index
    %get3A_28 = vector.load %arg10[%get3A_26, %get3A_27] : memref<1x8xf32, #tpu.memory_space<vmem>>, vector<1x8xf32>
    %add3A_29 = vector.broadcast %get3A_28 : vector<1x8xf32> to vector<1000x8xf32>
    %add3A_30 = arith.addf %dot_general3A_25, %add3A_29 : vector<1000x8xf32>
    %reduce_max3A = arith.constant dense<0xFF800000> : vector<1000xf32>
    %reduce_max3A_31 = vector.multi_reduction <maximumf>, %add3A_30, %reduce_max3A [1] : vector<1000x8xf32> to vector<1000xf32>
    %broadcast_in_dim3A = vector.shape_cast %reduce_max3A_31 : vector<1000xf32> to vector<1000x1xf32>
    %sub3A_32 = vector.broadcast %broadcast_in_dim3A : vector<1000x1xf32> to vector<1000x8xf32>
    %sub3A_33 = arith.subf %add3A_30, %sub3A_32 : vector<1000x8xf32>
    %exp3A_34 = math.exp %sub3A_33 : vector<1000x8xf32>
    %reduce_sum3A = arith.constant dense<0.000000e+00> : vector<1000xf32>
    %reduce_sum3A_35 = vector.multi_reduction <add>, %exp3A_34, %reduce_sum3A [1] : vector<1000x8xf32> to vector<1000xf32>
    %broadcast_in_dim3A_36 = vector.shape_cast %reduce_sum3A_35 : vector<1000xf32> to vector<1000x1xf32>
    %log3A = math.log %broadcast_in_dim3A_36 : vector<1000x1xf32>
    %sub3A_37 = vector.broadcast %log3A : vector<1000x1xf32> to vector<1000x8xf32>
    %sub3A_38 = arith.subf %sub3A_33, %sub3A_37 : vector<1000x8xf32>
    %swap3A = arith.constant 0 : index
    %swap3A_39 = arith.constant 0 : index
    %swap3A_40 = vector.load %arg11[%swap3A, %swap3A_39] : memref<1000x8xf32, #tpu.memory_space<vmem>>, vector<1000x8xf32>
    tpu.vector_store %arg11[%swap3A, %swap3A_39], %sub3A_38 {strides = array<i32>} : memref<1000x8xf32, #tpu.memory_space<vmem>>, vector<1000x8xf32>,
    %eq3A = arith.constant 0 : i32
    %eq3A_41 = arith.cmpi eq, %arg0, %eq3A : i32
    %convert_element_type3A = arith.extui %eq3A_41 : i1 to i32
    %cond3A = arith.constant 0 : i32
    %cond3A_42 = arith.cmpi ne, %convert_element_type3A, %cond3A : i32
    scf.if %cond3A_42 {
      %broadcast_in_dim3A_113 = arith.constant 0.000000e+00 : f32
      %broadcast_in_dim3A_114 = vector.broadcast %broadcast_in_dim3A_113 : f32 to vector<1x1xf32>
      %swap3A_115 = arith.constant 0 : index
      %swap3A_116 = arith.constant 0 : index
      %swap3A_117 = vector.load %arg12[%swap3A_115, %swap3A_116] : memref<1x1xf32, #tpu.memory_space<vmem>>, vector<1x1xf32>
      tpu.vector_store %arg12[%swap3A_115, %swap3A_116], %broadcast_in_dim3A_114 {strides = array<i32>} : memref<1x1xf32, #tpu.memory_space<vmem>>, vector<1x1xf32>,
      %broadcast_in_dim3A_118 = arith.constant 0.000000e+00 : f32
      %broadcast_in_dim3A_119 = vector.broadcast %broadcast_in_dim3A_118 : f32 to vector<1x1xf32>
      %swap3A_120 = arith.constant 0 : index
      %swap3A_121 = arith.constant 0 : index
      %swap3A_122 = vector.load %arg13[%swap3A_120, %swap3A_121] : memref<1x1xf32, #tpu.memory_space<vmem>>, vector<1x1xf32>
      tpu.vector_store %arg13[%swap3A_120, %swap3A_121], %broadcast_in_dim3A_119 {strides = array<i32>} : memref<1x1xf32, #tpu.memory_space<vmem>>, vector<1x1xf32>,
    } else {
    }
    %get3A_43 = arith.constant 0 : index
    %get3A_44 = arith.constant 0 : index
    %get3A_45 = vector.load %arg6[%get3A_43, %get3A_44] : memref<1000x16xf32, #tpu.memory_space<vmem>>, vector<1000x1xf32>
    %get3A_46 = arith.constant 0 : index
    %get3A_47 = arith.constant 0 : index
    %get3A_48 = vector.load %arg7[%get3A_46, %get3A_47] : memref<1000x4xf32, #tpu.memory_space<vmem>>, vector<1000x1xf32>
    %mul3A = arith.mulf %get3A_45, %get3A_48 : vector<1000x1xf32>
    %reduce_sum3A_49 = vector.shape_cast %mul3A : vector<1000x1xf32> to vector<1x1000x1xf32>
    %reduce_sum3A_50 = arith.constant dense<0.000000e+00> : vector<1xf32>
    %reduce_sum3A_51 = vector.multi_reduction <add>, %reduce_sum3A_49, %reduce_sum3A_50 [1, 2] : vector<1x1000x1xf32> to vector<1xf32>
    %reduce_sum3A_52 = vector.shape_cast %reduce_sum3A_51 : vector<1xf32> to vector<1x1x1xf32>
    %reduce_sum3A_53 = vector.extract %reduce_sum3A_52[0, 0, 0] : f32 from vector<1x1x1xf32>
    %broadcast_in_dim3A_54 = vector.broadcast %reduce_sum3A_53 : f32 to vector<1x1xf32>
    %div3A_55 = arith.constant 1.600000e+04 : f32
    %div3A_56 = vector.broadcast %div3A_55 : f32 to vector<1x1xf32>
    %div3A_57 = arith.divf %broadcast_in_dim3A_54, %div3A_56 : vector<1x1xf32>
    %get3A_58 = arith.constant 0 : index
    %get3A_59 = arith.constant 0 : index
    %get3A_60 = vector.load %arg8[%get3A_58, %get3A_59] : memref<1000x1xf32, #tpu.memory_space<vmem>>, vector<1000x1xf32>
    %mul3A_61 = arith.mulf %get3A_45, %get3A_60 : vector<1000x1xf32>
    %reduce_sum3A_62 = vector.shape_cast %mul3A_61 : vector<1000x1xf32> to vector<1x1000x1xf32>
    %reduce_sum3A_63 = arith.constant dense<0.000000e+00> : vector<1xf32>
    %reduce_sum3A_64 = vector.multi_reduction <add>, %reduce_sum3A_62, %reduce_sum3A_63 [1, 2] : vector<1x1000x1xf32> to vector<1xf32>
    %reduce_sum3A_65 = vector.shape_cast %reduce_sum3A_64 : vector<1xf32> to vector<1x1x1xf32>
    %reduce_sum3A_66 = vector.extract %reduce_sum3A_65[0, 0, 0] : f32 from vector<1x1x1xf32>
    %broadcast_in_dim3A_67 = vector.broadcast %reduce_sum3A_66 : f32 to vector<1x1xf32>
    %div3A_68 = arith.constant 8.000000e+03 : f32
    %div3A_69 = vector.broadcast %div3A_68 : f32 to vector<1x1xf32>
    %div3A_70 = arith.divf %broadcast_in_dim3A_67, %div3A_69 : vector<1x1xf32>
    %add3A_71 = arith.addf %div3A_57, %div3A_70 : vector<1x1xf32>
    %get3A_72 = arith.constant 0 : index
    %get3A_73 = arith.constant 1 : index
    %get3A_74 = vector.load %arg7[%get3A_72, %get3A_73] : memref<1000x4xf32, #tpu.memory_space<vmem>>, vector<1000x1xf32>
    %mul3A_75 = arith.mulf %get3A_45, %get3A_74 : vector<1000x1xf32>
    %reduce_sum3A_76 = vector.shape_cast %mul3A_75 : vector<1000x1xf32> to vector<1x1000x1xf32>
    %reduce_sum3A_77 = arith.constant dense<0.000000e+00> : vector<1xf32>
    %reduce_sum3A_78 = vector.multi_reduction <add>, %reduce_sum3A_76, %reduce_sum3A_77 [1, 2] : vector<1x1000x1xf32> to vector<1xf32>
    %reduce_sum3A_79 = vector.shape_cast %reduce_sum3A_78 : vector<1xf32> to vector<1x1x1xf32>
    %reduce_sum3A_80 = vector.extract %reduce_sum3A_79[0, 0, 0] : f32 from vector<1x1x1xf32>
    %broadcast_in_dim3A_81 = vector.broadcast %reduce_sum3A_80 : f32 to vector<1x1xf32>
    %div3A_82 = arith.constant 1.600000e+04 : f32
    %div3A_83 = vector.broadcast %div3A_82 : f32 to vector<1x1xf32>
    %div3A_84 = arith.divf %broadcast_in_dim3A_81, %div3A_83 : vector<1x1xf32>
    %get3A_85 = arith.constant 0 : index
    %get3A_86 = arith.constant 2 : index
    %get3A_87 = vector.load %arg7[%get3A_85, %get3A_86] : memref<1000x4xf32, #tpu.memory_space<vmem>>, vector<1000x1xf32>
    %mul3A_88 = arith.mulf %get3A_45, %get3A_87 : vector<1000x1xf32>
    %reduce_sum3A_89 = vector.shape_cast %mul3A_88 : vector<1000x1xf32> to vector<1x1000x1xf32>
    %reduce_sum3A_90 = arith.constant dense<0.000000e+00> : vector<1xf32>
    %reduce_sum3A_91 = vector.multi_reduction <add>, %reduce_sum3A_89, %reduce_sum3A_90 [1, 2] : vector<1x1000x1xf32> to vector<1xf32>
    %reduce_sum3A_92 = vector.shape_cast %reduce_sum3A_91 : vector<1xf32> to vector<1x1x1xf32>
    %reduce_sum3A_93 = vector.extract %reduce_sum3A_92[0, 0, 0] : f32 from vector<1x1x1xf32>
    %broadcast_in_dim3A_94 = vector.broadcast %reduce_sum3A_93 : f32 to vector<1x1xf32>
    %div3A_95 = arith.constant 8.000000e+03 : f32
    %div3A_96 = vector.broadcast %div3A_95 : f32 to vector<1x1xf32>
    %div3A_97 = arith.divf %broadcast_in_dim3A_94, %div3A_96 : vector<1x1xf32>
    %add3A_98 = arith.addf %div3A_84, %div3A_97 : vector<1x1xf32>
    %get3A_99 = arith.constant 0 : index
    %get3A_100 = arith.constant 0 : index
    %get3A_101 = vector.load %arg12[%get3A_99, %get3A_100] : memref<1x1xf32, #tpu.memory_space<vmem>>, vector<1x1xf32>
    %add3A_102 = arith.addf %get3A_101, %add3A_71 : vector<1x1xf32>
    %swap3A_103 = arith.constant 0 : index
    %swap3A_104 = arith.constant 0 : index
    %swap3A_105 = vector.load %arg12[%swap3A_103, %swap3A_104] : memref<1x1xf32, #tpu.memory_space<vmem>>, vector<1x1xf32>
    tpu.vector_store %arg12[%swap3A_103, %swap3A_104], %add3A_102 {strides = array<i32>} : memref<1x1xf32, #tpu.memory_space<vmem>>, vector<1x1xf32>,
    %get3A_106 = arith.constant 0 : index
    %get3A_107 = arith.constant 0 : index
    %get3A_108 = vector.load %arg13[%get3A_106, %get3A_107] : memref<1x1xf32, #tpu.memory_space<vmem>>, vector<1x1xf32>
    %add3A_109 = arith.addf %get3A_108, %add3A_98 : vector<1x1xf32>
    %swap3A_110 = arith.constant 0 : index
    %swap3A_111 = arith.constant 0 : index
    %swap3A_112 = vector.load %arg13[%swap3A_110, %swap3A_111] : memref<1x1xf32, #tpu.memory_space<vmem>>, vector<1x1xf32>
    tpu.vector_store %arg13[%swap3A_110, %swap3A_111], %add3A_109 {strides = array<i32>} : memref<1x1xf32, #tpu.memory_space<vmem>>, vector<1x1xf32>,
    return
  }
  func.func @transform_0(%arg0: i32) -> (i32, i32) {
    %c0_i32 = arith.constant 0 : i32
    %c0_i32_0 = arith.constant 0 : i32
    return %arg0, %c0_i32 : i32, i32
  }
  func.func @transform_1(%arg0: i32) -> (i32, i32) {
    %add3A = arith.constant 0 : i32
    %add3A_0 = arith.addi %add3A, %arg0 : i32
    %c0_i32 = arith.constant 0 : i32
    %c0_i32_1 = arith.constant 0 : i32
    return %add3A_0, %c0_i32 : i32, i32
  }
  func.func @transform_2(%arg0: i32) -> (i32, i32) {
    %add3A = arith.constant 10 : i32
    %add3A_0 = arith.addi %add3A, %arg0 : i32
    %c0_i32 = arith.constant 0 : i32
    %c0_i32_1 = arith.constant 0 : i32
    return %add3A_0, %c0_i32 : i32, i32
  }
  func.func @transform_3(%arg0: i32) -> (i32, i32) {
    %add3A = arith.constant 20 : i32
    %add3A_0 = arith.addi %add3A, %arg0 : i32
    %c0_i32 = arith.constant 0 : i32
    %c0_i32_1 = arith.constant 0 : i32
    return %add3A_0, %c0_i32 : i32, i32
  }
  func.func @transform_4(%arg0: i32) -> (i32, i32) {
    %add3A = arith.constant 30 : i32
    %add3A_0 = arith.addi %add3A, %arg0 : i32
    %c0_i32 = arith.constant 0 : i32
    %c0_i32_1 = arith.constant 0 : i32
    return %add3A_0, %c0_i32 : i32, i32
  }
  func.func @transform_5(%arg0: i32) -> (i32, i32) {
    %add3A = arith.constant 40 : i32
    %add3A_0 = arith.addi %add3A, %arg0 : i32
    %c0_i32 = arith.constant 0 : i32
    %c0_i32_1 = arith.constant 0 : i32
    return %add3A_0, %c0_i32 : i32, i32
  }
  func.func @transform_6(%arg0: i32) -> (i32, i32) {
    %c0_i32 = arith.constant 0 : i32
    %c0_i32_0 = arith.constant 0 : i32
    return %arg0, %c0_i32 : i32, i32
  }
  func.func @transform_7(%arg0: i32) -> (i32, i32) {
    %c0_i32 = arith.constant 0 : i32
    %c0_i32_0 = arith.constant 0 : i32
    return %arg0, %c0_i32 : i32, i32
  }
  func.func @transform_8(%arg0: i32) -> (i32, i32) {
    %c0_i32 = arith.constant 0 : i32
    %c0_i32_0 = arith.constant 0 : i32
    %c0_i32_1 = arith.constant 0 : i32
    return %c0_i32, %c0_i32_0 : i32, i32
  }
  func.func @transform_9(%arg0: i32) -> (i32, i32) {
    %c0_i32 = arith.constant 0 : i32
    %c0_i32_0 = arith.constant 0 : i32
    %c0_i32_1 = arith.constant 0 : i32
    return %c0_i32, %c0_i32_0 : i32, i32
  }
  func.func @transform_10(%arg0: i32) -> (i32, i32) {
    %c0_i32 = arith.constant 0 : i32
    %c0_i32_0 = arith.constant 0 : i32
    return %arg0, %c0_i32 : i32, i32
  }
  func.func @transform_11(%arg0: i32) -> (i32, i32) {
    %c0_i32 = arith.constant 0 : i32
    %c0_i32_0 = arith.constant 0 : i32
    %c0_i32_1 = arith.constant 0 : i32
    return %c0_i32, %c0_i32_0 : i32, i32
  }
  func.func @transform_12(%arg0: i32) -> (i32, i32) {
    %c0_i32 = arith.constant 0 : i32
    %c0_i32_0 = arith.constant 0 : i32
    %c0_i32_1 = arith.constant 0 : i32
    return %c0_i32, %c0_i32_0 : i32, i32
  }
}

</mosaic_0001>

<sc_bundles>
// kernel: kernel.10.cloned.1.call-start
scs
__scs_entry_jumppad:
0x0: {  	(pc) =	sbr.rel $0x88, $3  }
0x1: {  	(tag) =	ssettag $0x0;
	lr =	simm.s32 $0x1  }
0x2: {  	[smem:$0x3F8D] =	sst lr;
	_ =	strace $0xD0000000  }
0x3: {  	_ = 	snop  }
0x4: {  	_ = 	snop  }
0x5: {  	_ = 	snop  }
0x6: {  	_ = 	snop  }
0x7: {  	_ = 	snop  }
__scs_overlays_trampoline_lowered:
0x8: {  	[smem:$0x3F9C] =	sst s0  }
0x9: {  	[smem:$0x3F9D] =	sst s1  }
0xa: {  	[smem:$0x3F9E] =	sst s2  }
0xb: {  	[smem:$0x3F9F] =	sst s3  }
0xc: {  	[smem:$0x3FA0] =	sst s4  }
0xd: {  	[smem:$0x3FA1] =	sst s5  }
0xe: {  	[smem:$0x3FA2] =	sst s6  }
0xf: {  	[smem:$0x3FA3] =	sst s7  }
0x10: {  	[smem:$0x3FA4] =	sst s8  }
0x11: {  	[smem:$0x3FA5] =	sst s9;
	s0 =	simm.s32 @!p0 $0x0  }
0x12: {  	s1 =	sld [smem:$0x3F8B];
	s0 =	simm.s32 @p0 $0x1  }
0x13: {  	[smem:$0x3FA6] =	sst s0;
	s0 =	simm.s32 @!p1 $0x0  }
0x14: {  	s2 =	sld [smem:$0x3F8A];
	s0 =	simm.s32 @p1 $0x1  }
0x15: {  	[smem:$0x3FA7] =	sst s0;
	s0 =	simm.s32 @!p2 $0x0  }
0x16: {  	s3 =	sld [smem:$0x3FDB];
	s0 =	simm.s32 @p2 $0x1  }
0x17: {  	s4 =	simm.s32 $0x1BF5;
	[smem:$0x3FA9] =	sst s0  }
0x18: {  	s0 =	sld [smem:$0x3F8C];
	_ =	swait.ge [sflag:s4], $0x0  }
0x19: {  	s7 =	sld [smem:$0x3F8D]  }
0x1a: {  	s8 =	sadd.s32 $0xFFFFE003, lr  }
0x1b: {  	s9 =	sadd.s32 $0xFFFFFEF7, lr;
	s5 =	simm.s32 $0xFFFFFFFF;
	p2 =	slt.u32 s8, $0xFFFFF086  }
0x1c: {  	p1 =	slt.u32 s9, $0xF7A;
	s5 =	simm.s32 @!p2 $0x0  }
0x1d: {  	s5 =	simm.s32 @p1 $0x1;
	p0 =	seq.s32 s7, s2  }
0x1e: {  	s7 =	smul.u32 @!p0 $0xF7A, s2;
	p2 =	seq.s32 @!p0 s5, $0x0  }
0x1f: {  	s9 =	smul.u32 $0xF7A, s1;
	s8 =	simm.s32 @!p0 $0x1BF5;
	p2 =	por !p2, p0  }
0x20: {  	[sflag:s8] =	ssyncset.s32 @!p0 $0xFFFFF086;
	s6 =	sadd.s32 @!p0 s3, s7;
	s7 =	simm.s32 @!p0 $0x108  }
0x21: {  	s3 =	sadd.s32 s3, s9;
	s6 =	sadd.s32 @!p0 $0x88, s6;
	s7 =	simm.s32 @p2 $0x1082  }
0x22: {  	[simem:s7], [sflag:s8] =	dma.local @!p0 [hbm:s6], $0xF7A  }
0x23: {  	s9 =	sor.u32 $0xD0000000, s2;
	s6 =	simm.s32 $0x108;
	_ =	swait.ge @!p0 [sflag:s8], $0x0  }
0x24: {  	s3 =	sadd.s32 $0x88, s3;
	s6 =	simm.s32 @!p1 $0x1082;
	[sflag:s4] =	ssyncset.s32 $0xFFFFF086  }
0x25: {  	[simem:s6], [sflag:s4] =	dma.local [hbm:s3], $0xF7A  }
0x26: {  	[smem:$0x3F8D] =	sst s1;
	(tag) =	ssettag s2;
	_ =	strace s9  }
0x27: {  	s1 =	sld [smem:$0x3F9D]  }
0x28: {  	s2 =	sld [smem:$0x3F9E]  }
0x29: {  	s4 =	sld [smem:$0x3FA0]  }
0x2a: {  	p0 =	seq.s32 s5, $0x0;
	s5 =	sld [smem:$0x3FA1]  }
0x2b: {  	s6 =	sld [smem:$0x3FA2]  }
0x2c: {  	s7 =	sld [smem:$0x3FA3]  }
0x2d: {  	s3 =	simm.s32 $0x108;
	s8 =	sld [smem:$0x3FA4]  }
0x2e: {  	s3 =	simm.s32 @!p0 $0x1082;
	s9 =	sld [smem:$0x3FA5]  }
0x2f: {  	lr =	sadd.s32 s0, s3;
	s0 =	sld [smem:$0x3F9C]  }
0x30: {  	s3 =	sld [smem:$0x3F9F]  }
0x31: {  	[smem:$0x3FA8] =	sst s10  }
0x32: {  	s10 =	sld [smem:$0x3FA6];
	_ =	sdelay $0x3  }
0x33: {  	p0 =	seq.s32 s10, $0x1;
	s10 =	sld [smem:$0x3FA8];
	_ =	sdelay $0x3  }
0x34: {  	[smem:$0x3FA8] =	sst s10  }
0x35: {  	s10 =	sld [smem:$0x3FA7];
	_ =	sdelay $0x3  }
0x36: {  	p1 =	seq.s32 s10, $0x1;
	s10 =	sld [smem:$0x3FA8];
	_ =	sdelay $0x3  }
0x37: {  	[smem:$0x3FA8] =	sst s10  }
0x38: {  	s10 =	sld [smem:$0x3FA9]  }
0x39: {  	_ = 	snop;
	(pc) =	sbr.ind lr, $3  }
0x3a: {  	_ = 	snop  }
0x3b: {  	_ = 	snop  }
0x3c: {  	p2 =	seq.s32 s10, $0x1;
	s10 =	sld [smem:$0x3FA8]  }
0x3d: {  	_ =	shalt  }
0x3e: {  	_ =	shalt  }
0x3f: {  	_ =	shalt  }
0x40: {  	_ =	shalt  }
0x41: {  	_ =	shalt  }
0x42: {  	_ =	shalt  }
0x43: {  	_ =	shalt  }
0x44: {  	_ =	shalt  }
0x45: {  	_ =	shalt  }
0x46: {  	_ =	shalt  }
0x47: {  	_ =	shalt  }
0x48: {  	_ =	shalt  }
0x49: {  	_ =	shalt  }
0x4a: {  	_ =	shalt  }
0x4b: {  	_ =	shalt  }
0x4c: {  	_ =	shalt  }
0x4d: {  	_ =	shalt  }
0x4e: {  	_ =	shalt  }
0x4f: {  	_ =	shalt  }
0x50: {  	_ =	shalt  }
0x51: {  	_ =	shalt  }
0x52: {  	_ =	shalt  }
0x53: {  	_ =	shalt  }
0x54: {  	_ =	shalt  }
0x55: {  	_ =	shalt  }
0x56: {  	_ =	shalt  }
0x57: {  	_ =	shalt  }
0x58: {  	_ =	shalt  }
0x59: {  	_ =	shalt  }
0x5a: {  	_ =	shalt  }
0x5b: {  	_ =	shalt  }
0x5c: {  	_ =	shalt  }
0x5d: {  	_ =	shalt  }
0x5e: {  	_ =	shalt  }
0x5f: {  	_ =	shalt  }
0x60: {  	_ =	shalt  }
0x61: {  	_ =	shalt  }
0x62: {  	_ =	shalt  }
0x63: {  	_ =	shalt  }
0x64: {  	_ =	shalt  }
0x65: {  	_ =	shalt  }
0x66: {  	_ =	shalt  }
0x67: {  	_ =	shalt  }
0x68: {  	_ =	shalt  }
0x69: {  	_ =	shalt  }
0x6a: {  	_ =	shalt  }
0x6b: {  	_ =	shalt  }
0x6c: {  	_ =	shalt  }
0x6d: {  	_ =	shalt  }
0x6e: {  	_ =	shalt  }
0x6f: {  	_ =	shalt  }
0x70: {  	_ =	shalt  }
0x71: {  	_ =	shalt  }
0x72: {  	_ =	shalt  }
0x73: {  	_ =	shalt  }
0x74: {  	_ =	shalt  }
0x75: {  	_ =	shalt  }
0x76: {  	_ =	shalt  }
0x77: {  	_ =	shalt  }
0x78: {  	_ =	shalt  }
0x79: {  	_ =	shalt  }
0x7a: {  	_ =	shalt  }
0x7b: {  	_ =	shalt  }
0x7c: {  	_ =	shalt  }
0x7d: {  	_ =	shalt  }
0x7e: {  	_ =	shalt  }
0x7f: {  	_ =	shalt  }
0x80: {  	_ =	shalt  }
0x81: {  	_ =	shalt  }
0x82: {  	_ =	shalt  }
0x83: {  	_ =	shalt  }
0x84: {  	_ =	shalt  }
0x85: {  	_ =	shalt  }
0x86: {  	_ =	shalt  }
0x87: {  	_ =	shalt  }
.Lfunc_end0:
.L_simem_size_0:
called_computation.1_lowered:
.L_overlay_start_0:
0x88: {  	s2 =	sld [smem:$0x3FD9]  }
0x89: {  	s3 =	sld [smem:$0x3FFE];
	_ =	sdelay $0x1  }
0x8a: {  	s1 =	srdreg.scid  }
0x8b: {  	s0 =	sand.u32 $0x1, s1  }
0x8c: {  	s16 =	sshll.u32 s0, $0xA;
	s2 =	sadd.s32 s3, s2  }
0x8d: {  	s2 =	sadd.s32 s2, s16  }
0x8e: {  	[smem:$0x3FB4] =	sst s2  }
0x8f: {  	_ = 	snop  }
0x90: {  	(tm) =	ssettm $0x1  }
0x91: {  	s17 =	sld [smem:$0x3FFB];
	_ =	sdelay $0x3  }
0x92: {  	_ =	strace s17  }
0x93: {  	s2 =	sld [smem:$0x3FFC];
	_ =	sdelay $0x3  }
0x94: {  	_ =	strace s2  }
0x95: {  	s2 =	sld [smem:$0x3FFD];
	_ =	sdelay $0x3  }
0x96: {  	_ =	strace s2  }
0x97: {  	_ =	strace $0x8FFFFFFF  }
0x98: {  	s18 =	sld [smem:$0x3FDB];
	_ =	sdelay $0x1  }
0x99: {  	s19 =	simm.s32 $_scs_section_size  }
0x9a: {  	s4 =	simm.s32 $_size__tile_overlayer_lowered;
	s5 =	simm.s32 $_tile_overlayer_lowered  }
0x9b: {  	s22 =	simm.s32 $0x1BFF;
	s21 =	sshll.u32 s5, $0x1;
	s2 =	sadd.s32 s19, s18  }
0x9c: {  	s6 =	simm.s32 $0x0;
	s20 =	sshll.u32 s4, $0x1;
	s4 =	sadd.s32 s21, s2  }
0x9d: {  	[timem:s6], [sflag:s22] =	dma.local [hbm:s4], s20  }
0x9e: {  	_ =	swait.ge [sflag:s22], s20  }
0x9f: {  	s3 =	ssub.s32 $0x0, s20;
	[sflag:s22] =	ssyncset.done $0x0  }
0xa0: {  	[sflag:s22] =	ssyncadd.s32 s3;
	_ =	sdelay $0x1  }
0xa1: {  	s23 =	simm.s32 $0x1B8B  }
0xa2: {  	_ =	swait.ge [sflag:s23], $0x1  }
0xa3: {  	[sflag:s23] =	ssyncset.done $0x0  }
0xa4: {  	s25 =	simm.s32 $0x1B8E;
	s24 =	sld [smem:$0x3FFE];
	[sflag:s23] =	ssyncadd.s32 $0xFFFFFFFF  }
0xa5: {  	s26 =	simm.s32 $execute0_lowered;
	[smem:$0x3FD2] =	sst s25  }
0xa6: {  	s4 =	sshll.u32 s26, $0x1;
	_ =	strace $0x80000049;
	[dreg:$0x1] =	wrdreg $0xFFFFFFFF  }
0xa7: {  	s28 =	simm.s32 $_size_execute0_lowered;
	s2 =	sadd.s32 s2, s4;
	[dreg:$0x0] =	wrdreg $0x0  }
0xa8: {  	s4 =	sshll.u32 s28, $0x1;
	[dreg:$0x2] =	wrdreg s2  }
0xa9: {  	[dreg:$0x3] =	wrdreg s4  }
0xaa: {  	[dreg:$0x4] =	wrdreg $0xC0  }
0xab: {  	_ =	task [dreg:s6], $0x5FFFF  }
0xac: {  	[dreg:$0x1] =	wrdreg $0xFFFFFFFF  }
0xad: {  	[dreg:$0x0] =	wrdreg $0x60  }
0xae: {  	[dreg:$0x2] =	wrdreg s24  }
0xaf: {  	[dreg:$0x3] =	wrdreg $0x2A200  }
0xb0: {  	[dreg:$0x4] =	wrdreg $0x9  }
0xb1: {  	_ =	task.clear_ibuf [dreg:s6], $0x5FFFF;
	_ =	strace $0x90000049  }
0xb2: {  	s29 =	simm.s32 $0x9;
	_ =	strace $0x8000004B  }
0xb3: {  	_ =	swait.ge [sflag:s29], $0x1  }
0xb4: {  	[sflag:s29] =	ssyncadd.s32 $0xFFFFFFFF  }
0xb5: {  	_ =	strace $0x9000004B  }
0xb6: {  	_ =	sfence  }
0xb7: {  	s30 =	sld [smem:$0x0];
	_ =	sdelay $0x2  }
0xb8: {  	s31 =	sshll.u32 s1, $0xD;
	s1 =	sshrl.u32 s1, $0x2  }
0xb9: {  	s3 =	sand.u32 $0x4000, s31;
	s1 =	sadd.s32 s1, s30  }
0xba: {  	s0 =	sor.u32 s3, s0;
	s1 =	sshll.u32 s1, $0x11  }
0xbb: {  	s0 =	sor.u32 s1, s0  }
0xbc: {  	s0 =	sadd.s32 $0x8F2B, s0  }
0xbd: {  	[sflag:s0] =	ssyncadd.remote.s32 $0x1  }
0xbe: {  	_ =	sfence.sel $0xFFFF  }
0xbf: {  	[dreg:$0x0] =	wrdreg $0xFFFFFFFF;
	(pc) =	sbr.abs _section_cstart, $3  }
0xc0: {  	[dreg:$0x1] =	wrdreg $0xFFFFFFFF  }
0xc1: {  	_ =	task.clear_ibuf [dreg:s6], $0x2FFFF;
	_ =	strace $0x9FFFFFFF  }
0xc2: {  	(tm) =	ssettm $0x7FFFFFFF  }
0xc3: {  	_ =	shalt  }
tec
execute0_lowered:
.L_overlay_start_1:
0x0: {  	(tag) =	ssettag $0x1  }
0x1: {  	s0 =	rddreg [dreg:$0x0]  }
0x2: {  	s1 =	rddreg [dreg:$0x1];
	s2 =	srdreg.scid;
	s3 =	simm.s32 $0x0  }
0x3: {  	s5 =	stileid.u32;
	s2 =	sand.u32 $0x1, s2;
	[smem:$0x7FF] =	sst s3  }
0x4: {  	s16 =	sadd.s32 $0x57C00, s0;
	s15 =	smul.u32 $0x1400, s5;
	s8 =	sor.u32 $0x20, s5  }
0x5: {  	s17 =	sadd.s32 $0x6B600, s0;
	s9 =	sor.u32 $0x30, s5;
	s20 =	smul.u32 $0x1400, s8  }
0x6: {  	s11 =	sor.u32 $0x40, s5;
	s12 =	sor.u32 $0x50, s5;
	s10 =	smul.u32 $0x1400, s9  }
0x7: {  	s4 =	sshll.u32 s2, $0x4;
	_ =	strace $0x8000004A;
	s21 =	smul.u32 $0x1400, s11  }
0x8: {  	s7 =	ssub.s32 $0x2, s2;
	p0 =	seq.s32 s2, $0x1;
	s13 =	smul.u32 $0x1400, s12  }
0x9: {  	s2 =	smul.u32 $0x27100, s2;
	s4 =	sor.u32 s5, s4;
	s14 =	sshrl.u32 s7, $0x1  }
0xa: {  	s6 =	smul.u32 $0x2710, s4;
	s4 =	sadd.s32 $0x52C00, s0;
	s0 =	ssub.s32 s7, s14  }
0xb: {  	s14 =	sor.u32 $0x60, s5;
	s24 =	sshrl.u32 s21, $0x2;
	s21 =	smul.u32 $0x500, s8  }
0xc: {  	s25 =	sshrl.u32 s13, $0x2;
	s13 =	sor.u32 $0x70, s5;
	s23 =	smul.u32 $0x1400, s14  }
0xd: {  	[dreg:$0x3] =	wrdreg s17;
	s22 =	sshrl.u32 s10, $0x2;
	s3 =	smul.u32 $0x1400, s13  }
0xe: {  	s0 =	smax.u32 s0, $0x1;
	s26 =	sadd.s32 s25, s1;
	s14 =	smul.u32 $0x500, s14  }
0xf: {  	p1 =	sgt.u32 s13, $0x7C;
	s6 =	sshrl.u32 s6, $0x3;
	[dreg:$0x5] =	wrdreg s0  }
0x10: {  	s0 =	sor.u32 $0x10, s5;
	[dreg:$0xb] =	wrdreg s26;
	s26 =	smul.u32 $0x500, s11  }
0x11: {  	s25 =	sshrl.u32 s21, $0x3;
	s18 =	sadd.s32 s16, s6;
	s19 =	smul.u32 $0x1400, s0  }
0x12: {  	s6 =	sshrl.u32 s15, $0x2;
	s15 =	smul.u32 $0x2710, s5;
	s10 =	sshrl.u32 s23, $0x2  }
0x13: {  	s0 =	smul.u32 $0x500, s0;
	s6 =	sadd.s32 s6, s1;
	[dreg:$0x4] =	wrdreg s18  }
0x14: {  	s11 =	sadd.s32 s14, s1;
	[dreg:$0x6] =	wrdreg s6;
	s7 =	sshrl.u32 s19, $0x2  }
0x15: {  	s6 =	sshrl.u32 s20, $0x2;
	s2 =	sadd.s32 s15, s2;
	s19 =	sadd.s32 s10, s1  }
0x16: {  	s23 =	sshrl.u32 s0, $0x3;
	s7 =	sadd.s32 s7, s1;
	[dreg:$0xc] =	wrdreg s19  }
0x17: {  	s0 =	sadd.s32 s0, s1;
	s6 =	sadd.s32 s6, s1;
	[dreg:$0x7] =	wrdreg s7  }
0x18: {  	s15 =	smul.u32 $0x500, s5;
	s0 =	sshrl.u32 s0, $0x3;
	[dreg:$0x8] =	wrdreg s6  }
0x19: {  	s19 =	sadd.s32 s17, s25;
	s25 =	sadd.s32 $0x380, s2;
	[dreg:$0x18] =	wrdreg s0  }
0x1a: {  	s6 =	sadd.s32 s22, s1;
	s22 =	sshrl.u32 s15, $0x3;
	[dreg:$0x10] =	wrdreg s19  }
0x1b: {  	s7 =	sadd.s32 s15, s1;
	s15 =	sadd.s32 s17, s23;
	[dreg:$0x9] =	wrdreg s6  }
0x1c: {  	s6 =	sadd.s32 s24, s1;
	s5 =	sadd.s32 s17, s22;
	s24 =	smul.u32 $0x500, s9  }
0x1d: {  	s22 =	sshrl.u32 s26, $0x3;
	s9 =	sadd.s32 s26, s1;
	[dreg:$0xf] =	wrdreg s15  }
0x1e: {  	s26 =	sadd.s32 $0x300, s2;
	[dreg:$0xa] =	wrdreg s6;
	s6 =	sshrl.u32 s3, $0x2  }
0x1f: {  	s3 =	smul.u32 $0x500, s12;
	[dreg:$0xe] =	wrdreg s5;
	s20 =	sadd.s32 s6, s1  }
0x20: {  	s6 =	sadd.s32 s21, s1;
	s12 =	sshrl.u32 s24, $0x3;
	s21 =	sadd.s32 s17, s22  }
0x21: {  	[dreg:$0xd] =	wrdreg s20;
	s23 =	sshrl.u32 s3, $0x3;
	s10 =	sadd.s32 s3, s1  }
0x22: {  	s3 =	sadd.s32 $0x280, s2;
	s2 =	sadd.s32 $0x200, s2;
	[dreg:$0x12] =	wrdreg s21  }
0x23: {  	s8 =	sadd.s32 s24, s1;
	s20 =	sadd.s32 s17, s12;
	[dreg:$0x16] =	wrdreg s2  }
0x24: {  	s24 =	sshrl.u32 s14, $0x3;
	s2 =	sshrl.u32 s9, $0x3;
	[dreg:$0x11] =	wrdreg s20  }
0x25: {  	s14 =	sshrl.u32 s3, $0x3;
	s3 =	sshrl.u32 s10, $0x3;
	[dreg:$0x1b] =	wrdreg s2  }
0x26: {  	p2 =	slt.u32 s13, $0x7D;
	s9 =	sadd.s32 $0x30, s18;
	[dreg:$0x1c] =	wrdreg s3  }
0x27: {  	s12 =	sshrl.u32 s25, $0x3;
	s10 =	sadd.s32 $0x4C0, s18;
	[smem:$0x7F1] =	sst s9  }
0x28: {  	s25 =	sadd.s32 s12, s16;
	s12 =	sadd.s32 $0x4E0, s18;
	[smem:$0x7F2] =	sst s10  }
0x29: {  	s22 =	sadd.s32 s17, s23;
	s17 =	sadd.s32 s17, s24;
	[smem:$0x7F4] =	sst s12  }
0x2a: {  	s24 =	smul.u32 $0x500, s13;
	s13 =	sshrl.u32 s26, $0x3;
	[dreg:$0x13] =	wrdreg s22  }
0x2b: {  	s26 =	sadd.s32 s13, s16;
	s13 =	sshrl.u32 s7, $0x3;
	[dreg:$0x14] =	wrdreg s17  }
0x2c: {  	s28 =	sadd.s32 s14, s16;
	s14 =	sshrl.u32 s6, $0x3;
	[dreg:$0x17] =	wrdreg s13  }
0x2d: {  	s23 =	smov.u32 s16;
	s16 =	sshrl.u32 s8, $0x3;
	[dreg:$0x19] =	wrdreg s14  }
0x2e: {  	s29 =	simm.s32 $0x2;
	s6 =	sshrl.u32 s11, $0x3;
	[dreg:$0x1a] =	wrdreg s16  }
0x2f: {  	s30 =	simm.s32 $0x3;
	s7 =	sadd.s32 $0x10, s18;
	[dreg:$0x1d] =	wrdreg s6  }
0x30: {  	s31 =	simm.s32 $0x1420;
	s8 =	sadd.s32 $0x20, s18;
	[dreg:$0x1e] =	wrdreg s7  }
0x31: {  	s0 =	simm.s32 $0x1C20;
	s11 =	sadd.s32 $0x4D0, s18;
	[dreg:$0x1f] =	wrdreg s8  }
0x32: {  	s18 =	sadd.s32 $0x4E20, s19;
	s19 =	sadd.s32 $0x4E20, s20;
	[smem:$0x7F3] =	sst s11  }
0x33: {  	s20 =	sadd.s32 $0x4E20, s21;
	s21 =	sadd.s32 $0x4E20, s22;
	[smem:$0x7F8] =	sst s18  }
0x34: {  	s22 =	sadd.s32 $0x4E20, s17;
	s17 =	simm.s32 $0x5;
	[smem:$0x7F9] =	sst s19  }
0x35: {  	s9 =	simm.s32 $0x6;
	s2 =	simm.s32 $0xB;
	[smem:$0x7FA] =	sst s20  }
0x36: {  	s12 =	simm.s32 $0xC;
	s3 =	simm.s32 $0x0;
	[smem:$0x7FB] =	sst s21  }
0x37: {  	s13 =	sadd.s32 s24, s1;
	s14 =	sadd.s32 $0x4E20, s5;
	[smem:$0x7FC] =	sst s22  }
0x38: {  	s16 =	sadd.s32 $0x4E20, s15;
	[dreg:$0x15] =	wrdreg s24;
	s24 =	sadd.s32 $0x27100, s24  }
0x39: {  	s19 =	simm.s32 $0x80;
	s20 =	simm.s32 $0x4E200;
	s18 =	simm.s32 $0x100  }
.Ltmp0:
0x3a: {  	s6 =	simm.s32 $0x300;
	[smem:$0x7F5] =	sst s13;
	(pc) =	sbr.rel .LBB2_1-.Ltmp0, $4  }
0x3b: {  	s8 =	simm.s32 $0x1;
	s7 =	simm.s32 $0x420;
	[smem:$0x7F6] =	sst s14  }
0x3c: {  	s21 =	simm.s32 $0xC20;
	s22 =	simm.s32 $0x4;
	[smem:$0x7F7] =	sst s16  }
0x3d: {  	s11 =	simm.s32 $0x7;
	s15 =	simm.s32 $0x9;
	[smem:$0x7FD] =	sst s24  }
0x3e: {  	v0 =	vimm.f32 $0.0e+00;
	s24 =	simm.s32 $0x200;
	s13 =	simm.s32 $0x8;
	s16 =	simm.s32 $0xA  }
.LBB2_9:
0x3f: {  	[smem:$0x7EF] =	sst s5  }
0x40: {  	s5 =	sshrl.u32 s10, $0x3;
	s10 =	rddreg [dreg:$0x3]  }
0x41: {  	s5 =	sadd.s32 s10, s5;
	s10 =	sld [smem:$0x7EF];
	_ =	sdelay $0x2  }
0x42: {  	s10 =	sshrl.u32 s10, $0x3  }
0x43: {  	[hbm:s5], [sflag:s14] =	dma.local [spmem:s10], $0xA0  }
0x44: {  	s14 =	simm.s32 $0xD  }
0x45: {  	_ =	swait.ge [sflag:s14], $0xA0  }
0x46: {  	[sflag:s14] =	ssyncset.done $0x0  }
0x47: {  	[sflag:s14] =	ssyncadd.s32 $0xFFFFFF60  }
.LBB2_10:
0x48: {  	s3 =	sadd.s32 $0x1, s3;
	s5 =	rddreg [dreg:$0x5]  }
0x49: {  	p3 =	sne.s32 s3, s5  }
.Ltmp1:
0x4a: {  	_ = 	snop;
	(pc) =	sbr.rel @!p3 .LBB2_11-.Ltmp1, $1  }
0x4b: {  	_ =	sdelay $0x3  }
.LBB2_1:
0x4c: {  	[smem:$0x7F0] =	sst s3;
	s10 =	simm.s32 $0x40;
	s14 =	simm.s32 $0x0  }
.LBB2_2:
0x4d: {  	p3 =	sne.s32 s10, $0x13C0;
	[tilespmem:s14+$0x2520] =	vst v0;
	s14 =	smov.u32 s10;
	s10 =	sadd.s32 $0x40, s10  }
.Ltmp2:
0x4e: {  	(pc) =	sbr.rel @p3 .LBB2_2-.Ltmp2, $2  }
0x4f: {  	_ =	sdelay $0x2  }
0x50: {  	s14 =	sshra.s32 s14, $0x2  }
0x51: {  	[tilespmem:s14+$0x2520] =	vst v0;
	s5 =	rddreg [dreg:$0x6];
	s10 =	simm.s32 $0x2520;
	s3 =	simm.s32 $0xD  }
0x52: {  	[spmem:s5] =	stream.linear.scatter [tilespmem:s10], [sflag:$0xD], $0x500, $0x38;
	[tilespmem:$0x5130] =	vst v63  }
0x53: {  	_ =	swait.ge [sflag:s3], $0x500  }
0x54: {  	[sflag:s3] =	ssyncset.done $0x0  }
0x55: {  	s14 =	rddreg [dreg:$0x7];
	[sflag:s3] =	ssyncadd.s32 $0xFFFFFB00  }
0x56: {  	[spmem:s14] =	stream.linear.scatter [tilespmem:s10], [sflag:$0xD], $0x500, $0x38;
	[tilespmem:$0x5130] =	vst v63  }
0x57: {  	_ =	swait.ge [sflag:s3], $0x500  }
0x58: {  	[sflag:s3] =	ssyncset.done $0x0  }
0x59: {  	s14 =	rddreg [dreg:$0x8];
	[sflag:s3] =	ssyncadd.s32 $0xFFFFFB00  }
0x5a: {  	[spmem:s14] =	stream.linear.scatter [tilespmem:s10], [sflag:$0xD], $0x500, $0x38;
	[tilespmem:$0x5130] =	vst v63  }
0x5b: {  	_ =	swait.ge [sflag:s3], $0x500  }
0x5c: {  	[sflag:s3] =	ssyncset.done $0x0  }
0x5d: {  	s14 =	rddreg [dreg:$0x9];
	[sflag:s3] =	ssyncadd.s32 $0xFFFFFB00  }
0x5e: {  	[spmem:s14] =	stream.linear.scatter [tilespmem:s10], [sflag:$0xD], $0x500, $0x38;
	[tilespmem:$0x5130] =	vst v63  }
0x5f: {  	_ =	swait.ge [sflag:s3], $0x500  }
0x60: {  	[sflag:s3] =	ssyncset.done $0x0  }
0x61: {  	s14 =	rddreg [dreg:$0xa];
	[sflag:s3] =	ssyncadd.s32 $0xFFFFFB00  }
0x62: {  	[spmem:s14] =	stream.linear.scatter [tilespmem:s10], [sflag:$0xD], $0x500, $0x38;
	[tilespmem:$0x5130] =	vst v63  }
0x63: {  	_ =	swait.ge [sflag:s3], $0x500  }
0x64: {  	[sflag:s3] =	ssyncset.done $0x0  }
0x65: {  	s14 =	rddreg [dreg:$0xb];
	[sflag:s3] =	ssyncadd.s32 $0xFFFFFB00  }
0x66: {  	[spmem:s14] =	stream.linear.scatter [tilespmem:s10], [sflag:$0xD], $0x500, $0x38;
	[tilespmem:$0x5130] =	vst v63  }
0x67: {  	_ =	swait.ge [sflag:s3], $0x500  }
0x68: {  	[sflag:s3] =	ssyncset.done $0x0  }
0x69: {  	s14 =	rddreg [dreg:$0xc];
	[sflag:s3] =	ssyncadd.s32 $0xFFFFFB00  }
0x6a: {  	[spmem:s14] =	stream.linear.scatter [tilespmem:s10], [sflag:$0xD], $0x500, $0x38;
	[tilespmem:$0x5130] =	vst v63  }
0x6b: {  	_ =	swait.ge [sflag:s3], $0x500  }
0x6c: {  	[sflag:s3] =	ssyncset.done $0x0  }
0x6d: {  	s10 =	simm.s32 @!p1 $0x2520;
	s5 =	rddreg [dreg:$0xd];
	[sflag:s3] =	ssyncadd.s32 $0xFFFFFB00  }
0x6e: {  	[spmem:s5] =	stream.linear.scatter @!p1 [tilespmem:s10], [sflag:$0xD], $0x500, $0x38;
	[tilespmem:$0x5130] =	vst v63  }
0x6f: {  	s10 =	simm.s32 @!p1 $0xD  }
0x70: {  	_ =	swait.ge @!p1 [sflag:s10], $0x500  }
0x71: {  	[sflag:s10] =	ssyncset.done @!p1 $0x0  }
0x72: {  	[sflag:s10] =	ssyncadd.s32 @!p1 $0xFFFFFB00  }
0x73: {  	[bflag:$0x0] =	sbarrier.arrive $0xFFFF  }
0x74: {  	s3 =	rddreg [dreg:$0x4]  }
0x75: {  	s14 =	simm.s32 $0x0;
	s10 =	rddreg [dreg:$0x1e]  }
0x76: {  	[tilespmem:s14], [sflag:$0x1] =	stream.strided.gather [hbm4b:s3+s19], $0x100, s20, s19, $0x38;
	[tilespmem:$0x5130] =	vst v63  }
0x77: {  	s3 =	rddreg [dreg:$0x1f]  }
0x78: {  	[tilespmem:s18], [sflag:$0x2] =	stream.strided.gather [hbm4b:s10+s19], $0x100, s20, s19, $0x38;
	[tilespmem:$0x5130] =	vst v63  }
0x79: {  	s10 =	sld [smem:$0x7F1]  }
0x7a: {  	[tilespmem:s24], [sflag:$0x3] =	stream.strided.gather [hbm4b:s3+s19], $0x100, s20, s19, $0x38;
	[tilespmem:$0x5130] =	vst v63  }
0x7b: {  	_ = 	snop  }
0x7c: {  	[tilespmem:s6], [sflag:$0x4] =	stream.strided.gather [hbm4b:s10+s19], $0x100, s20, s19, $0x38;
	[tilespmem:$0x5130] =	vst v63  }
0x7d: {  	s3 =	simm.s32 $0x0;
	s10 =	rddreg [dreg:$0x16]  }
.LBB2_4:
0x7e: {  	_ =	swait.ge [sflag:s8], $0x100  }
0x7f: {  	[sflag:s8] =	ssyncset.done $0x0  }
0x80: {  	[sflag:s8] =	ssyncadd.s32 $0xFFFFFF00  }
0x81: {  	[tilespmem:s7], [sflag:$0x5] =	stream.indirect.gather [hbm4b:s4+s19], $0x10, s3, s19, $0xb8;
	[tilespmem:$0x5130] =	vst v63  }
0x82: {  	_ =	swait.ge [sflag:s29], $0x100  }
0x83: {  	[sflag:s29] =	ssyncset.done $0x0  }
0x84: {  	[sflag:s29] =	ssyncadd.s32 $0xFFFFFF00  }
0x85: {  	[tilespmem:s21], [sflag:$0x6] =	stream.indirect.gather [hbm4b:s4+s19], $0x10, s18, s19, $0xb8;
	[tilespmem:$0x5130] =	vst v63  }
0x86: {  	_ =	swait.ge [sflag:s30], $0x100  }
0x87: {  	[sflag:s30] =	ssyncset.done $0x0  }
0x88: {  	[sflag:s30] =	ssyncadd.s32 $0xFFFFFF00  }
0x89: {  	[tilespmem:s31], [sflag:$0x7] =	stream.indirect.gather [hbm4b:s4+s19], $0x10, s24, s19, $0xb8;
	[tilespmem:$0x5130] =	vst v63  }
0x8a: {  	_ =	swait.ge [sflag:s22], $0x100  }
0x8b: {  	[sflag:s22] =	ssyncset.done $0x0  }
0x8c: {  	[sflag:s22] =	ssyncadd.s32 $0xFFFFFF00  }
0x8d: {  	[tilespmem:s0], [sflag:$0x8] =	stream.indirect.gather [hbm4b:s4+s19], $0x10, s6, s19, $0xb8;
	[tilespmem:$0x5130] =	vst v63  }
0x8e: {  	_ =	swait.ge [sflag:s17], $0x800  }
0x8f: {  	[sflag:s17] =	ssyncset.done $0x0  }
0x90: {  	[sflag:s17] =	ssyncadd.s32 $0xFFFFF800  }
0x91: {  	[spmem:s1] =	stream.indirect.scatter.add.f32 [tilespmem:s7], [sflag:$0x9], $0x10, s19, s19, $0xb8;
	[tilespmem:$0x5130] =	vst v63  }
0x92: {  	_ =	swait.ge [sflag:s9], $0x800  }
0x93: {  	[sflag:s9] =	ssyncset.done $0x0  }
0x94: {  	s5 =	simm.s32 $0x180;
	[sflag:s9] =	ssyncadd.s32 $0xFFFFF800  }
0x95: {  	[spmem:s1] =	stream.indirect.scatter.add.f32 [tilespmem:s21], [sflag:$0xA], $0x10, s5, s19, $0xb8;
	[tilespmem:$0x5130] =	vst v63  }
0x96: {  	_ =	swait.ge [sflag:s11], $0x800  }
0x97: {  	[sflag:s11] =	ssyncset.done $0x0  }
0x98: {  	s5 =	simm.s32 $0x280;
	[sflag:s11] =	ssyncadd.s32 $0xFFFFF800  }
0x99: {  	[spmem:s1] =	stream.indirect.scatter.add.f32 [tilespmem:s31], [sflag:$0xB], $0x10, s5, s19, $0xb8;
	[tilespmem:$0x5130] =	vst v63  }
0x9a: {  	_ =	swait.ge [sflag:s13], $0x800  }
0x9b: {  	p3 =	seq.s32 s14, $0x480;
	[sflag:s13] =	ssyncset.done $0x0  }
.Ltmp3:
0x9c: {  	s5 =	simm.s32 $0x380;
	[sflag:s13] =	ssyncadd.s32 $0xFFFFF800;
	(pc) =	sbr.rel @p3 .LBB2_6-.Ltmp3, $4  }
0x9d: {  	[spmem:s1] =	stream.indirect.scatter.add.f32 [tilespmem:s0], [sflag:$0xC], $0x10, s5, s19, $0xb8;
	[tilespmem:$0x5130] =	vst v63  }
0x9e: {  	_ =	swait.ge [sflag:s15], $0x800  }
0x9f: {  	[sflag:s15] =	ssyncset.done $0x0  }
0xa0: {  	[sflag:s15] =	ssyncadd.s32 $0xFFFFF800  }
0xa1: {  	s5 =	sshrl.u32 s10, $0x3  }
0xa2: {  	s5 =	sadd.s32 s23, s5  }
0xa3: {  	[tilespmem:s3], [sflag:$0x1] =	stream.strided.gather [hbm4b:s5+s19], $0x100, s20, s19, $0x38;
	[tilespmem:$0x5130] =	vst v63  }
0xa4: {  	_ =	swait.ge [sflag:s16], $0x800  }
0xa5: {  	[sflag:s16] =	ssyncset.done $0x0  }
0xa6: {  	s5 =	sadd.s32 s14, s28;
	[sflag:s16] =	ssyncadd.s32 $0xFFFFF800  }
0xa7: {  	[tilespmem:s18], [sflag:$0x2] =	stream.strided.gather [hbm4b:s5+s19], $0x100, s20, s19, $0x38;
	[tilespmem:$0x5130] =	vst v63  }
0xa8: {  	_ =	swait.ge [sflag:s2], $0x800  }
0xa9: {  	[sflag:s2] =	ssyncset.done $0x0  }
0xaa: {  	s5 =	sadd.s32 s14, s26;
	[sflag:s2] =	ssyncadd.s32 $0xFFFFF800  }
0xab: {  	[tilespmem:s24], [sflag:$0x3] =	stream.strided.gather [hbm4b:s5+s19], $0x100, s20, s19, $0x38;
	[tilespmem:$0x5130] =	vst v63  }
.Ltmp4:
0xac: {  	_ = 	snop;
	(pc) =	sbr.rel .LBB2_4-.Ltmp4, $4  }
0xad: {  	_ =	swait.ge [sflag:s12], $0x800  }
0xae: {  	s10 =	sadd.s32 $0x200, s10;
	[sflag:s12] =	ssyncset.done $0x0  }
0xaf: {  	s5 =	sadd.s32 s14, s25;
	s14 =	sadd.s32 $0x40, s14;
	[sflag:s12] =	ssyncadd.s32 $0xFFFFF800  }
0xb0: {  	[tilespmem:s6], [sflag:$0x4] =	stream.strided.gather [hbm4b:s5+s19], $0x100, s20, s19, $0x38;
	[tilespmem:$0x5130] =	vst v63  }
.LBB2_6:
0xb1: {  	_ =	swait.ge [sflag:s16], $0x800  }
0xb2: {  	[sflag:s16] =	ssyncset.done $0x0  }
0xb3: {  	[sflag:s16] =	ssyncadd.s32 $0xFFFFF800  }
0xb4: {  	_ =	swait.ge [sflag:s2], $0x800  }
0xb5: {  	[sflag:s2] =	ssyncset.done $0x0  }
0xb6: {  	[sflag:s2] =	ssyncadd.s32 $0xFFFFF800  }
0xb7: {  	_ =	swait.ge [sflag:s12], $0x800  }
0xb8: {  	s5 =	sld [smem:$0x7F2]  }
0xb9: {  	[sflag:s12] =	ssyncset.done $0x0  }
0xba: {  	s14 =	sld [smem:$0x7F3];
	[sflag:s12] =	ssyncadd.s32 $0xFFFFF800  }
0xbb: {  	[tilespmem:s3], [sflag:$0x1] =	stream.strided.gather [hbm4b:s5+s19], $0x100, s20, s19, $0x38;
	[tilespmem:$0x5130] =	vst v63  }
0xbc: {  	_ = 	snop  }
0xbd: {  	[tilespmem:s18], [sflag:$0x2] =	stream.strided.gather [hbm4b:s14+s19], $0x100, s20, s19, $0x38;
	[tilespmem:$0x5130] =	vst v63  }
0xbe: {  	_ =	swait.ge [sflag:s8], $0x100  }
0xbf: {  	[sflag:s8] =	ssyncset.done $0x0  }
0xc0: {  	[sflag:s8] =	ssyncadd.s32 $0xFFFFFF00  }
0xc1: {  	[tilespmem:s7], [sflag:$0x5] =	stream.indirect.gather [hbm4b:s4+s19], $0x10, s3, s19, $0xb8;
	[tilespmem:$0x5130] =	vst v63  }
0xc2: {  	_ =	swait.ge [sflag:s29], $0x100  }
0xc3: {  	[sflag:s29] =	ssyncset.done $0x0  }
0xc4: {  	s3 =	sld [smem:$0x7F4];
	[sflag:s29] =	ssyncadd.s32 $0xFFFFFF00  }
0xc5: {  	[tilespmem:s21], [sflag:$0x6] =	stream.indirect.gather [hbm4b:s4+s19], $0x10, s18, s19, $0xb8;
	[tilespmem:$0x5130] =	vst v63  }
0xc6: {  	s10 =	simm.s32 $0x10;
	s14 =	simm.s32 $0x400  }
0xc7: {  	[tilespmem:s14], [sflag:$0xD] =	stream.strided.gather [hbm4b:s3+s10], $0x20, s20, s10, $0x38;
	[tilespmem:$0x5130] =	vst v63  }
0xc8: {  	s3 =	simm.s32 $0xD  }
0xc9: {  	_ =	swait.ge [sflag:s3], $0x20  }
0xca: {  	[sflag:s3] =	ssyncset.done $0x0  }
0xcb: {  	s5 =	simm.s32 $0x2420;
	[sflag:s3] =	ssyncadd.s32 $0xFFFFFFE0  }
0xcc: {  	[tilespmem:s5], [sflag:$0x7] =	stream.indirect.gather [hbm4b:s4+s10], $0x10, s14, s10, $0xb8;
	[tilespmem:$0x5130] =	vst v63  }
0xcd: {  	_ =	swait.ge [sflag:s17], $0x800  }
0xce: {  	[sflag:s17] =	ssyncset.done $0x0  }
0xcf: {  	[sflag:s17] =	ssyncadd.s32 $0xFFFFF800  }
0xd0: {  	[spmem:s1] =	stream.indirect.scatter.add.f32 [tilespmem:s7], [sflag:$0x9], $0x10, s19, s19, $0xb8;
	[tilespmem:$0x5130] =	vst v63  }
0xd1: {  	_ =	swait.ge [sflag:s9], $0x800  }
0xd2: {  	[sflag:s9] =	ssyncset.done $0x0  }
0xd3: {  	s5 =	simm.s32 $0x180;
	[sflag:s9] =	ssyncadd.s32 $0xFFFFF800  }
0xd4: {  	[spmem:s1] =	stream.indirect.scatter.add.f32 [tilespmem:s21], [sflag:$0xA], $0x10, s5, s19, $0xb8;
	[tilespmem:$0x5130] =	vst v63  }
0xd5: {  	_ =	swait.ge [sflag:s11], $0x100  }
0xd6: {  	[sflag:s11] =	ssyncset.done $0x0  }
0xd7: {  	s14 =	simm.s32 $0x2420;
	s5 =	simm.s32 $0x410;
	[sflag:s11] =	ssyncadd.s32 $0xFFFFFF00  }
0xd8: {  	[spmem:s1] =	stream.indirect.scatter.add.f32 [tilespmem:s14], [sflag:$0xB], $0x10, s5, s10, $0xb8;
	[tilespmem:$0x5130] =	vst v63  }
0xd9: {  	_ =	swait.ge [sflag:s15], $0x800  }
0xda: {  	[sflag:s15] =	ssyncset.done $0x0  }
0xdb: {  	[sflag:s15] =	ssyncadd.s32 $0xFFFFF800  }
0xdc: {  	_ =	swait.ge [sflag:s16], $0x800  }
0xdd: {  	[sflag:s16] =	ssyncset.done $0x0  }
0xde: {  	[sflag:s16] =	ssyncadd.s32 $0xFFFFF800  }
.Ltmp5:
0xdf: {  	_ =	swait.ge [sflag:s2], $0x100;
	(pc) =	sbr.rel @!p0 .LBB2_7-.Ltmp5, $4  }
0xe0: {  	[sflag:s2] =	ssyncset.done $0x0  }
0xe1: {  	s14 =	stileid.u32;
	[sflag:s2] =	ssyncadd.s32 $0xFFFFFF00  }
0xe2: {  	s5 =	sshll.u32 s14, $0x6;
	[bflag:$0x0] =	sbarrier.arrive $0xFFFF  }
0xe3: {  	s14 =	sor.u32 $0x1C0D, s5  }
0xe4: {  	s10 =	sld [smem:$0x7F6]  }
0xe5: {  	s5 =	rddreg [dreg:$0x6]  }
0xe6: {  	s5 =	sshrl.u32 s5, $0x3  }
0xe7: {  	[hbm:s10], [sflag:s14] =	dma.local [spmem:s5], $0xA0  }
0xe8: {  	_ =	swait.ge [sflag:s3], $0xA0  }
0xe9: {  	s10 =	rddreg [dreg:$0x7]  }
0xea: {  	s5 =	sshrl.u32 s10, $0x3;
	s10 =	sld [smem:$0x7F7]  }
0xeb: {  	[sflag:s3] =	ssyncset.done $0x0  }
0xec: {  	[sflag:s3] =	ssyncadd.s32 $0xFFFFFF60  }
0xed: {  	[hbm:s10], [sflag:s14] =	dma.local [spmem:s5], $0xA0  }
0xee: {  	_ =	swait.ge [sflag:s3], $0xA0  }
0xef: {  	s10 =	rddreg [dreg:$0x8]  }
0xf0: {  	s5 =	sshrl.u32 s10, $0x3;
	s10 =	sld [smem:$0x7F8]  }
0xf1: {  	[sflag:s3] =	ssyncset.done $0x0  }
0xf2: {  	[sflag:s3] =	ssyncadd.s32 $0xFFFFFF60  }
0xf3: {  	[hbm:s10], [sflag:s14] =	dma.local [spmem:s5], $0xA0  }
0xf4: {  	_ =	swait.ge [sflag:s3], $0xA0  }
0xf5: {  	s10 =	rddreg [dreg:$0x9]  }
0xf6: {  	s5 =	sshrl.u32 s10, $0x3;
	s10 =	sld [smem:$0x7F9]  }
0xf7: {  	[sflag:s3] =	ssyncset.done $0x0  }
0xf8: {  	[sflag:s3] =	ssyncadd.s32 $0xFFFFFF60  }
0xf9: {  	[hbm:s10], [sflag:s14] =	dma.local [spmem:s5], $0xA0  }
0xfa: {  	_ =	swait.ge [sflag:s3], $0xA0  }
0xfb: {  	s10 =	rddreg [dreg:$0xa]  }
0xfc: {  	s5 =	sshrl.u32 s10, $0x3;
	s10 =	sld [smem:$0x7FA]  }
0xfd: {  	[sflag:s3] =	ssyncset.done $0x0  }
0xfe: {  	[sflag:s3] =	ssyncadd.s32 $0xFFFFFF60  }
0xff: {  	[hbm:s10], [sflag:s14] =	dma.local [spmem:s5], $0xA0  }
0x100: {  	_ =	swait.ge [sflag:s3], $0xA0  }
0x101: {  	s10 =	rddreg [dreg:$0xb]  }
0x102: {  	s5 =	sshrl.u32 s10, $0x3;
	s10 =	sld [smem:$0x7FB]  }
0x103: {  	[sflag:s3] =	ssyncset.done $0x0  }
0x104: {  	[sflag:s3] =	ssyncadd.s32 $0xFFFFFF60  }
0x105: {  	[hbm:s10], [sflag:s14] =	dma.local [spmem:s5], $0xA0  }
0x106: {  	_ =	swait.ge [sflag:s3], $0xA0  }
0x107: {  	s10 =	rddreg [dreg:$0xc]  }
0x108: {  	s5 =	sshrl.u32 s10, $0x3;
	s10 =	sld [smem:$0x7FC]  }
0x109: {  	[sflag:s3] =	ssyncset.done $0x0  }
0x10a: {  	[sflag:s3] =	ssyncadd.s32 $0xFFFFFF60  }
0x10b: {  	[hbm:s10], [sflag:s14] =	dma.local [spmem:s5], $0xA0  }
.Ltmp6:
0x10c: {  	_ = 	snop;
	(pc) =	sbr.rel @p1 .LBB2_10-.Ltmp6, $4  }
.Ltmp7:
0x10d: {  	_ =	swait.ge [sflag:s3], $0xA0;
	(pc) =	sbr.rel @!p1 .LBB2_9-.Ltmp7, $4  }
0x10e: {  	[sflag:s3] =	ssyncset.done $0x0;
	s10 =	sld [smem:$0x7FD]  }
0x10f: {  	[sflag:s3] =	ssyncadd.s32 $0xFFFFFF60;
	s3 =	sld [smem:$0x7F0]  }
0x110: {  	s5 =	rddreg [dreg:$0xd]  }
0x111: {  	_ = 	snop  }
.LBB2_7:
0x112: {  	s5 =	rddreg [dreg:$0xe]  }
0x113: {  	s10 =	rddreg [dreg:$0x17]  }
0x114: {  	[hbm:s5], [sflag:s14] =	dma.local [spmem:s10], $0xA0  }
0x115: {  	_ =	swait.ge [sflag:s3], $0xA0  }
0x116: {  	[sflag:s3] =	ssyncset.done $0x0;
	s5 =	rddreg [dreg:$0xf]  }
0x117: {  	s10 =	rddreg [dreg:$0x18];
	[sflag:s3] =	ssyncadd.s32 $0xFFFFFF60  }
0x118: {  	[hbm:s5], [sflag:s14] =	dma.local [spmem:s10], $0xA0  }
0x119: {  	_ =	swait.ge [sflag:s3], $0xA0  }
0x11a: {  	[sflag:s3] =	ssyncset.done $0x0;
	s5 =	rddreg [dreg:$0x10]  }
0x11b: {  	s10 =	rddreg [dreg:$0x19];
	[sflag:s3] =	ssyncadd.s32 $0xFFFFFF60  }
0x11c: {  	[hbm:s5], [sflag:s14] =	dma.local [spmem:s10], $0xA0  }
0x11d: {  	_ =	swait.ge [sflag:s3], $0xA0  }
0x11e: {  	[sflag:s3] =	ssyncset.done $0x0;
	s5 =	rddreg [dreg:$0x11]  }
0x11f: {  	s10 =	rddreg [dreg:$0x1a];
	[sflag:s3] =	ssyncadd.s32 $0xFFFFFF60  }
0x120: {  	[hbm:s5], [sflag:s14] =	dma.local [spmem:s10], $0xA0  }
0x121: {  	_ =	swait.ge [sflag:s3], $0xA0  }
0x122: {  	[sflag:s3] =	ssyncset.done $0x0;
	s5 =	rddreg [dreg:$0x12]  }
0x123: {  	s10 =	rddreg [dreg:$0x1b];
	[sflag:s3] =	ssyncadd.s32 $0xFFFFFF60  }
0x124: {  	[hbm:s5], [sflag:s14] =	dma.local [spmem:s10], $0xA0  }
0x125: {  	_ =	swait.ge [sflag:s3], $0xA0  }
0x126: {  	[sflag:s3] =	ssyncset.done $0x0;
	s5 =	rddreg [dreg:$0x13]  }
0x127: {  	s10 =	rddreg [dreg:$0x1c];
	[sflag:s3] =	ssyncadd.s32 $0xFFFFFF60  }
0x128: {  	[hbm:s5], [sflag:s14] =	dma.local [spmem:s10], $0xA0  }
0x129: {  	_ =	swait.ge [sflag:s3], $0xA0  }
0x12a: {  	[sflag:s3] =	ssyncset.done $0x0;
	s5 =	rddreg [dreg:$0x14]  }
0x12b: {  	s10 =	rddreg [dreg:$0x1d];
	[sflag:s3] =	ssyncadd.s32 $0xFFFFFF60  }
0x12c: {  	[hbm:s5], [sflag:s14] =	dma.local [spmem:s10], $0xA0  }
.Ltmp8:
0x12d: {  	_ = 	snop;
	(pc) =	sbr.rel @p2 .LBB2_9-.Ltmp8, $4  }
.Ltmp9:
0x12e: {  	_ =	swait.ge [sflag:s3], $0xA0;
	(pc) =	sbr.rel @!p2 .LBB2_10-.Ltmp9, $4  }
0x12f: {  	[sflag:s3] =	ssyncset.done $0x0;
	s5 =	sld [smem:$0x7F5]  }
0x130: {  	[sflag:s3] =	ssyncadd.s32 $0xFFFFFF60;
	s3 =	sld [smem:$0x7F0]  }
0x131: {  	s10 =	rddreg [dreg:$0x15]  }
0x132: {  	_ = 	snop  }
.LBB2_11:
0x133: {  	_ =	sfence.sel $0x180000  }
0x134: {  	[bflag:$0x0] =	sbarrier.arrive $0xFFFF  }
0x135: {  	_ =	strace $0x9000004A  }
0x136: {  	s0 =	stileid.u32;
	[bflag:$0x2] =	sbarrier.arrive $0xFFFF  }
0x137: {  	p0 =	sne.s32 s0, $0x0;
	s0 =	rddreg [dreg:$0x2]  }
0x138: {  	s0 =	sadd.s32 @!p0 $0x100000, s0  }
0x139: {  	[sflag:s0] =	ssyncadd.tile.s32 @!p0 $0x1;
	_ =	shalt  }
.Lfunc_end2:
_tile_overlayer_lowered:
.L_overlay_start_2:
0x13a: {  	(tag) =	ssettag $0x2  }
0x13b: {  	s0 =	rddreg [dreg:$0x0];
	s2 =	stileid.u32  }
0x13c: {  	s1 =	rddreg [dreg:$0x1];
	p0 =	sne.s32 s2, $0x0  }
0x13d: {  	s3 =	rddreg [dreg:$0x2];
	[bflag:$0x3] =	sbarrier.arrive $0xFFFF;
	s2 =	simm.s32 @!p0 $0x1C0D  }
0x13e: {  	[timem:s3], [sflag:s2] =	dma.local @!p0 [hbm:s0], s1  }
0x13f: {  	s0 =	simm.s32 @!p0 $0xD  }
0x140: {  	_ =	swait.ge @!p0 [sflag:s0], s1  }
0x141: {  	s1 =	ssub.s32 @!p0 $0x0, s1;
	[sflag:s0] =	ssyncset.done @!p0 $0x0  }
0x142: {  	[sflag:s0] =	ssyncadd.s32 @!p0 s1  }
0x143: {  	[bflag:$0x3] =	sbarrier.arrive $0xFFFF  }
0x144: {  	_ =	shalt  }

// kernel: kernel.7.cloned.1.call-start
scs
__scs_entry_jumppad:
0x0: {  	(pc) =	sbr.rel $0x88, $3  }
0x1: {  	(tag) =	ssettag $0x0;
	lr =	simm.s32 $0x1  }
0x2: {  	[smem:$0x3F8D] =	sst lr;
	_ =	strace $0xD0000000  }
0x3: {  	_ = 	snop  }
0x4: {  	_ = 	snop  }
0x5: {  	_ = 	snop  }
0x6: {  	_ = 	snop  }
0x7: {  	_ = 	snop  }
__scs_overlays_trampoline_lowered:
0x8: {  	[smem:$0x3F9C] =	sst s0  }
0x9: {  	[smem:$0x3F9D] =	sst s1  }
0xa: {  	[smem:$0x3F9E] =	sst s2  }
0xb: {  	[smem:$0x3F9F] =	sst s3  }
0xc: {  	[smem:$0x3FA0] =	sst s4  }
0xd: {  	[smem:$0x3FA1] =	sst s5  }
0xe: {  	[smem:$0x3FA2] =	sst s6  }
0xf: {  	[smem:$0x3FA3] =	sst s7  }
0x10: {  	[smem:$0x3FA4] =	sst s8  }
0x11: {  	[smem:$0x3FA5] =	sst s9;
	s0 =	simm.s32 @!p0 $0x0  }
0x12: {  	s1 =	sld [smem:$0x3F8B];
	s0 =	simm.s32 @p0 $0x1  }
0x13: {  	[smem:$0x3FA6] =	sst s0;
	s0 =	simm.s32 @!p1 $0x0  }
0x14: {  	s2 =	sld [smem:$0x3F8A];
	s0 =	simm.s32 @p1 $0x1  }
0x15: {  	[smem:$0x3FA7] =	sst s0;
	s0 =	simm.s32 @!p2 $0x0  }
0x16: {  	s3 =	sld [smem:$0x3FDB];
	s0 =	simm.s32 @p2 $0x1  }
0x17: {  	s4 =	simm.s32 $0x1BF5;
	[smem:$0x3FA9] =	sst s0  }
0x18: {  	s0 =	sld [smem:$0x3F8C];
	_ =	swait.ge [sflag:s4], $0x0  }
0x19: {  	s7 =	sld [smem:$0x3F8D]  }
0x1a: {  	s8 =	sadd.s32 $0xFFFFE003, lr  }
0x1b: {  	s9 =	sadd.s32 $0xFFFFFEF7, lr;
	s5 =	simm.s32 $0xFFFFFFFF;
	p2 =	slt.u32 s8, $0xFFFFF086  }
0x1c: {  	p1 =	slt.u32 s9, $0xF7A;
	s5 =	simm.s32 @!p2 $0x0  }
0x1d: {  	s5 =	simm.s32 @p1 $0x1;
	p0 =	seq.s32 s7, s2  }
0x1e: {  	s7 =	smul.u32 @!p0 $0xF7A, s2;
	p2 =	seq.s32 @!p0 s5, $0x0  }
0x1f: {  	s9 =	smul.u32 $0xF7A, s1;
	s8 =	simm.s32 @!p0 $0x1BF5;
	p2 =	por !p2, p0  }
0x20: {  	[sflag:s8] =	ssyncset.s32 @!p0 $0xFFFFF086;
	s6 =	sadd.s32 @!p0 s3, s7;
	s7 =	simm.s32 @!p0 $0x108  }
0x21: {  	s3 =	sadd.s32 s3, s9;
	s6 =	sadd.s32 @!p0 $0x88, s6;
	s7 =	simm.s32 @p2 $0x1082  }
0x22: {  	[simem:s7], [sflag:s8] =	dma.local @!p0 [hbm:s6], $0xF7A  }
0x23: {  	s9 =	sor.u32 $0xD0000000, s2;
	s6 =	simm.s32 $0x108;
	_ =	swait.ge @!p0 [sflag:s8], $0x0  }
0x24: {  	s3 =	sadd.s32 $0x88, s3;
	s6 =	simm.s32 @!p1 $0x1082;
	[sflag:s4] =	ssyncset.s32 $0xFFFFF086  }
0x25: {  	[simem:s6], [sflag:s4] =	dma.local [hbm:s3], $0xF7A  }
0x26: {  	[smem:$0x3F8D] =	sst s1;
	(tag) =	ssettag s2;
	_ =	strace s9  }
0x27: {  	s1 =	sld [smem:$0x3F9D]  }
0x28: {  	s2 =	sld [smem:$0x3F9E]  }
0x29: {  	s4 =	sld [smem:$0x3FA0]  }
0x2a: {  	p0 =	seq.s32 s5, $0x0;
	s5 =	sld [smem:$0x3FA1]  }
0x2b: {  	s6 =	sld [smem:$0x3FA2]  }
0x2c: {  	s7 =	sld [smem:$0x3FA3]  }
0x2d: {  	s3 =	simm.s32 $0x108;
	s8 =	sld [smem:$0x3FA4]  }
0x2e: {  	s3 =	simm.s32 @!p0 $0x1082;
	s9 =	sld [smem:$0x3FA5]  }
0x2f: {  	lr =	sadd.s32 s0, s3;
	s0 =	sld [smem:$0x3F9C]  }
0x30: {  	s3 =	sld [smem:$0x3F9F]  }
0x31: {  	[smem:$0x3FA8] =	sst s10  }
0x32: {  	s10 =	sld [smem:$0x3FA6];
	_ =	sdelay $0x3  }
0x33: {  	p0 =	seq.s32 s10, $0x1;
	s10 =	sld [smem:$0x3FA8];
	_ =	sdelay $0x3  }
0x34: {  	[smem:$0x3FA8] =	sst s10  }
0x35: {  	s10 =	sld [smem:$0x3FA7];
	_ =	sdelay $0x3  }
0x36: {  	p1 =	seq.s32 s10, $0x1;
	s10 =	sld [smem:$0x3FA8];
	_ =	sdelay $0x3  }
0x37: {  	[smem:$0x3FA8] =	sst s10  }
0x38: {  	s10 =	sld [smem:$0x3FA9]  }
0x39: {  	_ = 	snop;
	(pc) =	sbr.ind lr, $3  }
0x3a: {  	_ = 	snop  }
0x3b: {  	_ = 	snop  }
0x3c: {  	p2 =	seq.s32 s10, $0x1;
	s10 =	sld [smem:$0x3FA8]  }
0x3d: {  	_ =	shalt  }
0x3e: {  	_ =	shalt  }
0x3f: {  	_ =	shalt  }
0x40: {  	_ =	shalt  }
0x41: {  	_ =	shalt  }
0x42: {  	_ =	shalt  }
0x43: {  	_ =	shalt  }
0x44: {  	_ =	shalt  }
0x45: {  	_ =	shalt  }
0x46: {  	_ =	shalt  }
0x47: {  	_ =	shalt  }
0x48: {  	_ =	shalt  }
0x49: {  	_ =	shalt  }
0x4a: {  	_ =	shalt  }
0x4b: {  	_ =	shalt  }
0x4c: {  	_ =	shalt  }
0x4d: {  	_ =	shalt  }
0x4e: {  	_ =	shalt  }
0x4f: {  	_ =	shalt  }
0x50: {  	_ =	shalt  }
0x51: {  	_ =	shalt  }
0x52: {  	_ =	shalt  }
0x53: {  	_ =	shalt  }
0x54: {  	_ =	shalt  }
0x55: {  	_ =	shalt  }
0x56: {  	_ =	shalt  }
0x57: {  	_ =	shalt  }
0x58: {  	_ =	shalt  }
0x59: {  	_ =	shalt  }
0x5a: {  	_ =	shalt  }
0x5b: {  	_ =	shalt  }
0x5c: {  	_ =	shalt  }
0x5d: {  	_ =	shalt  }
0x5e: {  	_ =	shalt  }
0x5f: {  	_ =	shalt  }
0x60: {  	_ =	shalt  }
0x61: {  	_ =	shalt  }
0x62: {  	_ =	shalt  }
0x63: {  	_ =	shalt  }
0x64: {  	_ =	shalt  }
0x65: {  	_ =	shalt  }
0x66: {  	_ =	shalt  }
0x67: {  	_ =	shalt  }
0x68: {  	_ =	shalt  }
0x69: {  	_ =	shalt  }
0x6a: {  	_ =	shalt  }
0x6b: {  	_ =	shalt  }
0x6c: {  	_ =	shalt  }
0x6d: {  	_ =	shalt  }
0x6e: {  	_ =	shalt  }
0x6f: {  	_ =	shalt  }
0x70: {  	_ =	shalt  }
0x71: {  	_ =	shalt  }
0x72: {  	_ =	shalt  }
0x73: {  	_ =	shalt  }
0x74: {  	_ =	shalt  }
0x75: {  	_ =	shalt  }
0x76: {  	_ =	shalt  }
0x77: {  	_ =	shalt  }
0x78: {  	_ =	shalt  }
0x79: {  	_ =	shalt  }
0x7a: {  	_ =	shalt  }
0x7b: {  	_ =	shalt  }
0x7c: {  	_ =	shalt  }
0x7d: {  	_ =	shalt  }
0x7e: {  	_ =	shalt  }
0x7f: {  	_ =	shalt  }
0x80: {  	_ =	shalt  }
0x81: {  	_ =	shalt  }
0x82: {  	_ =	shalt  }
0x83: {  	_ =	shalt  }
0x84: {  	_ =	shalt  }
0x85: {  	_ =	shalt  }
0x86: {  	_ =	shalt  }
0x87: {  	_ =	shalt  }
.Lfunc_end0:
.L_simem_size_0:
called_computation_lowered:
.L_overlay_start_0:
0x88: {  	s2 =	sld [smem:$0x3FD9]  }
0x89: {  	s3 =	sld [smem:$0x3FFE];
	_ =	sdelay $0x1  }
0x8a: {  	s1 =	srdreg.scid  }
0x8b: {  	s0 =	sand.u32 $0x1, s1  }
0x8c: {  	s17 =	sshll.u32 s0, $0xA;
	s2 =	sadd.s32 s3, s2  }
0x8d: {  	s2 =	sadd.s32 s2, s17  }
0x8e: {  	[smem:$0x3FB4] =	sst s2  }
0x8f: {  	_ = 	snop  }
0x90: {  	s2 =	sld [smem:$0x3FC6];
	(tm) =	ssettm $0x1  }
0x91: {  	s18 =	sld [smem:$0x3FFB];
	_ =	sdelay $0x3  }
0x92: {  	_ =	strace s18  }
0x93: {  	s3 =	sld [smem:$0x3FFC];
	_ =	sdelay $0x3  }
0x94: {  	_ =	strace s3  }
0x95: {  	s3 =	sld [smem:$0x3FFD];
	_ =	sdelay $0x3  }
0x96: {  	_ =	strace s3  }
0x97: {  	_ =	strace $0x8FFFFFFF  }
0x98: {  	s19 =	sld [smem:$0x3FDB];
	_ =	sdelay $0x1  }
0x99: {  	s4 =	simm.s32 $_scs_section_size  }
0x9a: {  	s5 =	simm.s32 $_size__tile_overlayer_lowered;
	s6 =	simm.s32 $_tile_overlayer_lowered  }
0x9b: {  	s22 =	simm.s32 $0x1BFF;
	s21 =	sshll.u32 s6, $0x1;
	s3 =	sadd.s32 s4, s19  }
0x9c: {  	s7 =	simm.s32 $0x0;
	s20 =	sshll.u32 s5, $0x1;
	s5 =	sadd.s32 s21, s3  }
0x9d: {  	[timem:s7], [sflag:s22] =	dma.local [hbm:s5], s20  }
0x9e: {  	_ =	swait.ge [sflag:s22], s20  }
0x9f: {  	s4 =	ssub.s32 $0x0, s20;
	[sflag:s22] =	ssyncset.done $0x0  }
0xa0: {  	[sflag:s22] =	ssyncadd.s32 s4;
	_ =	sdelay $0x1  }
0xa1: {  	s23 =	simm.s32 $0x1B8B  }
0xa2: {  	_ =	swait.ge [sflag:s23], $0x1  }
0xa3: {  	[sflag:s23] =	ssyncset.done $0x0  }
0xa4: {  	s25 =	simm.s32 $0x1B8E;
	s24 =	sld [smem:$0x3FFE];
	[sflag:s23] =	ssyncadd.s32 $0xFFFFFFFF  }
0xa5: {  	s26 =	simm.s32 $execute0_lowered;
	[smem:$0x3FD2] =	sst s25  }
0xa6: {  	s5 =	sshll.u32 s26, $0x1;
	_ =	strace $0x80000046;
	[dreg:$0x1] =	wrdreg $0xFFFFFFFF  }
0xa7: {  	s28 =	simm.s32 $_size_execute0_lowered;
	s3 =	sadd.s32 s3, s5;
	[dreg:$0x0] =	wrdreg $0x0  }
0xa8: {  	s5 =	sshll.u32 s28, $0x1;
	[dreg:$0x2] =	wrdreg s3  }
0xa9: {  	[dreg:$0x3] =	wrdreg s5  }
0xaa: {  	[dreg:$0x4] =	wrdreg $0xC0  }
0xab: {  	_ =	task [dreg:s7], $0x5FFFF  }
0xac: {  	[dreg:$0x1] =	wrdreg $0xFFFFFFFF  }
0xad: {  	[dreg:$0x0] =	wrdreg $0x60  }
0xae: {  	[dreg:$0x2] =	wrdreg s24  }
0xaf: {  	[dreg:$0x3] =	wrdreg s2  }
0xb0: {  	[dreg:$0x4] =	wrdreg $0x34C80  }
0xb1: {  	[dreg:$0x5] =	wrdreg $0x5BD80  }
0xb2: {  	[dreg:$0x6] =	wrdreg $0x82E80  }
0xb3: {  	[dreg:$0x7] =	wrdreg $0x9  }
0xb4: {  	_ =	task.clear_ibuf [dreg:s7], $0x8FFFF;
	_ =	strace $0x90000046  }
0xb5: {  	s29 =	simm.s32 $0x9;
	_ =	strace $0x80000048  }
0xb6: {  	_ =	swait.ge [sflag:s29], $0x1  }
0xb7: {  	[sflag:s29] =	ssyncadd.s32 $0xFFFFFFFF  }
0xb8: {  	_ =	strace $0x90000048  }
0xb9: {  	_ =	sfence  }
0xba: {  	s30 =	sld [smem:$0x0];
	_ =	sdelay $0x2  }
0xbb: {  	s31 =	sshll.u32 s1, $0xD;
	s1 =	sshrl.u32 s1, $0x2  }
0xbc: {  	s3 =	sand.u32 $0x4000, s31;
	s1 =	sadd.s32 s1, s30  }
0xbd: {  	s0 =	sor.u32 s3, s0;
	s1 =	sshll.u32 s1, $0x11  }
0xbe: {  	s0 =	sor.u32 s1, s0  }
0xbf: {  	s0 =	sadd.s32 $0x8F2B, s0  }
0xc0: {  	[sflag:s0] =	ssyncadd.remote.s32 $0x1  }
0xc1: {  	_ =	sfence.sel $0xFFFF  }
0xc2: {  	[dreg:$0x0] =	wrdreg $0xFFFFFFFF;
	(pc) =	sbr.abs _section_cstart, $3  }
0xc3: {  	[dreg:$0x1] =	wrdreg $0xFFFFFFFF  }
0xc4: {  	_ =	task.clear_ibuf [dreg:s7], $0x2FFFF;
	_ =	strace $0x9FFFFFFF  }
0xc5: {  	(tm) =	ssettm $0x7FFFFFFF  }
tec
execute0_lowered:
.L_overlay_start_1:
0x0: {  	(tag) =	ssettag $0x1  }
0x1: {  	s0 =	rddreg [dreg:$0x0]  }
0x2: {  	s3 =	rddreg [dreg:$0x1]  }
0x3: {  	s1 =	rddreg [dreg:$0x2]  }
0x4: {  	s2 =	rddreg [dreg:$0x3]  }
0x5: {  	s19 =	rddreg [dreg:$0x4];
	s20 =	stileid.u32  }
0x6: {  	s4 =	srdreg.scid;
	s6 =	simm.s32 $0x0;
	s7 =	smul.u32 $0x5, s20  }
0x7: {  	s4 =	sand.u32 $0x1, s4;
	[smem:$0x7FF] =	sst s6;
	s8 =	smul.u32 $0x28, s20  }
0x8: {  	s6 =	sadd.s32 $0x52C00, s0;
	s21 =	sadd.s32 $0x57C00, s0;
	s10 =	smul.u32 $0x1400, s20  }
0x9: {  	s22 =	sadd.s32 $0x6B600, s0;
	s11 =	sor.u32 $0x10, s20;
	s25 =	smul.u32 $0x2710, s20  }
0xa: {  	s15 =	sor.u32 $0x40, s20;
	s5 =	sshll.u32 s4, $0x4;
	s12 =	smul.u32 $0x1400, s11  }
0xb: {  	_ =	strace $0x80000047;
	s16 =	ssub.s32 $0x2, s4;
	s24 =	smul.u32 $0x27100, s4  }
0xc: {  	p0 =	sne.s32 s4, $0x0;
	s4 =	sor.u32 $0x60, s20;
	[dreg:$0x7] =	wrdreg s22  }
0xd: {  	[dreg:$0x6] =	wrdreg s21;
	s5 =	sor.u32 s20, s5;
	s9 =	sshrl.u32 s16, $0x1  }
0xe: {  	s17 =	sadd.s32 s3, s7;
	s18 =	sshrl.u32 s8, $0x3;
	s10 =	sshrl.u32 s10, $0x2  }
0xf: {  	s5 =	smul.u32 $0x2710, s5;
	s9 =	ssub.s32 s16, s9;
	[dreg:$0x9] =	wrdreg s17  }
0x10: {  	s0 =	sadd.s32 s3, s18;
	s16 =	smul.u32 $0x1400, s15;
	s17 =	sor.u32 $0x50, s20  }
0x11: {  	s3 =	sor.u32 $0x30, s20;
	s0 =	sadd.s32 $0x50, s0;
	s26 =	smul.u32 $0x1400, s17  }
0x12: {  	[dreg:$0xa] =	wrdreg s0;
	s0 =	sadd.s32 s25, s24;
	s24 =	smax.u32 s9, $0x1  }
0x13: {  	s12 =	sshrl.u32 s12, $0x2;
	[dreg:$0xb] =	wrdreg s24;
	s24 =	sadd.s32 s10, s1  }
0x14: {  	s7 =	sshrl.u32 s26, $0x2;
	s26 =	sadd.s32 s10, s2;
	[dreg:$0xc] =	wrdreg s24  }
0x15: {  	s5 =	sshrl.u32 s5, $0x3;
	s10 =	sadd.s32 s10, s19;
	[dreg:$0xd] =	wrdreg s26  }
0x16: {  	s25 =	smul.u32 $0x1400, s4;
	s23 =	sadd.s32 s21, s5;
	[dreg:$0xe] =	wrdreg s10  }
0x17: {  	s14 =	smul.u32 $0x1400, s3;
	s24 =	sadd.s32 s12, s1;
	[dreg:$0x8] =	wrdreg s23  }
0x18: {  	s8 =	sshrl.u32 s25, $0x2;
	s25 =	sadd.s32 s12, s2;
	[dreg:$0xf] =	wrdreg s24  }
0x19: {  	s14 =	sshrl.u32 s14, $0x2;
	s26 =	sadd.s32 s12, s19;
	[dreg:$0x10] =	wrdreg s25  }
0x1a: {  	s13 =	sor.u32 $0x20, s20;
	s10 =	sadd.s32 s14, s19;
	[dreg:$0x11] =	wrdreg s26  }
0x1b: {  	s16 =	sshrl.u32 s16, $0x2;
	s25 =	sadd.s32 s14, s1;
	[dreg:$0x17] =	wrdreg s10  }
0x1c: {  	s5 =	smul.u32 $0x1400, s13;
	s26 =	sadd.s32 s14, s2;
	[dreg:$0x15] =	wrdreg s25  }
0x1d: {  	p3 =	sgt.u32 s20, $0x8;
	s14 =	sadd.s32 s16, s2;
	[dreg:$0x16] =	wrdreg s26  }
0x1e: {  	s5 =	sshrl.u32 s5, $0x2;
	s10 =	sadd.s32 s8, s1;
	[dreg:$0x19] =	wrdreg s14  }
0x1f: {  	s3 =	smul.u32 $0x500, s3;
	s12 =	sadd.s32 s5, s1;
	[dreg:$0x1e] =	wrdreg s10  }
0x20: {  	s9 =	sor.u32 $0x70, s20;
	s24 =	sadd.s32 s5, s2;
	[dreg:$0x12] =	wrdreg s12  }
0x21: {  	s4 =	smul.u32 $0x500, s4;
	s5 =	sadd.s32 s5, s19;
	[dreg:$0x13] =	wrdreg s24  }
0x22: {  	s18 =	smul.u32 $0x1400, s9;
	s25 =	sadd.s32 s7, s1;
	[dreg:$0x14] =	wrdreg s5  }
0x23: {  	p1 =	sgt.u32 s9, $0x7C;
	s26 =	sadd.s32 s7, s2;
	[dreg:$0x1b] =	wrdreg s25  }
0x24: {  	p2 =	slt.u32 s9, $0x7D;
	s7 =	sadd.s32 s7, s19;
	[dreg:$0x1c] =	wrdreg s26  }
0x25: {  	s9 =	smul.u32 $0x500, s9;
	s12 =	sadd.s32 s16, s1;
	[dreg:$0x1d] =	wrdreg s7  }
0x26: {  	s18 =	sshrl.u32 s18, $0x2;
	s24 =	sadd.s32 s16, s19;
	[dreg:$0x18] =	wrdreg s12  }
0x27: {  	s5 =	smul.u32 $0x500, s11;
	s11 =	sadd.s32 s8, s2;
	[dreg:$0x1a] =	wrdreg s24  }
0x28: {  	s10 =	smul.u32 $0x500, s15;
	s8 =	sadd.s32 s8, s19;
	[dreg:$0x1f] =	wrdreg s11  }
0x29: {  	s7 =	smul.u32 $0x500, s20;
	s16 =	sadd.s32 s18, s19;
	[smem:$0x7C0] =	sst s8  }
0x2a: {  	s20 =	sadd.s32 $0x10, s23;
	s8 =	smul.u32 $0x500, s13;
	[smem:$0x7C3] =	sst s16  }
0x2b: {  	s12 =	sadd.s32 s18, s1;
	s13 =	sadd.s32 s18, s2;
	[smem:$0x7D2] =	sst s20  }
0x2c: {  	s11 =	smul.u32 $0x500, s17;
	s24 =	sshrl.u32 s3, $0x3;
	[smem:$0x7C1] =	sst s12  }
0x2d: {  	s25 =	sshrl.u32 s10, $0x3;
	s10 =	sadd.s32 s10, s1;
	[smem:$0x7C2] =	sst s13  }
0x2e: {  	s14 =	sshrl.u32 s7, $0x3;
	s18 =	sshrl.u32 s5, $0x3;
	s10 =	sshrl.u32 s10, $0x3  }
0x2f: {  	s17 =	sadd.s32 s22, s24;
	s12 =	sadd.s32 s9, s1;
	[smem:$0x7CE] =	sst s10  }
0x30: {  	s16 =	sadd.s32 s22, s14;
	s10 =	sadd.s32 $0x4E20, s17;
	[smem:$0x7F6] =	sst s17  }
0x31: {  	s19 =	sshrl.u32 s8, $0x3;
	s15 =	sadd.s32 s22, s18;
	[smem:$0x7DB] =	sst s10  }
0x32: {  	s26 =	sshrl.u32 s11, $0x3;
	s14 =	sshrl.u32 s9, $0x3;
	[smem:$0x7F0] =	sst s16  }
0x33: {  	s24 =	sadd.s32 s22, s26;
	s26 =	sadd.s32 $0x75300, s9;
	[smem:$0x7F2] =	sst s15  }
0x34: {  	s8 =	sadd.s32 s8, s1;
	s9 =	sadd.s32 $0x9C400, s9;
	[smem:$0x7C4] =	sst s26  }
0x35: {  	s13 =	sshrl.u32 s4, $0x3;
	s8 =	sshrl.u32 s8, $0x3;
	[smem:$0x7C5] =	sst s9  }
0x36: {  	s18 =	sadd.s32 s22, s19;
	s20 =	sadd.s32 $0xEA60, s16;
	[smem:$0x7CC] =	sst s8  }
0x37: {  	s19 =	sadd.s32 s22, s25;
	s10 =	sadd.s32 $0x9C40, s17;
	[smem:$0x7E0] =	sst s20  }
0x38: {  	s25 =	sadd.s32 s22, s13;
	s22 =	sadd.s32 s22, s14;
	[smem:$0x7EA] =	sst s10  }
0x39: {  	[smem:$0x7EE] =	sst s22  }
0x3a: {  	[smem:$0x7F4] =	sst s18  }
0x3b: {  	[smem:$0x7F8] =	sst s19  }
0x3c: {  	s13 =	sadd.s32 $0x380, s0;
	s14 =	sadd.s32 $0x300, s0;
	[smem:$0x7FA] =	sst s24  }
0x3d: {  	s26 =	sadd.s32 $0x280, s0;
	s0 =	sadd.s32 $0x200, s0;
	[smem:$0x7FC] =	sst s25  }
0x3e: {  	s7 =	sadd.s32 s7, s1;
	s8 =	sadd.s32 $0x4E20, s15;
	[smem:$0x7C9] =	sst s0  }
0x3f: {  	s9 =	sshrl.u32 s13, $0x3;
	s20 =	sadd.s32 $0x13880, s15;
	[smem:$0x7D9] =	sst s8  }
0x40: {  	s13 =	sshrl.u32 s14, $0x3;
	s9 =	sadd.s32 s9, s21;
	[smem:$0x7F3] =	sst s20  }
0x41: {  	s5 =	sadd.s32 s5, s1;
	s13 =	sadd.s32 s13, s21;
	[smem:$0x7C6] =	sst s9  }
0x42: {  	s14 =	sshrl.u32 s26, $0x3;
	s26 =	sshrl.u32 s7, $0x3;
	[smem:$0x7C7] =	sst s13  }
0x43: {  	s7 =	sshrl.u32 s5, $0x3;
	[smem:$0x7CA] =	sst s26  }
0x44: {  	s0 =	sshrl.u32 @!p1 s12, $0x3;
	[smem:$0x7CB] =	sst s7  }
0x45: {  	s5 =	sadd.s32 $0x4E0, s23;
	[smem:$0x7D1] =	sst s0  }
0x46: {  	s12 =	sadd.s32 $0x4E20, s24;
	[smem:$0x7D7] =	sst s5  }
0x47: {  	s8 =	sadd.s32 $0x9C40, s15;
	[smem:$0x7DD] =	sst s12  }
0x48: {  	s3 =	sadd.s32 s3, s1;
	s21 =	sadd.s32 s14, s21;
	[smem:$0x7E8] =	sst s8  }
0x49: {  	s11 =	sadd.s32 s11, s1;
	s9 =	sshrl.u32 s3, $0x3;
	[smem:$0x7C8] =	sst s21  }
0x4a: {  	s4 =	sadd.s32 s4, s1;
	s13 =	sshrl.u32 s11, $0x3;
	[smem:$0x7CD] =	sst s9  }
0x4b: {  	s14 =	sshrl.u32 s4, $0x3;
	[smem:$0x7CF] =	sst s13  }
0x4c: {  	s26 =	sadd.s32 $0x30, s23;
	[smem:$0x7D0] =	sst s14  }
0x4d: {  	s3 =	sadd.s32 $0x4C0, s23;
	[smem:$0x7D4] =	sst s26  }
0x4e: {  	s4 =	sadd.s32 $0x4D0, s23;
	[smem:$0x7D5] =	sst s3  }
0x4f: {  	s7 =	sadd.s32 $0x4E20, s16;
	[smem:$0x7D6] =	sst s4  }
0x50: {  	s11 =	sadd.s32 $0x4E20, s19;
	[smem:$0x7D8] =	sst s7  }
0x51: {  	s28 =	simm.s32 $0x11;
	s5 =	sadd.s32 $0xEA60, s25;
	[smem:$0x7DC] =	sst s11  }
0x52: {  	s31 =	simm.s32 $0x80;
	s12 =	sadd.s32 $0x9C40, s24;
	[smem:$0x7E6] =	sst s5  }
0x53: {  	s29 =	simm.s32 $0x180;
	s21 =	sadd.s32 $0x20, s23;
	[smem:$0x7EC] =	sst s12  }
0x54: {  	s30 =	simm.s32 $0x6;
	s9 =	sadd.s32 $0x4E20, s18;
	[smem:$0x7D3] =	sst s21  }
0x55: {  	s10 =	simm.s32 $0x7;
	s13 =	sadd.s32 $0x4E20, s25;
	[smem:$0x7DA] =	sst s9  }
0x56: {  	s20 =	simm.s32 $0x2FC8;
	s14 =	sadd.s32 $0x4E20, s22;
	[smem:$0x7DE] =	sst s13  }
0x57: {  	s0 =	simm.s32 $0x3;
	s23 =	sadd.s32 $0xEA60, s18;
	[smem:$0x7DF] =	sst s14  }
0x58: {  	s8 =	simm.s32 $0x8;
	s26 =	sadd.s32 $0xEA60, s17;
	[smem:$0x7E2] =	sst s23  }
0x59: {  	s3 =	sadd.s32 $0xEA60, s19;
	s4 =	sadd.s32 $0xEA60, s24;
	[smem:$0x7E3] =	sst s26  }
0x5a: {  	s7 =	sadd.s32 $0x9C40, s16;
	s11 =	sadd.s32 $0x9C40, s19;
	[smem:$0x7E4] =	sst s3  }
0x5b: {  	s16 =	sadd.s32 $0x13880, s16;
	s24 =	sadd.s32 $0x13880, s24;
	[smem:$0x7E5] =	sst s4  }
0x5c: {  	s5 =	simm.s32 $0xD;
	s12 =	simm.s32 $0xC;
	[smem:$0x7E7] =	sst s7  }
0x5d: {  	s21 =	sadd.s32 $0xEA60, s15;
	s9 =	sadd.s32 $0x9C40, s18;
	[smem:$0x7EB] =	sst s11  }
0x5e: {  	s13 =	sadd.s32 $0x9C40, s25;
	s14 =	sadd.s32 $0x9C40, s22;
	[smem:$0x7F1] =	sst s16  }
0x5f: {  	s22 =	sadd.s32 $0x13880, s17;
	s23 =	sadd.s32 $0x13880, s19;
	[smem:$0x7FB] =	sst s24  }
0x60: {  	s26 =	sadd.s32 $0x13880, s25;
	s11 =	simm.s32 $0x4E200;
	[smem:$0x7E1] =	sst s21  }
0x61: {  	s16 =	simm.s32 $0x300;
	s19 =	simm.s32 $0x2548;
	[smem:$0x7E9] =	sst s9  }
0x62: {  	s17 =	simm.s32 $0x4;
	s24 =	simm.s32 $0x9;
	[smem:$0x7ED] =	sst s13  }
.Ltmp0:
0x63: {  	s4 =	simm.s32 $0xB;
	[smem:$0x7EF] =	sst s14;
	(pc) =	sbr.rel .LBB2_1-.Ltmp0, $4  }
0x64: {  	s7 =	simm.s32 $0xF;
	s15 =	simm.s32 $0x10;
	[smem:$0x7F7] =	sst s22  }
0x65: {  	s25 =	simm.s32 $0x0;
	s21 =	sadd.s32 $0x13880, s18;
	[smem:$0x7F9] =	sst s23  }
0x66: {  	v0 =	vimm.f32 $0.0e+00;
	vm0 =	vcmask $0x300;
	[smem:$0x7FD] =	sst s26;
	s23 =	simm.s32 $0x100;
	s13 =	simm.s32 $0x1  }
0x67: {  	v1 =	vsel vm0, $0x3F800000, v0;
	s22 =	simm.s32 $0x2;
	s26 =	simm.s32 $0x5;
	[smem:$0x7F5] =	sst s21  }
.LBB2_17:
0x68: {  	s9 =	stileid.u32  }
0x69: {  	s3 =	sshrl.u32 s21, $0x3;
	s14 =	rddreg [dreg:$0x7];
	s9 =	sshll.u32 s9, $0x6  }
0x6a: {  	s21 =	sshrl.u32 s18, $0x3;
	s3 =	sadd.s32 s14, s3;
	s9 =	sor.u32 $0x1C11, s9  }
0x6b: {  	[hbm:s3], [sflag:s9] =	dma.local [spmem:s21], $0xA0  }
0x6c: {  	_ =	swait.ge [sflag:s28], $0xA0  }
0x6d: {  	[sflag:s28] =	ssyncset.done $0x0  }
0x6e: {  	[sflag:s28] =	ssyncadd.s32 $0xFFFFFF60  }
.LBB2_18:
0x6f: {  	s25 =	sadd.s32 $0x1, s25;
	s3 =	rddreg [dreg:$0xb]  }
0x70: {  	p4 =	sne.s32 s25, s3  }
.Ltmp1:
0x71: {  	_ = 	snop;
	(pc) =	sbr.rel @!p4 .LBB2_19-.Ltmp1, $1  }
0x72: {  	_ =	sdelay $0x3  }
.LBB2_1:
0x73: {  	[smem:$0x7BF] =	sst s25;
	s9 =	simm.s32 $0x0  }
.LBB2_2:
0x74: {  	p4 =	sne.s32 s9, $0x1FC0  }
.Ltmp2:
0x75: {  	_ = 	snop;
	(pc) =	sbr.rel @p4 .LBB2_2-.Ltmp2, $3  }
0x76: {  	_ =	sdelay $0x1  }
0x77: {  	s18 =	sshra.s32 s9, $0x2  }
0x78: {  	s9 =	sadd.s32 $0x40, s9;
	[tilespmem:s18+$0x2548] =	vst v1  }
0x79: {  	s18 =	simm.s32 $0x40;
	s21 =	simm.s32 $0x0;
	s3 =	simm.s32 $0x0  }
.LBB2_4:
0x7a: {  	p4 =	sne.s32 s18, $0x13C0;
	[tilespmem:s21+$0x2FC8] =	vst v0;
	s9 =	smov.u32 s18;
	s18 =	sadd.s32 $0x40, s18  }
.Ltmp3:
0x7b: {  	(pc) =	sbr.rel @p4 .LBB2_4-.Ltmp3, $2  }
0x7c: {  	_ =	sdelay $0x2  }
0x7d: {  	s21 =	sshra.s32 s9, $0x2  }
0x7e: {  	[tilespmem:s21+$0x2FC8] =	vst v0;
	s9 =	rddreg [dreg:$0xc]  }
0x7f: {  	[spmem:s9] =	stream.linear.scatter [tilespmem:s20], [sflag:$0x11], $0x500, $0x38;
	[tilespmem:$0xA9F8] =	vst v63  }
0x80: {  	_ =	swait.ge [sflag:s28], $0x500  }
0x81: {  	[sflag:s28] =	ssyncset.done $0x0  }
0x82: {  	s21 =	rddreg [dreg:$0xf];
	[sflag:s28] =	ssyncadd.s32 $0xFFFFFB00  }
0x83: {  	[spmem:s21] =	stream.linear.scatter [tilespmem:s20], [sflag:$0x11], $0x500, $0x38;
	[tilespmem:$0xA9F8] =	vst v63  }
0x84: {  	_ =	swait.ge [sflag:s28], $0x500  }
0x85: {  	[sflag:s28] =	ssyncset.done $0x0  }
0x86: {  	s25 =	rddreg [dreg:$0x12];
	[sflag:s28] =	ssyncadd.s32 $0xFFFFFB00  }
0x87: {  	[spmem:s25] =	stream.linear.scatter [tilespmem:s20], [sflag:$0x11], $0x500, $0x38;
	[tilespmem:$0xA9F8] =	vst v63  }
0x88: {  	_ =	swait.ge [sflag:s28], $0x500  }
0x89: {  	[sflag:s28] =	ssyncset.done $0x0  }
0x8a: {  	s14 =	rddreg [dreg:$0x15];
	[sflag:s28] =	ssyncadd.s32 $0xFFFFFB00  }
0x8b: {  	[spmem:s14] =	stream.linear.scatter [tilespmem:s20], [sflag:$0x11], $0x500, $0x38;
	[tilespmem:$0xA9F8] =	vst v63  }
0x8c: {  	_ =	swait.ge [sflag:s28], $0x500  }
0x8d: {  	[sflag:s28] =	ssyncset.done $0x0  }
0x8e: {  	s18 =	rddreg [dreg:$0x18];
	[sflag:s28] =	ssyncadd.s32 $0xFFFFFB00  }
0x8f: {  	[spmem:s18] =	stream.linear.scatter [tilespmem:s20], [sflag:$0x11], $0x500, $0x38;
	[tilespmem:$0xA9F8] =	vst v63  }
0x90: {  	_ =	swait.ge [sflag:s28], $0x500  }
0x91: {  	[sflag:s28] =	ssyncset.done $0x0  }
0x92: {  	s21 =	rddreg [dreg:$0x1b];
	[sflag:s28] =	ssyncadd.s32 $0xFFFFFB00  }
0x93: {  	[spmem:s21] =	stream.linear.scatter [tilespmem:s20], [sflag:$0x11], $0x500, $0x38;
	[tilespmem:$0xA9F8] =	vst v63  }
0x94: {  	_ =	swait.ge [sflag:s28], $0x500  }
0x95: {  	[sflag:s28] =	ssyncset.done $0x0  }
0x96: {  	s25 =	rddreg [dreg:$0x1e];
	[sflag:s28] =	ssyncadd.s32 $0xFFFFFB00  }
0x97: {  	[spmem:s25] =	stream.linear.scatter [tilespmem:s20], [sflag:$0x11], $0x500, $0x38;
	[tilespmem:$0xA9F8] =	vst v63  }
0x98: {  	_ =	swait.ge [sflag:s28], $0x500  }
0x99: {  	s14 =	sld [smem:$0x7C1]  }
0x9a: {  	[sflag:s28] =	ssyncset.done $0x0  }
0x9b: {  	s9 =	simm.s32 @!p1 $0x2FC8;
	[sflag:s28] =	ssyncadd.s32 $0xFFFFFB00  }
0x9c: {  	[spmem:s14] =	stream.linear.scatter @!p1 [tilespmem:s9], [sflag:$0x11], $0x500, $0x38;
	[tilespmem:$0xA9F8] =	vst v63  }
0x9d: {  	s9 =	simm.s32 @!p1 $0x11  }
0x9e: {  	_ =	swait.ge @!p1 [sflag:s9], $0x500  }
0x9f: {  	[sflag:s9] =	ssyncset.done @!p1 $0x0  }
0xa0: {  	s18 =	simm.s32 $0x40;
	s21 =	simm.s32 $0x0;
	[sflag:s9] =	ssyncadd.s32 @!p1 $0xFFFFFB00  }
.LBB2_6:
0xa1: {  	p4 =	sne.s32 s18, $0x13C0;
	[tilespmem:s21+$0x2FC8] =	vst v0;
	s9 =	smov.u32 s18;
	s18 =	sadd.s32 $0x40, s18  }
.Ltmp4:
0xa2: {  	(pc) =	sbr.rel @p4 .LBB2_6-.Ltmp4, $2  }
0xa3: {  	_ =	sdelay $0x2  }
0xa4: {  	s21 =	sshra.s32 s9, $0x2  }
0xa5: {  	[tilespmem:s21+$0x2FC8] =	vst v0;
	s9 =	rddreg [dreg:$0xd]  }
0xa6: {  	[spmem:s9] =	stream.linear.scatter [tilespmem:s20], [sflag:$0x11], $0x500, $0x38;
	[tilespmem:$0xA9F8] =	vst v63  }
0xa7: {  	_ =	swait.ge [sflag:s28], $0x500  }
0xa8: {  	[sflag:s28] =	ssyncset.done $0x0  }
0xa9: {  	s21 =	rddreg [dreg:$0x10];
	[sflag:s28] =	ssyncadd.s32 $0xFFFFFB00  }
0xaa: {  	[spmem:s21] =	stream.linear.scatter [tilespmem:s20], [sflag:$0x11], $0x500, $0x38;
	[tilespmem:$0xA9F8] =	vst v63  }
0xab: {  	_ =	swait.ge [sflag:s28], $0x500  }
0xac: {  	[sflag:s28] =	ssyncset.done $0x0  }
0xad: {  	s25 =	rddreg [dreg:$0x13];
	[sflag:s28] =	ssyncadd.s32 $0xFFFFFB00  }
0xae: {  	[spmem:s25] =	stream.linear.scatter [tilespmem:s20], [sflag:$0x11], $0x500, $0x38;
	[tilespmem:$0xA9F8] =	vst v63  }
0xaf: {  	_ =	swait.ge [sflag:s28], $0x500  }
0xb0: {  	[sflag:s28] =	ssyncset.done $0x0  }
0xb1: {  	s14 =	rddreg [dreg:$0x16];
	[sflag:s28] =	ssyncadd.s32 $0xFFFFFB00  }
0xb2: {  	[spmem:s14] =	stream.linear.scatter [tilespmem:s20], [sflag:$0x11], $0x500, $0x38;
	[tilespmem:$0xA9F8] =	vst v63  }
0xb3: {  	_ =	swait.ge [sflag:s28], $0x500  }
0xb4: {  	[sflag:s28] =	ssyncset.done $0x0  }
0xb5: {  	s18 =	rddreg [dreg:$0x19];
	[sflag:s28] =	ssyncadd.s32 $0xFFFFFB00  }
0xb6: {  	[spmem:s18] =	stream.linear.scatter [tilespmem:s20], [sflag:$0x11], $0x500, $0x38;
	[tilespmem:$0xA9F8] =	vst v63  }
0xb7: {  	_ =	swait.ge [sflag:s28], $0x500  }
0xb8: {  	[sflag:s28] =	ssyncset.done $0x0  }
0xb9: {  	s21 =	rddreg [dreg:$0x1c];
	[sflag:s28] =	ssyncadd.s32 $0xFFFFFB00  }
0xba: {  	[spmem:s21] =	stream.linear.scatter [tilespmem:s20], [sflag:$0x11], $0x500, $0x38;
	[tilespmem:$0xA9F8] =	vst v63  }
0xbb: {  	_ =	swait.ge [sflag:s28], $0x500  }
0xbc: {  	[sflag:s28] =	ssyncset.done $0x0  }
0xbd: {  	s25 =	rddreg [dreg:$0x1f];
	[sflag:s28] =	ssyncadd.s32 $0xFFFFFB00  }
0xbe: {  	[spmem:s25] =	stream.linear.scatter [tilespmem:s20], [sflag:$0x11], $0x500, $0x38;
	[tilespmem:$0xA9F8] =	vst v63  }
0xbf: {  	_ =	swait.ge [sflag:s28], $0x500  }
0xc0: {  	s14 =	sld [smem:$0x7C2]  }
0xc1: {  	[sflag:s28] =	ssyncset.done $0x0  }
0xc2: {  	s9 =	simm.s32 @!p1 $0x2FC8;
	[sflag:s28] =	ssyncadd.s32 $0xFFFFFB00  }
0xc3: {  	[spmem:s14] =	stream.linear.scatter @!p1 [tilespmem:s9], [sflag:$0x11], $0x500, $0x38;
	[tilespmem:$0xA9F8] =	vst v63  }
.Ltmp5:
0xc4: {  	_ = 	snop;
	(pc) =	sbr.rel @p0 .LBB2_11-.Ltmp5, $4  }
0xc5: {  	s9 =	simm.s32 @!p1 $0x11  }
0xc6: {  	_ =	swait.ge @!p1 [sflag:s9], $0x500  }
0xc7: {  	[sflag:s9] =	ssyncset.done @!p1 $0x0  }
0xc8: {  	s18 =	simm.s32 $0x0;
	[sflag:s9] =	ssyncadd.s32 @!p1 $0xFFFFFB00  }
0xc9: {  	s21 =	simm.s32 $0x40;
	s9 =	simm.s32 $0x0  }
.LBB2_9:
0xca: {  	p4 =	sne.s32 s21, $0x13C0;
	[tilespmem:s9+$0x2FC8] =	vst v0;
	s9 =	smov.u32 s21;
	s21 =	sadd.s32 $0x40, s21  }
.Ltmp6:
0xcb: {  	(pc) =	sbr.rel @p4 .LBB2_9-.Ltmp6, $2  }
0xcc: {  	_ =	sdelay $0x2  }
0xcd: {  	s9 =	sshra.s32 s9, $0x2  }
0xce: {  	[tilespmem:s9+$0x2FC8] =	vst v0;
	s25 =	rddreg [dreg:$0xe]  }
0xcf: {  	[spmem:s25] =	stream.linear.scatter [tilespmem:s20], [sflag:$0x11], $0x500, $0x38;
	[tilespmem:$0xA9F8] =	vst v63  }
0xd0: {  	_ =	swait.ge [sflag:s28], $0x500  }
0xd1: {  	[sflag:s28] =	ssyncset.done $0x0  }
0xd2: {  	s14 =	rddreg [dreg:$0x11];
	[sflag:s28] =	ssyncadd.s32 $0xFFFFFB00  }
0xd3: {  	[spmem:s14] =	stream.linear.scatter [tilespmem:s20], [sflag:$0x11], $0x500, $0x38;
	[tilespmem:$0xA9F8] =	vst v63  }
0xd4: {  	_ =	swait.ge [sflag:s28], $0x500  }
0xd5: {  	[sflag:s28] =	ssyncset.done $0x0  }
0xd6: {  	s21 =	rddreg [dreg:$0x14];
	[sflag:s28] =	ssyncadd.s32 $0xFFFFFB00  }
0xd7: {  	[spmem:s21] =	stream.linear.scatter [tilespmem:s20], [sflag:$0x11], $0x500, $0x38;
	[tilespmem:$0xA9F8] =	vst v63  }
0xd8: {  	_ =	swait.ge [sflag:s28], $0x500  }
0xd9: {  	[sflag:s28] =	ssyncset.done $0x0  }
0xda: {  	s25 =	rddreg [dreg:$0x17];
	[sflag:s28] =	ssyncadd.s32 $0xFFFFFB00  }
0xdb: {  	[spmem:s25] =	stream.linear.scatter [tilespmem:s20], [sflag:$0x11], $0x500, $0x38;
	[tilespmem:$0xA9F8] =	vst v63  }
0xdc: {  	_ =	swait.ge [sflag:s28], $0x500  }
0xdd: {  	[sflag:s28] =	ssyncset.done $0x0  }
0xde: {  	s14 =	rddreg [dreg:$0x1a];
	[sflag:s28] =	ssyncadd.s32 $0xFFFFFB00  }
0xdf: {  	[spmem:s14] =	stream.linear.scatter [tilespmem:s20], [sflag:$0x11], $0x500, $0x38;
	[tilespmem:$0xA9F8] =	vst v63  }
0xe0: {  	_ =	swait.ge [sflag:s28], $0x500  }
0xe1: {  	[sflag:s28] =	ssyncset.done $0x0  }
0xe2: {  	s21 =	rddreg [dreg:$0x1d];
	[sflag:s28] =	ssyncadd.s32 $0xFFFFFB00  }
0xe3: {  	[spmem:s21] =	stream.linear.scatter [tilespmem:s20], [sflag:$0x11], $0x500, $0x38;
	[tilespmem:$0xA9F8] =	vst v63  }
0xe4: {  	_ =	swait.ge [sflag:s28], $0x500  }
0xe5: {  	s25 =	sld [smem:$0x7C0]  }
0xe6: {  	[sflag:s28] =	ssyncset.done $0x0  }
0xe7: {  	[sflag:s28] =	ssyncadd.s32 $0xFFFFFB00  }
0xe8: {  	[spmem:s25] =	stream.linear.scatter [tilespmem:s20], [sflag:$0x11], $0x500, $0x38;
	[tilespmem:$0xA9F8] =	vst v63  }
0xe9: {  	_ =	swait.ge [sflag:s28], $0x500  }
0xea: {  	s14 =	sld [smem:$0x7C3]  }
0xeb: {  	[sflag:s28] =	ssyncset.done $0x0  }
0xec: {  	s9 =	simm.s32 @!p1 $0x2FC8;
	[sflag:s28] =	ssyncadd.s32 $0xFFFFFB00  }
0xed: {  	[spmem:s14] =	stream.linear.scatter @!p1 [tilespmem:s9], [sflag:$0x11], $0x500, $0x38;
	[tilespmem:$0xA9F8] =	vst v63  }
0xee: {  	s9 =	simm.s32 @!p1 $0x11  }
0xef: {  	_ =	swait.ge @!p1 [sflag:s9], $0x500  }
0xf0: {  	[sflag:s9] =	ssyncset.done @!p1 $0x0  }
0xf1: {  	[sflag:s9] =	ssyncadd.s32 @!p1 $0xFFFFFB00  }
.LBB2_11:
0xf2: {  	[bflag:$0x0] =	sbarrier.arrive $0xFFFF  }
0xf3: {  	s9 =	rddreg [dreg:$0x8]  }
0xf4: {  	s20 =	sld [smem:$0x7D2]  }
0xf5: {  	[tilespmem:s18], [sflag:$0x1] =	stream.strided.gather [hbm4b:s9+s31], $0x100, s11, s31, $0x38;
	[tilespmem:$0xA9F8] =	vst v63  }
0xf6: {  	s21 =	sld [smem:$0x7D3]  }
0xf7: {  	[tilespmem:s23], [sflag:$0x2] =	stream.strided.gather [hbm4b:s20+s31], $0x100, s11, s31, $0x38;
	[tilespmem:$0xA9F8] =	vst v63  }
0xf8: {  	s14 =	simm.s32 $0x200;
	s25 =	sld [smem:$0x7D4]  }
0xf9: {  	[tilespmem:s14], [sflag:$0x3] =	stream.strided.gather [hbm4b:s21+s31], $0x100, s11, s31, $0x38;
	[tilespmem:$0xA9F8] =	vst v63  }
0xfa: {  	s21 =	sld [smem:$0x7C9]  }
0xfb: {  	[tilespmem:s16], [sflag:$0x4] =	stream.strided.gather [hbm4b:s25+s31], $0x100, s11, s31, $0x38;
	[tilespmem:$0xA9F8] =	vst v63  }
.LBB2_12:
0xfc: {  	_ =	swait.ge [sflag:s13], $0x100  }
0xfd: {  	[sflag:s13] =	ssyncset.done $0x0  }
0xfe: {  	s9 =	simm.s32 $0x420;
	[sflag:s13] =	ssyncadd.s32 $0xFFFFFF00  }
0xff: {  	[tilespmem:s9], [sflag:$0x5] =	stream.indirect.gather [hbm4b:s6+s31], $0x10, s3, s31, $0xb8;
	[tilespmem:$0xA9F8] =	vst v63  }
0x100: {  	_ = 	snop  }
0x101: {  	[spmem:s2] =	stream.indirect.scatter.add.f32 [tilespmem:s19], [sflag:$0xD], $0x10, s31, s31, $0xb8;
	[tilespmem:$0xA9F8] =	vst v63  }
0x102: {  	_ =	swait.ge [sflag:s22], $0x100  }
0x103: {  	[sflag:s22] =	ssyncset.done $0x0  }
0x104: {  	s3 =	simm.s32 $0xC20;
	[sflag:s22] =	ssyncadd.s32 $0xFFFFFF00  }
0x105: {  	[tilespmem:s3], [sflag:$0x6] =	stream.indirect.gather [hbm4b:s6+s31], $0x10, s23, s31, $0xb8;
	[tilespmem:$0xA9F8] =	vst v63  }
0x106: {  	_ = 	snop  }
0x107: {  	[spmem:s2] =	stream.indirect.scatter.add.f32 [tilespmem:s19], [sflag:$0xE], $0x10, s29, s31, $0xb8;
	[tilespmem:$0xA9F8] =	vst v63  }
0x108: {  	_ =	swait.ge [sflag:s0], $0x100  }
0x109: {  	[sflag:s0] =	ssyncset.done $0x0  }
0x10a: {  	s20 =	simm.s32 $0x1420;
	[sflag:s0] =	ssyncadd.s32 $0xFFFFFF00  }
0x10b: {  	[tilespmem:s20], [sflag:$0x7] =	stream.indirect.gather [hbm4b:s6+s31], $0x10, s14, s31, $0xb8;
	[tilespmem:$0xA9F8] =	vst v63  }
0x10c: {  	s14 =	simm.s32 $0x280  }
0x10d: {  	[spmem:s2] =	stream.indirect.scatter.add.f32 [tilespmem:s19], [sflag:$0xF], $0x10, s14, s31, $0xb8;
	[tilespmem:$0xA9F8] =	vst v63  }
0x10e: {  	_ =	swait.ge [sflag:s17], $0x100  }
0x10f: {  	[sflag:s17] =	ssyncset.done $0x0  }
0x110: {  	s25 =	simm.s32 $0x1C20;
	[sflag:s17] =	ssyncadd.s32 $0xFFFFFF00  }
0x111: {  	[tilespmem:s25], [sflag:$0x8] =	stream.indirect.gather [hbm4b:s6+s31], $0x10, s16, s31, $0xb8;
	[tilespmem:$0xA9F8] =	vst v63  }
0x112: {  	s16 =	simm.s32 $0x380  }
0x113: {  	[spmem:s2] =	stream.indirect.scatter.add.f32 [tilespmem:s19], [sflag:$0x10], $0x10, s16, s31, $0xb8;
	[tilespmem:$0xA9F8] =	vst v63  }
0x114: {  	_ =	swait.ge [sflag:s26], $0x800  }
0x115: {  	[sflag:s26] =	ssyncset.done $0x0  }
0x116: {  	[sflag:s26] =	ssyncadd.s32 $0xFFFFF800  }
0x117: {  	[spmem:s1] =	stream.indirect.scatter.add.f32 [tilespmem:s9], [sflag:$0x9], $0x10, s31, s31, $0xb8;
	[tilespmem:$0xA9F8] =	vst v63  }
0x118: {  	_ =	swait.ge [sflag:s30], $0x800  }
0x119: {  	[sflag:s30] =	ssyncset.done $0x0  }
0x11a: {  	[sflag:s30] =	ssyncadd.s32 $0xFFFFF800  }
0x11b: {  	[spmem:s1] =	stream.indirect.scatter.add.f32 [tilespmem:s3], [sflag:$0xA], $0x10, s29, s31, $0xb8;
	[tilespmem:$0xA9F8] =	vst v63  }
0x11c: {  	_ =	swait.ge [sflag:s10], $0x800  }
0x11d: {  	[sflag:s10] =	ssyncset.done $0x0  }
0x11e: {  	[sflag:s10] =	ssyncadd.s32 $0xFFFFF800  }
0x11f: {  	[spmem:s1] =	stream.indirect.scatter.add.f32 [tilespmem:s20], [sflag:$0xB], $0x10, s14, s31, $0xb8;
	[tilespmem:$0xA9F8] =	vst v63  }
0x120: {  	_ =	swait.ge [sflag:s8], $0x800  }
0x121: {  	[sflag:s8] =	ssyncset.done $0x0  }
0x122: {  	[sflag:s8] =	ssyncadd.s32 $0xFFFFF800  }
0x123: {  	[spmem:s1] =	stream.indirect.scatter.add.f32 [tilespmem:s25], [sflag:$0xC], $0x10, s16, s31, $0xb8;
	[tilespmem:$0xA9F8] =	vst v63  }
0x124: {  	_ =	swait.ge [sflag:s24], $0x800  }
0x125: {  	[sflag:s24] =	ssyncset.done $0x0  }
0x126: {  	[sflag:s24] =	ssyncadd.s32 $0xFFFFF800  }
0x127: {  	_ =	swait.ge [sflag:s5], $0x800  }
0x128: {  	p4 =	seq.s32 s18, $0x480;
	[sflag:s5] =	ssyncset.done $0x0  }
0x129: {  	s9 =	simm.s32 @p4 $0xA;
	[sflag:s5] =	ssyncadd.s32 $0xFFFFF800  }
0x12a: {  	_ =	swait.ge @p4 [sflag:s9], $0x800  }
0x12b: {  	[sflag:s9] =	ssyncset.done @p4 $0x0  }
0x12c: {  	[sflag:s9] =	ssyncadd.s32 @p4 $0xFFFFF800;
	s9 =	simm.s32 @p4 $0xE  }
0x12d: {  	_ =	swait.ge @p4 [sflag:s9], $0x800  }
0x12e: {  	s3 =	sshrl.u32 @!p4 s21, $0x3;
	[sflag:s9] =	ssyncset.done @p4 $0x0  }
0x12f: {  	s14 =	simm.s32 @!p4 $0x4E200;
	[sflag:s9] =	ssyncadd.s32 @p4 $0xFFFFF800;
	s9 =	rddreg [dreg:$0x6]  }
0x130: {  	s20 =	simm.s32 @!p4 $0x0;
	s3 =	sadd.s32 @!p4 s9, s3;
	s9 =	simm.s32 @!p4 $0x80  }
0x131: {  	[tilespmem:s20], [sflag:$0x1] =	stream.strided.gather @!p4 [hbm4b:s3+s9], $0x100, s14, s9, $0x38;
	[tilespmem:$0xA9F8] =	vst v63  }
0x132: {  	s3 =	simm.s32 @!p4 $0xA  }
0x133: {  	_ =	swait.ge @!p4 [sflag:s3], $0x800  }
0x134: {  	[sflag:s3] =	ssyncset.done @!p4 $0x0  }
0x135: {  	[sflag:s3] =	ssyncadd.s32 @!p4 $0xFFFFF800;
	s3 =	simm.s32 @!p4 $0xE  }
0x136: {  	_ =	swait.ge @!p4 [sflag:s3], $0x800  }
0x137: {  	[sflag:s3] =	ssyncset.done @!p4 $0x0  }
0x138: {  	[sflag:s3] =	ssyncadd.s32 @!p4 $0xFFFFF800;
	s3 =	sld [smem:$0x7C8];
	_ =	sdelay $0x2  }
0x139: {  	s20 =	simm.s32 @!p4 $0x100;
	s3 =	sadd.s32 @!p4 s18, s3  }
0x13a: {  	[tilespmem:s20], [sflag:$0x2] =	stream.strided.gather @!p4 [hbm4b:s3+s9], $0x100, s14, s9, $0x38;
	[tilespmem:$0xA9F8] =	vst v63  }
0x13b: {  	_ =	swait.ge [sflag:s4], $0x800  }
.Ltmp7:
0x13c: {  	[sflag:s4] =	ssyncset.done $0x0;
	(pc) =	sbr.rel @p4 .LBB2_14-.Ltmp7, $4  }
0x13d: {  	[sflag:s4] =	ssyncadd.s32 $0xFFFFF800  }
0x13e: {  	_ =	swait.ge [sflag:s7], $0x800  }
0x13f: {  	[sflag:s7] =	ssyncset.done $0x0  }
0x140: {  	s25 =	simm.s32 $0x300;
	s16 =	simm.s32 $0x200;
	[sflag:s7] =	ssyncadd.s32 $0xFFFFF800  }
0x141: {  	s3 =	sld [smem:$0x7C7];
	_ =	sdelay $0x2  }
0x142: {  	s3 =	sadd.s32 s18, s3  }
0x143: {  	[tilespmem:s16], [sflag:$0x3] =	stream.strided.gather [hbm4b:s3+s31], $0x100, s11, s31, $0x38;
	[tilespmem:$0xA9F8] =	vst v63  }
0x144: {  	_ =	swait.ge [sflag:s12], $0x800  }
0x145: {  	[sflag:s12] =	ssyncset.done $0x0  }
0x146: {  	[sflag:s12] =	ssyncadd.s32 $0xFFFFF800  }
0x147: {  	_ =	swait.ge [sflag:s15], $0x800  }
0x148: {  	s20 =	sld [smem:$0x7C6]  }
.Ltmp8:
0x149: {  	_ = 	snop;
	(pc) =	sbr.rel .LBB2_12-.Ltmp8, $4  }
0x14a: {  	s21 =	sadd.s32 $0x200, s21;
	[sflag:s15] =	ssyncset.done $0x0  }
0x14b: {  	s14 =	simm.s32 $0x200;
	[sflag:s15] =	ssyncadd.s32 $0xFFFFF800;
	s3 =	sadd.s32 s18, s20  }
0x14c: {  	[tilespmem:s25], [sflag:$0x4] =	stream.strided.gather [hbm4b:s3+s31], $0x100, s11, s31, $0x38;
	[tilespmem:$0xA9F8] =	vst v63  }
0x14d: {  	s16 =	simm.s32 $0x300;
	s18 =	sadd.s32 $0x40, s18;
	s3 =	simm.s32 $0x0  }
.LBB2_14:
0x14e: {  	_ =	swait.ge [sflag:s12], $0x800  }
0x14f: {  	[sflag:s12] =	ssyncset.done $0x0  }
0x150: {  	[sflag:s12] =	ssyncadd.s32 $0xFFFFF800  }
0x151: {  	_ =	swait.ge [sflag:s15], $0x800  }
0x152: {  	s9 =	sld [smem:$0x7D5]  }
0x153: {  	[sflag:s15] =	ssyncset.done $0x0  }
0x154: {  	s3 =	simm.s32 $0x0;
	s18 =	sld [smem:$0x7D6];
	[sflag:s15] =	ssyncadd.s32 $0xFFFFF800  }
0x155: {  	[tilespmem:s3], [sflag:$0x1] =	stream.strided.gather [hbm4b:s9+s31], $0x100, s11, s31, $0x38;
	[tilespmem:$0xA9F8] =	vst v63  }
0x156: {  	s14 =	simm.s32 $0x100  }
0x157: {  	[tilespmem:s14], [sflag:$0x2] =	stream.strided.gather [hbm4b:s18+s31], $0x100, s11, s31, $0x38;
	[tilespmem:$0xA9F8] =	vst v63  }
0x158: {  	_ =	swait.ge [sflag:s13], $0x100  }
0x159: {  	[sflag:s13] =	ssyncset.done $0x0  }
0x15a: {  	s16 =	simm.s32 $0x420;
	[sflag:s13] =	ssyncadd.s32 $0xFFFFFF00  }
0x15b: {  	[tilespmem:s16], [sflag:$0x5] =	stream.indirect.gather [hbm4b:s6+s31], $0x10, s3, s31, $0xb8;
	[tilespmem:$0xA9F8] =	vst v63  }
0x15c: {  	_ = 	snop  }
0x15d: {  	[spmem:s2] =	stream.indirect.scatter.add.f32 [tilespmem:s19], [sflag:$0xD], $0x10, s31, s31, $0xb8;
	[tilespmem:$0xA9F8] =	vst v63  }
0x15e: {  	_ =	swait.ge [sflag:s22], $0x100  }
0x15f: {  	[sflag:s22] =	ssyncset.done $0x0  }
0x160: {  	s18 =	simm.s32 $0xC20;
	[sflag:s22] =	ssyncadd.s32 $0xFFFFFF00  }
0x161: {  	[tilespmem:s18], [sflag:$0x6] =	stream.indirect.gather [hbm4b:s6+s31], $0x10, s14, s31, $0xb8;
	[tilespmem:$0xA9F8] =	vst v63  }
0x162: {  	s20 =	sld [smem:$0x7D7]  }
0x163: {  	[spmem:s2] =	stream.indirect.scatter.add.f32 [tilespmem:s19], [sflag:$0xE], $0x10, s29, s31, $0xb8;
	[tilespmem:$0xA9F8] =	vst v63  }
0x164: {  	s21 =	simm.s32 $0x400  }
0x165: {  	[tilespmem:s21], [sflag:$0x11] =	stream.strided.gather [hbm4b:s20+s15], $0x20, s11, s15, $0x38;
	[tilespmem:$0xA9F8] =	vst v63  }
0x166: {  	_ =	swait.ge [sflag:s28], $0x20  }
0x167: {  	[sflag:s28] =	ssyncset.done $0x0  }
0x168: {  	s25 =	simm.s32 $0x2420;
	[sflag:s28] =	ssyncadd.s32 $0xFFFFFFE0  }
0x169: {  	[tilespmem:s25], [sflag:$0x7] =	stream.indirect.gather [hbm4b:s6+s15], $0x10, s21, s15, $0xb8;
	[tilespmem:$0xA9F8] =	vst v63  }
0x16a: {  	s20 =	simm.s32 $0x410  }
0x16b: {  	[spmem:s2] =	stream.indirect.scatter.add.f32 [tilespmem:s19], [sflag:$0xF], $0x10, s20, s15, $0xb8;
	[tilespmem:$0xA9F8] =	vst v63  }
0x16c: {  	_ =	swait.ge [sflag:s26], $0x800  }
0x16d: {  	[sflag:s26] =	ssyncset.done $0x0  }
0x16e: {  	[sflag:s26] =	ssyncadd.s32 $0xFFFFF800  }
0x16f: {  	[spmem:s1] =	stream.indirect.scatter.add.f32 [tilespmem:s16], [sflag:$0x9], $0x10, s31, s31, $0xb8;
	[tilespmem:$0xA9F8] =	vst v63  }
0x170: {  	_ =	swait.ge [sflag:s30], $0x800  }
0x171: {  	[sflag:s30] =	ssyncset.done $0x0  }
0x172: {  	[sflag:s30] =	ssyncadd.s32 $0xFFFFF800  }
0x173: {  	[spmem:s1] =	stream.indirect.scatter.add.f32 [tilespmem:s18], [sflag:$0xA], $0x10, s29, s31, $0xb8;
	[tilespmem:$0xA9F8] =	vst v63  }
0x174: {  	_ =	swait.ge [sflag:s10], $0x100  }
0x175: {  	[sflag:s10] =	ssyncset.done $0x0  }
0x176: {  	[sflag:s10] =	ssyncadd.s32 $0xFFFFFF00  }
0x177: {  	[spmem:s1] =	stream.indirect.scatter.add.f32 [tilespmem:s25], [sflag:$0xB], $0x10, s20, s15, $0xb8;
	[tilespmem:$0xA9F8] =	vst v63  }
0x178: {  	_ =	swait.ge [sflag:s24], $0x800  }
0x179: {  	[sflag:s24] =	ssyncset.done $0x0  }
0x17a: {  	[sflag:s24] =	ssyncadd.s32 $0xFFFFF800  }
0x17b: {  	_ =	swait.ge [sflag:s5], $0x800  }
0x17c: {  	[sflag:s5] =	ssyncset.done $0x0  }
0x17d: {  	s21 =	simm.s32 $0xA;
	[sflag:s5] =	ssyncadd.s32 $0xFFFFF800  }
0x17e: {  	_ =	swait.ge [sflag:s21], $0x800  }
0x17f: {  	[sflag:s21] =	ssyncset.done $0x0  }
0x180: {  	s25 =	simm.s32 $0xE;
	[sflag:s21] =	ssyncadd.s32 $0xFFFFF800  }
0x181: {  	_ =	swait.ge [sflag:s25], $0x800  }
0x182: {  	[sflag:s25] =	ssyncset.done $0x0  }
0x183: {  	[sflag:s25] =	ssyncadd.s32 $0xFFFFF800  }
0x184: {  	_ =	swait.ge [sflag:s4], $0x100  }
.Ltmp9:
0x185: {  	[sflag:s4] =	ssyncset.done $0x0;
	(pc) =	sbr.rel @p0 .LBB2_16-.Ltmp9, $4  }
0x186: {  	[sflag:s4] =	ssyncadd.s32 $0xFFFFFF00  }
0x187: {  	_ =	swait.ge [sflag:s7], $0x100  }
0x188: {  	[sflag:s7] =	ssyncset.done $0x0  }
0x189: {  	s23 =	simm.s32 $0x100;
	[sflag:s7] =	ssyncadd.s32 $0xFFFFFF00  }
0x18a: {  	[tilespmem:$0x2D48] =	vst v1  }
0x18b: {  	[tilespmem:$0x2D58] =	vst v1  }
0x18c: {  	[tilespmem:$0x2D68] =	vst v1  }
0x18d: {  	[tilespmem:$0x2D78] =	vst v1  }
0x18e: {  	[tilespmem:$0x2D88] =	vst v1  }
0x18f: {  	[tilespmem:$0x2D98] =	vst v1  }
0x190: {  	[tilespmem:$0x2DA8] =	vst v1  }
0x191: {  	[tilespmem:$0x2DB8] =	vst v1  }
0x192: {  	[tilespmem:$0x2DC8] =	vst v1  }
0x193: {  	[tilespmem:$0x2DD8] =	vst v1  }
0x194: {  	[tilespmem:$0x2DE8] =	vst v1  }
0x195: {  	[tilespmem:$0x2DF8] =	vst v1  }
0x196: {  	[tilespmem:$0x2E08] =	vst v1  }
0x197: {  	[tilespmem:$0x2E18] =	vst v1  }
0x198: {  	[tilespmem:$0x2E28] =	vst v1  }
0x199: {  	[tilespmem:$0x2E38] =	vst v1  }
0x19a: {  	[tilespmem:$0x2E48] =	vst v1  }
0x19b: {  	[tilespmem:$0x2E58] =	vst v1  }
0x19c: {  	[tilespmem:$0x2E68] =	vst v1  }
0x19d: {  	[tilespmem:$0x2E78] =	vst v1  }
0x19e: {  	[tilespmem:$0x2E88] =	vst v1  }
0x19f: {  	[tilespmem:$0x2E98] =	vst v1  }
0x1a0: {  	[tilespmem:$0x2EA8] =	vst v1  }
0x1a1: {  	[tilespmem:$0x2EB8] =	vst v1  }
0x1a2: {  	[tilespmem:$0x2EC8] =	vst v1  }
0x1a3: {  	[tilespmem:$0x2ED8] =	vst v1  }
0x1a4: {  	[tilespmem:$0x2EE8] =	vst v1  }
0x1a5: {  	[tilespmem:$0x2EF8] =	vst v1  }
0x1a6: {  	[tilespmem:$0x2F08] =	vst v1  }
0x1a7: {  	[tilespmem:$0x2F18] =	vst v1  }
0x1a8: {  	[tilespmem:$0x2F28] =	vst v1  }
0x1a9: {  	[tilespmem:$0x2F38] =	vst v1  }
0x1aa: {  	[tilespmem:$0x2F48] =	vst v1  }
0x1ab: {  	[tilespmem:$0x2F58] =	vst v1  }
0x1ac: {  	[tilespmem:$0x2F68] =	vst v1  }
0x1ad: {  	[tilespmem:$0x2F78] =	vst v1  }
0x1ae: {  	[tilespmem:$0x2F88] =	vst v1  }
0x1af: {  	[tilespmem:$0x2F98] =	vst v1  }
0x1b0: {  	[tilespmem:$0x2FA8] =	vst v1  }
0x1b1: {  	[tilespmem:$0x2FB8] =	vst v1;
	s9 =	rddreg [dreg:$0x9];
	s14 =	simm.s32 $0x2520  }
0x1b2: {  	[tilespmem:s14], [sflag:$0x11] =	stream.linear.gather [hbm4b:s9+s3], $0x28, $0x38;
	[tilespmem:$0xA9F8] =	vst v63  }
0x1b3: {  	_ =	swait.ge [sflag:s28], $0x28  }
0x1b4: {  	[sflag:s28] =	ssyncset.done $0x0  }
0x1b5: {  	[sflag:s28] =	ssyncadd.s32 $0xFFFFFFD8  }
0x1b6: {  	s18 =	simm.s32 $0x28;
	s21 =	simm.s32 $0x2D48;
	s20 =	rddreg [dreg:$0x4]  }
0x1b7: {  	[spmem:s20] =	stream.indirect.scatter.add.f32 [tilespmem:s21], [sflag:$0x11], $0x10, s14, s18, $0xb8;
	[tilespmem:$0xA9F8] =	vst v63  }
0x1b8: {  	_ =	swait.ge [sflag:s28], $0x280  }
0x1b9: {  	s3 =	simm.s32 @!p3 $0x0;
	[sflag:s28] =	ssyncset.done $0x0  }
0x1ba: {  	s9 =	simm.s32 @!p3 $0x2520;
	s14 =	rddreg [dreg:$0xa];
	[sflag:s28] =	ssyncadd.s32 $0xFFFFFD80  }
0x1bb: {  	[tilespmem:s9], [sflag:$0x11] =	stream.linear.gather @!p3 [hbm4b:s14+s3], $0x28, $0x38;
	[tilespmem:$0xA9F8] =	vst v63  }
0x1bc: {  	s3 =	simm.s32 @!p3 $0x11  }
0x1bd: {  	_ =	swait.ge @!p3 [sflag:s3], $0x28  }
0x1be: {  	[sflag:s3] =	ssyncset.done @!p3 $0x0  }
0x1bf: {  	s18 =	simm.s32 @!p3 $0x2D48;
	s14 =	simm.s32 @!p3 $0x28;
	[sflag:s3] =	ssyncadd.s32 @!p3 $0xFFFFFFD8  }
0x1c0: {  	[spmem:s20] =	stream.indirect.scatter.add.f32 @!p3 [tilespmem:s18], [sflag:$0x11], $0x10, s9, s14, $0xb8;
	[tilespmem:$0xA9F8] =	vst v63  }
0x1c1: {  	_ =	swait.ge @!p3 [sflag:s3], $0x280  }
0x1c2: {  	[sflag:s3] =	ssyncset.done @!p3 $0x0  }
0x1c3: {  	[sflag:s3] =	ssyncadd.s32 @!p3 $0xFFFFFD80  }
0x1c4: {  	[bflag:$0x0] =	sbarrier.arrive $0xFFFF  }
0x1c5: {  	s9 =	sld [smem:$0x7F0]  }
0x1c6: {  	s25 =	stileid.u32;
	s14 =	sld [smem:$0x7CA]  }
0x1c7: {  	s3 =	sshll.u32 s25, $0x6  }
0x1c8: {  	s18 =	sor.u32 $0x1C11, s3  }
0x1c9: {  	[hbm:s9], [sflag:s18] =	dma.local [spmem:s14], $0xA0  }
0x1ca: {  	_ =	swait.ge [sflag:s28], $0xA0  }
0x1cb: {  	s16 =	sld [smem:$0x7F2]  }
0x1cc: {  	s20 =	sld [smem:$0x7CB]  }
0x1cd: {  	[sflag:s28] =	ssyncset.done $0x0  }
0x1ce: {  	[sflag:s28] =	ssyncadd.s32 $0xFFFFFF60  }
0x1cf: {  	[hbm:s16], [sflag:s18] =	dma.local [spmem:s20], $0xA0  }
0x1d0: {  	_ =	swait.ge [sflag:s28], $0xA0  }
0x1d1: {  	s21 =	sld [smem:$0x7F4]  }
0x1d2: {  	s25 =	sld [smem:$0x7CC]  }
0x1d3: {  	[sflag:s28] =	ssyncset.done $0x0  }
0x1d4: {  	[sflag:s28] =	ssyncadd.s32 $0xFFFFFF60  }
0x1d5: {  	[hbm:s21], [sflag:s18] =	dma.local [spmem:s25], $0xA0  }
0x1d6: {  	_ =	swait.ge [sflag:s28], $0xA0  }
0x1d7: {  	s9 =	sld [smem:$0x7F6]  }
0x1d8: {  	s14 =	sld [smem:$0x7CD]  }
0x1d9: {  	[sflag:s28] =	ssyncset.done $0x0  }
0x1da: {  	[sflag:s28] =	ssyncadd.s32 $0xFFFFFF60  }
0x1db: {  	[hbm:s9], [sflag:s18] =	dma.local [spmem:s14], $0xA0  }
0x1dc: {  	_ =	swait.ge [sflag:s28], $0xA0  }
0x1dd: {  	s16 =	sld [smem:$0x7F8]  }
0x1de: {  	s20 =	sld [smem:$0x7CE]  }
0x1df: {  	[sflag:s28] =	ssyncset.done $0x0  }
0x1e0: {  	[sflag:s28] =	ssyncadd.s32 $0xFFFFFF60  }
0x1e1: {  	[hbm:s16], [sflag:s18] =	dma.local [spmem:s20], $0xA0  }
0x1e2: {  	_ =	swait.ge [sflag:s28], $0xA0  }
0x1e3: {  	s21 =	sld [smem:$0x7FA]  }
0x1e4: {  	s25 =	sld [smem:$0x7CF]  }
0x1e5: {  	[sflag:s28] =	ssyncset.done $0x0  }
0x1e6: {  	[sflag:s28] =	ssyncadd.s32 $0xFFFFFF60  }
0x1e7: {  	[hbm:s21], [sflag:s18] =	dma.local [spmem:s25], $0xA0  }
0x1e8: {  	_ =	swait.ge [sflag:s28], $0xA0  }
0x1e9: {  	s9 =	sld [smem:$0x7FC]  }
0x1ea: {  	s14 =	sld [smem:$0x7D0]  }
0x1eb: {  	[sflag:s28] =	ssyncset.done $0x0  }
0x1ec: {  	[sflag:s28] =	ssyncadd.s32 $0xFFFFFF60  }
0x1ed: {  	[hbm:s9], [sflag:s18] =	dma.local [spmem:s14], $0xA0  }
0x1ee: {  	_ =	swait.ge [sflag:s28], $0xA0  }
0x1ef: {  	s3 =	sld [smem:$0x7EE]  }
0x1f0: {  	s9 =	sld [smem:$0x7D1]  }
0x1f1: {  	[sflag:s28] =	ssyncset.done $0x0  }
0x1f2: {  	[sflag:s28] =	ssyncadd.s32 $0xFFFFFF60  }
0x1f3: {  	[hbm:s3], [sflag:s18] =	dma.local @!p1 [spmem:s9], $0xA0  }
0x1f4: {  	s3 =	simm.s32 @!p1 $0x11  }
0x1f5: {  	_ =	swait.ge @!p1 [sflag:s3], $0xA0  }
0x1f6: {  	s20 =	sld [smem:$0x7E7]  }
0x1f7: {  	[sflag:s3] =	ssyncset.done @!p1 $0x0;
	s16 =	rddreg [dreg:$0xd]  }
0x1f8: {  	[sflag:s3] =	ssyncadd.s32 @!p1 $0xFFFFFF60;
	s9 =	sshrl.u32 s16, $0x3  }
0x1f9: {  	[hbm:s20], [sflag:s18] =	dma.local [spmem:s9], $0xA0  }
0x1fa: {  	_ =	swait.ge [sflag:s28], $0xA0  }
0x1fb: {  	s25 =	sld [smem:$0x7E8]  }
0x1fc: {  	[sflag:s28] =	ssyncset.done $0x0;
	s21 =	rddreg [dreg:$0x10]  }
0x1fd: {  	[sflag:s28] =	ssyncadd.s32 $0xFFFFFF60;
	s9 =	sshrl.u32 s21, $0x3  }
0x1fe: {  	[hbm:s25], [sflag:s18] =	dma.local [spmem:s9], $0xA0  }
0x1ff: {  	_ =	swait.ge [sflag:s28], $0xA0  }
0x200: {  	s20 =	sld [smem:$0x7E9]  }
0x201: {  	[sflag:s28] =	ssyncset.done $0x0;
	s16 =	rddreg [dreg:$0x13]  }
0x202: {  	[sflag:s28] =	ssyncadd.s32 $0xFFFFFF60;
	s9 =	sshrl.u32 s16, $0x3  }
0x203: {  	[hbm:s20], [sflag:s18] =	dma.local [spmem:s9], $0xA0  }
0x204: {  	_ =	swait.ge [sflag:s28], $0xA0  }
0x205: {  	s25 =	sld [smem:$0x7EA]  }
0x206: {  	[sflag:s28] =	ssyncset.done $0x0;
	s21 =	rddreg [dreg:$0x16]  }
0x207: {  	[sflag:s28] =	ssyncadd.s32 $0xFFFFFF60;
	s9 =	sshrl.u32 s21, $0x3  }
0x208: {  	[hbm:s25], [sflag:s18] =	dma.local [spmem:s9], $0xA0  }
0x209: {  	_ =	swait.ge [sflag:s28], $0xA0  }
0x20a: {  	s20 =	sld [smem:$0x7EB]  }
0x20b: {  	[sflag:s28] =	ssyncset.done $0x0;
	s16 =	rddreg [dreg:$0x19]  }
0x20c: {  	[sflag:s28] =	ssyncadd.s32 $0xFFFFFF60;
	s9 =	sshrl.u32 s16, $0x3  }
0x20d: {  	[hbm:s20], [sflag:s18] =	dma.local [spmem:s9], $0xA0  }
0x20e: {  	_ =	swait.ge [sflag:s28], $0xA0  }
0x20f: {  	s25 =	sld [smem:$0x7EC]  }
0x210: {  	[sflag:s28] =	ssyncset.done $0x0;
	s21 =	rddreg [dreg:$0x1c]  }
0x211: {  	[sflag:s28] =	ssyncadd.s32 $0xFFFFFF60;
	s9 =	sshrl.u32 s21, $0x3  }
0x212: {  	[hbm:s25], [sflag:s18] =	dma.local [spmem:s9], $0xA0  }
0x213: {  	_ =	swait.ge [sflag:s28], $0xA0  }
0x214: {  	s20 =	sld [smem:$0x7ED]  }
0x215: {  	[sflag:s28] =	ssyncset.done $0x0;
	s16 =	rddreg [dreg:$0x1f]  }
0x216: {  	[sflag:s28] =	ssyncadd.s32 $0xFFFFFF60;
	s9 =	sshrl.u32 s16, $0x3  }
0x217: {  	[hbm:s20], [sflag:s18] =	dma.local [spmem:s9], $0xA0  }
0x218: {  	_ =	swait.ge [sflag:s28], $0xA0  }
0x219: {  	s9 =	sld [smem:$0x7C2]  }
0x21a: {  	s14 =	sld [smem:$0x7EF]  }
0x21b: {  	[sflag:s28] =	ssyncset.done $0x0  }
0x21c: {  	[sflag:s28] =	ssyncadd.s32 $0xFFFFFF60;
	s9 =	sshrl.u32 @!p1 s9, $0x3  }
0x21d: {  	[hbm:s14], [sflag:s18] =	dma.local @!p1 [spmem:s9], $0xA0  }
0x21e: {  	_ =	swait.ge @!p1 [sflag:s3], $0xA0  }
0x21f: {  	s25 =	sld [smem:$0x7F1]  }
0x220: {  	[sflag:s3] =	ssyncset.done @!p1 $0x0;
	s21 =	rddreg [dreg:$0xe]  }
0x221: {  	[sflag:s3] =	ssyncadd.s32 @!p1 $0xFFFFFF60;
	s3 =	sshrl.u32 s21, $0x3  }
0x222: {  	[hbm:s25], [sflag:s18] =	dma.local [spmem:s3], $0xA0  }
0x223: {  	_ =	swait.ge [sflag:s28], $0xA0  }
0x224: {  	s14 =	sld [smem:$0x7F3]  }
0x225: {  	[sflag:s28] =	ssyncset.done $0x0;
	s9 =	rddreg [dreg:$0x11]  }
0x226: {  	[sflag:s28] =	ssyncadd.s32 $0xFFFFFF60;
	s3 =	sshrl.u32 s9, $0x3  }
0x227: {  	[hbm:s14], [sflag:s18] =	dma.local [spmem:s3], $0xA0  }
0x228: {  	_ =	swait.ge [sflag:s28], $0xA0  }
0x229: {  	s20 =	sld [smem:$0x7F5]  }
0x22a: {  	[sflag:s28] =	ssyncset.done $0x0;
	s16 =	rddreg [dreg:$0x14]  }
0x22b: {  	[sflag:s28] =	ssyncadd.s32 $0xFFFFFF60;
	s3 =	sshrl.u32 s16, $0x3  }
0x22c: {  	[hbm:s20], [sflag:s18] =	dma.local [spmem:s3], $0xA0  }
0x22d: {  	_ =	swait.ge [sflag:s28], $0xA0  }
0x22e: {  	s25 =	sld [smem:$0x7F7]  }
0x22f: {  	[sflag:s28] =	ssyncset.done $0x0;
	s21 =	rddreg [dreg:$0x17]  }
0x230: {  	[sflag:s28] =	ssyncadd.s32 $0xFFFFFF60;
	s3 =	sshrl.u32 s21, $0x3  }
0x231: {  	[hbm:s25], [sflag:s18] =	dma.local [spmem:s3], $0xA0  }
0x232: {  	_ =	swait.ge [sflag:s28], $0xA0  }
0x233: {  	s14 =	sld [smem:$0x7F9]  }
0x234: {  	[sflag:s28] =	ssyncset.done $0x0;
	s9 =	rddreg [dreg:$0x1a]  }
0x235: {  	[sflag:s28] =	ssyncadd.s32 $0xFFFFFF60;
	s3 =	sshrl.u32 s9, $0x3  }
0x236: {  	[hbm:s14], [sflag:s18] =	dma.local [spmem:s3], $0xA0  }
0x237: {  	_ =	swait.ge [sflag:s28], $0xA0  }
0x238: {  	s20 =	sld [smem:$0x7FB]  }
0x239: {  	[sflag:s28] =	ssyncset.done $0x0;
	s16 =	rddreg [dreg:$0x1d]  }
0x23a: {  	[sflag:s28] =	ssyncadd.s32 $0xFFFFFF60;
	s3 =	sshrl.u32 s16, $0x3  }
0x23b: {  	[hbm:s20], [sflag:s18] =	dma.local [spmem:s3], $0xA0  }
0x23c: {  	_ =	swait.ge [sflag:s28], $0xA0  }
0x23d: {  	s21 =	sld [smem:$0x7C0]  }
0x23e: {  	s25 =	sld [smem:$0x7FD]  }
0x23f: {  	[sflag:s28] =	ssyncset.done $0x0  }
0x240: {  	[sflag:s28] =	ssyncadd.s32 $0xFFFFFF60;
	s3 =	sshrl.u32 s21, $0x3  }
0x241: {  	[hbm:s25], [sflag:s18] =	dma.local [spmem:s3], $0xA0  }
.Ltmp10:
0x242: {  	_ = 	snop;
	(pc) =	sbr.rel @p2 .LBB2_17-.Ltmp10, $4  }
.Ltmp11:
0x243: {  	_ =	swait.ge [sflag:s28], $0xA0;
	(pc) =	sbr.rel @!p2 .LBB2_18-.Ltmp11, $4  }
0x244: {  	s21 =	sld [smem:$0x7C5]  }
0x245: {  	s16 =	simm.s32 $0x300;
	[sflag:s28] =	ssyncset.done $0x0;
	s25 =	sld [smem:$0x7BF]  }
0x246: {  	s20 =	simm.s32 $0x2FC8;
	s18 =	sld [smem:$0x7C3];
	[sflag:s28] =	ssyncadd.s32 $0xFFFFFF60  }
0x247: {  	_ = 	snop  }
.LBB2_16:
0x248: {  	[bflag:$0x0] =	sbarrier.arrive $0xFFFF  }
0x249: {  	s3 =	stileid.u32;
	s9 =	sld [smem:$0x7D8]  }
0x24a: {  	s3 =	sshll.u32 s3, $0x6;
	s20 =	rddreg [dreg:$0xc]  }
0x24b: {  	s18 =	sor.u32 $0x1C11, s3;
	s3 =	sshrl.u32 s20, $0x3  }
0x24c: {  	[hbm:s9], [sflag:s18] =	dma.local [spmem:s3], $0xA0  }
0x24d: {  	_ =	swait.ge [sflag:s28], $0xA0  }
0x24e: {  	s25 =	sld [smem:$0x7D9]  }
0x24f: {  	[sflag:s28] =	ssyncset.done $0x0;
	s21 =	rddreg [dreg:$0xf]  }
0x250: {  	[sflag:s28] =	ssyncadd.s32 $0xFFFFFF60;
	s3 =	sshrl.u32 s21, $0x3  }
0x251: {  	[hbm:s25], [sflag:s18] =	dma.local [spmem:s3], $0xA0  }
0x252: {  	_ =	swait.ge [sflag:s28], $0xA0  }
0x253: {  	s14 =	sld [smem:$0x7DA]  }
0x254: {  	[sflag:s28] =	ssyncset.done $0x0;
	s9 =	rddreg [dreg:$0x12]  }
0x255: {  	[sflag:s28] =	ssyncadd.s32 $0xFFFFFF60;
	s3 =	sshrl.u32 s9, $0x3  }
0x256: {  	[hbm:s14], [sflag:s18] =	dma.local [spmem:s3], $0xA0  }
0x257: {  	_ =	swait.ge [sflag:s28], $0xA0  }
0x258: {  	s20 =	sld [smem:$0x7DB]  }
0x259: {  	[sflag:s28] =	ssyncset.done $0x0;
	s16 =	rddreg [dreg:$0x15]  }
0x25a: {  	[sflag:s28] =	ssyncadd.s32 $0xFFFFFF60;
	s3 =	sshrl.u32 s16, $0x3  }
0x25b: {  	[hbm:s20], [sflag:s18] =	dma.local [spmem:s3], $0xA0  }
0x25c: {  	_ =	swait.ge [sflag:s28], $0xA0  }
0x25d: {  	s25 =	sld [smem:$0x7DC]  }
0x25e: {  	[sflag:s28] =	ssyncset.done $0x0;
	s21 =	rddreg [dreg:$0x18]  }
0x25f: {  	[sflag:s28] =	ssyncadd.s32 $0xFFFFFF60;
	s3 =	sshrl.u32 s21, $0x3  }
0x260: {  	[hbm:s25], [sflag:s18] =	dma.local [spmem:s3], $0xA0  }
0x261: {  	_ =	swait.ge [sflag:s28], $0xA0  }
0x262: {  	s14 =	sld [smem:$0x7DD]  }
0x263: {  	[sflag:s28] =	ssyncset.done $0x0;
	s9 =	rddreg [dreg:$0x1b]  }
0x264: {  	[sflag:s28] =	ssyncadd.s32 $0xFFFFFF60;
	s3 =	sshrl.u32 s9, $0x3  }
0x265: {  	[hbm:s14], [sflag:s18] =	dma.local [spmem:s3], $0xA0  }
0x266: {  	_ =	swait.ge [sflag:s28], $0xA0  }
0x267: {  	s20 =	sld [smem:$0x7DE]  }
0x268: {  	[sflag:s28] =	ssyncset.done $0x0;
	s16 =	rddreg [dreg:$0x1e]  }
0x269: {  	[sflag:s28] =	ssyncadd.s32 $0xFFFFFF60;
	s3 =	sshrl.u32 s16, $0x3  }
0x26a: {  	[hbm:s20], [sflag:s18] =	dma.local [spmem:s3], $0xA0  }
0x26b: {  	_ =	swait.ge [sflag:s28], $0xA0  }
0x26c: {  	s3 =	sld [smem:$0x7C1]  }
0x26d: {  	s9 =	sld [smem:$0x7DF]  }
0x26e: {  	[sflag:s28] =	ssyncset.done $0x0  }
0x26f: {  	[sflag:s28] =	ssyncadd.s32 $0xFFFFFF60;
	s3 =	sshrl.u32 @!p1 s3, $0x3  }
0x270: {  	[hbm:s9], [sflag:s18] =	dma.local @!p1 [spmem:s3], $0xA0  }
0x271: {  	s3 =	simm.s32 @!p1 $0x11  }
0x272: {  	_ =	swait.ge @!p1 [sflag:s3], $0xA0  }
0x273: {  	s25 =	sld [smem:$0x7E0]  }
0x274: {  	[sflag:s3] =	ssyncset.done @!p1 $0x0;
	s21 =	rddreg [dreg:$0xd]  }
0x275: {  	[sflag:s3] =	ssyncadd.s32 @!p1 $0xFFFFFF60;
	s3 =	sshrl.u32 s21, $0x3  }
0x276: {  	[hbm:s25], [sflag:s18] =	dma.local [spmem:s3], $0xA0  }
0x277: {  	_ =	swait.ge [sflag:s28], $0xA0  }
0x278: {  	s14 =	sld [smem:$0x7E1]  }
0x279: {  	[sflag:s28] =	ssyncset.done $0x0;
	s9 =	rddreg [dreg:$0x10]  }
0x27a: {  	[sflag:s28] =	ssyncadd.s32 $0xFFFFFF60;
	s3 =	sshrl.u32 s9, $0x3  }
0x27b: {  	[hbm:s14], [sflag:s18] =	dma.local [spmem:s3], $0xA0  }
0x27c: {  	_ =	swait.ge [sflag:s28], $0xA0  }
0x27d: {  	s20 =	sld [smem:$0x7E2]  }
0x27e: {  	[sflag:s28] =	ssyncset.done $0x0;
	s16 =	rddreg [dreg:$0x13]  }
0x27f: {  	[sflag:s28] =	ssyncadd.s32 $0xFFFFFF60;
	s3 =	sshrl.u32 s16, $0x3  }
0x280: {  	[hbm:s20], [sflag:s18] =	dma.local [spmem:s3], $0xA0  }
0x281: {  	_ =	swait.ge [sflag:s28], $0xA0  }
0x282: {  	s25 =	sld [smem:$0x7E3]  }
0x283: {  	[sflag:s28] =	ssyncset.done $0x0;
	s21 =	rddreg [dreg:$0x16]  }
0x284: {  	[sflag:s28] =	ssyncadd.s32 $0xFFFFFF60;
	s3 =	sshrl.u32 s21, $0x3  }
0x285: {  	[hbm:s25], [sflag:s18] =	dma.local [spmem:s3], $0xA0  }
0x286: {  	_ =	swait.ge [sflag:s28], $0xA0  }
0x287: {  	s14 =	sld [smem:$0x7E4]  }
0x288: {  	[sflag:s28] =	ssyncset.done $0x0;
	s9 =	rddreg [dreg:$0x19]  }
0x289: {  	[sflag:s28] =	ssyncadd.s32 $0xFFFFFF60;
	s3 =	sshrl.u32 s9, $0x3  }
0x28a: {  	[hbm:s14], [sflag:s18] =	dma.local [spmem:s3], $0xA0  }
0x28b: {  	_ =	swait.ge [sflag:s28], $0xA0  }
0x28c: {  	s20 =	sld [smem:$0x7E5]  }
0x28d: {  	[sflag:s28] =	ssyncset.done $0x0;
	s16 =	rddreg [dreg:$0x1c]  }
0x28e: {  	[sflag:s28] =	ssyncadd.s32 $0xFFFFFF60;
	s3 =	sshrl.u32 s16, $0x3  }
0x28f: {  	[hbm:s20], [sflag:s18] =	dma.local [spmem:s3], $0xA0  }
0x290: {  	_ =	swait.ge [sflag:s28], $0xA0  }
0x291: {  	s25 =	sld [smem:$0x7E6]  }
0x292: {  	[sflag:s28] =	ssyncset.done $0x0;
	s21 =	rddreg [dreg:$0x1f]  }
0x293: {  	[sflag:s28] =	ssyncadd.s32 $0xFFFFFF60;
	s3 =	sshrl.u32 s21, $0x3  }
0x294: {  	[hbm:s25], [sflag:s18] =	dma.local [spmem:s3], $0xA0  }
.Ltmp12:
0x295: {  	_ = 	snop;
	(pc) =	sbr.rel @p1 .LBB2_18-.Ltmp12, $4  }
.Ltmp13:
0x296: {  	_ =	swait.ge [sflag:s28], $0xA0;
	(pc) =	sbr.rel @!p1 .LBB2_17-.Ltmp13, $4  }
0x297: {  	s21 =	sld [smem:$0x7C4]  }
0x298: {  	s16 =	simm.s32 $0x300;
	[sflag:s28] =	ssyncset.done $0x0;
	s25 =	sld [smem:$0x7BF]  }
0x299: {  	s20 =	simm.s32 $0x2FC8;
	s18 =	sld [smem:$0x7C2];
	[sflag:s28] =	ssyncadd.s32 $0xFFFFFF60  }
0x29a: {  	_ = 	snop  }
.LBB2_19:
0x29b: {  	_ =	sfence.sel $0x180000  }
0x29c: {  	[bflag:$0x0] =	sbarrier.arrive $0xFFFF  }
0x29d: {  	_ =	strace $0x90000047  }
0x29e: {  	s0 =	stileid.u32;
	[bflag:$0x2] =	sbarrier.arrive $0xFFFF  }
0x29f: {  	p0 =	sne.s32 s0, $0x0;
	s0 =	rddreg [dreg:$0x5]  }
0x2a0: {  	s0 =	sadd.s32 @!p0 $0x100000, s0  }
0x2a1: {  	[sflag:s0] =	ssyncadd.tile.s32 @!p0 $0x1;
	_ =	shalt  }
.Lfunc_end2:
_tile_overlayer_lowered:
.L_overlay_start_2:
0x2a2: {  	(tag) =	ssettag $0x2  }
0x2a3: {  	s0 =	rddreg [dreg:$0x0];
	s2 =	stileid.u32  }
0x2a4: {  	s1 =	rddreg [dreg:$0x1];
	p0 =	sne.s32 s2, $0x0  }
0x2a5: {  	s3 =	rddreg [dreg:$0x2];
	[bflag:$0x3] =	sbarrier.arrive $0xFFFF;
	s2 =	simm.s32 @!p0 $0x1C11  }
0x2a6: {  	[timem:s3], [sflag:s2] =	dma.local @!p0 [hbm:s0], s1  }
0x2a7: {  	s0 =	simm.s32 @!p0 $0x11  }
0x2a8: {  	_ =	swait.ge @!p0 [sflag:s0], s1  }
0x2a9: {  	s1 =	ssub.s32 @!p0 $0x0, s1;
	[sflag:s0] =	ssyncset.done @!p0 $0x0  }
0x2aa: {  	[sflag:s0] =	ssyncadd.s32 @!p0 s1  }
0x2ab: {  	[bflag:$0x3] =	sbarrier.arrive $0xFFFF  }
0x2ac: {  	_ =	shalt  }

</sc_bundles>
